<compile_context>
chip_gen: v7x
topology: tpu7x:2x2x1
jax: 0.10.2.dev20260603
libtpu: 0.0.44.dev20260713+nightly
codegen_flags: <defaults>
</compile_context>

<pallas_src>
import functools

import jax
import jax.numpy as jnp
from jax import lax
from jax.experimental import pallas as pl
from jax.experimental.pallas import tpu as pltpu
from jax.experimental.pallas import tpu_sc as plsc

NC = 2
NS = 16
NW = NC * NS



def _make_degree_kernel(np2, nchunk, k):
    mesh = plsc.VectorSubcoreMesh(core_axis_name="c", subcore_axis_name="s")
    ept = 2 * np2 // NS
    kv = k // 16

    @functools.partial(
        pl.kernel,
        out_type=jax.ShapeDtypeStruct((NC * 2 * np2,), jnp.float32),
        mesh=mesh,
        scratch_types=[
            pltpu.VMEM((nchunk, k), jnp.int32),
            pltpu.VMEM((nchunk, k), jnp.int32),
            pltpu.VMEM((k,), jnp.float32),
            pltpu.VMEM_SHARED((2 * np2,), jnp.float32),
        ],
    )
    def deg_kernel(src_hbm, dst_hbm, ones_hbm, zer_hbm, out_hbm,
                   sv, dv, ones_v, acc):
        cid = lax.axis_index("c")
        sid = lax.axis_index("s")
        wid = sid * NC + cid
        pltpu.sync_copy(zer_hbm.at[pl.ds(sid * ept, ept)],
                        acc.at[pl.ds(sid * ept, ept)])
        pltpu.sync_copy(src_hbm.at[wid], sv)
        pltpu.sync_copy(dst_hbm.at[wid], dv)
        pltpu.sync_copy(ones_hbm, ones_v)

        def addoff(j, carry):
            for c in range(kv):
                sl = pl.ds(c * 16, 16)
                dv[j, sl] = dv[j, sl] + np2
            return carry

        lax.fori_loop(0, nchunk, addoff, 0)
        plsc.subcore_barrier()

        def b_src(j, carry):
            pltpu.sync_copy(ones_v, acc.at[sv.at[j]], add=True)
            return carry

        def b_dst(j, carry):
            pltpu.sync_copy(ones_v, acc.at[dv.at[j]], add=True)
            return carry

        lax.fori_loop(0, nchunk, b_src, 0)
        lax.fori_loop(0, nchunk, b_dst, 0)
        plsc.subcore_barrier()
        pltpu.sync_copy(acc.at[pl.ds(sid * ept, ept)],
                        out_hbm.at[pl.ds(cid * 2 * np2 + sid * ept, ept)])

    return deg_kernel


def _make_gather_scatter_kernel(n, npad, hh, nchunk, k):
    mesh = plsc.VectorSubcoreMesh(core_axis_name="c", subcore_axis_name="s")
    rlo = (n // NS) // 8 * 8
    rhi = n - rlo * (NS - 1)
    nbuf = 5
    kv = k // 16
    assert nchunk % nbuf == 0

    @functools.partial(
        pl.kernel,
        out_type=jax.ShapeDtypeStruct((NC * npad, 2 * hh), jnp.float32),
        mesh=mesh,
        scratch_types=[
            pltpu.VMEM((nchunk, k), jnp.int32),
            pltpu.VMEM((nchunk, k), jnp.int32),
            pltpu.VMEM((nchunk, k), jnp.int32),
            pltpu.VMEM((nbuf, k, hh), jnp.float32),
            pltpu.VMEM_SHARED((n, hh), jnp.float32),
        ] + [pltpu.SemaphoreType.DMA] * nbuf,
        compiler_params=pltpu.CompilerParams(use_tc_tiling_on_sc=False),
    )
    def gs_kernel(hs_hbm, src_hbm, dst_hbm, zer_hbm, out_hbm,
                  src_v, src2_v, dst_v, rows_v, acc, *gsem):
        cid = lax.axis_index("c")
        sid = lax.axis_index("s")
        wid = sid * NC + cid
        pltpu.sync_copy(src_hbm.at[wid], src_v)
        pltpu.sync_copy(dst_hbm.at[wid], dst_v)

        def dbl(j, carry):
            for c in range(kv):
                sl = pl.ds(c * 16, 16)
                src2_v[j, sl] = src_v[j, sl] * 2
            return carry

        def inc(j, carry):
            for c in range(kv):
                sl = pl.ds(c * 16, 16)
                src2_v[j, sl] = src2_v[j, sl] + 1
            return carry

        lax.fori_loop(0, nchunk, dbl, 0)

        for half in range(2):
            cols = pl.ds(half * hh, hh)
            if half == 1:
                lax.fori_loop(0, nchunk, inc, 0)

            @pl.when(sid < NS - 1)
            def _zero_lo():
                pltpu.sync_copy(zer_hbm.at[pl.ds(sid * rlo, rlo)],
                                acc.at[pl.ds(sid * rlo, rlo)])

            @pl.when(sid == NS - 1)
            def _zero_hi():
                pltpu.sync_copy(zer_hbm.at[pl.ds((NS - 1) * rlo, rhi)],
                                acc.at[pl.ds((NS - 1) * rlo, rhi)])

            plsc.subcore_barrier()

            for b in range(nbuf):
                pltpu.async_copy(hs_hbm.at[src2_v.at[b]], rows_v.at[b],
                                 gsem[b])

            def body(j, carry):
                for b in range(nbuf):
                    cur = j * nbuf + b
                    pltpu.make_async_copy(hs_hbm.at[src2_v.at[cur]],
                                          rows_v.at[b], gsem[b]).wait()
                    pltpu.sync_copy(rows_v.at[b], acc.at[dst_v.at[cur]],
                                    add=True)
                    pltpu.async_copy(hs_hbm.at[src2_v.at[cur + nbuf]],
                                     rows_v.at[b], gsem[b])
                return carry

            lax.fori_loop(0, nchunk // nbuf - 1, body, 0)
            for b in range(nbuf):
                cur = nchunk - nbuf + b
                pltpu.make_async_copy(hs_hbm.at[src2_v.at[cur]],
                                      rows_v.at[b], gsem[b]).wait()
                pltpu.sync_copy(rows_v.at[b], acc.at[dst_v.at[cur]],
                                add=True)
            plsc.subcore_barrier()
            base = cid * npad

            @pl.when(sid < NS - 1)
            def _out_lo():
                pltpu.sync_copy(
                    acc.at[pl.ds(sid * rlo, rlo)],
                    out_hbm.at[pl.ds(base + sid * rlo, rlo), cols])

            @pl.when(sid == NS - 1)
            def _out_hi():
                pltpu.sync_copy(
                    acc.at[pl.ds((NS - 1) * rlo, rhi)],
                    out_hbm.at[pl.ds(base + (NS - 1) * rlo, rhi), cols])

    return gs_kernel



def _rsqrt_cols(deg, r):
    dout = deg[0, 0] + deg[1, 0]
    din = deg[0, 1] + deg[1, 1]
    r_out = lax.rsqrt(jnp.maximum(dout, 1.0))
    r_in = lax.rsqrt(jnp.maximum(din, 1.0))
    return r_out, r_in


def _in_body(x_ref, w_ref, deg_ref, h0_ref, hs_ref):
    r_out, _ = _rsqrt_cols(deg_ref[...], x_ref.shape[0])
    hm = jnp.dot(x_ref[...], w_ref[...], preferred_element_type=jnp.float32)
    h0 = jnp.maximum(hm, 0.0)
    h0_ref[...] = h0
    hs_ref[...] = h0 * r_out


def _mid_body(p_ref, h0_ref, deg_ref, w_ref, hs_ref):
    r_out, r_in = _rsqrt_cols(deg_ref[...], h0_ref.shape[0])
    agg = (p_ref[0] + p_ref[1]) * r_in
    t = jnp.dot(agg + h0_ref[...], w_ref[...],
                preferred_element_type=jnp.float32)
    hs_ref[...] = jnp.maximum(t, 0.0) * r_out


def _out_body(p_ref, h0_ref, deg_ref, w2_ref, wo_ref, o_ref):
    _, r_in = _rsqrt_cols(deg_ref[...], h0_ref.shape[0])
    agg = (p_ref[0] + p_ref[1]) * r_in
    t = jnp.dot(agg + h0_ref[...], w2_ref[...],
                preferred_element_type=jnp.float32)
    o_ref[...] = jnp.dot(jnp.maximum(t, 0.0), wo_ref[...],
                         preferred_element_type=jnp.float32)



def kernel(x, edge_index, W_in, W1, W2, W_out):
    N, F = x.shape
    H = W1.shape[0]
    C = W_out.shape[1]
    E = edge_index.shape[1]
    HH = H // 2

    R = 1000
    G = N // R
    NP2 = -(-N // 1024) * 1024

    K = 80
    NCH = E // NW // K

    src = edge_index[0]
    dst = edge_index[1]
    src_r = src.reshape(NW, NCH, K)
    dst_r = dst.reshape(NW, NCH, K)

    ones_k = jnp.ones((K,), jnp.float32)
    zeros1 = jnp.zeros((2 * NP2,), jnp.float32)
    zeros2 = jnp.zeros((N, HH), jnp.float32)

    deg_call = _make_degree_kernel(NP2, NCH, K)
    gs_call = _make_gather_scatter_kernel(N, N, HH, NCH, K)

    degP = deg_call(src_r, dst_r, ones_k, zeros1)
    deg4 = degP.reshape(NC, 2, NP2, 1)

    deg_spec = pl.BlockSpec((NC, 2, R, 1), lambda i: (0, 0, i, 0))
    row_spec = pl.BlockSpec((R, H), lambda i: (i, 0))
    p_spec = pl.BlockSpec((NC, R, H), lambda i: (0, i, 0))

    h0, hs1 = pl.pallas_call(
        _in_body,
        grid=(G,),
        in_specs=[
            pl.BlockSpec((R, F), lambda i: (i, 0)),
            pl.BlockSpec((F, H), lambda i: (0, 0)),
            deg_spec,
        ],
        out_specs=[row_spec, row_spec],
        out_shape=[
            jax.ShapeDtypeStruct((N, H), jnp.float32),
            jax.ShapeDtypeStruct((N, H), jnp.float32),
        ],
    )(x, W_in, deg4)

    P1 = gs_call(hs1.reshape(2 * N, HH), src_r, dst_r,
                 zeros2).reshape(NC, N, H)

    hs2 = pl.pallas_call(
        _mid_body,
        grid=(G,),
        in_specs=[
            p_spec,
            row_spec,
            deg_spec,
            pl.BlockSpec((H, H), lambda i: (0, 0)),
        ],
        out_specs=row_spec,
        out_shape=jax.ShapeDtypeStruct((N, H), jnp.float32),
    )(P1, h0, deg4, W1)

    P2 = gs_call(hs2.reshape(2 * N, HH), src_r, dst_r,
                 zeros2).reshape(NC, N, H)

    out = pl.pallas_call(
        _out_body,
        grid=(G,),
        in_specs=[
            p_spec,
            row_spec,
            deg_spec,
            pl.BlockSpec((H, H), lambda i: (0, 0)),
            pl.BlockSpec((H, C), lambda i: (0, 0)),
        ],
        out_specs=pl.BlockSpec((R, C), lambda i: (i, 0)),
        out_shape=jax.ShapeDtypeStruct((N, C), jnp.float32),
    )(P2, h0, deg4, W2, W_out)

    return out

# --- scband reference (transcript-rebuilt; emitter-appended) ---
"""Pipeline reference for scband-agcnnet-26834955666038 (READ-ONLY COPY).

The authoritative reference and input builder live on the scoring server;
editing this copy changes nothing except your own understanding.
"""

import jax, jax.numpy as jnp
import numpy as np

def setup_inputs(seed: int = 0):
    key = jax.random.key(seed)
    ks = jax.random.split(key, 6)
    N, E, F, H, C = 10000, 320000, 128, 128, 64
    x = jax.random.normal(ks[0], (N, F), dtype=jnp.float32)
    edge_index = jax.random.randint(ks[1], (2, E), 0, N, dtype=jnp.int32)
    W_in = jax.random.normal(ks[2], (F, H), dtype=jnp.float32) * (1.0 / np.sqrt(F))
    W1 = jax.random.normal(ks[3], (H, H), dtype=jnp.float32) * (1.0 / np.sqrt(H))
    W2 = jax.random.normal(ks[4], (H, H), dtype=jnp.float32) * (1.0 / np.sqrt(H))
    W_out = jax.random.normal(ks[5], (H, C), dtype=jnp.float32) * (1.0 / np.sqrt(H))
    return {"x": x, "edge_index": edge_index, "W_in": W_in, "W1": W1, "W2": W2, "W_out": W_out}

def reference(x, edge_index, W_in, W1, W2, W_out):
    N = x.shape[0]
    src, dst = edge_index[0], edge_index[1]
    ones = jnp.ones(edge_index.shape[1], dtype=jnp.float32)
    deg_out = jax.ops.segment_sum(ones, src, num_segments=N)
    deg_in = jax.ops.segment_sum(ones, dst, num_segments=N)
    deg_out = jnp.clip(deg_out, 1.0, None)
    deg_in = jnp.clip(deg_in, 1.0, None)
    norm = jax.lax.rsqrt(deg_out)[src] * jax.lax.rsqrt(deg_in)[dst]

    def agcn_layer(h, h0, W):
        # graph_norm=True: symmetric D^-1/2 A D^-1/2 aggregation (gather + scatter-add)
        msg = h[src] * norm[:, None]
        agg = jax.ops.segment_sum(msg, dst, num_segments=N)
        # AGCN layer combines aggregated hidden state with the initial features
        return jax.nn.relu((agg + h0) @ W)

    # inLayer: MLP (no bias) + relu
    h = jax.nn.relu(x @ W_in)
    h0 = h
    h = agcn_layer(h, h0, W1)
    h = agcn_layer(h, h0, W2)
    # outLayer: MLP, no activation
    return h @ W_out

if __name__ == "__main__":
    import jax
    _d = setup_inputs()
    print(jax.jit(kernel)(*tuple(_d.values())))

</pallas_src>

<mosaic_0001>
#map = affine_map<(d0, d1) -> (0, 0)>
#map1 = affine_map<(d0, d1) -> (0, 0, 0)>
module attributes {stable_mosaic.version = 14 : i64} {
  func.func @gs_kernel(%arg0: i32, %arg1: i32, %arg2: memref<20000x64xf32, #tpu.memory_space<hbm>>, %arg3: memref<32x125x80xi32, #tpu.memory_space<hbm>>, %arg4: memref<32x125x80xi32, #tpu.memory_space<hbm>>, %arg5: memref<10000x64xf32, #tpu.memory_space<hbm>>, %arg6: memref<20000x128xf32, #tpu.memory_space<hbm>>, %arg7: memref<125x80xi32, #tpu.memory_space<vmem>>, %arg8: memref<125x80xi32, #tpu.memory_space<vmem>>, %arg9: memref<125x80xi32, #tpu.memory_space<vmem>>, %arg10: memref<5x80x64xf32, #tpu.memory_space<vmem>>, %arg11: memref<10000x64xf32, #tpu.memory_space<vmem_shared>>, %arg12: memref<!tpu.dma_semaphore, #tpu.memory_space<semaphore_mem>>, %arg13: memref<!tpu.dma_semaphore, #tpu.memory_space<semaphore_mem>>, %arg14: memref<!tpu.dma_semaphore, #tpu.memory_space<semaphore_mem>>, %arg15: memref<!tpu.dma_semaphore, #tpu.memory_space<semaphore_mem>>, %arg16: memref<!tpu.dma_semaphore, #tpu.memory_space<semaphore_mem>>) attributes {dimension_semantics = [#tpu.dimension_semantics<core_parallel>, #tpu.dimension_semantics<subcore_parallel>], iteration_bounds = array<i64: 2, 16>, scalar_prefetch = 0 : i64, scratch_operands = 10 : i64, tpu.core_type = #tpu.core_type<sc_vector_subcore>, window_params = [{transform_indices = #map}, {transform_indices = #map1}, {transform_indices = #map1}, {transform_indices = #map}, {transform_indices = #map}]} {
    %mul3A = arith.constant 2 : i32
    %mul3A_0 = arith.muli %arg1, %mul3A : i32
    %add3A = arith.addi %mul3A_0, %arg0 : i32
    "tpu.region"() ({
      %run_scoped3A_324 = tpu.sem_alloc : memref<!tpu.dma_semaphore, #tpu.memory_space<semaphore_mem>>
      %dma_start3A_325 = arith.constant 0 : i32
      %dma_start3A_326 = arith.constant 0 : i32
      %dma_start3A_327 = tpu.memref_slice %arg3[%add3A, %dma_start3A_325, %dma_start3A_326] : memref<32x125x80xi32, #tpu.memory_space<hbm>> -> memref<1x125x80xi32, #tpu.memory_space<hbm>>
      %dma_start3A_328 = tpu.memref_squeeze %dma_start3A_327 : memref<1x125x80xi32, #tpu.memory_space<hbm>> -> memref<125x80xi32, #tpu.memory_space<hbm>>
      %dma_start3A_329 = arith.constant 0 : i32
      %dma_start3A_330 = arith.constant 0 : i32
      %dma_start3A_331 = tpu.memref_slice %arg3[%add3A, %dma_start3A_329, %dma_start3A_330] : memref<32x125x80xi32, #tpu.memory_space<hbm>> -> memref<1x125x80xi32, #tpu.memory_space<hbm>>
      %dma_start3A_332 = tpu.memref_squeeze %dma_start3A_331 : memref<1x125x80xi32, #tpu.memory_space<hbm>> -> memref<125x80xi32, #tpu.memory_space<hbm>>
      tpu.enqueue_dma source(%dma_start3A_332 : memref<125x80xi32, #tpu.memory_space<hbm>>) target(%arg7 : memref<125x80xi32, #tpu.memory_space<vmem>>) target_semaphore(%run_scoped3A_324 : memref<!tpu.dma_semaphore, #tpu.memory_space<semaphore_mem>>)
      %dma_wait3A_333 = arith.constant 0 : i32
      %dma_wait3A_334 = arith.constant 0 : i32
      %dma_wait3A_335 = tpu.memref_slice %arg3[%add3A, %dma_wait3A_333, %dma_wait3A_334] : memref<32x125x80xi32, #tpu.memory_space<hbm>> -> memref<1x125x80xi32, #tpu.memory_space<hbm>>
      %dma_wait3A_336 = tpu.memref_squeeze %dma_wait3A_335 : memref<1x125x80xi32, #tpu.memory_space<hbm>> -> memref<125x80xi32, #tpu.memory_space<hbm>>
      %dma_wait3A_337 = arith.constant 0 : i32
      %dma_wait3A_338 = arith.constant 0 : i32
      %dma_wait3A_339 = tpu.memref_slice %arg3[%add3A, %dma_wait3A_337, %dma_wait3A_338] : memref<32x125x80xi32, #tpu.memory_space<hbm>> -> memref<1x125x80xi32, #tpu.memory_space<hbm>>
      %dma_wait3A_340 = tpu.memref_squeeze %dma_wait3A_339 : memref<1x125x80xi32, #tpu.memory_space<hbm>> -> memref<125x80xi32, #tpu.memory_space<hbm>>
      tpu.wait_dma2 semaphore(%run_scoped3A_324 : memref<!tpu.dma_semaphore, #tpu.memory_space<semaphore_mem>>) src(%dma_wait3A_340 : memref<125x80xi32, #tpu.memory_space<hbm>>) dst(%arg7 : memref<125x80xi32, #tpu.memory_space<vmem>>)
      tpu.yield
    }) : () -> ()
    "tpu.region"() ({
      %run_scoped3A_324 = tpu.sem_alloc : memref<!tpu.dma_semaphore, #tpu.memory_space<semaphore_mem>>
      %dma_start3A_325 = arith.constant 0 : i32
      %dma_start3A_326 = arith.constant 0 : i32
      %dma_start3A_327 = tpu.memref_slice %arg4[%add3A, %dma_start3A_325, %dma_start3A_326] : memref<32x125x80xi32, #tpu.memory_space<hbm>> -> memref<1x125x80xi32, #tpu.memory_space<hbm>>
      %dma_start3A_328 = tpu.memref_squeeze %dma_start3A_327 : memref<1x125x80xi32, #tpu.memory_space<hbm>> -> memref<125x80xi32, #tpu.memory_space<hbm>>
      %dma_start3A_329 = arith.constant 0 : i32
      %dma_start3A_330 = arith.constant 0 : i32
      %dma_start3A_331 = tpu.memref_slice %arg4[%add3A, %dma_start3A_329, %dma_start3A_330] : memref<32x125x80xi32, #tpu.memory_space<hbm>> -> memref<1x125x80xi32, #tpu.memory_space<hbm>>
      %dma_start3A_332 = tpu.memref_squeeze %dma_start3A_331 : memref<1x125x80xi32, #tpu.memory_space<hbm>> -> memref<125x80xi32, #tpu.memory_space<hbm>>
      tpu.enqueue_dma source(%dma_start3A_332 : memref<125x80xi32, #tpu.memory_space<hbm>>) target(%arg9 : memref<125x80xi32, #tpu.memory_space<vmem>>) target_semaphore(%run_scoped3A_324 : memref<!tpu.dma_semaphore, #tpu.memory_space<semaphore_mem>>)
      %dma_wait3A_333 = arith.constant 0 : i32
      %dma_wait3A_334 = arith.constant 0 : i32
      %dma_wait3A_335 = tpu.memref_slice %arg4[%add3A, %dma_wait3A_333, %dma_wait3A_334] : memref<32x125x80xi32, #tpu.memory_space<hbm>> -> memref<1x125x80xi32, #tpu.memory_space<hbm>>
      %dma_wait3A_336 = tpu.memref_squeeze %dma_wait3A_335 : memref<1x125x80xi32, #tpu.memory_space<hbm>> -> memref<125x80xi32, #tpu.memory_space<hbm>>
      %dma_wait3A_337 = arith.constant 0 : i32
      %dma_wait3A_338 = arith.constant 0 : i32
      %dma_wait3A_339 = tpu.memref_slice %arg4[%add3A, %dma_wait3A_337, %dma_wait3A_338] : memref<32x125x80xi32, #tpu.memory_space<hbm>> -> memref<1x125x80xi32, #tpu.memory_space<hbm>>
      %dma_wait3A_340 = tpu.memref_squeeze %dma_wait3A_339 : memref<1x125x80xi32, #tpu.memory_space<hbm>> -> memref<125x80xi32, #tpu.memory_space<hbm>>
      tpu.wait_dma2 semaphore(%run_scoped3A_324 : memref<!tpu.dma_semaphore, #tpu.memory_space<semaphore_mem>>) src(%dma_wait3A_340 : memref<125x80xi32, #tpu.memory_space<hbm>>) dst(%arg9 : memref<125x80xi32, #tpu.memory_space<vmem>>)
      tpu.yield
    }) : () -> ()
    %scan3A = arith.constant 0 : i32
    %scan3A_1 = arith.constant 0 : i32
    %scan3A_2 = arith.constant 125 : i32
    %scan3A_3 = arith.addi %scan3A_1, %scan3A_2 : i32
    %scan3A_4 = arith.constant 1 : i32
    scf.for %scan3A_324 = %scan3A_1 to %scan3A_3 step %scan3A_4  : i32 {
      %get3A = arith.index_cast %scan3A_324 : i32 to index
      %get3A_325 = arith.constant 0 : index
      %get3A_326 = tpu.vector_load %arg7[%get3A, %get3A_325] {strides = array<i32>} : memref<125x80xi32, #tpu.memory_space<vmem>>, vector<1x16xi32>,
      %get3A_327 = vector.shape_cast %get3A_326 : vector<1x16xi32> to vector<16xi32>
      %mul3A_328 = arith.constant 2 : i32
      %mul3A_329 = vector.broadcast %mul3A_328 : i32 to vector<16xi32>
      %mul3A_330 = arith.muli %get3A_327, %mul3A_329 : vector<16xi32>
      %swap3A = arith.index_cast %scan3A_324 : i32 to index
      %swap3A_331 = arith.constant 0 : index
      %swap3A_332 = tpu.vector_load %arg8[%swap3A, %swap3A_331] {strides = array<i32>} : memref<125x80xi32, #tpu.memory_space<vmem>>, vector<1x16xi32>,
      %swap3A_333 = vector.shape_cast %swap3A_332 : vector<1x16xi32> to vector<16xi32>
      %swap3A_334 = vector.shape_cast %mul3A_330 : vector<16xi32> to vector<1x16xi32>
      tpu.vector_store %arg8[%swap3A, %swap3A_331], %swap3A_334 {strides = array<i32>} : memref<125x80xi32, #tpu.memory_space<vmem>>, vector<1x16xi32>,
      %get3A_335 = arith.index_cast %scan3A_324 : i32 to index
      %get3A_336 = arith.constant 16 : index
      %get3A_337 = tpu.vector_load %arg7[%get3A_335, %get3A_336] {strides = array<i32>} : memref<125x80xi32, #tpu.memory_space<vmem>>, vector<1x16xi32>,
      %get3A_338 = vector.shape_cast %get3A_337 : vector<1x16xi32> to vector<16xi32>
      %mul3A_339 = arith.constant 2 : i32
      %mul3A_340 = vector.broadcast %mul3A_339 : i32 to vector<16xi32>
      %mul3A_341 = arith.muli %get3A_338, %mul3A_340 : vector<16xi32>
      %swap3A_342 = arith.index_cast %scan3A_324 : i32 to index
      %swap3A_343 = arith.constant 16 : index
      %swap3A_344 = tpu.vector_load %arg8[%swap3A_342, %swap3A_343] {strides = array<i32>} : memref<125x80xi32, #tpu.memory_space<vmem>>, vector<1x16xi32>,
      %swap3A_345 = vector.shape_cast %swap3A_344 : vector<1x16xi32> to vector<16xi32>
      %swap3A_346 = vector.shape_cast %mul3A_341 : vector<16xi32> to vector<1x16xi32>
      tpu.vector_store %arg8[%swap3A_342, %swap3A_343], %swap3A_346 {strides = array<i32>} : memref<125x80xi32, #tpu.memory_space<vmem>>, vector<1x16xi32>,
      %get3A_347 = arith.index_cast %scan3A_324 : i32 to index
      %get3A_348 = arith.constant 32 : index
      %get3A_349 = tpu.vector_load %arg7[%get3A_347, %get3A_348] {strides = array<i32>} : memref<125x80xi32, #tpu.memory_space<vmem>>, vector<1x16xi32>,
      %get3A_350 = vector.shape_cast %get3A_349 : vector<1x16xi32> to vector<16xi32>
      %mul3A_351 = arith.constant 2 : i32
      %mul3A_352 = vector.broadcast %mul3A_351 : i32 to vector<16xi32>
      %mul3A_353 = arith.muli %get3A_350, %mul3A_352 : vector<16xi32>
      %swap3A_354 = arith.index_cast %scan3A_324 : i32 to index
      %swap3A_355 = arith.constant 32 : index
      %swap3A_356 = tpu.vector_load %arg8[%swap3A_354, %swap3A_355] {strides = array<i32>} : memref<125x80xi32, #tpu.memory_space<vmem>>, vector<1x16xi32>,
      %swap3A_357 = vector.shape_cast %swap3A_356 : vector<1x16xi32> to vector<16xi32>
      %swap3A_358 = vector.shape_cast %mul3A_353 : vector<16xi32> to vector<1x16xi32>
      tpu.vector_store %arg8[%swap3A_354, %swap3A_355], %swap3A_358 {strides = array<i32>} : memref<125x80xi32, #tpu.memory_space<vmem>>, vector<1x16xi32>,
      %get3A_359 = arith.index_cast %scan3A_324 : i32 to index
      %get3A_360 = arith.constant 48 : index
      %get3A_361 = tpu.vector_load %arg7[%get3A_359, %get3A_360] {strides = array<i32>} : memref<125x80xi32, #tpu.memory_space<vmem>>, vector<1x16xi32>,
      %get3A_362 = vector.shape_cast %get3A_361 : vector<1x16xi32> to vector<16xi32>
      %mul3A_363 = arith.constant 2 : i32
      %mul3A_364 = vector.broadcast %mul3A_363 : i32 to vector<16xi32>
      %mul3A_365 = arith.muli %get3A_362, %mul3A_364 : vector<16xi32>
      %swap3A_366 = arith.index_cast %scan3A_324 : i32 to index
      %swap3A_367 = arith.constant 48 : index
      %swap3A_368 = tpu.vector_load %arg8[%swap3A_366, %swap3A_367] {strides = array<i32>} : memref<125x80xi32, #tpu.memory_space<vmem>>, vector<1x16xi32>,
      %swap3A_369 = vector.shape_cast %swap3A_368 : vector<1x16xi32> to vector<16xi32>
      %swap3A_370 = vector.shape_cast %mul3A_365 : vector<16xi32> to vector<1x16xi32>
      tpu.vector_store %arg8[%swap3A_366, %swap3A_367], %swap3A_370 {strides = array<i32>} : memref<125x80xi32, #tpu.memory_space<vmem>>, vector<1x16xi32>,
      %get3A_371 = arith.index_cast %scan3A_324 : i32 to index
      %get3A_372 = arith.constant 64 : index
      %get3A_373 = tpu.vector_load %arg7[%get3A_371, %get3A_372] {strides = array<i32>} : memref<125x80xi32, #tpu.memory_space<vmem>>, vector<1x16xi32>,
      %get3A_374 = vector.shape_cast %get3A_373 : vector<1x16xi32> to vector<16xi32>
      %mul3A_375 = arith.constant 2 : i32
      %mul3A_376 = vector.broadcast %mul3A_375 : i32 to vector<16xi32>
      %mul3A_377 = arith.muli %get3A_374, %mul3A_376 : vector<16xi32>
      %swap3A_378 = arith.index_cast %scan3A_324 : i32 to index
      %swap3A_379 = arith.constant 64 : index
      %swap3A_380 = tpu.vector_load %arg8[%swap3A_378, %swap3A_379] {strides = array<i32>} : memref<125x80xi32, #tpu.memory_space<vmem>>, vector<1x16xi32>,
      %swap3A_381 = vector.shape_cast %swap3A_380 : vector<1x16xi32> to vector<16xi32>
      %swap3A_382 = vector.shape_cast %mul3A_377 : vector<16xi32> to vector<1x16xi32>
      tpu.vector_store %arg8[%swap3A_378, %swap3A_379], %swap3A_382 {strides = array<i32>} : memref<125x80xi32, #tpu.memory_space<vmem>>, vector<1x16xi32>,
    }
    %scan3A_5 = arith.constant 125 : i32
    %lt3A = arith.constant 15 : i32
    %lt3A_6 = arith.cmpi slt, %arg1, %lt3A : i32
    %convert_element_type3A = arith.extui %lt3A_6 : i1 to i32
    %cond3A = arith.constant 0 : i32
    %cond3A_7 = arith.cmpi ne, %convert_element_type3A, %cond3A : i32
    scf.if %cond3A_7 {
      %mul3A_324 = arith.constant 624 : i32
      %mul3A_325 = arith.muli %arg1, %mul3A_324 : i32
      %mul3A_326 = arith.constant 624 : i32
      %mul3A_327 = arith.muli %arg1, %mul3A_326 : i32
      "tpu.region"() ({
        %run_scoped3A_328 = tpu.sem_alloc : memref<!tpu.dma_semaphore, #tpu.memory_space<semaphore_mem>>
        %dma_start3A_329 = arith.constant 0 : i32
        %dma_start3A_330 = tpu.memref_slice %arg11[%mul3A_327, %dma_start3A_329] : memref<10000x64xf32, #tpu.memory_space<vmem_shared>> -> memref<624x64xf32, #tpu.memory_space<vmem_shared>>
        %dma_start3A_331 = arith.constant 0 : i32
        %dma_start3A_332 = tpu.memref_slice %arg5[%mul3A_325, %dma_start3A_331] : memref<10000x64xf32, #tpu.memory_space<hbm>> -> memref<624x64xf32, #tpu.memory_space<hbm>>
        tpu.enqueue_dma source(%dma_start3A_332 : memref<624x64xf32, #tpu.memory_space<hbm>>) target(%dma_start3A_330 : memref<624x64xf32, #tpu.memory_space<vmem_shared>>) target_semaphore(%run_scoped3A_328 : memref<!tpu.dma_semaphore, #tpu.memory_space<semaphore_mem>>)
        %dma_wait3A_333 = arith.constant 0 : i32
        %dma_wait3A_334 = tpu.memref_slice %arg11[%mul3A_327, %dma_wait3A_333] : memref<10000x64xf32, #tpu.memory_space<vmem_shared>> -> memref<624x64xf32, #tpu.memory_space<vmem_shared>>
        %dma_wait3A_335 = arith.constant 0 : i32
        %dma_wait3A_336 = tpu.memref_slice %arg5[%mul3A_325, %dma_wait3A_335] : memref<10000x64xf32, #tpu.memory_space<hbm>> -> memref<624x64xf32, #tpu.memory_space<hbm>>
        tpu.wait_dma2 semaphore(%run_scoped3A_328 : memref<!tpu.dma_semaphore, #tpu.memory_space<semaphore_mem>>) src(%dma_wait3A_336 : memref<624x64xf32, #tpu.memory_space<hbm>>) dst(%dma_wait3A_334 : memref<624x64xf32, #tpu.memory_space<vmem_shared>>)
        tpu.yield
      }) : () -> ()
    } else {
    }
    %eq3A = arith.constant 15 : i32
    %eq3A_8 = arith.cmpi eq, %arg1, %eq3A : i32
    %convert_element_type3A_9 = arith.extui %eq3A_8 : i1 to i32
    %cond3A_10 = arith.constant 0 : i32
    %cond3A_11 = arith.cmpi ne, %convert_element_type3A_9, %cond3A_10 : i32
    scf.if %cond3A_11 {
      "tpu.region"() ({
        %run_scoped3A_324 = tpu.sem_alloc : memref<!tpu.dma_semaphore, #tpu.memory_space<semaphore_mem>>
        %dma_start3A_325 = arith.constant 9360 : i32
        %dma_start3A_326 = arith.constant 0 : i32
        %dma_start3A_327 = tpu.memref_slice %arg11[%dma_start3A_325, %dma_start3A_326] : memref<10000x64xf32, #tpu.memory_space<vmem_shared>> -> memref<640x64xf32, #tpu.memory_space<vmem_shared>>
        %dma_start3A_328 = arith.constant 9360 : i32
        %dma_start3A_329 = arith.constant 0 : i32
        %dma_start3A_330 = tpu.memref_slice %arg5[%dma_start3A_328, %dma_start3A_329] : memref<10000x64xf32, #tpu.memory_space<hbm>> -> memref<640x64xf32, #tpu.memory_space<hbm>>
        tpu.enqueue_dma source(%dma_start3A_330 : memref<640x64xf32, #tpu.memory_space<hbm>>) target(%dma_start3A_327 : memref<640x64xf32, #tpu.memory_space<vmem_shared>>) target_semaphore(%run_scoped3A_324 : memref<!tpu.dma_semaphore, #tpu.memory_space<semaphore_mem>>)
        %dma_wait3A_331 = arith.constant 9360 : i32
        %dma_wait3A_332 = arith.constant 0 : i32
        %dma_wait3A_333 = tpu.memref_slice %arg11[%dma_wait3A_331, %dma_wait3A_332] : memref<10000x64xf32, #tpu.memory_space<vmem_shared>> -> memref<640x64xf32, #tpu.memory_space<vmem_shared>>
        %dma_wait3A_334 = arith.constant 9360 : i32
        %dma_wait3A_335 = arith.constant 0 : i32
        %dma_wait3A_336 = tpu.memref_slice %arg5[%dma_wait3A_334, %dma_wait3A_335] : memref<10000x64xf32, #tpu.memory_space<hbm>> -> memref<640x64xf32, #tpu.memory_space<hbm>>
        tpu.wait_dma2 semaphore(%run_scoped3A_324 : memref<!tpu.dma_semaphore, #tpu.memory_space<semaphore_mem>>) src(%dma_wait3A_336 : memref<640x64xf32, #tpu.memory_space<hbm>>) dst(%dma_wait3A_333 : memref<640x64xf32, #tpu.memory_space<vmem_shared>>)
        tpu.yield
      }) : () -> ()
    } else {
    }
    %barrier3A = arith.constant 0 : index
    tpu.barrier barrier_id(%barrier3A)
    %dma_start3A = arith.constant 0 : i32
    %dma_start3A_12 = arith.constant 0 : i32
    %dma_start3A_13 = arith.constant 0 : i32
    %dma_start3A_14 = arith.constant 0 : i32
    %dma_start3A_15 = tpu.memref_slice %arg10[%dma_start3A_12, %dma_start3A_13, %dma_start3A_14] : memref<5x80x64xf32, #tpu.memory_space<vmem>> -> memref<1x80x64xf32, #tpu.memory_space<vmem>>
    %dma_start3A_16 = tpu.memref_squeeze %dma_start3A_15 : memref<1x80x64xf32, #tpu.memory_space<vmem>> -> memref<80x64xf32, #tpu.memory_space<vmem>>
    %dma_start3A_17 = arith.constant 0 : i32
    %dma_start3A_18 = tpu.memref_slice %arg8[%dma_start3A, %dma_start3A_17] : memref<125x80xi32, #tpu.memory_space<vmem>> -> memref<1x80xi32, #tpu.memory_space<vmem>>
    %dma_start3A_19 = tpu.memref_squeeze %dma_start3A_18 : memref<1x80xi32, #tpu.memory_space<vmem>> -> memref<80xi32, #tpu.memory_space<vmem>>
    %dma_start3A_20 = arith.constant 0 : i32
    %dma_start3A_21 = arith.constant 0 : i32
    %dma_start3A_22 = tpu.memref_slice %arg2[%dma_start3A_20, %dma_start3A_21] : memref<20000x64xf32, #tpu.memory_space<hbm>> -> memref<20000x64xf32, #tpu.memory_space<hbm>>
    tpu.enqueue_indirect_dma source(%dma_start3A_22 : memref<20000x64xf32, #tpu.memory_space<hbm>>) target(%dma_start3A_16 : memref<80x64xf32, #tpu.memory_space<vmem>>) offsets(%dma_start3A_19 : memref<80xi32, #tpu.memory_space<vmem>>) semaphore(%arg12 : memref<!tpu.dma_semaphore, #tpu.memory_space<semaphore_mem>>)
    %dma_start3A_23 = arith.constant 1 : i32
    %dma_start3A_24 = arith.constant 1 : i32
    %dma_start3A_25 = arith.constant 0 : i32
    %dma_start3A_26 = arith.constant 0 : i32
    %dma_start3A_27 = tpu.memref_slice %arg10[%dma_start3A_24, %dma_start3A_25, %dma_start3A_26] : memref<5x80x64xf32, #tpu.memory_space<vmem>> -> memref<1x80x64xf32, #tpu.memory_space<vmem>>
    %dma_start3A_28 = tpu.memref_squeeze %dma_start3A_27 : memref<1x80x64xf32, #tpu.memory_space<vmem>> -> memref<80x64xf32, #tpu.memory_space<vmem>>
    %dma_start3A_29 = arith.constant 0 : i32
    %dma_start3A_30 = tpu.memref_slice %arg8[%dma_start3A_23, %dma_start3A_29] : memref<125x80xi32, #tpu.memory_space<vmem>> -> memref<1x80xi32, #tpu.memory_space<vmem>>
    %dma_start3A_31 = tpu.memref_squeeze %dma_start3A_30 : memref<1x80xi32, #tpu.memory_space<vmem>> -> memref<80xi32, #tpu.memory_space<vmem>>
    %dma_start3A_32 = arith.constant 0 : i32
    %dma_start3A_33 = arith.constant 0 : i32
    %dma_start3A_34 = tpu.memref_slice %arg2[%dma_start3A_32, %dma_start3A_33] : memref<20000x64xf32, #tpu.memory_space<hbm>> -> memref<20000x64xf32, #tpu.memory_space<hbm>>
    tpu.enqueue_indirect_dma source(%dma_start3A_34 : memref<20000x64xf32, #tpu.memory_space<hbm>>) target(%dma_start3A_28 : memref<80x64xf32, #tpu.memory_space<vmem>>) offsets(%dma_start3A_31 : memref<80xi32, #tpu.memory_space<vmem>>) semaphore(%arg13 : memref<!tpu.dma_semaphore, #tpu.memory_space<semaphore_mem>>)
    %dma_start3A_35 = arith.constant 2 : i32
    %dma_start3A_36 = arith.constant 2 : i32
    %dma_start3A_37 = arith.constant 0 : i32
    %dma_start3A_38 = arith.constant 0 : i32
    %dma_start3A_39 = tpu.memref_slice %arg10[%dma_start3A_36, %dma_start3A_37, %dma_start3A_38] : memref<5x80x64xf32, #tpu.memory_space<vmem>> -> memref<1x80x64xf32, #tpu.memory_space<vmem>>
    %dma_start3A_40 = tpu.memref_squeeze %dma_start3A_39 : memref<1x80x64xf32, #tpu.memory_space<vmem>> -> memref<80x64xf32, #tpu.memory_space<vmem>>
    %dma_start3A_41 = arith.constant 0 : i32
    %dma_start3A_42 = tpu.memref_slice %arg8[%dma_start3A_35, %dma_start3A_41] : memref<125x80xi32, #tpu.memory_space<vmem>> -> memref<1x80xi32, #tpu.memory_space<vmem>>
    %dma_start3A_43 = tpu.memref_squeeze %dma_start3A_42 : memref<1x80xi32, #tpu.memory_space<vmem>> -> memref<80xi32, #tpu.memory_space<vmem>>
    %dma_start3A_44 = arith.constant 0 : i32
    %dma_start3A_45 = arith.constant 0 : i32
    %dma_start3A_46 = tpu.memref_slice %arg2[%dma_start3A_44, %dma_start3A_45] : memref<20000x64xf32, #tpu.memory_space<hbm>> -> memref<20000x64xf32, #tpu.memory_space<hbm>>
    tpu.enqueue_indirect_dma source(%dma_start3A_46 : memref<20000x64xf32, #tpu.memory_space<hbm>>) target(%dma_start3A_40 : memref<80x64xf32, #tpu.memory_space<vmem>>) offsets(%dma_start3A_43 : memref<80xi32, #tpu.memory_space<vmem>>) semaphore(%arg14 : memref<!tpu.dma_semaphore, #tpu.memory_space<semaphore_mem>>)
    %dma_start3A_47 = arith.constant 3 : i32
    %dma_start3A_48 = arith.constant 3 : i32
    %dma_start3A_49 = arith.constant 0 : i32
    %dma_start3A_50 = arith.constant 0 : i32
    %dma_start3A_51 = tpu.memref_slice %arg10[%dma_start3A_48, %dma_start3A_49, %dma_start3A_50] : memref<5x80x64xf32, #tpu.memory_space<vmem>> -> memref<1x80x64xf32, #tpu.memory_space<vmem>>
    %dma_start3A_52 = tpu.memref_squeeze %dma_start3A_51 : memref<1x80x64xf32, #tpu.memory_space<vmem>> -> memref<80x64xf32, #tpu.memory_space<vmem>>
    %dma_start3A_53 = arith.constant 0 : i32
    %dma_start3A_54 = tpu.memref_slice %arg8[%dma_start3A_47, %dma_start3A_53] : memref<125x80xi32, #tpu.memory_space<vmem>> -> memref<1x80xi32, #tpu.memory_space<vmem>>
    %dma_start3A_55 = tpu.memref_squeeze %dma_start3A_54 : memref<1x80xi32, #tpu.memory_space<vmem>> -> memref<80xi32, #tpu.memory_space<vmem>>
    %dma_start3A_56 = arith.constant 0 : i32
    %dma_start3A_57 = arith.constant 0 : i32
    %dma_start3A_58 = tpu.memref_slice %arg2[%dma_start3A_56, %dma_start3A_57] : memref<20000x64xf32, #tpu.memory_space<hbm>> -> memref<20000x64xf32, #tpu.memory_space<hbm>>
    tpu.enqueue_indirect_dma source(%dma_start3A_58 : memref<20000x64xf32, #tpu.memory_space<hbm>>) target(%dma_start3A_52 : memref<80x64xf32, #tpu.memory_space<vmem>>) offsets(%dma_start3A_55 : memref<80xi32, #tpu.memory_space<vmem>>) semaphore(%arg15 : memref<!tpu.dma_semaphore, #tpu.memory_space<semaphore_mem>>)
    %dma_start3A_59 = arith.constant 4 : i32
    %dma_start3A_60 = arith.constant 4 : i32
    %dma_start3A_61 = arith.constant 0 : i32
    %dma_start3A_62 = arith.constant 0 : i32
    %dma_start3A_63 = tpu.memref_slice %arg10[%dma_start3A_60, %dma_start3A_61, %dma_start3A_62] : memref<5x80x64xf32, #tpu.memory_space<vmem>> -> memref<1x80x64xf32, #tpu.memory_space<vmem>>
    %dma_start3A_64 = tpu.memref_squeeze %dma_start3A_63 : memref<1x80x64xf32, #tpu.memory_space<vmem>> -> memref<80x64xf32, #tpu.memory_space<vmem>>
    %dma_start3A_65 = arith.constant 0 : i32
    %dma_start3A_66 = tpu.memref_slice %arg8[%dma_start3A_59, %dma_start3A_65] : memref<125x80xi32, #tpu.memory_space<vmem>> -> memref<1x80xi32, #tpu.memory_space<vmem>>
    %dma_start3A_67 = tpu.memref_squeeze %dma_start3A_66 : memref<1x80xi32, #tpu.memory_space<vmem>> -> memref<80xi32, #tpu.memory_space<vmem>>
    %dma_start3A_68 = arith.constant 0 : i32
    %dma_start3A_69 = arith.constant 0 : i32
    %dma_start3A_70 = tpu.memref_slice %arg2[%dma_start3A_68, %dma_start3A_69] : memref<20000x64xf32, #tpu.memory_space<hbm>> -> memref<20000x64xf32, #tpu.memory_space<hbm>>
    tpu.enqueue_indirect_dma source(%dma_start3A_70 : memref<20000x64xf32, #tpu.memory_space<hbm>>) target(%dma_start3A_64 : memref<80x64xf32, #tpu.memory_space<vmem>>) offsets(%dma_start3A_67 : memref<80xi32, #tpu.memory_space<vmem>>) semaphore(%arg16 : memref<!tpu.dma_semaphore, #tpu.memory_space<semaphore_mem>>)
    %scan3A_71 = arith.constant 0 : i32
    %scan3A_72 = arith.constant 0 : i32
    %scan3A_73 = arith.constant 24 : i32
    %scan3A_74 = arith.addi %scan3A_72, %scan3A_73 : i32
    %scan3A_75 = arith.constant 1 : i32
    scf.for %scan3A_324 = %scan3A_72 to %scan3A_74 step %scan3A_75  : i32 {
      %mul3A_325 = arith.constant 5 : i32
      %mul3A_326 = arith.muli %scan3A_324, %mul3A_325 : i32
      %add3A_327 = arith.constant 0 : i32
      %add3A_328 = arith.addi %mul3A_326, %add3A_327 : i32
      %dma_wait3A_329 = arith.constant 0 : i32
      %dma_wait3A_330 = arith.constant 0 : i32
      %dma_wait3A_331 = arith.constant 0 : i32
      %dma_wait3A_332 = tpu.memref_slice %arg10[%dma_wait3A_329, %dma_wait3A_330, %dma_wait3A_331] : memref<5x80x64xf32, #tpu.memory_space<vmem>> -> memref<1x80x64xf32, #tpu.memory_space<vmem>>
      %dma_wait3A_333 = tpu.memref_squeeze %dma_wait3A_332 : memref<1x80x64xf32, #tpu.memory_space<vmem>> -> memref<80x64xf32, #tpu.memory_space<vmem>>
      %dma_wait3A_334 = arith.constant 0 : i32
      %dma_wait3A_335 = tpu.memref_slice %arg8[%add3A_328, %dma_wait3A_334] : memref<125x80xi32, #tpu.memory_space<vmem>> -> memref<1x80xi32, #tpu.memory_space<vmem>>
      %dma_wait3A_336 = tpu.memref_squeeze %dma_wait3A_335 : memref<1x80xi32, #tpu.memory_space<vmem>> -> memref<80xi32, #tpu.memory_space<vmem>>
      %dma_wait3A_337 = arith.constant 0 : i32
      %dma_wait3A_338 = arith.constant 0 : i32
      %dma_wait3A_339 = tpu.memref_slice %arg2[%dma_wait3A_337, %dma_wait3A_338] : memref<20000x64xf32, #tpu.memory_space<hbm>> -> memref<20000x64xf32, #tpu.memory_space<hbm>>
      tpu.wait_indirect_dma semaphore(%arg12 : memref<!tpu.dma_semaphore, #tpu.memory_space<semaphore_mem>>) src(%dma_wait3A_339 : memref<20000x64xf32, #tpu.memory_space<hbm>>) dst(%dma_wait3A_333 : memref<80x64xf32, #tpu.memory_space<vmem>>)
      %run_scoped3A_340 = arith.constant 0 : i32
      "tpu.region"() ({
        %run_scoped3A_470 = tpu.sem_alloc : memref<!tpu.dma_semaphore, #tpu.memory_space<semaphore_mem>>
        %dma_start3A_471 = arith.constant 0 : i32
        %dma_start3A_472 = arith.constant 0 : i32
        %dma_start3A_473 = tpu.memref_slice %arg10[%run_scoped3A_340, %dma_start3A_471, %dma_start3A_472] : memref<5x80x64xf32, #tpu.memory_space<vmem>> -> memref<1x80x64xf32, #tpu.memory_space<vmem>>
        %dma_start3A_474 = tpu.memref_squeeze %dma_start3A_473 : memref<1x80x64xf32, #tpu.memory_space<vmem>> -> memref<80x64xf32, #tpu.memory_space<vmem>>
        %dma_start3A_475 = arith.constant 0 : i32
        %dma_start3A_476 = tpu.memref_slice %arg9[%add3A_328, %dma_start3A_475] : memref<125x80xi32, #tpu.memory_space<vmem>> -> memref<1x80xi32, #tpu.memory_space<vmem>>
        %dma_start3A_477 = tpu.memref_squeeze %dma_start3A_476 : memref<1x80xi32, #tpu.memory_space<vmem>> -> memref<80xi32, #tpu.memory_space<vmem>>
        %dma_start3A_478 = arith.constant 0 : i32
        %dma_start3A_479 = arith.constant 0 : i32
        %dma_start3A_480 = tpu.memref_slice %arg11[%dma_start3A_478, %dma_start3A_479] : memref<10000x64xf32, #tpu.memory_space<vmem_shared>> -> memref<10000x64xf32, #tpu.memory_space<vmem_shared>>
        tpu.enqueue_indirect_dma source(%dma_start3A_474 : memref<80x64xf32, #tpu.memory_space<vmem>>) target(%dma_start3A_480 : memref<10000x64xf32, #tpu.memory_space<vmem_shared>>) offsets(%dma_start3A_477 : memref<80xi32, #tpu.memory_space<vmem>>) semaphore(%run_scoped3A_470 : memref<!tpu.dma_semaphore, #tpu.memory_space<semaphore_mem>>) {add = true}
        %dma_wait3A_481 = arith.constant 0 : i32
        %dma_wait3A_482 = arith.constant 0 : i32
        %dma_wait3A_483 = tpu.memref_slice %arg10[%run_scoped3A_340, %dma_wait3A_481, %dma_wait3A_482] : memref<5x80x64xf32, #tpu.memory_space<vmem>> -> memref<1x80x64xf32, #tpu.memory_space<vmem>>
        %dma_wait3A_484 = tpu.memref_squeeze %dma_wait3A_483 : memref<1x80x64xf32, #tpu.memory_space<vmem>> -> memref<80x64xf32, #tpu.memory_space<vmem>>
        %dma_wait3A_485 = arith.constant 0 : i32
        %dma_wait3A_486 = tpu.memref_slice %arg9[%add3A_328, %dma_wait3A_485] : memref<125x80xi32, #tpu.memory_space<vmem>> -> memref<1x80xi32, #tpu.memory_space<vmem>>
        %dma_wait3A_487 = tpu.memref_squeeze %dma_wait3A_486 : memref<1x80xi32, #tpu.memory_space<vmem>> -> memref<80xi32, #tpu.memory_space<vmem>>
        %dma_wait3A_488 = arith.constant 0 : i32
        %dma_wait3A_489 = arith.constant 0 : i32
        %dma_wait3A_490 = tpu.memref_slice %arg11[%dma_wait3A_488, %dma_wait3A_489] : memref<10000x64xf32, #tpu.memory_space<vmem_shared>> -> memref<10000x64xf32, #tpu.memory_space<vmem_shared>>
        tpu.wait_indirect_dma semaphore(%run_scoped3A_470 : memref<!tpu.dma_semaphore, #tpu.memory_space<semaphore_mem>>) src(%dma_wait3A_484 : memref<80x64xf32, #tpu.memory_space<vmem>>) dst(%dma_wait3A_490 : memref<10000x64xf32, #tpu.memory_space<vmem_shared>>)
        tpu.yield
      }) : () -> ()
      %add3A_341 = arith.constant 5 : i32
      %add3A_342 = arith.addi %add3A_328, %add3A_341 : i32
      %dma_start3A_343 = arith.constant 0 : i32
      %dma_start3A_344 = arith.constant 0 : i32
      %dma_start3A_345 = arith.constant 0 : i32
      %dma_start3A_346 = tpu.memref_slice %arg10[%dma_start3A_343, %dma_start3A_344, %dma_start3A_345] : memref<5x80x64xf32, #tpu.memory_space<vmem>> -> memref<1x80x64xf32, #tpu.memory_space<vmem>>
      %dma_start3A_347 = tpu.memref_squeeze %dma_start3A_346 : memref<1x80x64xf32, #tpu.memory_space<vmem>> -> memref<80x64xf32, #tpu.memory_space<vmem>>
      %dma_start3A_348 = arith.constant 0 : i32
      %dma_start3A_349 = tpu.memref_slice %arg8[%add3A_342, %dma_start3A_348] : memref<125x80xi32, #tpu.memory_space<vmem>> -> memref<1x80xi32, #tpu.memory_space<vmem>>
      %dma_start3A_350 = tpu.memref_squeeze %dma_start3A_349 : memref<1x80xi32, #tpu.memory_space<vmem>> -> memref<80xi32, #tpu.memory_space<vmem>>
      %dma_start3A_351 = arith.constant 0 : i32
      %dma_start3A_352 = arith.constant 0 : i32
      %dma_start3A_353 = tpu.memref_slice %arg2[%dma_start3A_351, %dma_start3A_352] : memref<20000x64xf32, #tpu.memory_space<hbm>> -> memref<20000x64xf32, #tpu.memory_space<hbm>>
      tpu.enqueue_indirect_dma source(%dma_start3A_353 : memref<20000x64xf32, #tpu.memory_space<hbm>>) target(%dma_start3A_347 : memref<80x64xf32, #tpu.memory_space<vmem>>) offsets(%dma_start3A_350 : memref<80xi32, #tpu.memory_space<vmem>>) semaphore(%arg12 : memref<!tpu.dma_semaphore, #tpu.memory_space<semaphore_mem>>)
      %mul3A_354 = arith.constant 5 : i32
      %mul3A_355 = arith.muli %scan3A_324, %mul3A_354 : i32
      %add3A_356 = arith.constant 1 : i32
      %add3A_357 = arith.addi %mul3A_355, %add3A_356 : i32
      %dma_wait3A_358 = arith.constant 1 : i32
      %dma_wait3A_359 = arith.constant 0 : i32
      %dma_wait3A_360 = arith.constant 0 : i32
      %dma_wait3A_361 = tpu.memref_slice %arg10[%dma_wait3A_358, %dma_wait3A_359, %dma_wait3A_360] : memref<5x80x64xf32, #tpu.memory_space<vmem>> -> memref<1x80x64xf32, #tpu.memory_space<vmem>>
      %dma_wait3A_362 = tpu.memref_squeeze %dma_wait3A_361 : memref<1x80x64xf32, #tpu.memory_space<vmem>> -> memref<80x64xf32, #tpu.memory_space<vmem>>
      %dma_wait3A_363 = arith.constant 0 : i32
      %dma_wait3A_364 = tpu.memref_slice %arg8[%add3A_357, %dma_wait3A_363] : memref<125x80xi32, #tpu.memory_space<vmem>> -> memref<1x80xi32, #tpu.memory_space<vmem>>
      %dma_wait3A_365 = tpu.memref_squeeze %dma_wait3A_364 : memref<1x80xi32, #tpu.memory_space<vmem>> -> memref<80xi32, #tpu.memory_space<vmem>>
      %dma_wait3A_366 = arith.constant 0 : i32
      %dma_wait3A_367 = arith.constant 0 : i32
      %dma_wait3A_368 = tpu.memref_slice %arg2[%dma_wait3A_366, %dma_wait3A_367] : memref<20000x64xf32, #tpu.memory_space<hbm>> -> memref<20000x64xf32, #tpu.memory_space<hbm>>
      tpu.wait_indirect_dma semaphore(%arg13 : memref<!tpu.dma_semaphore, #tpu.memory_space<semaphore_mem>>) src(%dma_wait3A_368 : memref<20000x64xf32, #tpu.memory_space<hbm>>) dst(%dma_wait3A_362 : memref<80x64xf32, #tpu.memory_space<vmem>>)
      %run_scoped3A_369 = arith.constant 1 : i32
      "tpu.region"() ({
        %run_scoped3A_470 = tpu.sem_alloc : memref<!tpu.dma_semaphore, #tpu.memory_space<semaphore_mem>>
        %dma_start3A_471 = arith.constant 0 : i32
        %dma_start3A_472 = arith.constant 0 : i32
        %dma_start3A_473 = tpu.memref_slice %arg10[%run_scoped3A_369, %dma_start3A_471, %dma_start3A_472] : memref<5x80x64xf32, #tpu.memory_space<vmem>> -> memref<1x80x64xf32, #tpu.memory_space<vmem>>
        %dma_start3A_474 = tpu.memref_squeeze %dma_start3A_473 : memref<1x80x64xf32, #tpu.memory_space<vmem>> -> memref<80x64xf32, #tpu.memory_space<vmem>>
        %dma_start3A_475 = arith.constant 0 : i32
        %dma_start3A_476 = tpu.memref_slice %arg9[%add3A_357, %dma_start3A_475] : memref<125x80xi32, #tpu.memory_space<vmem>> -> memref<1x80xi32, #tpu.memory_space<vmem>>
        %dma_start3A_477 = tpu.memref_squeeze %dma_start3A_476 : memref<1x80xi32, #tpu.memory_space<vmem>> -> memref<80xi32, #tpu.memory_space<vmem>>
        %dma_start3A_478 = arith.constant 0 : i32
        %dma_start3A_479 = arith.constant 0 : i32
        %dma_start3A_480 = tpu.memref_slice %arg11[%dma_start3A_478, %dma_start3A_479] : memref<10000x64xf32, #tpu.memory_space<vmem_shared>> -> memref<10000x64xf32, #tpu.memory_space<vmem_shared>>
        tpu.enqueue_indirect_dma source(%dma_start3A_474 : memref<80x64xf32, #tpu.memory_space<vmem>>) target(%dma_start3A_480 : memref<10000x64xf32, #tpu.memory_space<vmem_shared>>) offsets(%dma_start3A_477 : memref<80xi32, #tpu.memory_space<vmem>>) semaphore(%run_scoped3A_470 : memref<!tpu.dma_semaphore, #tpu.memory_space<semaphore_mem>>) {add = true}
        %dma_wait3A_481 = arith.constant 0 : i32
        %dma_wait3A_482 = arith.constant 0 : i32
        %dma_wait3A_483 = tpu.memref_slice %arg10[%run_scoped3A_369, %dma_wait3A_481, %dma_wait3A_482] : memref<5x80x64xf32, #tpu.memory_space<vmem>> -> memref<1x80x64xf32, #tpu.memory_space<vmem>>
        %dma_wait3A_484 = tpu.memref_squeeze %dma_wait3A_483 : memref<1x80x64xf32, #tpu.memory_space<vmem>> -> memref<80x64xf32, #tpu.memory_space<vmem>>
        %dma_wait3A_485 = arith.constant 0 : i32
        %dma_wait3A_486 = tpu.memref_slice %arg9[%add3A_357, %dma_wait3A_485] : memref<125x80xi32, #tpu.memory_space<vmem>> -> memref<1x80xi32, #tpu.memory_space<vmem>>
        %dma_wait3A_487 = tpu.memref_squeeze %dma_wait3A_486 : memref<1x80xi32, #tpu.memory_space<vmem>> -> memref<80xi32, #tpu.memory_space<vmem>>
        %dma_wait3A_488 = arith.constant 0 : i32
        %dma_wait3A_489 = arith.constant 0 : i32
        %dma_wait3A_490 = tpu.memref_slice %arg11[%dma_wait3A_488, %dma_wait3A_489] : memref<10000x64xf32, #tpu.memory_space<vmem_shared>> -> memref<10000x64xf32, #tpu.memory_space<vmem_shared>>
        tpu.wait_indirect_dma semaphore(%run_scoped3A_470 : memref<!tpu.dma_semaphore, #tpu.memory_space<semaphore_mem>>) src(%dma_wait3A_484 : memref<80x64xf32, #tpu.memory_space<vmem>>) dst(%dma_wait3A_490 : memref<10000x64xf32, #tpu.memory_space<vmem_shared>>)
        tpu.yield
      }) : () -> ()
      %add3A_370 = arith.constant 5 : i32
      %add3A_371 = arith.addi %add3A_357, %add3A_370 : i32
      %dma_start3A_372 = arith.constant 1 : i32
      %dma_start3A_373 = arith.constant 0 : i32
      %dma_start3A_374 = arith.constant 0 : i32
      %dma_start3A_375 = tpu.memref_slice %arg10[%dma_start3A_372, %dma_start3A_373, %dma_start3A_374] : memref<5x80x64xf32, #tpu.memory_space<vmem>> -> memref<1x80x64xf32, #tpu.memory_space<vmem>>
      %dma_start3A_376 = tpu.memref_squeeze %dma_start3A_375 : memref<1x80x64xf32, #tpu.memory_space<vmem>> -> memref<80x64xf32, #tpu.memory_space<vmem>>
      %dma_start3A_377 = arith.constant 0 : i32
      %dma_start3A_378 = tpu.memref_slice %arg8[%add3A_371, %dma_start3A_377] : memref<125x80xi32, #tpu.memory_space<vmem>> -> memref<1x80xi32, #tpu.memory_space<vmem>>
      %dma_start3A_379 = tpu.memref_squeeze %dma_start3A_378 : memref<1x80xi32, #tpu.memory_space<vmem>> -> memref<80xi32, #tpu.memory_space<vmem>>
      %dma_start3A_380 = arith.constant 0 : i32
      %dma_start3A_381 = arith.constant 0 : i32
      %dma_start3A_382 = tpu.memref_slice %arg2[%dma_start3A_380, %dma_start3A_381] : memref<20000x64xf32, #tpu.memory_space<hbm>> -> memref<20000x64xf32, #tpu.memory_space<hbm>>
      tpu.enqueue_indirect_dma source(%dma_start3A_382 : memref<20000x64xf32, #tpu.memory_space<hbm>>) target(%dma_start3A_376 : memref<80x64xf32, #tpu.memory_space<vmem>>) offsets(%dma_start3A_379 : memref<80xi32, #tpu.memory_space<vmem>>) semaphore(%arg13 : memref<!tpu.dma_semaphore, #tpu.memory_space<semaphore_mem>>)
      %mul3A_383 = arith.constant 5 : i32
      %mul3A_384 = arith.muli %scan3A_324, %mul3A_383 : i32
      %add3A_385 = arith.constant 2 : i32
      %add3A_386 = arith.addi %mul3A_384, %add3A_385 : i32
      %dma_wait3A_387 = arith.constant 2 : i32
      %dma_wait3A_388 = arith.constant 0 : i32
      %dma_wait3A_389 = arith.constant 0 : i32
      %dma_wait3A_390 = tpu.memref_slice %arg10[%dma_wait3A_387, %dma_wait3A_388, %dma_wait3A_389] : memref<5x80x64xf32, #tpu.memory_space<vmem>> -> memref<1x80x64xf32, #tpu.memory_space<vmem>>
      %dma_wait3A_391 = tpu.memref_squeeze %dma_wait3A_390 : memref<1x80x64xf32, #tpu.memory_space<vmem>> -> memref<80x64xf32, #tpu.memory_space<vmem>>
      %dma_wait3A_392 = arith.constant 0 : i32
      %dma_wait3A_393 = tpu.memref_slice %arg8[%add3A_386, %dma_wait3A_392] : memref<125x80xi32, #tpu.memory_space<vmem>> -> memref<1x80xi32, #tpu.memory_space<vmem>>
      %dma_wait3A_394 = tpu.memref_squeeze %dma_wait3A_393 : memref<1x80xi32, #tpu.memory_space<vmem>> -> memref<80xi32, #tpu.memory_space<vmem>>
      %dma_wait3A_395 = arith.constant 0 : i32
      %dma_wait3A_396 = arith.constant 0 : i32
      %dma_wait3A_397 = tpu.memref_slice %arg2[%dma_wait3A_395, %dma_wait3A_396] : memref<20000x64xf32, #tpu.memory_space<hbm>> -> memref<20000x64xf32, #tpu.memory_space<hbm>>
      tpu.wait_indirect_dma semaphore(%arg14 : memref<!tpu.dma_semaphore, #tpu.memory_space<semaphore_mem>>) src(%dma_wait3A_397 : memref<20000x64xf32, #tpu.memory_space<hbm>>) dst(%dma_wait3A_391 : memref<80x64xf32, #tpu.memory_space<vmem>>)
      %run_scoped3A_398 = arith.constant 2 : i32
      "tpu.region"() ({
        %run_scoped3A_470 = tpu.sem_alloc : memref<!tpu.dma_semaphore, #tpu.memory_space<semaphore_mem>>
        %dma_start3A_471 = arith.constant 0 : i32
        %dma_start3A_472 = arith.constant 0 : i32
        %dma_start3A_473 = tpu.memref_slice %arg10[%run_scoped3A_398, %dma_start3A_471, %dma_start3A_472] : memref<5x80x64xf32, #tpu.memory_space<vmem>> -> memref<1x80x64xf32, #tpu.memory_space<vmem>>
        %dma_start3A_474 = tpu.memref_squeeze %dma_start3A_473 : memref<1x80x64xf32, #tpu.memory_space<vmem>> -> memref<80x64xf32, #tpu.memory_space<vmem>>
        %dma_start3A_475 = arith.constant 0 : i32
        %dma_start3A_476 = tpu.memref_slice %arg9[%add3A_386, %dma_start3A_475] : memref<125x80xi32, #tpu.memory_space<vmem>> -> memref<1x80xi32, #tpu.memory_space<vmem>>
        %dma_start3A_477 = tpu.memref_squeeze %dma_start3A_476 : memref<1x80xi32, #tpu.memory_space<vmem>> -> memref<80xi32, #tpu.memory_space<vmem>>
        %dma_start3A_478 = arith.constant 0 : i32
        %dma_start3A_479 = arith.constant 0 : i32
        %dma_start3A_480 = tpu.memref_slice %arg11[%dma_start3A_478, %dma_start3A_479] : memref<10000x64xf32, #tpu.memory_space<vmem_shared>> -> memref<10000x64xf32, #tpu.memory_space<vmem_shared>>
        tpu.enqueue_indirect_dma source(%dma_start3A_474 : memref<80x64xf32, #tpu.memory_space<vmem>>) target(%dma_start3A_480 : memref<10000x64xf32, #tpu.memory_space<vmem_shared>>) offsets(%dma_start3A_477 : memref<80xi32, #tpu.memory_space<vmem>>) semaphore(%run_scoped3A_470 : memref<!tpu.dma_semaphore, #tpu.memory_space<semaphore_mem>>) {add = true}
        %dma_wait3A_481 = arith.constant 0 : i32
        %dma_wait3A_482 = arith.constant 0 : i32
        %dma_wait3A_483 = tpu.memref_slice %arg10[%run_scoped3A_398, %dma_wait3A_481, %dma_wait3A_482] : memref<5x80x64xf32, #tpu.memory_space<vmem>> -> memref<1x80x64xf32, #tpu.memory_space<vmem>>
        %dma_wait3A_484 = tpu.memref_squeeze %dma_wait3A_483 : memref<1x80x64xf32, #tpu.memory_space<vmem>> -> memref<80x64xf32, #tpu.memory_space<vmem>>
        %dma_wait3A_485 = arith.constant 0 : i32
        %dma_wait3A_486 = tpu.memref_slice %arg9[%add3A_386, %dma_wait3A_485] : memref<125x80xi32, #tpu.memory_space<vmem>> -> memref<1x80xi32, #tpu.memory_space<vmem>>
        %dma_wait3A_487 = tpu.memref_squeeze %dma_wait3A_486 : memref<1x80xi32, #tpu.memory_space<vmem>> -> memref<80xi32, #tpu.memory_space<vmem>>
        %dma_wait3A_488 = arith.constant 0 : i32
        %dma_wait3A_489 = arith.constant 0 : i32
        %dma_wait3A_490 = tpu.memref_slice %arg11[%dma_wait3A_488, %dma_wait3A_489] : memref<10000x64xf32, #tpu.memory_space<vmem_shared>> -> memref<10000x64xf32, #tpu.memory_space<vmem_shared>>
        tpu.wait_indirect_dma semaphore(%run_scoped3A_470 : memref<!tpu.dma_semaphore, #tpu.memory_space<semaphore_mem>>) src(%dma_wait3A_484 : memref<80x64xf32, #tpu.memory_space<vmem>>) dst(%dma_wait3A_490 : memref<10000x64xf32, #tpu.memory_space<vmem_shared>>)
        tpu.yield
      }) : () -> ()
      %add3A_399 = arith.constant 5 : i32
      %add3A_400 = arith.addi %add3A_386, %add3A_399 : i32
      %dma_start3A_401 = arith.constant 2 : i32
      %dma_start3A_402 = arith.constant 0 : i32
      %dma_start3A_403 = arith.constant 0 : i32
      %dma_start3A_404 = tpu.memref_slice %arg10[%dma_start3A_401, %dma_start3A_402, %dma_start3A_403] : memref<5x80x64xf32, #tpu.memory_space<vmem>> -> memref<1x80x64xf32, #tpu.memory_space<vmem>>
      %dma_start3A_405 = tpu.memref_squeeze %dma_start3A_404 : memref<1x80x64xf32, #tpu.memory_space<vmem>> -> memref<80x64xf32, #tpu.memory_space<vmem>>
      %dma_start3A_406 = arith.constant 0 : i32
      %dma_start3A_407 = tpu.memref_slice %arg8[%add3A_400, %dma_start3A_406] : memref<125x80xi32, #tpu.memory_space<vmem>> -> memref<1x80xi32, #tpu.memory_space<vmem>>
      %dma_start3A_408 = tpu.memref_squeeze %dma_start3A_407 : memref<1x80xi32, #tpu.memory_space<vmem>> -> memref<80xi32, #tpu.memory_space<vmem>>
      %dma_start3A_409 = arith.constant 0 : i32
      %dma_start3A_410 = arith.constant 0 : i32
      %dma_start3A_411 = tpu.memref_slice %arg2[%dma_start3A_409, %dma_start3A_410] : memref<20000x64xf32, #tpu.memory_space<hbm>> -> memref<20000x64xf32, #tpu.memory_space<hbm>>
      tpu.enqueue_indirect_dma source(%dma_start3A_411 : memref<20000x64xf32, #tpu.memory_space<hbm>>) target(%dma_start3A_405 : memref<80x64xf32, #tpu.memory_space<vmem>>) offsets(%dma_start3A_408 : memref<80xi32, #tpu.memory_space<vmem>>) semaphore(%arg14 : memref<!tpu.dma_semaphore, #tpu.memory_space<semaphore_mem>>)
      %mul3A_412 = arith.constant 5 : i32
      %mul3A_413 = arith.muli %scan3A_324, %mul3A_412 : i32
      %add3A_414 = arith.constant 3 : i32
      %add3A_415 = arith.addi %mul3A_413, %add3A_414 : i32
      %dma_wait3A_416 = arith.constant 3 : i32
      %dma_wait3A_417 = arith.constant 0 : i32
      %dma_wait3A_418 = arith.constant 0 : i32
      %dma_wait3A_419 = tpu.memref_slice %arg10[%dma_wait3A_416, %dma_wait3A_417, %dma_wait3A_418] : memref<5x80x64xf32, #tpu.memory_space<vmem>> -> memref<1x80x64xf32, #tpu.memory_space<vmem>>
      %dma_wait3A_420 = tpu.memref_squeeze %dma_wait3A_419 : memref<1x80x64xf32, #tpu.memory_space<vmem>> -> memref<80x64xf32, #tpu.memory_space<vmem>>
      %dma_wait3A_421 = arith.constant 0 : i32
      %dma_wait3A_422 = tpu.memref_slice %arg8[%add3A_415, %dma_wait3A_421] : memref<125x80xi32, #tpu.memory_space<vmem>> -> memref<1x80xi32, #tpu.memory_space<vmem>>
      %dma_wait3A_423 = tpu.memref_squeeze %dma_wait3A_422 : memref<1x80xi32, #tpu.memory_space<vmem>> -> memref<80xi32, #tpu.memory_space<vmem>>
      %dma_wait3A_424 = arith.constant 0 : i32
      %dma_wait3A_425 = arith.constant 0 : i32
      %dma_wait3A_426 = tpu.memref_slice %arg2[%dma_wait3A_424, %dma_wait3A_425] : memref<20000x64xf32, #tpu.memory_space<hbm>> -> memref<20000x64xf32, #tpu.memory_space<hbm>>
      tpu.wait_indirect_dma semaphore(%arg15 : memref<!tpu.dma_semaphore, #tpu.memory_space<semaphore_mem>>) src(%dma_wait3A_426 : memref<20000x64xf32, #tpu.memory_space<hbm>>) dst(%dma_wait3A_420 : memref<80x64xf32, #tpu.memory_space<vmem>>)
      %run_scoped3A_427 = arith.constant 3 : i32
      "tpu.region"() ({
        %run_scoped3A_470 = tpu.sem_alloc : memref<!tpu.dma_semaphore, #tpu.memory_space<semaphore_mem>>
        %dma_start3A_471 = arith.constant 0 : i32
        %dma_start3A_472 = arith.constant 0 : i32
        %dma_start3A_473 = tpu.memref_slice %arg10[%run_scoped3A_427, %dma_start3A_471, %dma_start3A_472] : memref<5x80x64xf32, #tpu.memory_space<vmem>> -> memref<1x80x64xf32, #tpu.memory_space<vmem>>
        %dma_start3A_474 = tpu.memref_squeeze %dma_start3A_473 : memref<1x80x64xf32, #tpu.memory_space<vmem>> -> memref<80x64xf32, #tpu.memory_space<vmem>>
        %dma_start3A_475 = arith.constant 0 : i32
        %dma_start3A_476 = tpu.memref_slice %arg9[%add3A_415, %dma_start3A_475] : memref<125x80xi32, #tpu.memory_space<vmem>> -> memref<1x80xi32, #tpu.memory_space<vmem>>
        %dma_start3A_477 = tpu.memref_squeeze %dma_start3A_476 : memref<1x80xi32, #tpu.memory_space<vmem>> -> memref<80xi32, #tpu.memory_space<vmem>>
        %dma_start3A_478 = arith.constant 0 : i32
        %dma_start3A_479 = arith.constant 0 : i32
        %dma_start3A_480 = tpu.memref_slice %arg11[%dma_start3A_478, %dma_start3A_479] : memref<10000x64xf32, #tpu.memory_space<vmem_shared>> -> memref<10000x64xf32, #tpu.memory_space<vmem_shared>>
        tpu.enqueue_indirect_dma source(%dma_start3A_474 : memref<80x64xf32, #tpu.memory_space<vmem>>) target(%dma_start3A_480 : memref<10000x64xf32, #tpu.memory_space<vmem_shared>>) offsets(%dma_start3A_477 : memref<80xi32, #tpu.memory_space<vmem>>) semaphore(%run_scoped3A_470 : memref<!tpu.dma_semaphore, #tpu.memory_space<semaphore_mem>>) {add = true}
        %dma_wait3A_481 = arith.constant 0 : i32
        %dma_wait3A_482 = arith.constant 0 : i32
        %dma_wait3A_483 = tpu.memref_slice %arg10[%run_scoped3A_427, %dma_wait3A_481, %dma_wait3A_482] : memref<5x80x64xf32, #tpu.memory_space<vmem>> -> memref<1x80x64xf32, #tpu.memory_space<vmem>>
        %dma_wait3A_484 = tpu.memref_squeeze %dma_wait3A_483 : memref<1x80x64xf32, #tpu.memory_space<vmem>> -> memref<80x64xf32, #tpu.memory_space<vmem>>
        %dma_wait3A_485 = arith.constant 0 : i32
        %dma_wait3A_486 = tpu.memref_slice %arg9[%add3A_415, %dma_wait3A_485] : memref<125x80xi32, #tpu.memory_space<vmem>> -> memref<1x80xi32, #tpu.memory_space<vmem>>
        %dma_wait3A_487 = tpu.memref_squeeze %dma_wait3A_486 : memref<1x80xi32, #tpu.memory_space<vmem>> -> memref<80xi32, #tpu.memory_space<vmem>>
        %dma_wait3A_488 = arith.constant 0 : i32
        %dma_wait3A_489 = arith.constant 0 : i32
        %dma_wait3A_490 = tpu.memref_slice %arg11[%dma_wait3A_488, %dma_wait3A_489] : memref<10000x64xf32, #tpu.memory_space<vmem_shared>> -> memref<10000x64xf32, #tpu.memory_space<vmem_shared>>
        tpu.wait_indirect_dma semaphore(%run_scoped3A_470 : memref<!tpu.dma_semaphore, #tpu.memory_space<semaphore_mem>>) src(%dma_wait3A_484 : memref<80x64xf32, #tpu.memory_space<vmem>>) dst(%dma_wait3A_490 : memref<10000x64xf32, #tpu.memory_space<vmem_shared>>)
        tpu.yield
      }) : () -> ()
      %add3A_428 = arith.constant 5 : i32
      %add3A_429 = arith.addi %add3A_415, %add3A_428 : i32
      %dma_start3A_430 = arith.constant 3 : i32
      %dma_start3A_431 = arith.constant 0 : i32
      %dma_start3A_432 = arith.constant 0 : i32
      %dma_start3A_433 = tpu.memref_slice %arg10[%dma_start3A_430, %dma_start3A_431, %dma_start3A_432] : memref<5x80x64xf32, #tpu.memory_space<vmem>> -> memref<1x80x64xf32, #tpu.memory_space<vmem>>
      %dma_start3A_434 = tpu.memref_squeeze %dma_start3A_433 : memref<1x80x64xf32, #tpu.memory_space<vmem>> -> memref<80x64xf32, #tpu.memory_space<vmem>>
      %dma_start3A_435 = arith.constant 0 : i32
      %dma_start3A_436 = tpu.memref_slice %arg8[%add3A_429, %dma_start3A_435] : memref<125x80xi32, #tpu.memory_space<vmem>> -> memref<1x80xi32, #tpu.memory_space<vmem>>
      %dma_start3A_437 = tpu.memref_squeeze %dma_start3A_436 : memref<1x80xi32, #tpu.memory_space<vmem>> -> memref<80xi32, #tpu.memory_space<vmem>>
      %dma_start3A_438 = arith.constant 0 : i32
      %dma_start3A_439 = arith.constant 0 : i32
      %dma_start3A_440 = tpu.memref_slice %arg2[%dma_start3A_438, %dma_start3A_439] : memref<20000x64xf32, #tpu.memory_space<hbm>> -> memref<20000x64xf32, #tpu.memory_space<hbm>>
      tpu.enqueue_indirect_dma source(%dma_start3A_440 : memref<20000x64xf32, #tpu.memory_space<hbm>>) target(%dma_start3A_434 : memref<80x64xf32, #tpu.memory_space<vmem>>) offsets(%dma_start3A_437 : memref<80xi32, #tpu.memory_space<vmem>>) semaphore(%arg15 : memref<!tpu.dma_semaphore, #tpu.memory_space<semaphore_mem>>)
      %mul3A_441 = arith.constant 5 : i32
      %mul3A_442 = arith.muli %scan3A_324, %mul3A_441 : i32
      %add3A_443 = arith.constant 4 : i32
      %add3A_444 = arith.addi %mul3A_442, %add3A_443 : i32
      %dma_wait3A_445 = arith.constant 4 : i32
      %dma_wait3A_446 = arith.constant 0 : i32
      %dma_wait3A_447 = arith.constant 0 : i32
      %dma_wait3A_448 = tpu.memref_slice %arg10[%dma_wait3A_445, %dma_wait3A_446, %dma_wait3A_447] : memref<5x80x64xf32, #tpu.memory_space<vmem>> -> memref<1x80x64xf32, #tpu.memory_space<vmem>>
      %dma_wait3A_449 = tpu.memref_squeeze %dma_wait3A_448 : memref<1x80x64xf32, #tpu.memory_space<vmem>> -> memref<80x64xf32, #tpu.memory_space<vmem>>
      %dma_wait3A_450 = arith.constant 0 : i32
      %dma_wait3A_451 = tpu.memref_slice %arg8[%add3A_444, %dma_wait3A_450] : memref<125x80xi32, #tpu.memory_space<vmem>> -> memref<1x80xi32, #tpu.memory_space<vmem>>
      %dma_wait3A_452 = tpu.memref_squeeze %dma_wait3A_451 : memref<1x80xi32, #tpu.memory_space<vmem>> -> memref<80xi32, #tpu.memory_space<vmem>>
      %dma_wait3A_453 = arith.constant 0 : i32
      %dma_wait3A_454 = arith.constant 0 : i32
      %dma_wait3A_455 = tpu.memref_slice %arg2[%dma_wait3A_453, %dma_wait3A_454] : memref<20000x64xf32, #tpu.memory_space<hbm>> -> memref<20000x64xf32, #tpu.memory_space<hbm>>
      tpu.wait_indirect_dma semaphore(%arg16 : memref<!tpu.dma_semaphore, #tpu.memory_space<semaphore_mem>>) src(%dma_wait3A_455 : memref<20000x64xf32, #tpu.memory_space<hbm>>) dst(%dma_wait3A_449 : memref<80x64xf32, #tpu.memory_space<vmem>>)
      %run_scoped3A_456 = arith.constant 4 : i32
      "tpu.region"() ({
        %run_scoped3A_470 = tpu.sem_alloc : memref<!tpu.dma_semaphore, #tpu.memory_space<semaphore_mem>>
        %dma_start3A_471 = arith.constant 0 : i32
        %dma_start3A_472 = arith.constant 0 : i32
        %dma_start3A_473 = tpu.memref_slice %arg10[%run_scoped3A_456, %dma_start3A_471, %dma_start3A_472] : memref<5x80x64xf32, #tpu.memory_space<vmem>> -> memref<1x80x64xf32, #tpu.memory_space<vmem>>
        %dma_start3A_474 = tpu.memref_squeeze %dma_start3A_473 : memref<1x80x64xf32, #tpu.memory_space<vmem>> -> memref<80x64xf32, #tpu.memory_space<vmem>>
        %dma_start3A_475 = arith.constant 0 : i32
        %dma_start3A_476 = tpu.memref_slice %arg9[%add3A_444, %dma_start3A_475] : memref<125x80xi32, #tpu.memory_space<vmem>> -> memref<1x80xi32, #tpu.memory_space<vmem>>
        %dma_start3A_477 = tpu.memref_squeeze %dma_start3A_476 : memref<1x80xi32, #tpu.memory_space<vmem>> -> memref<80xi32, #tpu.memory_space<vmem>>
        %dma_start3A_478 = arith.constant 0 : i32
        %dma_start3A_479 = arith.constant 0 : i32
        %dma_start3A_480 = tpu.memref_slice %arg11[%dma_start3A_478, %dma_start3A_479] : memref<10000x64xf32, #tpu.memory_space<vmem_shared>> -> memref<10000x64xf32, #tpu.memory_space<vmem_shared>>
        tpu.enqueue_indirect_dma source(%dma_start3A_474 : memref<80x64xf32, #tpu.memory_space<vmem>>) target(%dma_start3A_480 : memref<10000x64xf32, #tpu.memory_space<vmem_shared>>) offsets(%dma_start3A_477 : memref<80xi32, #tpu.memory_space<vmem>>) semaphore(%run_scoped3A_470 : memref<!tpu.dma_semaphore, #tpu.memory_space<semaphore_mem>>) {add = true}
        %dma_wait3A_481 = arith.constant 0 : i32
        %dma_wait3A_482 = arith.constant 0 : i32
        %dma_wait3A_483 = tpu.memref_slice %arg10[%run_scoped3A_456, %dma_wait3A_481, %dma_wait3A_482] : memref<5x80x64xf32, #tpu.memory_space<vmem>> -> memref<1x80x64xf32, #tpu.memory_space<vmem>>
        %dma_wait3A_484 = tpu.memref_squeeze %dma_wait3A_483 : memref<1x80x64xf32, #tpu.memory_space<vmem>> -> memref<80x64xf32, #tpu.memory_space<vmem>>
        %dma_wait3A_485 = arith.constant 0 : i32
        %dma_wait3A_486 = tpu.memref_slice %arg9[%add3A_444, %dma_wait3A_485] : memref<125x80xi32, #tpu.memory_space<vmem>> -> memref<1x80xi32, #tpu.memory_space<vmem>>
        %dma_wait3A_487 = tpu.memref_squeeze %dma_wait3A_486 : memref<1x80xi32, #tpu.memory_space<vmem>> -> memref<80xi32, #tpu.memory_space<vmem>>
        %dma_wait3A_488 = arith.constant 0 : i32
        %dma_wait3A_489 = arith.constant 0 : i32
        %dma_wait3A_490 = tpu.memref_slice %arg11[%dma_wait3A_488, %dma_wait3A_489] : memref<10000x64xf32, #tpu.memory_space<vmem_shared>> -> memref<10000x64xf32, #tpu.memory_space<vmem_shared>>
        tpu.wait_indirect_dma semaphore(%run_scoped3A_470 : memref<!tpu.dma_semaphore, #tpu.memory_space<semaphore_mem>>) src(%dma_wait3A_484 : memref<80x64xf32, #tpu.memory_space<vmem>>) dst(%dma_wait3A_490 : memref<10000x64xf32, #tpu.memory_space<vmem_shared>>)
        tpu.yield
      }) : () -> ()
      %add3A_457 = arith.constant 5 : i32
      %add3A_458 = arith.addi %add3A_444, %add3A_457 : i32
      %dma_start3A_459 = arith.constant 4 : i32
      %dma_start3A_460 = arith.constant 0 : i32
      %dma_start3A_461 = arith.constant 0 : i32
      %dma_start3A_462 = tpu.memref_slice %arg10[%dma_start3A_459, %dma_start3A_460, %dma_start3A_461] : memref<5x80x64xf32, #tpu.memory_space<vmem>> -> memref<1x80x64xf32, #tpu.memory_space<vmem>>
      %dma_start3A_463 = tpu.memref_squeeze %dma_start3A_462 : memref<1x80x64xf32, #tpu.memory_space<vmem>> -> memref<80x64xf32, #tpu.memory_space<vmem>>
      %dma_start3A_464 = arith.constant 0 : i32
      %dma_start3A_465 = tpu.memref_slice %arg8[%add3A_458, %dma_start3A_464] : memref<125x80xi32, #tpu.memory_space<vmem>> -> memref<1x80xi32, #tpu.memory_space<vmem>>
      %dma_start3A_466 = tpu.memref_squeeze %dma_start3A_465 : memref<1x80xi32, #tpu.memory_space<vmem>> -> memref<80xi32, #tpu.memory_space<vmem>>
      %dma_start3A_467 = arith.constant 0 : i32
      %dma_start3A_468 = arith.constant 0 : i32
      %dma_start3A_469 = tpu.memref_slice %arg2[%dma_start3A_467, %dma_start3A_468] : memref<20000x64xf32, #tpu.memory_space<hbm>> -> memref<20000x64xf32, #tpu.memory_space<hbm>>
      tpu.enqueue_indirect_dma source(%dma_start3A_469 : memref<20000x64xf32, #tpu.memory_space<hbm>>) target(%dma_start3A_463 : memref<80x64xf32, #tpu.memory_space<vmem>>) offsets(%dma_start3A_466 : memref<80xi32, #tpu.memory_space<vmem>>) semaphore(%arg16 : memref<!tpu.dma_semaphore, #tpu.memory_space<semaphore_mem>>)
    }
    %scan3A_76 = arith.constant 24 : i32
    %dma_wait3A = arith.constant 120 : i32
    %dma_wait3A_77 = arith.constant 0 : i32
    %dma_wait3A_78 = arith.constant 0 : i32
    %dma_wait3A_79 = arith.constant 0 : i32
    %dma_wait3A_80 = tpu.memref_slice %arg10[%dma_wait3A_77, %dma_wait3A_78, %dma_wait3A_79] : memref<5x80x64xf32, #tpu.memory_space<vmem>> -> memref<1x80x64xf32, #tpu.memory_space<vmem>>
    %dma_wait3A_81 = tpu.memref_squeeze %dma_wait3A_80 : memref<1x80x64xf32, #tpu.memory_space<vmem>> -> memref<80x64xf32, #tpu.memory_space<vmem>>
    %dma_wait3A_82 = arith.constant 0 : i32
    %dma_wait3A_83 = tpu.memref_slice %arg8[%dma_wait3A, %dma_wait3A_82] : memref<125x80xi32, #tpu.memory_space<vmem>> -> memref<1x80xi32, #tpu.memory_space<vmem>>
    %dma_wait3A_84 = tpu.memref_squeeze %dma_wait3A_83 : memref<1x80xi32, #tpu.memory_space<vmem>> -> memref<80xi32, #tpu.memory_space<vmem>>
    %dma_wait3A_85 = arith.constant 0 : i32
    %dma_wait3A_86 = arith.constant 0 : i32
    %dma_wait3A_87 = tpu.memref_slice %arg2[%dma_wait3A_85, %dma_wait3A_86] : memref<20000x64xf32, #tpu.memory_space<hbm>> -> memref<20000x64xf32, #tpu.memory_space<hbm>>
    tpu.wait_indirect_dma semaphore(%arg12 : memref<!tpu.dma_semaphore, #tpu.memory_space<semaphore_mem>>) src(%dma_wait3A_87 : memref<20000x64xf32, #tpu.memory_space<hbm>>) dst(%dma_wait3A_81 : memref<80x64xf32, #tpu.memory_space<vmem>>)
    %run_scoped3A = arith.constant 0 : i32
    %run_scoped3A_88 = arith.constant 120 : i32
    "tpu.region"() ({
      %run_scoped3A_324 = tpu.sem_alloc : memref<!tpu.dma_semaphore, #tpu.memory_space<semaphore_mem>>
      %dma_start3A_325 = arith.constant 0 : i32
      %dma_start3A_326 = arith.constant 0 : i32
      %dma_start3A_327 = tpu.memref_slice %arg10[%run_scoped3A, %dma_start3A_325, %dma_start3A_326] : memref<5x80x64xf32, #tpu.memory_space<vmem>> -> memref<1x80x64xf32, #tpu.memory_space<vmem>>
      %dma_start3A_328 = tpu.memref_squeeze %dma_start3A_327 : memref<1x80x64xf32, #tpu.memory_space<vmem>> -> memref<80x64xf32, #tpu.memory_space<vmem>>
      %dma_start3A_329 = arith.constant 0 : i32
      %dma_start3A_330 = tpu.memref_slice %arg9[%run_scoped3A_88, %dma_start3A_329] : memref<125x80xi32, #tpu.memory_space<vmem>> -> memref<1x80xi32, #tpu.memory_space<vmem>>
      %dma_start3A_331 = tpu.memref_squeeze %dma_start3A_330 : memref<1x80xi32, #tpu.memory_space<vmem>> -> memref<80xi32, #tpu.memory_space<vmem>>
      %dma_start3A_332 = arith.constant 0 : i32
      %dma_start3A_333 = arith.constant 0 : i32
      %dma_start3A_334 = tpu.memref_slice %arg11[%dma_start3A_332, %dma_start3A_333] : memref<10000x64xf32, #tpu.memory_space<vmem_shared>> -> memref<10000x64xf32, #tpu.memory_space<vmem_shared>>
      tpu.enqueue_indirect_dma source(%dma_start3A_328 : memref<80x64xf32, #tpu.memory_space<vmem>>) target(%dma_start3A_334 : memref<10000x64xf32, #tpu.memory_space<vmem_shared>>) offsets(%dma_start3A_331 : memref<80xi32, #tpu.memory_space<vmem>>) semaphore(%run_scoped3A_324 : memref<!tpu.dma_semaphore, #tpu.memory_space<semaphore_mem>>) {add = true}
      %dma_wait3A_335 = arith.constant 0 : i32
      %dma_wait3A_336 = arith.constant 0 : i32
      %dma_wait3A_337 = tpu.memref_slice %arg10[%run_scoped3A, %dma_wait3A_335, %dma_wait3A_336] : memref<5x80x64xf32, #tpu.memory_space<vmem>> -> memref<1x80x64xf32, #tpu.memory_space<vmem>>
      %dma_wait3A_338 = tpu.memref_squeeze %dma_wait3A_337 : memref<1x80x64xf32, #tpu.memory_space<vmem>> -> memref<80x64xf32, #tpu.memory_space<vmem>>
      %dma_wait3A_339 = arith.constant 0 : i32
      %dma_wait3A_340 = tpu.memref_slice %arg9[%run_scoped3A_88, %dma_wait3A_339] : memref<125x80xi32, #tpu.memory_space<vmem>> -> memref<1x80xi32, #tpu.memory_space<vmem>>
      %dma_wait3A_341 = tpu.memref_squeeze %dma_wait3A_340 : memref<1x80xi32, #tpu.memory_space<vmem>> -> memref<80xi32, #tpu.memory_space<vmem>>
      %dma_wait3A_342 = arith.constant 0 : i32
      %dma_wait3A_343 = arith.constant 0 : i32
      %dma_wait3A_344 = tpu.memref_slice %arg11[%dma_wait3A_342, %dma_wait3A_343] : memref<10000x64xf32, #tpu.memory_space<vmem_shared>> -> memref<10000x64xf32, #tpu.memory_space<vmem_shared>>
      tpu.wait_indirect_dma semaphore(%run_scoped3A_324 : memref<!tpu.dma_semaphore, #tpu.memory_space<semaphore_mem>>) src(%dma_wait3A_338 : memref<80x64xf32, #tpu.memory_space<vmem>>) dst(%dma_wait3A_344 : memref<10000x64xf32, #tpu.memory_space<vmem_shared>>)
      tpu.yield
    }) : () -> ()
    %dma_wait3A_89 = arith.constant 121 : i32
    %dma_wait3A_90 = arith.constant 1 : i32
    %dma_wait3A_91 = arith.constant 0 : i32
    %dma_wait3A_92 = arith.constant 0 : i32
    %dma_wait3A_93 = tpu.memref_slice %arg10[%dma_wait3A_90, %dma_wait3A_91, %dma_wait3A_92] : memref<5x80x64xf32, #tpu.memory_space<vmem>> -> memref<1x80x64xf32, #tpu.memory_space<vmem>>
    %dma_wait3A_94 = tpu.memref_squeeze %dma_wait3A_93 : memref<1x80x64xf32, #tpu.memory_space<vmem>> -> memref<80x64xf32, #tpu.memory_space<vmem>>
    %dma_wait3A_95 = arith.constant 0 : i32
    %dma_wait3A_96 = tpu.memref_slice %arg8[%dma_wait3A_89, %dma_wait3A_95] : memref<125x80xi32, #tpu.memory_space<vmem>> -> memref<1x80xi32, #tpu.memory_space<vmem>>
    %dma_wait3A_97 = tpu.memref_squeeze %dma_wait3A_96 : memref<1x80xi32, #tpu.memory_space<vmem>> -> memref<80xi32, #tpu.memory_space<vmem>>
    %dma_wait3A_98 = arith.constant 0 : i32
    %dma_wait3A_99 = arith.constant 0 : i32
    %dma_wait3A_100 = tpu.memref_slice %arg2[%dma_wait3A_98, %dma_wait3A_99] : memref<20000x64xf32, #tpu.memory_space<hbm>> -> memref<20000x64xf32, #tpu.memory_space<hbm>>
    tpu.wait_indirect_dma semaphore(%arg13 : memref<!tpu.dma_semaphore, #tpu.memory_space<semaphore_mem>>) src(%dma_wait3A_100 : memref<20000x64xf32, #tpu.memory_space<hbm>>) dst(%dma_wait3A_94 : memref<80x64xf32, #tpu.memory_space<vmem>>)
    %run_scoped3A_101 = arith.constant 1 : i32
    %run_scoped3A_102 = arith.constant 121 : i32
    "tpu.region"() ({
      %run_scoped3A_324 = tpu.sem_alloc : memref<!tpu.dma_semaphore, #tpu.memory_space<semaphore_mem>>
      %dma_start3A_325 = arith.constant 0 : i32
      %dma_start3A_326 = arith.constant 0 : i32
      %dma_start3A_327 = tpu.memref_slice %arg10[%run_scoped3A_101, %dma_start3A_325, %dma_start3A_326] : memref<5x80x64xf32, #tpu.memory_space<vmem>> -> memref<1x80x64xf32, #tpu.memory_space<vmem>>
      %dma_start3A_328 = tpu.memref_squeeze %dma_start3A_327 : memref<1x80x64xf32, #tpu.memory_space<vmem>> -> memref<80x64xf32, #tpu.memory_space<vmem>>
      %dma_start3A_329 = arith.constant 0 : i32
      %dma_start3A_330 = tpu.memref_slice %arg9[%run_scoped3A_102, %dma_start3A_329] : memref<125x80xi32, #tpu.memory_space<vmem>> -> memref<1x80xi32, #tpu.memory_space<vmem>>
      %dma_start3A_331 = tpu.memref_squeeze %dma_start3A_330 : memref<1x80xi32, #tpu.memory_space<vmem>> -> memref<80xi32, #tpu.memory_space<vmem>>
      %dma_start3A_332 = arith.constant 0 : i32
      %dma_start3A_333 = arith.constant 0 : i32
      %dma_start3A_334 = tpu.memref_slice %arg11[%dma_start3A_332, %dma_start3A_333] : memref<10000x64xf32, #tpu.memory_space<vmem_shared>> -> memref<10000x64xf32, #tpu.memory_space<vmem_shared>>
      tpu.enqueue_indirect_dma source(%dma_start3A_328 : memref<80x64xf32, #tpu.memory_space<vmem>>) target(%dma_start3A_334 : memref<10000x64xf32, #tpu.memory_space<vmem_shared>>) offsets(%dma_start3A_331 : memref<80xi32, #tpu.memory_space<vmem>>) semaphore(%run_scoped3A_324 : memref<!tpu.dma_semaphore, #tpu.memory_space<semaphore_mem>>) {add = true}
      %dma_wait3A_335 = arith.constant 0 : i32
      %dma_wait3A_336 = arith.constant 0 : i32
      %dma_wait3A_337 = tpu.memref_slice %arg10[%run_scoped3A_101, %dma_wait3A_335, %dma_wait3A_336] : memref<5x80x64xf32, #tpu.memory_space<vmem>> -> memref<1x80x64xf32, #tpu.memory_space<vmem>>
      %dma_wait3A_338 = tpu.memref_squeeze %dma_wait3A_337 : memref<1x80x64xf32, #tpu.memory_space<vmem>> -> memref<80x64xf32, #tpu.memory_space<vmem>>
      %dma_wait3A_339 = arith.constant 0 : i32
      %dma_wait3A_340 = tpu.memref_slice %arg9[%run_scoped3A_102, %dma_wait3A_339] : memref<125x80xi32, #tpu.memory_space<vmem>> -> memref<1x80xi32, #tpu.memory_space<vmem>>
      %dma_wait3A_341 = tpu.memref_squeeze %dma_wait3A_340 : memref<1x80xi32, #tpu.memory_space<vmem>> -> memref<80xi32, #tpu.memory_space<vmem>>
      %dma_wait3A_342 = arith.constant 0 : i32
      %dma_wait3A_343 = arith.constant 0 : i32
      %dma_wait3A_344 = tpu.memref_slice %arg11[%dma_wait3A_342, %dma_wait3A_343] : memref<10000x64xf32, #tpu.memory_space<vmem_shared>> -> memref<10000x64xf32, #tpu.memory_space<vmem_shared>>
      tpu.wait_indirect_dma semaphore(%run_scoped3A_324 : memref<!tpu.dma_semaphore, #tpu.memory_space<semaphore_mem>>) src(%dma_wait3A_338 : memref<80x64xf32, #tpu.memory_space<vmem>>) dst(%dma_wait3A_344 : memref<10000x64xf32, #tpu.memory_space<vmem_shared>>)
      tpu.yield
    }) : () -> ()
    %dma_wait3A_103 = arith.constant 122 : i32
    %dma_wait3A_104 = arith.constant 2 : i32
    %dma_wait3A_105 = arith.constant 0 : i32
    %dma_wait3A_106 = arith.constant 0 : i32
    %dma_wait3A_107 = tpu.memref_slice %arg10[%dma_wait3A_104, %dma_wait3A_105, %dma_wait3A_106] : memref<5x80x64xf32, #tpu.memory_space<vmem>> -> memref<1x80x64xf32, #tpu.memory_space<vmem>>
    %dma_wait3A_108 = tpu.memref_squeeze %dma_wait3A_107 : memref<1x80x64xf32, #tpu.memory_space<vmem>> -> memref<80x64xf32, #tpu.memory_space<vmem>>
    %dma_wait3A_109 = arith.constant 0 : i32
    %dma_wait3A_110 = tpu.memref_slice %arg8[%dma_wait3A_103, %dma_wait3A_109] : memref<125x80xi32, #tpu.memory_space<vmem>> -> memref<1x80xi32, #tpu.memory_space<vmem>>
    %dma_wait3A_111 = tpu.memref_squeeze %dma_wait3A_110 : memref<1x80xi32, #tpu.memory_space<vmem>> -> memref<80xi32, #tpu.memory_space<vmem>>
    %dma_wait3A_112 = arith.constant 0 : i32
    %dma_wait3A_113 = arith.constant 0 : i32
    %dma_wait3A_114 = tpu.memref_slice %arg2[%dma_wait3A_112, %dma_wait3A_113] : memref<20000x64xf32, #tpu.memory_space<hbm>> -> memref<20000x64xf32, #tpu.memory_space<hbm>>
    tpu.wait_indirect_dma semaphore(%arg14 : memref<!tpu.dma_semaphore, #tpu.memory_space<semaphore_mem>>) src(%dma_wait3A_114 : memref<20000x64xf32, #tpu.memory_space<hbm>>) dst(%dma_wait3A_108 : memref<80x64xf32, #tpu.memory_space<vmem>>)
    %run_scoped3A_115 = arith.constant 2 : i32
    %run_scoped3A_116 = arith.constant 122 : i32
    "tpu.region"() ({
      %run_scoped3A_324 = tpu.sem_alloc : memref<!tpu.dma_semaphore, #tpu.memory_space<semaphore_mem>>
      %dma_start3A_325 = arith.constant 0 : i32
      %dma_start3A_326 = arith.constant 0 : i32
      %dma_start3A_327 = tpu.memref_slice %arg10[%run_scoped3A_115, %dma_start3A_325, %dma_start3A_326] : memref<5x80x64xf32, #tpu.memory_space<vmem>> -> memref<1x80x64xf32, #tpu.memory_space<vmem>>
      %dma_start3A_328 = tpu.memref_squeeze %dma_start3A_327 : memref<1x80x64xf32, #tpu.memory_space<vmem>> -> memref<80x64xf32, #tpu.memory_space<vmem>>
      %dma_start3A_329 = arith.constant 0 : i32
      %dma_start3A_330 = tpu.memref_slice %arg9[%run_scoped3A_116, %dma_start3A_329] : memref<125x80xi32, #tpu.memory_space<vmem>> -> memref<1x80xi32, #tpu.memory_space<vmem>>
      %dma_start3A_331 = tpu.memref_squeeze %dma_start3A_330 : memref<1x80xi32, #tpu.memory_space<vmem>> -> memref<80xi32, #tpu.memory_space<vmem>>
      %dma_start3A_332 = arith.constant 0 : i32
      %dma_start3A_333 = arith.constant 0 : i32
      %dma_start3A_334 = tpu.memref_slice %arg11[%dma_start3A_332, %dma_start3A_333] : memref<10000x64xf32, #tpu.memory_space<vmem_shared>> -> memref<10000x64xf32, #tpu.memory_space<vmem_shared>>
      tpu.enqueue_indirect_dma source(%dma_start3A_328 : memref<80x64xf32, #tpu.memory_space<vmem>>) target(%dma_start3A_334 : memref<10000x64xf32, #tpu.memory_space<vmem_shared>>) offsets(%dma_start3A_331 : memref<80xi32, #tpu.memory_space<vmem>>) semaphore(%run_scoped3A_324 : memref<!tpu.dma_semaphore, #tpu.memory_space<semaphore_mem>>) {add = true}
      %dma_wait3A_335 = arith.constant 0 : i32
      %dma_wait3A_336 = arith.constant 0 : i32
      %dma_wait3A_337 = tpu.memref_slice %arg10[%run_scoped3A_115, %dma_wait3A_335, %dma_wait3A_336] : memref<5x80x64xf32, #tpu.memory_space<vmem>> -> memref<1x80x64xf32, #tpu.memory_space<vmem>>
      %dma_wait3A_338 = tpu.memref_squeeze %dma_wait3A_337 : memref<1x80x64xf32, #tpu.memory_space<vmem>> -> memref<80x64xf32, #tpu.memory_space<vmem>>
      %dma_wait3A_339 = arith.constant 0 : i32
      %dma_wait3A_340 = tpu.memref_slice %arg9[%run_scoped3A_116, %dma_wait3A_339] : memref<125x80xi32, #tpu.memory_space<vmem>> -> memref<1x80xi32, #tpu.memory_space<vmem>>
      %dma_wait3A_341 = tpu.memref_squeeze %dma_wait3A_340 : memref<1x80xi32, #tpu.memory_space<vmem>> -> memref<80xi32, #tpu.memory_space<vmem>>
      %dma_wait3A_342 = arith.constant 0 : i32
      %dma_wait3A_343 = arith.constant 0 : i32
      %dma_wait3A_344 = tpu.memref_slice %arg11[%dma_wait3A_342, %dma_wait3A_343] : memref<10000x64xf32, #tpu.memory_space<vmem_shared>> -> memref<10000x64xf32, #tpu.memory_space<vmem_shared>>
      tpu.wait_indirect_dma semaphore(%run_scoped3A_324 : memref<!tpu.dma_semaphore, #tpu.memory_space<semaphore_mem>>) src(%dma_wait3A_338 : memref<80x64xf32, #tpu.memory_space<vmem>>) dst(%dma_wait3A_344 : memref<10000x64xf32, #tpu.memory_space<vmem_shared>>)
      tpu.yield
    }) : () -> ()
    %dma_wait3A_117 = arith.constant 123 : i32
    %dma_wait3A_118 = arith.constant 3 : i32
    %dma_wait3A_119 = arith.constant 0 : i32
    %dma_wait3A_120 = arith.constant 0 : i32
    %dma_wait3A_121 = tpu.memref_slice %arg10[%dma_wait3A_118, %dma_wait3A_119, %dma_wait3A_120] : memref<5x80x64xf32, #tpu.memory_space<vmem>> -> memref<1x80x64xf32, #tpu.memory_space<vmem>>
    %dma_wait3A_122 = tpu.memref_squeeze %dma_wait3A_121 : memref<1x80x64xf32, #tpu.memory_space<vmem>> -> memref<80x64xf32, #tpu.memory_space<vmem>>
    %dma_wait3A_123 = arith.constant 0 : i32
    %dma_wait3A_124 = tpu.memref_slice %arg8[%dma_wait3A_117, %dma_wait3A_123] : memref<125x80xi32, #tpu.memory_space<vmem>> -> memref<1x80xi32, #tpu.memory_space<vmem>>
    %dma_wait3A_125 = tpu.memref_squeeze %dma_wait3A_124 : memref<1x80xi32, #tpu.memory_space<vmem>> -> memref<80xi32, #tpu.memory_space<vmem>>
    %dma_wait3A_126 = arith.constant 0 : i32
    %dma_wait3A_127 = arith.constant 0 : i32
    %dma_wait3A_128 = tpu.memref_slice %arg2[%dma_wait3A_126, %dma_wait3A_127] : memref<20000x64xf32, #tpu.memory_space<hbm>> -> memref<20000x64xf32, #tpu.memory_space<hbm>>
    tpu.wait_indirect_dma semaphore(%arg15 : memref<!tpu.dma_semaphore, #tpu.memory_space<semaphore_mem>>) src(%dma_wait3A_128 : memref<20000x64xf32, #tpu.memory_space<hbm>>) dst(%dma_wait3A_122 : memref<80x64xf32, #tpu.memory_space<vmem>>)
    %run_scoped3A_129 = arith.constant 3 : i32
    %run_scoped3A_130 = arith.constant 123 : i32
    "tpu.region"() ({
      %run_scoped3A_324 = tpu.sem_alloc : memref<!tpu.dma_semaphore, #tpu.memory_space<semaphore_mem>>
      %dma_start3A_325 = arith.constant 0 : i32
      %dma_start3A_326 = arith.constant 0 : i32
      %dma_start3A_327 = tpu.memref_slice %arg10[%run_scoped3A_129, %dma_start3A_325, %dma_start3A_326] : memref<5x80x64xf32, #tpu.memory_space<vmem>> -> memref<1x80x64xf32, #tpu.memory_space<vmem>>
      %dma_start3A_328 = tpu.memref_squeeze %dma_start3A_327 : memref<1x80x64xf32, #tpu.memory_space<vmem>> -> memref<80x64xf32, #tpu.memory_space<vmem>>
      %dma_start3A_329 = arith.constant 0 : i32
      %dma_start3A_330 = tpu.memref_slice %arg9[%run_scoped3A_130, %dma_start3A_329] : memref<125x80xi32, #tpu.memory_space<vmem>> -> memref<1x80xi32, #tpu.memory_space<vmem>>
      %dma_start3A_331 = tpu.memref_squeeze %dma_start3A_330 : memref<1x80xi32, #tpu.memory_space<vmem>> -> memref<80xi32, #tpu.memory_space<vmem>>
      %dma_start3A_332 = arith.constant 0 : i32
      %dma_start3A_333 = arith.constant 0 : i32
      %dma_start3A_334 = tpu.memref_slice %arg11[%dma_start3A_332, %dma_start3A_333] : memref<10000x64xf32, #tpu.memory_space<vmem_shared>> -> memref<10000x64xf32, #tpu.memory_space<vmem_shared>>
      tpu.enqueue_indirect_dma source(%dma_start3A_328 : memref<80x64xf32, #tpu.memory_space<vmem>>) target(%dma_start3A_334 : memref<10000x64xf32, #tpu.memory_space<vmem_shared>>) offsets(%dma_start3A_331 : memref<80xi32, #tpu.memory_space<vmem>>) semaphore(%run_scoped3A_324 : memref<!tpu.dma_semaphore, #tpu.memory_space<semaphore_mem>>) {add = true}
      %dma_wait3A_335 = arith.constant 0 : i32
      %dma_wait3A_336 = arith.constant 0 : i32
      %dma_wait3A_337 = tpu.memref_slice %arg10[%run_scoped3A_129, %dma_wait3A_335, %dma_wait3A_336] : memref<5x80x64xf32, #tpu.memory_space<vmem>> -> memref<1x80x64xf32, #tpu.memory_space<vmem>>
      %dma_wait3A_338 = tpu.memref_squeeze %dma_wait3A_337 : memref<1x80x64xf32, #tpu.memory_space<vmem>> -> memref<80x64xf32, #tpu.memory_space<vmem>>
      %dma_wait3A_339 = arith.constant 0 : i32
      %dma_wait3A_340 = tpu.memref_slice %arg9[%run_scoped3A_130, %dma_wait3A_339] : memref<125x80xi32, #tpu.memory_space<vmem>> -> memref<1x80xi32, #tpu.memory_space<vmem>>
      %dma_wait3A_341 = tpu.memref_squeeze %dma_wait3A_340 : memref<1x80xi32, #tpu.memory_space<vmem>> -> memref<80xi32, #tpu.memory_space<vmem>>
      %dma_wait3A_342 = arith.constant 0 : i32
      %dma_wait3A_343 = arith.constant 0 : i32
      %dma_wait3A_344 = tpu.memref_slice %arg11[%dma_wait3A_342, %dma_wait3A_343] : memref<10000x64xf32, #tpu.memory_space<vmem_shared>> -> memref<10000x64xf32, #tpu.memory_space<vmem_shared>>
      tpu.wait_indirect_dma semaphore(%run_scoped3A_324 : memref<!tpu.dma_semaphore, #tpu.memory_space<semaphore_mem>>) src(%dma_wait3A_338 : memref<80x64xf32, #tpu.memory_space<vmem>>) dst(%dma_wait3A_344 : memref<10000x64xf32, #tpu.memory_space<vmem_shared>>)
      tpu.yield
    }) : () -> ()
    %dma_wait3A_131 = arith.constant 124 : i32
    %dma_wait3A_132 = arith.constant 4 : i32
    %dma_wait3A_133 = arith.constant 0 : i32
    %dma_wait3A_134 = arith.constant 0 : i32
    %dma_wait3A_135 = tpu.memref_slice %arg10[%dma_wait3A_132, %dma_wait3A_133, %dma_wait3A_134] : memref<5x80x64xf32, #tpu.memory_space<vmem>> -> memref<1x80x64xf32, #tpu.memory_space<vmem>>
    %dma_wait3A_136 = tpu.memref_squeeze %dma_wait3A_135 : memref<1x80x64xf32, #tpu.memory_space<vmem>> -> memref<80x64xf32, #tpu.memory_space<vmem>>
    %dma_wait3A_137 = arith.constant 0 : i32
    %dma_wait3A_138 = tpu.memref_slice %arg8[%dma_wait3A_131, %dma_wait3A_137] : memref<125x80xi32, #tpu.memory_space<vmem>> -> memref<1x80xi32, #tpu.memory_space<vmem>>
    %dma_wait3A_139 = tpu.memref_squeeze %dma_wait3A_138 : memref<1x80xi32, #tpu.memory_space<vmem>> -> memref<80xi32, #tpu.memory_space<vmem>>
    %dma_wait3A_140 = arith.constant 0 : i32
    %dma_wait3A_141 = arith.constant 0 : i32
    %dma_wait3A_142 = tpu.memref_slice %arg2[%dma_wait3A_140, %dma_wait3A_141] : memref<20000x64xf32, #tpu.memory_space<hbm>> -> memref<20000x64xf32, #tpu.memory_space<hbm>>
    tpu.wait_indirect_dma semaphore(%arg16 : memref<!tpu.dma_semaphore, #tpu.memory_space<semaphore_mem>>) src(%dma_wait3A_142 : memref<20000x64xf32, #tpu.memory_space<hbm>>) dst(%dma_wait3A_136 : memref<80x64xf32, #tpu.memory_space<vmem>>)
    %run_scoped3A_143 = arith.constant 4 : i32
    %run_scoped3A_144 = arith.constant 124 : i32
    "tpu.region"() ({
      %run_scoped3A_324 = tpu.sem_alloc : memref<!tpu.dma_semaphore, #tpu.memory_space<semaphore_mem>>
      %dma_start3A_325 = arith.constant 0 : i32
      %dma_start3A_326 = arith.constant 0 : i32
      %dma_start3A_327 = tpu.memref_slice %arg10[%run_scoped3A_143, %dma_start3A_325, %dma_start3A_326] : memref<5x80x64xf32, #tpu.memory_space<vmem>> -> memref<1x80x64xf32, #tpu.memory_space<vmem>>
      %dma_start3A_328 = tpu.memref_squeeze %dma_start3A_327 : memref<1x80x64xf32, #tpu.memory_space<vmem>> -> memref<80x64xf32, #tpu.memory_space<vmem>>
      %dma_start3A_329 = arith.constant 0 : i32
      %dma_start3A_330 = tpu.memref_slice %arg9[%run_scoped3A_144, %dma_start3A_329] : memref<125x80xi32, #tpu.memory_space<vmem>> -> memref<1x80xi32, #tpu.memory_space<vmem>>
      %dma_start3A_331 = tpu.memref_squeeze %dma_start3A_330 : memref<1x80xi32, #tpu.memory_space<vmem>> -> memref<80xi32, #tpu.memory_space<vmem>>
      %dma_start3A_332 = arith.constant 0 : i32
      %dma_start3A_333 = arith.constant 0 : i32
      %dma_start3A_334 = tpu.memref_slice %arg11[%dma_start3A_332, %dma_start3A_333] : memref<10000x64xf32, #tpu.memory_space<vmem_shared>> -> memref<10000x64xf32, #tpu.memory_space<vmem_shared>>
      tpu.enqueue_indirect_dma source(%dma_start3A_328 : memref<80x64xf32, #tpu.memory_space<vmem>>) target(%dma_start3A_334 : memref<10000x64xf32, #tpu.memory_space<vmem_shared>>) offsets(%dma_start3A_331 : memref<80xi32, #tpu.memory_space<vmem>>) semaphore(%run_scoped3A_324 : memref<!tpu.dma_semaphore, #tpu.memory_space<semaphore_mem>>) {add = true}
      %dma_wait3A_335 = arith.constant 0 : i32
      %dma_wait3A_336 = arith.constant 0 : i32
      %dma_wait3A_337 = tpu.memref_slice %arg10[%run_scoped3A_143, %dma_wait3A_335, %dma_wait3A_336] : memref<5x80x64xf32, #tpu.memory_space<vmem>> -> memref<1x80x64xf32, #tpu.memory_space<vmem>>
      %dma_wait3A_338 = tpu.memref_squeeze %dma_wait3A_337 : memref<1x80x64xf32, #tpu.memory_space<vmem>> -> memref<80x64xf32, #tpu.memory_space<vmem>>
      %dma_wait3A_339 = arith.constant 0 : i32
      %dma_wait3A_340 = tpu.memref_slice %arg9[%run_scoped3A_144, %dma_wait3A_339] : memref<125x80xi32, #tpu.memory_space<vmem>> -> memref<1x80xi32, #tpu.memory_space<vmem>>
      %dma_wait3A_341 = tpu.memref_squeeze %dma_wait3A_340 : memref<1x80xi32, #tpu.memory_space<vmem>> -> memref<80xi32, #tpu.memory_space<vmem>>
      %dma_wait3A_342 = arith.constant 0 : i32
      %dma_wait3A_343 = arith.constant 0 : i32
      %dma_wait3A_344 = tpu.memref_slice %arg11[%dma_wait3A_342, %dma_wait3A_343] : memref<10000x64xf32, #tpu.memory_space<vmem_shared>> -> memref<10000x64xf32, #tpu.memory_space<vmem_shared>>
      tpu.wait_indirect_dma semaphore(%run_scoped3A_324 : memref<!tpu.dma_semaphore, #tpu.memory_space<semaphore_mem>>) src(%dma_wait3A_338 : memref<80x64xf32, #tpu.memory_space<vmem>>) dst(%dma_wait3A_344 : memref<10000x64xf32, #tpu.memory_space<vmem_shared>>)
      tpu.yield
    }) : () -> ()
    %barrier3A_145 = arith.constant 0 : index
    tpu.barrier barrier_id(%barrier3A_145)
    %mul3A_146 = arith.constant 10000 : i32
    %mul3A_147 = arith.muli %arg0, %mul3A_146 : i32
    %lt3A_148 = arith.constant 15 : i32
    %lt3A_149 = arith.cmpi slt, %arg1, %lt3A_148 : i32
    %convert_element_type3A_150 = arith.extui %lt3A_149 : i1 to i32
    %cond3A_151 = arith.constant 0 : i32
    %cond3A_152 = arith.cmpi ne, %convert_element_type3A_150, %cond3A_151 : i32
    scf.if %cond3A_152 {
      %mul3A_324 = arith.constant 624 : i32
      %mul3A_325 = arith.muli %arg1, %mul3A_324 : i32
      %mul3A_326 = arith.constant 624 : i32
      %mul3A_327 = arith.muli %arg1, %mul3A_326 : i32
      %add3A_328 = arith.addi %mul3A_147, %mul3A_327 : i32
      "tpu.region"() ({
        %run_scoped3A_329 = tpu.sem_alloc : memref<!tpu.dma_semaphore, #tpu.memory_space<semaphore_mem>>
        %dma_start3A_330 = arith.constant 0 : i32
        %dma_start3A_331 = tpu.memref_slice %arg6[%add3A_328, %dma_start3A_330] : memref<20000x128xf32, #tpu.memory_space<hbm>> -> memref<624x64xf32, #tpu.memory_space<hbm>>
        %dma_start3A_332 = arith.constant 0 : i32
        %dma_start3A_333 = tpu.memref_slice %arg11[%mul3A_325, %dma_start3A_332] : memref<10000x64xf32, #tpu.memory_space<vmem_shared>> -> memref<624x64xf32, #tpu.memory_space<vmem_shared>>
        tpu.enqueue_dma source(%dma_start3A_333 : memref<624x64xf32, #tpu.memory_space<vmem_shared>>) target(%dma_start3A_331 : memref<624x64xf32, #tpu.memory_space<hbm>>) target_semaphore(%run_scoped3A_329 : memref<!tpu.dma_semaphore, #tpu.memory_space<semaphore_mem>>)
        %dma_wait3A_334 = arith.constant 0 : i32
        %dma_wait3A_335 = tpu.memref_slice %arg6[%add3A_328, %dma_wait3A_334] : memref<20000x128xf32, #tpu.memory_space<hbm>> -> memref<624x64xf32, #tpu.memory_space<hbm>>
        %dma_wait3A_336 = arith.constant 0 : i32
        %dma_wait3A_337 = tpu.memref_slice %arg11[%mul3A_325, %dma_wait3A_336] : memref<10000x64xf32, #tpu.memory_space<vmem_shared>> -> memref<624x64xf32, #tpu.memory_space<vmem_shared>>
        tpu.wait_dma2 semaphore(%run_scoped3A_329 : memref<!tpu.dma_semaphore, #tpu.memory_space<semaphore_mem>>) src(%dma_wait3A_337 : memref<624x64xf32, #tpu.memory_space<vmem_shared>>) dst(%dma_wait3A_335 : memref<624x64xf32, #tpu.memory_space<hbm>>)
        tpu.yield
      }) : () -> ()
    } else {
    }
    %eq3A_153 = arith.constant 15 : i32
    %eq3A_154 = arith.cmpi eq, %arg1, %eq3A_153 : i32
    %convert_element_type3A_155 = arith.extui %eq3A_154 : i1 to i32
    %cond3A_156 = arith.constant 0 : i32
    %cond3A_157 = arith.cmpi ne, %convert_element_type3A_155, %cond3A_156 : i32
    scf.if %cond3A_157 {
      %add3A_324 = arith.constant 9360 : i32
      %add3A_325 = arith.addi %mul3A_147, %add3A_324 : i32
      "tpu.region"() ({
        %run_scoped3A_326 = tpu.sem_alloc : memref<!tpu.dma_semaphore, #tpu.memory_space<semaphore_mem>>
        %dma_start3A_327 = arith.constant 0 : i32
        %dma_start3A_328 = tpu.memref_slice %arg6[%add3A_325, %dma_start3A_327] : memref<20000x128xf32, #tpu.memory_space<hbm>> -> memref<640x64xf32, #tpu.memory_space<hbm>>
        %dma_start3A_329 = arith.constant 9360 : i32
        %dma_start3A_330 = arith.constant 0 : i32
        %dma_start3A_331 = tpu.memref_slice %arg11[%dma_start3A_329, %dma_start3A_330] : memref<10000x64xf32, #tpu.memory_space<vmem_shared>> -> memref<640x64xf32, #tpu.memory_space<vmem_shared>>
        tpu.enqueue_dma source(%dma_start3A_331 : memref<640x64xf32, #tpu.memory_space<vmem_shared>>) target(%dma_start3A_328 : memref<640x64xf32, #tpu.memory_space<hbm>>) target_semaphore(%run_scoped3A_326 : memref<!tpu.dma_semaphore, #tpu.memory_space<semaphore_mem>>)
        %dma_wait3A_332 = arith.constant 0 : i32
        %dma_wait3A_333 = tpu.memref_slice %arg6[%add3A_325, %dma_wait3A_332] : memref<20000x128xf32, #tpu.memory_space<hbm>> -> memref<640x64xf32, #tpu.memory_space<hbm>>
        %dma_wait3A_334 = arith.constant 9360 : i32
        %dma_wait3A_335 = arith.constant 0 : i32
        %dma_wait3A_336 = tpu.memref_slice %arg11[%dma_wait3A_334, %dma_wait3A_335] : memref<10000x64xf32, #tpu.memory_space<vmem_shared>> -> memref<640x64xf32, #tpu.memory_space<vmem_shared>>
        tpu.wait_dma2 semaphore(%run_scoped3A_326 : memref<!tpu.dma_semaphore, #tpu.memory_space<semaphore_mem>>) src(%dma_wait3A_336 : memref<640x64xf32, #tpu.memory_space<vmem_shared>>) dst(%dma_wait3A_333 : memref<640x64xf32, #tpu.memory_space<hbm>>)
        tpu.yield
      }) : () -> ()
    } else {
    }
    %scan3A_158 = arith.constant 0 : i32
    %scan3A_159 = arith.constant 0 : i32
    %scan3A_160 = arith.constant 125 : i32
    %scan3A_161 = arith.addi %scan3A_159, %scan3A_160 : i32
    %scan3A_162 = arith.constant 1 : i32
    scf.for %scan3A_324 = %scan3A_159 to %scan3A_161 step %scan3A_162  : i32 {
      %get3A = arith.index_cast %scan3A_324 : i32 to index
      %get3A_325 = arith.constant 0 : index
      %get3A_326 = tpu.vector_load %arg8[%get3A, %get3A_325] {strides = array<i32>} : memref<125x80xi32, #tpu.memory_space<vmem>>, vector<1x16xi32>,
      %get3A_327 = vector.shape_cast %get3A_326 : vector<1x16xi32> to vector<16xi32>
      %add3A_328 = arith.constant 1 : i32
      %add3A_329 = vector.broadcast %add3A_328 : i32 to vector<16xi32>
      %add3A_330 = arith.addi %get3A_327, %add3A_329 : vector<16xi32>
      %swap3A = arith.index_cast %scan3A_324 : i32 to index
      %swap3A_331 = arith.constant 0 : index
      %swap3A_332 = tpu.vector_load %arg8[%swap3A, %swap3A_331] {strides = array<i32>} : memref<125x80xi32, #tpu.memory_space<vmem>>, vector<1x16xi32>,
      %swap3A_333 = vector.shape_cast %swap3A_332 : vector<1x16xi32> to vector<16xi32>
      %swap3A_334 = vector.shape_cast %add3A_330 : vector<16xi32> to vector<1x16xi32>
      tpu.vector_store %arg8[%swap3A, %swap3A_331], %swap3A_334 {strides = array<i32>} : memref<125x80xi32, #tpu.memory_space<vmem>>, vector<1x16xi32>,
      %get3A_335 = arith.index_cast %scan3A_324 : i32 to index
      %get3A_336 = arith.constant 16 : index
      %get3A_337 = tpu.vector_load %arg8[%get3A_335, %get3A_336] {strides = array<i32>} : memref<125x80xi32, #tpu.memory_space<vmem>>, vector<1x16xi32>,
      %get3A_338 = vector.shape_cast %get3A_337 : vector<1x16xi32> to vector<16xi32>
      %add3A_339 = arith.constant 1 : i32
      %add3A_340 = vector.broadcast %add3A_339 : i32 to vector<16xi32>
      %add3A_341 = arith.addi %get3A_338, %add3A_340 : vector<16xi32>
      %swap3A_342 = arith.index_cast %scan3A_324 : i32 to index
      %swap3A_343 = arith.constant 16 : index
      %swap3A_344 = tpu.vector_load %arg8[%swap3A_342, %swap3A_343] {strides = array<i32>} : memref<125x80xi32, #tpu.memory_space<vmem>>, vector<1x16xi32>,
      %swap3A_345 = vector.shape_cast %swap3A_344 : vector<1x16xi32> to vector<16xi32>
      %swap3A_346 = vector.shape_cast %add3A_341 : vector<16xi32> to vector<1x16xi32>
      tpu.vector_store %arg8[%swap3A_342, %swap3A_343], %swap3A_346 {strides = array<i32>} : memref<125x80xi32, #tpu.memory_space<vmem>>, vector<1x16xi32>,
      %get3A_347 = arith.index_cast %scan3A_324 : i32 to index
      %get3A_348 = arith.constant 32 : index
      %get3A_349 = tpu.vector_load %arg8[%get3A_347, %get3A_348] {strides = array<i32>} : memref<125x80xi32, #tpu.memory_space<vmem>>, vector<1x16xi32>,
      %get3A_350 = vector.shape_cast %get3A_349 : vector<1x16xi32> to vector<16xi32>
      %add3A_351 = arith.constant 1 : i32
      %add3A_352 = vector.broadcast %add3A_351 : i32 to vector<16xi32>
      %add3A_353 = arith.addi %get3A_350, %add3A_352 : vector<16xi32>
      %swap3A_354 = arith.index_cast %scan3A_324 : i32 to index
      %swap3A_355 = arith.constant 32 : index
      %swap3A_356 = tpu.vector_load %arg8[%swap3A_354, %swap3A_355] {strides = array<i32>} : memref<125x80xi32, #tpu.memory_space<vmem>>, vector<1x16xi32>,
      %swap3A_357 = vector.shape_cast %swap3A_356 : vector<1x16xi32> to vector<16xi32>
      %swap3A_358 = vector.shape_cast %add3A_353 : vector<16xi32> to vector<1x16xi32>
      tpu.vector_store %arg8[%swap3A_354, %swap3A_355], %swap3A_358 {strides = array<i32>} : memref<125x80xi32, #tpu.memory_space<vmem>>, vector<1x16xi32>,
      %get3A_359 = arith.index_cast %scan3A_324 : i32 to index
      %get3A_360 = arith.constant 48 : index
      %get3A_361 = tpu.vector_load %arg8[%get3A_359, %get3A_360] {strides = array<i32>} : memref<125x80xi32, #tpu.memory_space<vmem>>, vector<1x16xi32>,
      %get3A_362 = vector.shape_cast %get3A_361 : vector<1x16xi32> to vector<16xi32>
      %add3A_363 = arith.constant 1 : i32
      %add3A_364 = vector.broadcast %add3A_363 : i32 to vector<16xi32>
      %add3A_365 = arith.addi %get3A_362, %add3A_364 : vector<16xi32>
      %swap3A_366 = arith.index_cast %scan3A_324 : i32 to index
      %swap3A_367 = arith.constant 48 : index
      %swap3A_368 = tpu.vector_load %arg8[%swap3A_366, %swap3A_367] {strides = array<i32>} : memref<125x80xi32, #tpu.memory_space<vmem>>, vector<1x16xi32>,
      %swap3A_369 = vector.shape_cast %swap3A_368 : vector<1x16xi32> to vector<16xi32>
      %swap3A_370 = vector.shape_cast %add3A_365 : vector<16xi32> to vector<1x16xi32>
      tpu.vector_store %arg8[%swap3A_366, %swap3A_367], %swap3A_370 {strides = array<i32>} : memref<125x80xi32, #tpu.memory_space<vmem>>, vector<1x16xi32>,
      %get3A_371 = arith.index_cast %scan3A_324 : i32 to index
      %get3A_372 = arith.constant 64 : index
      %get3A_373 = tpu.vector_load %arg8[%get3A_371, %get3A_372] {strides = array<i32>} : memref<125x80xi32, #tpu.memory_space<vmem>>, vector<1x16xi32>,
      %get3A_374 = vector.shape_cast %get3A_373 : vector<1x16xi32> to vector<16xi32>
      %add3A_375 = arith.constant 1 : i32
      %add3A_376 = vector.broadcast %add3A_375 : i32 to vector<16xi32>
      %add3A_377 = arith.addi %get3A_374, %add3A_376 : vector<16xi32>
      %swap3A_378 = arith.index_cast %scan3A_324 : i32 to index
      %swap3A_379 = arith.constant 64 : index
      %swap3A_380 = tpu.vector_load %arg8[%swap3A_378, %swap3A_379] {strides = array<i32>} : memref<125x80xi32, #tpu.memory_space<vmem>>, vector<1x16xi32>,
      %swap3A_381 = vector.shape_cast %swap3A_380 : vector<1x16xi32> to vector<16xi32>
      %swap3A_382 = vector.shape_cast %add3A_377 : vector<16xi32> to vector<1x16xi32>
      tpu.vector_store %arg8[%swap3A_378, %swap3A_379], %swap3A_382 {strides = array<i32>} : memref<125x80xi32, #tpu.memory_space<vmem>>, vector<1x16xi32>,
    }
    %scan3A_163 = arith.constant 125 : i32
    %lt3A_164 = arith.constant 15 : i32
    %lt3A_165 = arith.cmpi slt, %arg1, %lt3A_164 : i32
    %convert_element_type3A_166 = arith.extui %lt3A_165 : i1 to i32
    %cond3A_167 = arith.constant 0 : i32
    %cond3A_168 = arith.cmpi ne, %convert_element_type3A_166, %cond3A_167 : i32
    scf.if %cond3A_168 {
      %mul3A_324 = arith.constant 624 : i32
      %mul3A_325 = arith.muli %arg1, %mul3A_324 : i32
      %mul3A_326 = arith.constant 624 : i32
      %mul3A_327 = arith.muli %arg1, %mul3A_326 : i32
      "tpu.region"() ({
        %run_scoped3A_328 = tpu.sem_alloc : memref<!tpu.dma_semaphore, #tpu.memory_space<semaphore_mem>>
        %dma_start3A_329 = arith.constant 0 : i32
        %dma_start3A_330 = tpu.memref_slice %arg11[%mul3A_327, %dma_start3A_329] : memref<10000x64xf32, #tpu.memory_space<vmem_shared>> -> memref<624x64xf32, #tpu.memory_space<vmem_shared>>
        %dma_start3A_331 = arith.constant 0 : i32
        %dma_start3A_332 = tpu.memref_slice %arg5[%mul3A_325, %dma_start3A_331] : memref<10000x64xf32, #tpu.memory_space<hbm>> -> memref<624x64xf32, #tpu.memory_space<hbm>>
        tpu.enqueue_dma source(%dma_start3A_332 : memref<624x64xf32, #tpu.memory_space<hbm>>) target(%dma_start3A_330 : memref<624x64xf32, #tpu.memory_space<vmem_shared>>) target_semaphore(%run_scoped3A_328 : memref<!tpu.dma_semaphore, #tpu.memory_space<semaphore_mem>>)
        %dma_wait3A_333 = arith.constant 0 : i32
        %dma_wait3A_334 = tpu.memref_slice %arg11[%mul3A_327, %dma_wait3A_333] : memref<10000x64xf32, #tpu.memory_space<vmem_shared>> -> memref<624x64xf32, #tpu.memory_space<vmem_shared>>
        %dma_wait3A_335 = arith.constant 0 : i32
        %dma_wait3A_336 = tpu.memref_slice %arg5[%mul3A_325, %dma_wait3A_335] : memref<10000x64xf32, #tpu.memory_space<hbm>> -> memref<624x64xf32, #tpu.memory_space<hbm>>
        tpu.wait_dma2 semaphore(%run_scoped3A_328 : memref<!tpu.dma_semaphore, #tpu.memory_space<semaphore_mem>>) src(%dma_wait3A_336 : memref<624x64xf32, #tpu.memory_space<hbm>>) dst(%dma_wait3A_334 : memref<624x64xf32, #tpu.memory_space<vmem_shared>>)
        tpu.yield
      }) : () -> ()
    } else {
    }
    %eq3A_169 = arith.constant 15 : i32
    %eq3A_170 = arith.cmpi eq, %arg1, %eq3A_169 : i32
    %convert_element_type3A_171 = arith.extui %eq3A_170 : i1 to i32
    %cond3A_172 = arith.constant 0 : i32
    %cond3A_173 = arith.cmpi ne, %convert_element_type3A_171, %cond3A_172 : i32
    scf.if %cond3A_173 {
      "tpu.region"() ({
        %run_scoped3A_324 = tpu.sem_alloc : memref<!tpu.dma_semaphore, #tpu.memory_space<semaphore_mem>>
        %dma_start3A_325 = arith.constant 9360 : i32
        %dma_start3A_326 = arith.constant 0 : i32
        %dma_start3A_327 = tpu.memref_slice %arg11[%dma_start3A_325, %dma_start3A_326] : memref<10000x64xf32, #tpu.memory_space<vmem_shared>> -> memref<640x64xf32, #tpu.memory_space<vmem_shared>>
        %dma_start3A_328 = arith.constant 9360 : i32
        %dma_start3A_329 = arith.constant 0 : i32
        %dma_start3A_330 = tpu.memref_slice %arg5[%dma_start3A_328, %dma_start3A_329] : memref<10000x64xf32, #tpu.memory_space<hbm>> -> memref<640x64xf32, #tpu.memory_space<hbm>>
        tpu.enqueue_dma source(%dma_start3A_330 : memref<640x64xf32, #tpu.memory_space<hbm>>) target(%dma_start3A_327 : memref<640x64xf32, #tpu.memory_space<vmem_shared>>) target_semaphore(%run_scoped3A_324 : memref<!tpu.dma_semaphore, #tpu.memory_space<semaphore_mem>>)
        %dma_wait3A_331 = arith.constant 9360 : i32
        %dma_wait3A_332 = arith.constant 0 : i32
        %dma_wait3A_333 = tpu.memref_slice %arg11[%dma_wait3A_331, %dma_wait3A_332] : memref<10000x64xf32, #tpu.memory_space<vmem_shared>> -> memref<640x64xf32, #tpu.memory_space<vmem_shared>>
        %dma_wait3A_334 = arith.constant 9360 : i32
        %dma_wait3A_335 = arith.constant 0 : i32
        %dma_wait3A_336 = tpu.memref_slice %arg5[%dma_wait3A_334, %dma_wait3A_335] : memref<10000x64xf32, #tpu.memory_space<hbm>> -> memref<640x64xf32, #tpu.memory_space<hbm>>
        tpu.wait_dma2 semaphore(%run_scoped3A_324 : memref<!tpu.dma_semaphore, #tpu.memory_space<semaphore_mem>>) src(%dma_wait3A_336 : memref<640x64xf32, #tpu.memory_space<hbm>>) dst(%dma_wait3A_333 : memref<640x64xf32, #tpu.memory_space<vmem_shared>>)
        tpu.yield
      }) : () -> ()
    } else {
    }
    %barrier3A_174 = arith.constant 0 : index
    tpu.barrier barrier_id(%barrier3A_174)
    %dma_start3A_175 = arith.constant 0 : i32
    %dma_start3A_176 = arith.constant 0 : i32
    %dma_start3A_177 = arith.constant 0 : i32
    %dma_start3A_178 = arith.constant 0 : i32
    %dma_start3A_179 = tpu.memref_slice %arg10[%dma_start3A_176, %dma_start3A_177, %dma_start3A_178] : memref<5x80x64xf32, #tpu.memory_space<vmem>> -> memref<1x80x64xf32, #tpu.memory_space<vmem>>
    %dma_start3A_180 = tpu.memref_squeeze %dma_start3A_179 : memref<1x80x64xf32, #tpu.memory_space<vmem>> -> memref<80x64xf32, #tpu.memory_space<vmem>>
    %dma_start3A_181 = arith.constant 0 : i32
    %dma_start3A_182 = tpu.memref_slice %arg8[%dma_start3A_175, %dma_start3A_181] : memref<125x80xi32, #tpu.memory_space<vmem>> -> memref<1x80xi32, #tpu.memory_space<vmem>>
    %dma_start3A_183 = tpu.memref_squeeze %dma_start3A_182 : memref<1x80xi32, #tpu.memory_space<vmem>> -> memref<80xi32, #tpu.memory_space<vmem>>
    %dma_start3A_184 = arith.constant 0 : i32
    %dma_start3A_185 = arith.constant 0 : i32
    %dma_start3A_186 = tpu.memref_slice %arg2[%dma_start3A_184, %dma_start3A_185] : memref<20000x64xf32, #tpu.memory_space<hbm>> -> memref<20000x64xf32, #tpu.memory_space<hbm>>
    tpu.enqueue_indirect_dma source(%dma_start3A_186 : memref<20000x64xf32, #tpu.memory_space<hbm>>) target(%dma_start3A_180 : memref<80x64xf32, #tpu.memory_space<vmem>>) offsets(%dma_start3A_183 : memref<80xi32, #tpu.memory_space<vmem>>) semaphore(%arg12 : memref<!tpu.dma_semaphore, #tpu.memory_space<semaphore_mem>>)
    %dma_start3A_187 = arith.constant 1 : i32
    %dma_start3A_188 = arith.constant 1 : i32
    %dma_start3A_189 = arith.constant 0 : i32
    %dma_start3A_190 = arith.constant 0 : i32
    %dma_start3A_191 = tpu.memref_slice %arg10[%dma_start3A_188, %dma_start3A_189, %dma_start3A_190] : memref<5x80x64xf32, #tpu.memory_space<vmem>> -> memref<1x80x64xf32, #tpu.memory_space<vmem>>
    %dma_start3A_192 = tpu.memref_squeeze %dma_start3A_191 : memref<1x80x64xf32, #tpu.memory_space<vmem>> -> memref<80x64xf32, #tpu.memory_space<vmem>>
    %dma_start3A_193 = arith.constant 0 : i32
    %dma_start3A_194 = tpu.memref_slice %arg8[%dma_start3A_187, %dma_start3A_193] : memref<125x80xi32, #tpu.memory_space<vmem>> -> memref<1x80xi32, #tpu.memory_space<vmem>>
    %dma_start3A_195 = tpu.memref_squeeze %dma_start3A_194 : memref<1x80xi32, #tpu.memory_space<vmem>> -> memref<80xi32, #tpu.memory_space<vmem>>
    %dma_start3A_196 = arith.constant 0 : i32
    %dma_start3A_197 = arith.constant 0 : i32
    %dma_start3A_198 = tpu.memref_slice %arg2[%dma_start3A_196, %dma_start3A_197] : memref<20000x64xf32, #tpu.memory_space<hbm>> -> memref<20000x64xf32, #tpu.memory_space<hbm>>
    tpu.enqueue_indirect_dma source(%dma_start3A_198 : memref<20000x64xf32, #tpu.memory_space<hbm>>) target(%dma_start3A_192 : memref<80x64xf32, #tpu.memory_space<vmem>>) offsets(%dma_start3A_195 : memref<80xi32, #tpu.memory_space<vmem>>) semaphore(%arg13 : memref<!tpu.dma_semaphore, #tpu.memory_space<semaphore_mem>>)
    %dma_start3A_199 = arith.constant 2 : i32
    %dma_start3A_200 = arith.constant 2 : i32
    %dma_start3A_201 = arith.constant 0 : i32
    %dma_start3A_202 = arith.constant 0 : i32
    %dma_start3A_203 = tpu.memref_slice %arg10[%dma_start3A_200, %dma_start3A_201, %dma_start3A_202] : memref<5x80x64xf32, #tpu.memory_space<vmem>> -> memref<1x80x64xf32, #tpu.memory_space<vmem>>
    %dma_start3A_204 = tpu.memref_squeeze %dma_start3A_203 : memref<1x80x64xf32, #tpu.memory_space<vmem>> -> memref<80x64xf32, #tpu.memory_space<vmem>>
    %dma_start3A_205 = arith.constant 0 : i32
    %dma_start3A_206 = tpu.memref_slice %arg8[%dma_start3A_199, %dma_start3A_205] : memref<125x80xi32, #tpu.memory_space<vmem>> -> memref<1x80xi32, #tpu.memory_space<vmem>>
    %dma_start3A_207 = tpu.memref_squeeze %dma_start3A_206 : memref<1x80xi32, #tpu.memory_space<vmem>> -> memref<80xi32, #tpu.memory_space<vmem>>
    %dma_start3A_208 = arith.constant 0 : i32
    %dma_start3A_209 = arith.constant 0 : i32
    %dma_start3A_210 = tpu.memref_slice %arg2[%dma_start3A_208, %dma_start3A_209] : memref<20000x64xf32, #tpu.memory_space<hbm>> -> memref<20000x64xf32, #tpu.memory_space<hbm>>
    tpu.enqueue_indirect_dma source(%dma_start3A_210 : memref<20000x64xf32, #tpu.memory_space<hbm>>) target(%dma_start3A_204 : memref<80x64xf32, #tpu.memory_space<vmem>>) offsets(%dma_start3A_207 : memref<80xi32, #tpu.memory_space<vmem>>) semaphore(%arg14 : memref<!tpu.dma_semaphore, #tpu.memory_space<semaphore_mem>>)
    %dma_start3A_211 = arith.constant 3 : i32
    %dma_start3A_212 = arith.constant 3 : i32
    %dma_start3A_213 = arith.constant 0 : i32
    %dma_start3A_214 = arith.constant 0 : i32
    %dma_start3A_215 = tpu.memref_slice %arg10[%dma_start3A_212, %dma_start3A_213, %dma_start3A_214] : memref<5x80x64xf32, #tpu.memory_space<vmem>> -> memref<1x80x64xf32, #tpu.memory_space<vmem>>
    %dma_start3A_216 = tpu.memref_squeeze %dma_start3A_215 : memref<1x80x64xf32, #tpu.memory_space<vmem>> -> memref<80x64xf32, #tpu.memory_space<vmem>>
    %dma_start3A_217 = arith.constant 0 : i32
    %dma_start3A_218 = tpu.memref_slice %arg8[%dma_start3A_211, %dma_start3A_217] : memref<125x80xi32, #tpu.memory_space<vmem>> -> memref<1x80xi32, #tpu.memory_space<vmem>>
    %dma_start3A_219 = tpu.memref_squeeze %dma_start3A_218 : memref<1x80xi32, #tpu.memory_space<vmem>> -> memref<80xi32, #tpu.memory_space<vmem>>
    %dma_start3A_220 = arith.constant 0 : i32
    %dma_start3A_221 = arith.constant 0 : i32
    %dma_start3A_222 = tpu.memref_slice %arg2[%dma_start3A_220, %dma_start3A_221] : memref<20000x64xf32, #tpu.memory_space<hbm>> -> memref<20000x64xf32, #tpu.memory_space<hbm>>
    tpu.enqueue_indirect_dma source(%dma_start3A_222 : memref<20000x64xf32, #tpu.memory_space<hbm>>) target(%dma_start3A_216 : memref<80x64xf32, #tpu.memory_space<vmem>>) offsets(%dma_start3A_219 : memref<80xi32, #tpu.memory_space<vmem>>) semaphore(%arg15 : memref<!tpu.dma_semaphore, #tpu.memory_space<semaphore_mem>>)
    %dma_start3A_223 = arith.constant 4 : i32
    %dma_start3A_224 = arith.constant 4 : i32
    %dma_start3A_225 = arith.constant 0 : i32
    %dma_start3A_226 = arith.constant 0 : i32
    %dma_start3A_227 = tpu.memref_slice %arg10[%dma_start3A_224, %dma_start3A_225, %dma_start3A_226] : memref<5x80x64xf32, #tpu.memory_space<vmem>> -> memref<1x80x64xf32, #tpu.memory_space<vmem>>
    %dma_start3A_228 = tpu.memref_squeeze %dma_start3A_227 : memref<1x80x64xf32, #tpu.memory_space<vmem>> -> memref<80x64xf32, #tpu.memory_space<vmem>>
    %dma_start3A_229 = arith.constant 0 : i32
    %dma_start3A_230 = tpu.memref_slice %arg8[%dma_start3A_223, %dma_start3A_229] : memref<125x80xi32, #tpu.memory_space<vmem>> -> memref<1x80xi32, #tpu.memory_space<vmem>>
    %dma_start3A_231 = tpu.memref_squeeze %dma_start3A_230 : memref<1x80xi32, #tpu.memory_space<vmem>> -> memref<80xi32, #tpu.memory_space<vmem>>
    %dma_start3A_232 = arith.constant 0 : i32
    %dma_start3A_233 = arith.constant 0 : i32
    %dma_start3A_234 = tpu.memref_slice %arg2[%dma_start3A_232, %dma_start3A_233] : memref<20000x64xf32, #tpu.memory_space<hbm>> -> memref<20000x64xf32, #tpu.memory_space<hbm>>
    tpu.enqueue_indirect_dma source(%dma_start3A_234 : memref<20000x64xf32, #tpu.memory_space<hbm>>) target(%dma_start3A_228 : memref<80x64xf32, #tpu.memory_space<vmem>>) offsets(%dma_start3A_231 : memref<80xi32, #tpu.memory_space<vmem>>) semaphore(%arg16 : memref<!tpu.dma_semaphore, #tpu.memory_space<semaphore_mem>>)
    %scan3A_235 = arith.constant 0 : i32
    %scan3A_236 = arith.constant 0 : i32
    %scan3A_237 = arith.constant 24 : i32
    %scan3A_238 = arith.addi %scan3A_236, %scan3A_237 : i32
    %scan3A_239 = arith.constant 1 : i32
    scf.for %scan3A_324 = %scan3A_236 to %scan3A_238 step %scan3A_239  : i32 {
      %mul3A_325 = arith.constant 5 : i32
      %mul3A_326 = arith.muli %scan3A_324, %mul3A_325 : i32
      %add3A_327 = arith.constant 0 : i32
      %add3A_328 = arith.addi %mul3A_326, %add3A_327 : i32
      %dma_wait3A_329 = arith.constant 0 : i32
      %dma_wait3A_330 = arith.constant 0 : i32
      %dma_wait3A_331 = arith.constant 0 : i32
      %dma_wait3A_332 = tpu.memref_slice %arg10[%dma_wait3A_329, %dma_wait3A_330, %dma_wait3A_331] : memref<5x80x64xf32, #tpu.memory_space<vmem>> -> memref<1x80x64xf32, #tpu.memory_space<vmem>>
      %dma_wait3A_333 = tpu.memref_squeeze %dma_wait3A_332 : memref<1x80x64xf32, #tpu.memory_space<vmem>> -> memref<80x64xf32, #tpu.memory_space<vmem>>
      %dma_wait3A_334 = arith.constant 0 : i32
      %dma_wait3A_335 = tpu.memref_slice %arg8[%add3A_328, %dma_wait3A_334] : memref<125x80xi32, #tpu.memory_space<vmem>> -> memref<1x80xi32, #tpu.memory_space<vmem>>
      %dma_wait3A_336 = tpu.memref_squeeze %dma_wait3A_335 : memref<1x80xi32, #tpu.memory_space<vmem>> -> memref<80xi32, #tpu.memory_space<vmem>>
      %dma_wait3A_337 = arith.constant 0 : i32
      %dma_wait3A_338 = arith.constant 0 : i32
      %dma_wait3A_339 = tpu.memref_slice %arg2[%dma_wait3A_337, %dma_wait3A_338] : memref<20000x64xf32, #tpu.memory_space<hbm>> -> memref<20000x64xf32, #tpu.memory_space<hbm>>
      tpu.wait_indirect_dma semaphore(%arg12 : memref<!tpu.dma_semaphore, #tpu.memory_space<semaphore_mem>>) src(%dma_wait3A_339 : memref<20000x64xf32, #tpu.memory_space<hbm>>) dst(%dma_wait3A_333 : memref<80x64xf32, #tpu.memory_space<vmem>>)
      %run_scoped3A_340 = arith.constant 0 : i32
      "tpu.region"() ({
        %run_scoped3A_470 = tpu.sem_alloc : memref<!tpu.dma_semaphore, #tpu.memory_space<semaphore_mem>>
        %dma_start3A_471 = arith.constant 0 : i32
        %dma_start3A_472 = arith.constant 0 : i32
        %dma_start3A_473 = tpu.memref_slice %arg10[%run_scoped3A_340, %dma_start3A_471, %dma_start3A_472] : memref<5x80x64xf32, #tpu.memory_space<vmem>> -> memref<1x80x64xf32, #tpu.memory_space<vmem>>
        %dma_start3A_474 = tpu.memref_squeeze %dma_start3A_473 : memref<1x80x64xf32, #tpu.memory_space<vmem>> -> memref<80x64xf32, #tpu.memory_space<vmem>>
        %dma_start3A_475 = arith.constant 0 : i32
        %dma_start3A_476 = tpu.memref_slice %arg9[%add3A_328, %dma_start3A_475] : memref<125x80xi32, #tpu.memory_space<vmem>> -> memref<1x80xi32, #tpu.memory_space<vmem>>
        %dma_start3A_477 = tpu.memref_squeeze %dma_start3A_476 : memref<1x80xi32, #tpu.memory_space<vmem>> -> memref<80xi32, #tpu.memory_space<vmem>>
        %dma_start3A_478 = arith.constant 0 : i32
        %dma_start3A_479 = arith.constant 0 : i32
        %dma_start3A_480 = tpu.memref_slice %arg11[%dma_start3A_478, %dma_start3A_479] : memref<10000x64xf32, #tpu.memory_space<vmem_shared>> -> memref<10000x64xf32, #tpu.memory_space<vmem_shared>>
        tpu.enqueue_indirect_dma source(%dma_start3A_474 : memref<80x64xf32, #tpu.memory_space<vmem>>) target(%dma_start3A_480 : memref<10000x64xf32, #tpu.memory_space<vmem_shared>>) offsets(%dma_start3A_477 : memref<80xi32, #tpu.memory_space<vmem>>) semaphore(%run_scoped3A_470 : memref<!tpu.dma_semaphore, #tpu.memory_space<semaphore_mem>>) {add = true}
        %dma_wait3A_481 = arith.constant 0 : i32
        %dma_wait3A_482 = arith.constant 0 : i32
        %dma_wait3A_483 = tpu.memref_slice %arg10[%run_scoped3A_340, %dma_wait3A_481, %dma_wait3A_482] : memref<5x80x64xf32, #tpu.memory_space<vmem>> -> memref<1x80x64xf32, #tpu.memory_space<vmem>>
        %dma_wait3A_484 = tpu.memref_squeeze %dma_wait3A_483 : memref<1x80x64xf32, #tpu.memory_space<vmem>> -> memref<80x64xf32, #tpu.memory_space<vmem>>
        %dma_wait3A_485 = arith.constant 0 : i32
        %dma_wait3A_486 = tpu.memref_slice %arg9[%add3A_328, %dma_wait3A_485] : memref<125x80xi32, #tpu.memory_space<vmem>> -> memref<1x80xi32, #tpu.memory_space<vmem>>
        %dma_wait3A_487 = tpu.memref_squeeze %dma_wait3A_486 : memref<1x80xi32, #tpu.memory_space<vmem>> -> memref<80xi32, #tpu.memory_space<vmem>>
        %dma_wait3A_488 = arith.constant 0 : i32
        %dma_wait3A_489 = arith.constant 0 : i32
        %dma_wait3A_490 = tpu.memref_slice %arg11[%dma_wait3A_488, %dma_wait3A_489] : memref<10000x64xf32, #tpu.memory_space<vmem_shared>> -> memref<10000x64xf32, #tpu.memory_space<vmem_shared>>
        tpu.wait_indirect_dma semaphore(%run_scoped3A_470 : memref<!tpu.dma_semaphore, #tpu.memory_space<semaphore_mem>>) src(%dma_wait3A_484 : memref<80x64xf32, #tpu.memory_space<vmem>>) dst(%dma_wait3A_490 : memref<10000x64xf32, #tpu.memory_space<vmem_shared>>)
        tpu.yield
      }) : () -> ()
      %add3A_341 = arith.constant 5 : i32
      %add3A_342 = arith.addi %add3A_328, %add3A_341 : i32
      %dma_start3A_343 = arith.constant 0 : i32
      %dma_start3A_344 = arith.constant 0 : i32
      %dma_start3A_345 = arith.constant 0 : i32
      %dma_start3A_346 = tpu.memref_slice %arg10[%dma_start3A_343, %dma_start3A_344, %dma_start3A_345] : memref<5x80x64xf32, #tpu.memory_space<vmem>> -> memref<1x80x64xf32, #tpu.memory_space<vmem>>
      %dma_start3A_347 = tpu.memref_squeeze %dma_start3A_346 : memref<1x80x64xf32, #tpu.memory_space<vmem>> -> memref<80x64xf32, #tpu.memory_space<vmem>>
      %dma_start3A_348 = arith.constant 0 : i32
      %dma_start3A_349 = tpu.memref_slice %arg8[%add3A_342, %dma_start3A_348] : memref<125x80xi32, #tpu.memory_space<vmem>> -> memref<1x80xi32, #tpu.memory_space<vmem>>
      %dma_start3A_350 = tpu.memref_squeeze %dma_start3A_349 : memref<1x80xi32, #tpu.memory_space<vmem>> -> memref<80xi32, #tpu.memory_space<vmem>>
      %dma_start3A_351 = arith.constant 0 : i32
      %dma_start3A_352 = arith.constant 0 : i32
      %dma_start3A_353 = tpu.memref_slice %arg2[%dma_start3A_351, %dma_start3A_352] : memref<20000x64xf32, #tpu.memory_space<hbm>> -> memref<20000x64xf32, #tpu.memory_space<hbm>>
      tpu.enqueue_indirect_dma source(%dma_start3A_353 : memref<20000x64xf32, #tpu.memory_space<hbm>>) target(%dma_start3A_347 : memref<80x64xf32, #tpu.memory_space<vmem>>) offsets(%dma_start3A_350 : memref<80xi32, #tpu.memory_space<vmem>>) semaphore(%arg12 : memref<!tpu.dma_semaphore, #tpu.memory_space<semaphore_mem>>)
      %mul3A_354 = arith.constant 5 : i32
      %mul3A_355 = arith.muli %scan3A_324, %mul3A_354 : i32
      %add3A_356 = arith.constant 1 : i32
      %add3A_357 = arith.addi %mul3A_355, %add3A_356 : i32
      %dma_wait3A_358 = arith.constant 1 : i32
      %dma_wait3A_359 = arith.constant 0 : i32
      %dma_wait3A_360 = arith.constant 0 : i32
      %dma_wait3A_361 = tpu.memref_slice %arg10[%dma_wait3A_358, %dma_wait3A_359, %dma_wait3A_360] : memref<5x80x64xf32, #tpu.memory_space<vmem>> -> memref<1x80x64xf32, #tpu.memory_space<vmem>>
      %dma_wait3A_362 = tpu.memref_squeeze %dma_wait3A_361 : memref<1x80x64xf32, #tpu.memory_space<vmem>> -> memref<80x64xf32, #tpu.memory_space<vmem>>
      %dma_wait3A_363 = arith.constant 0 : i32
      %dma_wait3A_364 = tpu.memref_slice %arg8[%add3A_357, %dma_wait3A_363] : memref<125x80xi32, #tpu.memory_space<vmem>> -> memref<1x80xi32, #tpu.memory_space<vmem>>
      %dma_wait3A_365 = tpu.memref_squeeze %dma_wait3A_364 : memref<1x80xi32, #tpu.memory_space<vmem>> -> memref<80xi32, #tpu.memory_space<vmem>>
      %dma_wait3A_366 = arith.constant 0 : i32
      %dma_wait3A_367 = arith.constant 0 : i32
      %dma_wait3A_368 = tpu.memref_slice %arg2[%dma_wait3A_366, %dma_wait3A_367] : memref<20000x64xf32, #tpu.memory_space<hbm>> -> memref<20000x64xf32, #tpu.memory_space<hbm>>
      tpu.wait_indirect_dma semaphore(%arg13 : memref<!tpu.dma_semaphore, #tpu.memory_space<semaphore_mem>>) src(%dma_wait3A_368 : memref<20000x64xf32, #tpu.memory_space<hbm>>) dst(%dma_wait3A_362 : memref<80x64xf32, #tpu.memory_space<vmem>>)
      %run_scoped3A_369 = arith.constant 1 : i32
      "tpu.region"() ({
        %run_scoped3A_470 = tpu.sem_alloc : memref<!tpu.dma_semaphore, #tpu.memory_space<semaphore_mem>>
        %dma_start3A_471 = arith.constant 0 : i32
        %dma_start3A_472 = arith.constant 0 : i32
        %dma_start3A_473 = tpu.memref_slice %arg10[%run_scoped3A_369, %dma_start3A_471, %dma_start3A_472] : memref<5x80x64xf32, #tpu.memory_space<vmem>> -> memref<1x80x64xf32, #tpu.memory_space<vmem>>
        %dma_start3A_474 = tpu.memref_squeeze %dma_start3A_473 : memref<1x80x64xf32, #tpu.memory_space<vmem>> -> memref<80x64xf32, #tpu.memory_space<vmem>>
        %dma_start3A_475 = arith.constant 0 : i32
        %dma_start3A_476 = tpu.memref_slice %arg9[%add3A_357, %dma_start3A_475] : memref<125x80xi32, #tpu.memory_space<vmem>> -> memref<1x80xi32, #tpu.memory_space<vmem>>
        %dma_start3A_477 = tpu.memref_squeeze %dma_start3A_476 : memref<1x80xi32, #tpu.memory_space<vmem>> -> memref<80xi32, #tpu.memory_space<vmem>>
        %dma_start3A_478 = arith.constant 0 : i32
        %dma_start3A_479 = arith.constant 0 : i32
        %dma_start3A_480 = tpu.memref_slice %arg11[%dma_start3A_478, %dma_start3A_479] : memref<10000x64xf32, #tpu.memory_space<vmem_shared>> -> memref<10000x64xf32, #tpu.memory_space<vmem_shared>>
        tpu.enqueue_indirect_dma source(%dma_start3A_474 : memref<80x64xf32, #tpu.memory_space<vmem>>) target(%dma_start3A_480 : memref<10000x64xf32, #tpu.memory_space<vmem_shared>>) offsets(%dma_start3A_477 : memref<80xi32, #tpu.memory_space<vmem>>) semaphore(%run_scoped3A_470 : memref<!tpu.dma_semaphore, #tpu.memory_space<semaphore_mem>>) {add = true}
        %dma_wait3A_481 = arith.constant 0 : i32
        %dma_wait3A_482 = arith.constant 0 : i32
        %dma_wait3A_483 = tpu.memref_slice %arg10[%run_scoped3A_369, %dma_wait3A_481, %dma_wait3A_482] : memref<5x80x64xf32, #tpu.memory_space<vmem>> -> memref<1x80x64xf32, #tpu.memory_space<vmem>>
        %dma_wait3A_484 = tpu.memref_squeeze %dma_wait3A_483 : memref<1x80x64xf32, #tpu.memory_space<vmem>> -> memref<80x64xf32, #tpu.memory_space<vmem>>
        %dma_wait3A_485 = arith.constant 0 : i32
        %dma_wait3A_486 = tpu.memref_slice %arg9[%add3A_357, %dma_wait3A_485] : memref<125x80xi32, #tpu.memory_space<vmem>> -> memref<1x80xi32, #tpu.memory_space<vmem>>
        %dma_wait3A_487 = tpu.memref_squeeze %dma_wait3A_486 : memref<1x80xi32, #tpu.memory_space<vmem>> -> memref<80xi32, #tpu.memory_space<vmem>>
        %dma_wait3A_488 = arith.constant 0 : i32
        %dma_wait3A_489 = arith.constant 0 : i32
        %dma_wait3A_490 = tpu.memref_slice %arg11[%dma_wait3A_488, %dma_wait3A_489] : memref<10000x64xf32, #tpu.memory_space<vmem_shared>> -> memref<10000x64xf32, #tpu.memory_space<vmem_shared>>
        tpu.wait_indirect_dma semaphore(%run_scoped3A_470 : memref<!tpu.dma_semaphore, #tpu.memory_space<semaphore_mem>>) src(%dma_wait3A_484 : memref<80x64xf32, #tpu.memory_space<vmem>>) dst(%dma_wait3A_490 : memref<10000x64xf32, #tpu.memory_space<vmem_shared>>)
        tpu.yield
      }) : () -> ()
      %add3A_370 = arith.constant 5 : i32
      %add3A_371 = arith.addi %add3A_357, %add3A_370 : i32
      %dma_start3A_372 = arith.constant 1 : i32
      %dma_start3A_373 = arith.constant 0 : i32
      %dma_start3A_374 = arith.constant 0 : i32
      %dma_start3A_375 = tpu.memref_slice %arg10[%dma_start3A_372, %dma_start3A_373, %dma_start3A_374] : memref<5x80x64xf32, #tpu.memory_space<vmem>> -> memref<1x80x64xf32, #tpu.memory_space<vmem>>
      %dma_start3A_376 = tpu.memref_squeeze %dma_start3A_375 : memref<1x80x64xf32, #tpu.memory_space<vmem>> -> memref<80x64xf32, #tpu.memory_space<vmem>>
      %dma_start3A_377 = arith.constant 0 : i32
      %dma_start3A_378 = tpu.memref_slice %arg8[%add3A_371, %dma_start3A_377] : memref<125x80xi32, #tpu.memory_space<vmem>> -> memref<1x80xi32, #tpu.memory_space<vmem>>
      %dma_start3A_379 = tpu.memref_squeeze %dma_start3A_378 : memref<1x80xi32, #tpu.memory_space<vmem>> -> memref<80xi32, #tpu.memory_space<vmem>>
      %dma_start3A_380 = arith.constant 0 : i32
      %dma_start3A_381 = arith.constant 0 : i32
      %dma_start3A_382 = tpu.memref_slice %arg2[%dma_start3A_380, %dma_start3A_381] : memref<20000x64xf32, #tpu.memory_space<hbm>> -> memref<20000x64xf32, #tpu.memory_space<hbm>>
      tpu.enqueue_indirect_dma source(%dma_start3A_382 : memref<20000x64xf32, #tpu.memory_space<hbm>>) target(%dma_start3A_376 : memref<80x64xf32, #tpu.memory_space<vmem>>) offsets(%dma_start3A_379 : memref<80xi32, #tpu.memory_space<vmem>>) semaphore(%arg13 : memref<!tpu.dma_semaphore, #tpu.memory_space<semaphore_mem>>)
      %mul3A_383 = arith.constant 5 : i32
      %mul3A_384 = arith.muli %scan3A_324, %mul3A_383 : i32
      %add3A_385 = arith.constant 2 : i32
      %add3A_386 = arith.addi %mul3A_384, %add3A_385 : i32
      %dma_wait3A_387 = arith.constant 2 : i32
      %dma_wait3A_388 = arith.constant 0 : i32
      %dma_wait3A_389 = arith.constant 0 : i32
      %dma_wait3A_390 = tpu.memref_slice %arg10[%dma_wait3A_387, %dma_wait3A_388, %dma_wait3A_389] : memref<5x80x64xf32, #tpu.memory_space<vmem>> -> memref<1x80x64xf32, #tpu.memory_space<vmem>>
      %dma_wait3A_391 = tpu.memref_squeeze %dma_wait3A_390 : memref<1x80x64xf32, #tpu.memory_space<vmem>> -> memref<80x64xf32, #tpu.memory_space<vmem>>
      %dma_wait3A_392 = arith.constant 0 : i32
      %dma_wait3A_393 = tpu.memref_slice %arg8[%add3A_386, %dma_wait3A_392] : memref<125x80xi32, #tpu.memory_space<vmem>> -> memref<1x80xi32, #tpu.memory_space<vmem>>
      %dma_wait3A_394 = tpu.memref_squeeze %dma_wait3A_393 : memref<1x80xi32, #tpu.memory_space<vmem>> -> memref<80xi32, #tpu.memory_space<vmem>>
      %dma_wait3A_395 = arith.constant 0 : i32
      %dma_wait3A_396 = arith.constant 0 : i32
      %dma_wait3A_397 = tpu.memref_slice %arg2[%dma_wait3A_395, %dma_wait3A_396] : memref<20000x64xf32, #tpu.memory_space<hbm>> -> memref<20000x64xf32, #tpu.memory_space<hbm>>
      tpu.wait_indirect_dma semaphore(%arg14 : memref<!tpu.dma_semaphore, #tpu.memory_space<semaphore_mem>>) src(%dma_wait3A_397 : memref<20000x64xf32, #tpu.memory_space<hbm>>) dst(%dma_wait3A_391 : memref<80x64xf32, #tpu.memory_space<vmem>>)
      %run_scoped3A_398 = arith.constant 2 : i32
      "tpu.region"() ({
        %run_scoped3A_470 = tpu.sem_alloc : memref<!tpu.dma_semaphore, #tpu.memory_space<semaphore_mem>>
        %dma_start3A_471 = arith.constant 0 : i32
        %dma_start3A_472 = arith.constant 0 : i32
        %dma_start3A_473 = tpu.memref_slice %arg10[%run_scoped3A_398, %dma_start3A_471, %dma_start3A_472] : memref<5x80x64xf32, #tpu.memory_space<vmem>> -> memref<1x80x64xf32, #tpu.memory_space<vmem>>
        %dma_start3A_474 = tpu.memref_squeeze %dma_start3A_473 : memref<1x80x64xf32, #tpu.memory_space<vmem>> -> memref<80x64xf32, #tpu.memory_space<vmem>>
        %dma_start3A_475 = arith.constant 0 : i32
        %dma_start3A_476 = tpu.memref_slice %arg9[%add3A_386, %dma_start3A_475] : memref<125x80xi32, #tpu.memory_space<vmem>> -> memref<1x80xi32, #tpu.memory_space<vmem>>
        %dma_start3A_477 = tpu.memref_squeeze %dma_start3A_476 : memref<1x80xi32, #tpu.memory_space<vmem>> -> memref<80xi32, #tpu.memory_space<vmem>>
        %dma_start3A_478 = arith.constant 0 : i32
        %dma_start3A_479 = arith.constant 0 : i32
        %dma_start3A_480 = tpu.memref_slice %arg11[%dma_start3A_478, %dma_start3A_479] : memref<10000x64xf32, #tpu.memory_space<vmem_shared>> -> memref<10000x64xf32, #tpu.memory_space<vmem_shared>>
        tpu.enqueue_indirect_dma source(%dma_start3A_474 : memref<80x64xf32, #tpu.memory_space<vmem>>) target(%dma_start3A_480 : memref<10000x64xf32, #tpu.memory_space<vmem_shared>>) offsets(%dma_start3A_477 : memref<80xi32, #tpu.memory_space<vmem>>) semaphore(%run_scoped3A_470 : memref<!tpu.dma_semaphore, #tpu.memory_space<semaphore_mem>>) {add = true}
        %dma_wait3A_481 = arith.constant 0 : i32
        %dma_wait3A_482 = arith.constant 0 : i32
        %dma_wait3A_483 = tpu.memref_slice %arg10[%run_scoped3A_398, %dma_wait3A_481, %dma_wait3A_482] : memref<5x80x64xf32, #tpu.memory_space<vmem>> -> memref<1x80x64xf32, #tpu.memory_space<vmem>>
        %dma_wait3A_484 = tpu.memref_squeeze %dma_wait3A_483 : memref<1x80x64xf32, #tpu.memory_space<vmem>> -> memref<80x64xf32, #tpu.memory_space<vmem>>
        %dma_wait3A_485 = arith.constant 0 : i32
        %dma_wait3A_486 = tpu.memref_slice %arg9[%add3A_386, %dma_wait3A_485] : memref<125x80xi32, #tpu.memory_space<vmem>> -> memref<1x80xi32, #tpu.memory_space<vmem>>
        %dma_wait3A_487 = tpu.memref_squeeze %dma_wait3A_486 : memref<1x80xi32, #tpu.memory_space<vmem>> -> memref<80xi32, #tpu.memory_space<vmem>>
        %dma_wait3A_488 = arith.constant 0 : i32
        %dma_wait3A_489 = arith.constant 0 : i32
        %dma_wait3A_490 = tpu.memref_slice %arg11[%dma_wait3A_488, %dma_wait3A_489] : memref<10000x64xf32, #tpu.memory_space<vmem_shared>> -> memref<10000x64xf32, #tpu.memory_space<vmem_shared>>
        tpu.wait_indirect_dma semaphore(%run_scoped3A_470 : memref<!tpu.dma_semaphore, #tpu.memory_space<semaphore_mem>>) src(%dma_wait3A_484 : memref<80x64xf32, #tpu.memory_space<vmem>>) dst(%dma_wait3A_490 : memref<10000x64xf32, #tpu.memory_space<vmem_shared>>)
        tpu.yield
      }) : () -> ()
      %add3A_399 = arith.constant 5 : i32
      %add3A_400 = arith.addi %add3A_386, %add3A_399 : i32
      %dma_start3A_401 = arith.constant 2 : i32
      %dma_start3A_402 = arith.constant 0 : i32
      %dma_start3A_403 = arith.constant 0 : i32
      %dma_start3A_404 = tpu.memref_slice %arg10[%dma_start3A_401, %dma_start3A_402, %dma_start3A_403] : memref<5x80x64xf32, #tpu.memory_space<vmem>> -> memref<1x80x64xf32, #tpu.memory_space<vmem>>
      %dma_start3A_405 = tpu.memref_squeeze %dma_start3A_404 : memref<1x80x64xf32, #tpu.memory_space<vmem>> -> memref<80x64xf32, #tpu.memory_space<vmem>>
      %dma_start3A_406 = arith.constant 0 : i32
      %dma_start3A_407 = tpu.memref_slice %arg8[%add3A_400, %dma_start3A_406] : memref<125x80xi32, #tpu.memory_space<vmem>> -> memref<1x80xi32, #tpu.memory_space<vmem>>
      %dma_start3A_408 = tpu.memref_squeeze %dma_start3A_407 : memref<1x80xi32, #tpu.memory_space<vmem>> -> memref<80xi32, #tpu.memory_space<vmem>>
      %dma_start3A_409 = arith.constant 0 : i32
      %dma_start3A_410 = arith.constant 0 : i32
      %dma_start3A_411 = tpu.memref_slice %arg2[%dma_start3A_409, %dma_start3A_410] : memref<20000x64xf32, #tpu.memory_space<hbm>> -> memref<20000x64xf32, #tpu.memory_space<hbm>>
      tpu.enqueue_indirect_dma source(%dma_start3A_411 : memref<20000x64xf32, #tpu.memory_space<hbm>>) target(%dma_start3A_405 : memref<80x64xf32, #tpu.memory_space<vmem>>) offsets(%dma_start3A_408 : memref<80xi32, #tpu.memory_space<vmem>>) semaphore(%arg14 : memref<!tpu.dma_semaphore, #tpu.memory_space<semaphore_mem>>)
      %mul3A_412 = arith.constant 5 : i32
      %mul3A_413 = arith.muli %scan3A_324, %mul3A_412 : i32
      %add3A_414 = arith.constant 3 : i32
      %add3A_415 = arith.addi %mul3A_413, %add3A_414 : i32
      %dma_wait3A_416 = arith.constant 3 : i32
      %dma_wait3A_417 = arith.constant 0 : i32
      %dma_wait3A_418 = arith.constant 0 : i32
      %dma_wait3A_419 = tpu.memref_slice %arg10[%dma_wait3A_416, %dma_wait3A_417, %dma_wait3A_418] : memref<5x80x64xf32, #tpu.memory_space<vmem>> -> memref<1x80x64xf32, #tpu.memory_space<vmem>>
      %dma_wait3A_420 = tpu.memref_squeeze %dma_wait3A_419 : memref<1x80x64xf32, #tpu.memory_space<vmem>> -> memref<80x64xf32, #tpu.memory_space<vmem>>
      %dma_wait3A_421 = arith.constant 0 : i32
      %dma_wait3A_422 = tpu.memref_slice %arg8[%add3A_415, %dma_wait3A_421] : memref<125x80xi32, #tpu.memory_space<vmem>> -> memref<1x80xi32, #tpu.memory_space<vmem>>
      %dma_wait3A_423 = tpu.memref_squeeze %dma_wait3A_422 : memref<1x80xi32, #tpu.memory_space<vmem>> -> memref<80xi32, #tpu.memory_space<vmem>>
      %dma_wait3A_424 = arith.constant 0 : i32
      %dma_wait3A_425 = arith.constant 0 : i32
      %dma_wait3A_426 = tpu.memref_slice %arg2[%dma_wait3A_424, %dma_wait3A_425] : memref<20000x64xf32, #tpu.memory_space<hbm>> -> memref<20000x64xf32, #tpu.memory_space<hbm>>
      tpu.wait_indirect_dma semaphore(%arg15 : memref<!tpu.dma_semaphore, #tpu.memory_space<semaphore_mem>>) src(%dma_wait3A_426 : memref<20000x64xf32, #tpu.memory_space<hbm>>) dst(%dma_wait3A_420 : memref<80x64xf32, #tpu.memory_space<vmem>>)
      %run_scoped3A_427 = arith.constant 3 : i32
      "tpu.region"() ({
        %run_scoped3A_470 = tpu.sem_alloc : memref<!tpu.dma_semaphore, #tpu.memory_space<semaphore_mem>>
        %dma_start3A_471 = arith.constant 0 : i32
        %dma_start3A_472 = arith.constant 0 : i32
        %dma_start3A_473 = tpu.memref_slice %arg10[%run_scoped3A_427, %dma_start3A_471, %dma_start3A_472] : memref<5x80x64xf32, #tpu.memory_space<vmem>> -> memref<1x80x64xf32, #tpu.memory_space<vmem>>
        %dma_start3A_474 = tpu.memref_squeeze %dma_start3A_473 : memref<1x80x64xf32, #tpu.memory_space<vmem>> -> memref<80x64xf32, #tpu.memory_space<vmem>>
        %dma_start3A_475 = arith.constant 0 : i32
        %dma_start3A_476 = tpu.memref_slice %arg9[%add3A_415, %dma_start3A_475] : memref<125x80xi32, #tpu.memory_space<vmem>> -> memref<1x80xi32, #tpu.memory_space<vmem>>
        %dma_start3A_477 = tpu.memref_squeeze %dma_start3A_476 : memref<1x80xi32, #tpu.memory_space<vmem>> -> memref<80xi32, #tpu.memory_space<vmem>>
        %dma_start3A_478 = arith.constant 0 : i32
        %dma_start3A_479 = arith.constant 0 : i32
        %dma_start3A_480 = tpu.memref_slice %arg11[%dma_start3A_478, %dma_start3A_479] : memref<10000x64xf32, #tpu.memory_space<vmem_shared>> -> memref<10000x64xf32, #tpu.memory_space<vmem_shared>>
        tpu.enqueue_indirect_dma source(%dma_start3A_474 : memref<80x64xf32, #tpu.memory_space<vmem>>) target(%dma_start3A_480 : memref<10000x64xf32, #tpu.memory_space<vmem_shared>>) offsets(%dma_start3A_477 : memref<80xi32, #tpu.memory_space<vmem>>) semaphore(%run_scoped3A_470 : memref<!tpu.dma_semaphore, #tpu.memory_space<semaphore_mem>>) {add = true}
        %dma_wait3A_481 = arith.constant 0 : i32
        %dma_wait3A_482 = arith.constant 0 : i32
        %dma_wait3A_483 = tpu.memref_slice %arg10[%run_scoped3A_427, %dma_wait3A_481, %dma_wait3A_482] : memref<5x80x64xf32, #tpu.memory_space<vmem>> -> memref<1x80x64xf32, #tpu.memory_space<vmem>>
        %dma_wait3A_484 = tpu.memref_squeeze %dma_wait3A_483 : memref<1x80x64xf32, #tpu.memory_space<vmem>> -> memref<80x64xf32, #tpu.memory_space<vmem>>
        %dma_wait3A_485 = arith.constant 0 : i32
        %dma_wait3A_486 = tpu.memref_slice %arg9[%add3A_415, %dma_wait3A_485] : memref<125x80xi32, #tpu.memory_space<vmem>> -> memref<1x80xi32, #tpu.memory_space<vmem>>
        %dma_wait3A_487 = tpu.memref_squeeze %dma_wait3A_486 : memref<1x80xi32, #tpu.memory_space<vmem>> -> memref<80xi32, #tpu.memory_space<vmem>>
        %dma_wait3A_488 = arith.constant 0 : i32
        %dma_wait3A_489 = arith.constant 0 : i32
        %dma_wait3A_490 = tpu.memref_slice %arg11[%dma_wait3A_488, %dma_wait3A_489] : memref<10000x64xf32, #tpu.memory_space<vmem_shared>> -> memref<10000x64xf32, #tpu.memory_space<vmem_shared>>
        tpu.wait_indirect_dma semaphore(%run_scoped3A_470 : memref<!tpu.dma_semaphore, #tpu.memory_space<semaphore_mem>>) src(%dma_wait3A_484 : memref<80x64xf32, #tpu.memory_space<vmem>>) dst(%dma_wait3A_490 : memref<10000x64xf32, #tpu.memory_space<vmem_shared>>)
        tpu.yield
      }) : () -> ()
      %add3A_428 = arith.constant 5 : i32
      %add3A_429 = arith.addi %add3A_415, %add3A_428 : i32
      %dma_start3A_430 = arith.constant 3 : i32
      %dma_start3A_431 = arith.constant 0 : i32
      %dma_start3A_432 = arith.constant 0 : i32
      %dma_start3A_433 = tpu.memref_slice %arg10[%dma_start3A_430, %dma_start3A_431, %dma_start3A_432] : memref<5x80x64xf32, #tpu.memory_space<vmem>> -> memref<1x80x64xf32, #tpu.memory_space<vmem>>
      %dma_start3A_434 = tpu.memref_squeeze %dma_start3A_433 : memref<1x80x64xf32, #tpu.memory_space<vmem>> -> memref<80x64xf32, #tpu.memory_space<vmem>>
      %dma_start3A_435 = arith.constant 0 : i32
      %dma_start3A_436 = tpu.memref_slice %arg8[%add3A_429, %dma_start3A_435] : memref<125x80xi32, #tpu.memory_space<vmem>> -> memref<1x80xi32, #tpu.memory_space<vmem>>
      %dma_start3A_437 = tpu.memref_squeeze %dma_start3A_436 : memref<1x80xi32, #tpu.memory_space<vmem>> -> memref<80xi32, #tpu.memory_space<vmem>>
      %dma_start3A_438 = arith.constant 0 : i32
      %dma_start3A_439 = arith.constant 0 : i32
      %dma_start3A_440 = tpu.memref_slice %arg2[%dma_start3A_438, %dma_start3A_439] : memref<20000x64xf32, #tpu.memory_space<hbm>> -> memref<20000x64xf32, #tpu.memory_space<hbm>>
      tpu.enqueue_indirect_dma source(%dma_start3A_440 : memref<20000x64xf32, #tpu.memory_space<hbm>>) target(%dma_start3A_434 : memref<80x64xf32, #tpu.memory_space<vmem>>) offsets(%dma_start3A_437 : memref<80xi32, #tpu.memory_space<vmem>>) semaphore(%arg15 : memref<!tpu.dma_semaphore, #tpu.memory_space<semaphore_mem>>)
      %mul3A_441 = arith.constant 5 : i32
      %mul3A_442 = arith.muli %scan3A_324, %mul3A_441 : i32
      %add3A_443 = arith.constant 4 : i32
      %add3A_444 = arith.addi %mul3A_442, %add3A_443 : i32
      %dma_wait3A_445 = arith.constant 4 : i32
      %dma_wait3A_446 = arith.constant 0 : i32
      %dma_wait3A_447 = arith.constant 0 : i32
      %dma_wait3A_448 = tpu.memref_slice %arg10[%dma_wait3A_445, %dma_wait3A_446, %dma_wait3A_447] : memref<5x80x64xf32, #tpu.memory_space<vmem>> -> memref<1x80x64xf32, #tpu.memory_space<vmem>>
      %dma_wait3A_449 = tpu.memref_squeeze %dma_wait3A_448 : memref<1x80x64xf32, #tpu.memory_space<vmem>> -> memref<80x64xf32, #tpu.memory_space<vmem>>
      %dma_wait3A_450 = arith.constant 0 : i32
      %dma_wait3A_451 = tpu.memref_slice %arg8[%add3A_444, %dma_wait3A_450] : memref<125x80xi32, #tpu.memory_space<vmem>> -> memref<1x80xi32, #tpu.memory_space<vmem>>
      %dma_wait3A_452 = tpu.memref_squeeze %dma_wait3A_451 : memref<1x80xi32, #tpu.memory_space<vmem>> -> memref<80xi32, #tpu.memory_space<vmem>>
      %dma_wait3A_453 = arith.constant 0 : i32
      %dma_wait3A_454 = arith.constant 0 : i32
      %dma_wait3A_455 = tpu.memref_slice %arg2[%dma_wait3A_453, %dma_wait3A_454] : memref<20000x64xf32, #tpu.memory_space<hbm>> -> memref<20000x64xf32, #tpu.memory_space<hbm>>
      tpu.wait_indirect_dma semaphore(%arg16 : memref<!tpu.dma_semaphore, #tpu.memory_space<semaphore_mem>>) src(%dma_wait3A_455 : memref<20000x64xf32, #tpu.memory_space<hbm>>) dst(%dma_wait3A_449 : memref<80x64xf32, #tpu.memory_space<vmem>>)
      %run_scoped3A_456 = arith.constant 4 : i32
      "tpu.region"() ({
        %run_scoped3A_470 = tpu.sem_alloc : memref<!tpu.dma_semaphore, #tpu.memory_space<semaphore_mem>>
        %dma_start3A_471 = arith.constant 0 : i32
        %dma_start3A_472 = arith.constant 0 : i32
        %dma_start3A_473 = tpu.memref_slice %arg10[%run_scoped3A_456, %dma_start3A_471, %dma_start3A_472] : memref<5x80x64xf32, #tpu.memory_space<vmem>> -> memref<1x80x64xf32, #tpu.memory_space<vmem>>
        %dma_start3A_474 = tpu.memref_squeeze %dma_start3A_473 : memref<1x80x64xf32, #tpu.memory_space<vmem>> -> memref<80x64xf32, #tpu.memory_space<vmem>>
        %dma_start3A_475 = arith.constant 0 : i32
        %dma_start3A_476 = tpu.memref_slice %arg9[%add3A_444, %dma_start3A_475] : memref<125x80xi32, #tpu.memory_space<vmem>> -> memref<1x80xi32, #tpu.memory_space<vmem>>
        %dma_start3A_477 = tpu.memref_squeeze %dma_start3A_476 : memref<1x80xi32, #tpu.memory_space<vmem>> -> memref<80xi32, #tpu.memory_space<vmem>>
        %dma_start3A_478 = arith.constant 0 : i32
        %dma_start3A_479 = arith.constant 0 : i32
        %dma_start3A_480 = tpu.memref_slice %arg11[%dma_start3A_478, %dma_start3A_479] : memref<10000x64xf32, #tpu.memory_space<vmem_shared>> -> memref<10000x64xf32, #tpu.memory_space<vmem_shared>>
        tpu.enqueue_indirect_dma source(%dma_start3A_474 : memref<80x64xf32, #tpu.memory_space<vmem>>) target(%dma_start3A_480 : memref<10000x64xf32, #tpu.memory_space<vmem_shared>>) offsets(%dma_start3A_477 : memref<80xi32, #tpu.memory_space<vmem>>) semaphore(%run_scoped3A_470 : memref<!tpu.dma_semaphore, #tpu.memory_space<semaphore_mem>>) {add = true}
        %dma_wait3A_481 = arith.constant 0 : i32
        %dma_wait3A_482 = arith.constant 0 : i32
        %dma_wait3A_483 = tpu.memref_slice %arg10[%run_scoped3A_456, %dma_wait3A_481, %dma_wait3A_482] : memref<5x80x64xf32, #tpu.memory_space<vmem>> -> memref<1x80x64xf32, #tpu.memory_space<vmem>>
        %dma_wait3A_484 = tpu.memref_squeeze %dma_wait3A_483 : memref<1x80x64xf32, #tpu.memory_space<vmem>> -> memref<80x64xf32, #tpu.memory_space<vmem>>
        %dma_wait3A_485 = arith.constant 0 : i32
        %dma_wait3A_486 = tpu.memref_slice %arg9[%add3A_444, %dma_wait3A_485] : memref<125x80xi32, #tpu.memory_space<vmem>> -> memref<1x80xi32, #tpu.memory_space<vmem>>
        %dma_wait3A_487 = tpu.memref_squeeze %dma_wait3A_486 : memref<1x80xi32, #tpu.memory_space<vmem>> -> memref<80xi32, #tpu.memory_space<vmem>>
        %dma_wait3A_488 = arith.constant 0 : i32
        %dma_wait3A_489 = arith.constant 0 : i32
        %dma_wait3A_490 = tpu.memref_slice %arg11[%dma_wait3A_488, %dma_wait3A_489] : memref<10000x64xf32, #tpu.memory_space<vmem_shared>> -> memref<10000x64xf32, #tpu.memory_space<vmem_shared>>
        tpu.wait_indirect_dma semaphore(%run_scoped3A_470 : memref<!tpu.dma_semaphore, #tpu.memory_space<semaphore_mem>>) src(%dma_wait3A_484 : memref<80x64xf32, #tpu.memory_space<vmem>>) dst(%dma_wait3A_490 : memref<10000x64xf32, #tpu.memory_space<vmem_shared>>)
        tpu.yield
      }) : () -> ()
      %add3A_457 = arith.constant 5 : i32
      %add3A_458 = arith.addi %add3A_444, %add3A_457 : i32
      %dma_start3A_459 = arith.constant 4 : i32
      %dma_start3A_460 = arith.constant 0 : i32
      %dma_start3A_461 = arith.constant 0 : i32
      %dma_start3A_462 = tpu.memref_slice %arg10[%dma_start3A_459, %dma_start3A_460, %dma_start3A_461] : memref<5x80x64xf32, #tpu.memory_space<vmem>> -> memref<1x80x64xf32, #tpu.memory_space<vmem>>
      %dma_start3A_463 = tpu.memref_squeeze %dma_start3A_462 : memref<1x80x64xf32, #tpu.memory_space<vmem>> -> memref<80x64xf32, #tpu.memory_space<vmem>>
      %dma_start3A_464 = arith.constant 0 : i32
      %dma_start3A_465 = tpu.memref_slice %arg8[%add3A_458, %dma_start3A_464] : memref<125x80xi32, #tpu.memory_space<vmem>> -> memref<1x80xi32, #tpu.memory_space<vmem>>
      %dma_start3A_466 = tpu.memref_squeeze %dma_start3A_465 : memref<1x80xi32, #tpu.memory_space<vmem>> -> memref<80xi32, #tpu.memory_space<vmem>>
      %dma_start3A_467 = arith.constant 0 : i32
      %dma_start3A_468 = arith.constant 0 : i32
      %dma_start3A_469 = tpu.memref_slice %arg2[%dma_start3A_467, %dma_start3A_468] : memref<20000x64xf32, #tpu.memory_space<hbm>> -> memref<20000x64xf32, #tpu.memory_space<hbm>>
      tpu.enqueue_indirect_dma source(%dma_start3A_469 : memref<20000x64xf32, #tpu.memory_space<hbm>>) target(%dma_start3A_463 : memref<80x64xf32, #tpu.memory_space<vmem>>) offsets(%dma_start3A_466 : memref<80xi32, #tpu.memory_space<vmem>>) semaphore(%arg16 : memref<!tpu.dma_semaphore, #tpu.memory_space<semaphore_mem>>)
    }
    %scan3A_240 = arith.constant 24 : i32
    %dma_wait3A_241 = arith.constant 120 : i32
    %dma_wait3A_242 = arith.constant 0 : i32
    %dma_wait3A_243 = arith.constant 0 : i32
    %dma_wait3A_244 = arith.constant 0 : i32
    %dma_wait3A_245 = tpu.memref_slice %arg10[%dma_wait3A_242, %dma_wait3A_243, %dma_wait3A_244] : memref<5x80x64xf32, #tpu.memory_space<vmem>> -> memref<1x80x64xf32, #tpu.memory_space<vmem>>
    %dma_wait3A_246 = tpu.memref_squeeze %dma_wait3A_245 : memref<1x80x64xf32, #tpu.memory_space<vmem>> -> memref<80x64xf32, #tpu.memory_space<vmem>>
    %dma_wait3A_247 = arith.constant 0 : i32
    %dma_wait3A_248 = tpu.memref_slice %arg8[%dma_wait3A_241, %dma_wait3A_247] : memref<125x80xi32, #tpu.memory_space<vmem>> -> memref<1x80xi32, #tpu.memory_space<vmem>>
    %dma_wait3A_249 = tpu.memref_squeeze %dma_wait3A_248 : memref<1x80xi32, #tpu.memory_space<vmem>> -> memref<80xi32, #tpu.memory_space<vmem>>
    %dma_wait3A_250 = arith.constant 0 : i32
    %dma_wait3A_251 = arith.constant 0 : i32
    %dma_wait3A_252 = tpu.memref_slice %arg2[%dma_wait3A_250, %dma_wait3A_251] : memref<20000x64xf32, #tpu.memory_space<hbm>> -> memref<20000x64xf32, #tpu.memory_space<hbm>>
    tpu.wait_indirect_dma semaphore(%arg12 : memref<!tpu.dma_semaphore, #tpu.memory_space<semaphore_mem>>) src(%dma_wait3A_252 : memref<20000x64xf32, #tpu.memory_space<hbm>>) dst(%dma_wait3A_246 : memref<80x64xf32, #tpu.memory_space<vmem>>)
    %run_scoped3A_253 = arith.constant 0 : i32
    %run_scoped3A_254 = arith.constant 120 : i32
    "tpu.region"() ({
      %run_scoped3A_324 = tpu.sem_alloc : memref<!tpu.dma_semaphore, #tpu.memory_space<semaphore_mem>>
      %dma_start3A_325 = arith.constant 0 : i32
      %dma_start3A_326 = arith.constant 0 : i32
      %dma_start3A_327 = tpu.memref_slice %arg10[%run_scoped3A_253, %dma_start3A_325, %dma_start3A_326] : memref<5x80x64xf32, #tpu.memory_space<vmem>> -> memref<1x80x64xf32, #tpu.memory_space<vmem>>
      %dma_start3A_328 = tpu.memref_squeeze %dma_start3A_327 : memref<1x80x64xf32, #tpu.memory_space<vmem>> -> memref<80x64xf32, #tpu.memory_space<vmem>>
      %dma_start3A_329 = arith.constant 0 : i32
      %dma_start3A_330 = tpu.memref_slice %arg9[%run_scoped3A_254, %dma_start3A_329] : memref<125x80xi32, #tpu.memory_space<vmem>> -> memref<1x80xi32, #tpu.memory_space<vmem>>
      %dma_start3A_331 = tpu.memref_squeeze %dma_start3A_330 : memref<1x80xi32, #tpu.memory_space<vmem>> -> memref<80xi32, #tpu.memory_space<vmem>>
      %dma_start3A_332 = arith.constant 0 : i32
      %dma_start3A_333 = arith.constant 0 : i32
      %dma_start3A_334 = tpu.memref_slice %arg11[%dma_start3A_332, %dma_start3A_333] : memref<10000x64xf32, #tpu.memory_space<vmem_shared>> -> memref<10000x64xf32, #tpu.memory_space<vmem_shared>>
      tpu.enqueue_indirect_dma source(%dma_start3A_328 : memref<80x64xf32, #tpu.memory_space<vmem>>) target(%dma_start3A_334 : memref<10000x64xf32, #tpu.memory_space<vmem_shared>>) offsets(%dma_start3A_331 : memref<80xi32, #tpu.memory_space<vmem>>) semaphore(%run_scoped3A_324 : memref<!tpu.dma_semaphore, #tpu.memory_space<semaphore_mem>>) {add = true}
      %dma_wait3A_335 = arith.constant 0 : i32
      %dma_wait3A_336 = arith.constant 0 : i32
      %dma_wait3A_337 = tpu.memref_slice %arg10[%run_scoped3A_253, %dma_wait3A_335, %dma_wait3A_336] : memref<5x80x64xf32, #tpu.memory_space<vmem>> -> memref<1x80x64xf32, #tpu.memory_space<vmem>>
      %dma_wait3A_338 = tpu.memref_squeeze %dma_wait3A_337 : memref<1x80x64xf32, #tpu.memory_space<vmem>> -> memref<80x64xf32, #tpu.memory_space<vmem>>
      %dma_wait3A_339 = arith.constant 0 : i32
      %dma_wait3A_340 = tpu.memref_slice %arg9[%run_scoped3A_254, %dma_wait3A_339] : memref<125x80xi32, #tpu.memory_space<vmem>> -> memref<1x80xi32, #tpu.memory_space<vmem>>
      %dma_wait3A_341 = tpu.memref_squeeze %dma_wait3A_340 : memref<1x80xi32, #tpu.memory_space<vmem>> -> memref<80xi32, #tpu.memory_space<vmem>>
      %dma_wait3A_342 = arith.constant 0 : i32
      %dma_wait3A_343 = arith.constant 0 : i32
      %dma_wait3A_344 = tpu.memref_slice %arg11[%dma_wait3A_342, %dma_wait3A_343] : memref<10000x64xf32, #tpu.memory_space<vmem_shared>> -> memref<10000x64xf32, #tpu.memory_space<vmem_shared>>
      tpu.wait_indirect_dma semaphore(%run_scoped3A_324 : memref<!tpu.dma_semaphore, #tpu.memory_space<semaphore_mem>>) src(%dma_wait3A_338 : memref<80x64xf32, #tpu.memory_space<vmem>>) dst(%dma_wait3A_344 : memref<10000x64xf32, #tpu.memory_space<vmem_shared>>)
      tpu.yield
    }) : () -> ()
    %dma_wait3A_255 = arith.constant 121 : i32
    %dma_wait3A_256 = arith.constant 1 : i32
    %dma_wait3A_257 = arith.constant 0 : i32
    %dma_wait3A_258 = arith.constant 0 : i32
    %dma_wait3A_259 = tpu.memref_slice %arg10[%dma_wait3A_256, %dma_wait3A_257, %dma_wait3A_258] : memref<5x80x64xf32, #tpu.memory_space<vmem>> -> memref<1x80x64xf32, #tpu.memory_space<vmem>>
    %dma_wait3A_260 = tpu.memref_squeeze %dma_wait3A_259 : memref<1x80x64xf32, #tpu.memory_space<vmem>> -> memref<80x64xf32, #tpu.memory_space<vmem>>
    %dma_wait3A_261 = arith.constant 0 : i32
    %dma_wait3A_262 = tpu.memref_slice %arg8[%dma_wait3A_255, %dma_wait3A_261] : memref<125x80xi32, #tpu.memory_space<vmem>> -> memref<1x80xi32, #tpu.memory_space<vmem>>
    %dma_wait3A_263 = tpu.memref_squeeze %dma_wait3A_262 : memref<1x80xi32, #tpu.memory_space<vmem>> -> memref<80xi32, #tpu.memory_space<vmem>>
    %dma_wait3A_264 = arith.constant 0 : i32
    %dma_wait3A_265 = arith.constant 0 : i32
    %dma_wait3A_266 = tpu.memref_slice %arg2[%dma_wait3A_264, %dma_wait3A_265] : memref<20000x64xf32, #tpu.memory_space<hbm>> -> memref<20000x64xf32, #tpu.memory_space<hbm>>
    tpu.wait_indirect_dma semaphore(%arg13 : memref<!tpu.dma_semaphore, #tpu.memory_space<semaphore_mem>>) src(%dma_wait3A_266 : memref<20000x64xf32, #tpu.memory_space<hbm>>) dst(%dma_wait3A_260 : memref<80x64xf32, #tpu.memory_space<vmem>>)
    %run_scoped3A_267 = arith.constant 1 : i32
    %run_scoped3A_268 = arith.constant 121 : i32
    "tpu.region"() ({
      %run_scoped3A_324 = tpu.sem_alloc : memref<!tpu.dma_semaphore, #tpu.memory_space<semaphore_mem>>
      %dma_start3A_325 = arith.constant 0 : i32
      %dma_start3A_326 = arith.constant 0 : i32
      %dma_start3A_327 = tpu.memref_slice %arg10[%run_scoped3A_267, %dma_start3A_325, %dma_start3A_326] : memref<5x80x64xf32, #tpu.memory_space<vmem>> -> memref<1x80x64xf32, #tpu.memory_space<vmem>>
      %dma_start3A_328 = tpu.memref_squeeze %dma_start3A_327 : memref<1x80x64xf32, #tpu.memory_space<vmem>> -> memref<80x64xf32, #tpu.memory_space<vmem>>
      %dma_start3A_329 = arith.constant 0 : i32
      %dma_start3A_330 = tpu.memref_slice %arg9[%run_scoped3A_268, %dma_start3A_329] : memref<125x80xi32, #tpu.memory_space<vmem>> -> memref<1x80xi32, #tpu.memory_space<vmem>>
      %dma_start3A_331 = tpu.memref_squeeze %dma_start3A_330 : memref<1x80xi32, #tpu.memory_space<vmem>> -> memref<80xi32, #tpu.memory_space<vmem>>
      %dma_start3A_332 = arith.constant 0 : i32
      %dma_start3A_333 = arith.constant 0 : i32
      %dma_start3A_334 = tpu.memref_slice %arg11[%dma_start3A_332, %dma_start3A_333] : memref<10000x64xf32, #tpu.memory_space<vmem_shared>> -> memref<10000x64xf32, #tpu.memory_space<vmem_shared>>
      tpu.enqueue_indirect_dma source(%dma_start3A_328 : memref<80x64xf32, #tpu.memory_space<vmem>>) target(%dma_start3A_334 : memref<10000x64xf32, #tpu.memory_space<vmem_shared>>) offsets(%dma_start3A_331 : memref<80xi32, #tpu.memory_space<vmem>>) semaphore(%run_scoped3A_324 : memref<!tpu.dma_semaphore, #tpu.memory_space<semaphore_mem>>) {add = true}
      %dma_wait3A_335 = arith.constant 0 : i32
      %dma_wait3A_336 = arith.constant 0 : i32
      %dma_wait3A_337 = tpu.memref_slice %arg10[%run_scoped3A_267, %dma_wait3A_335, %dma_wait3A_336] : memref<5x80x64xf32, #tpu.memory_space<vmem>> -> memref<1x80x64xf32, #tpu.memory_space<vmem>>
      %dma_wait3A_338 = tpu.memref_squeeze %dma_wait3A_337 : memref<1x80x64xf32, #tpu.memory_space<vmem>> -> memref<80x64xf32, #tpu.memory_space<vmem>>
      %dma_wait3A_339 = arith.constant 0 : i32
      %dma_wait3A_340 = tpu.memref_slice %arg9[%run_scoped3A_268, %dma_wait3A_339] : memref<125x80xi32, #tpu.memory_space<vmem>> -> memref<1x80xi32, #tpu.memory_space<vmem>>
      %dma_wait3A_341 = tpu.memref_squeeze %dma_wait3A_340 : memref<1x80xi32, #tpu.memory_space<vmem>> -> memref<80xi32, #tpu.memory_space<vmem>>
      %dma_wait3A_342 = arith.constant 0 : i32
      %dma_wait3A_343 = arith.constant 0 : i32
      %dma_wait3A_344 = tpu.memref_slice %arg11[%dma_wait3A_342, %dma_wait3A_343] : memref<10000x64xf32, #tpu.memory_space<vmem_shared>> -> memref<10000x64xf32, #tpu.memory_space<vmem_shared>>
      tpu.wait_indirect_dma semaphore(%run_scoped3A_324 : memref<!tpu.dma_semaphore, #tpu.memory_space<semaphore_mem>>) src(%dma_wait3A_338 : memref<80x64xf32, #tpu.memory_space<vmem>>) dst(%dma_wait3A_344 : memref<10000x64xf32, #tpu.memory_space<vmem_shared>>)
      tpu.yield
    }) : () -> ()
    %dma_wait3A_269 = arith.constant 122 : i32
    %dma_wait3A_270 = arith.constant 2 : i32
    %dma_wait3A_271 = arith.constant 0 : i32
    %dma_wait3A_272 = arith.constant 0 : i32
    %dma_wait3A_273 = tpu.memref_slice %arg10[%dma_wait3A_270, %dma_wait3A_271, %dma_wait3A_272] : memref<5x80x64xf32, #tpu.memory_space<vmem>> -> memref<1x80x64xf32, #tpu.memory_space<vmem>>
    %dma_wait3A_274 = tpu.memref_squeeze %dma_wait3A_273 : memref<1x80x64xf32, #tpu.memory_space<vmem>> -> memref<80x64xf32, #tpu.memory_space<vmem>>
    %dma_wait3A_275 = arith.constant 0 : i32
    %dma_wait3A_276 = tpu.memref_slice %arg8[%dma_wait3A_269, %dma_wait3A_275] : memref<125x80xi32, #tpu.memory_space<vmem>> -> memref<1x80xi32, #tpu.memory_space<vmem>>
    %dma_wait3A_277 = tpu.memref_squeeze %dma_wait3A_276 : memref<1x80xi32, #tpu.memory_space<vmem>> -> memref<80xi32, #tpu.memory_space<vmem>>
    %dma_wait3A_278 = arith.constant 0 : i32
    %dma_wait3A_279 = arith.constant 0 : i32
    %dma_wait3A_280 = tpu.memref_slice %arg2[%dma_wait3A_278, %dma_wait3A_279] : memref<20000x64xf32, #tpu.memory_space<hbm>> -> memref<20000x64xf32, #tpu.memory_space<hbm>>
    tpu.wait_indirect_dma semaphore(%arg14 : memref<!tpu.dma_semaphore, #tpu.memory_space<semaphore_mem>>) src(%dma_wait3A_280 : memref<20000x64xf32, #tpu.memory_space<hbm>>) dst(%dma_wait3A_274 : memref<80x64xf32, #tpu.memory_space<vmem>>)
    %run_scoped3A_281 = arith.constant 2 : i32
    %run_scoped3A_282 = arith.constant 122 : i32
    "tpu.region"() ({
      %run_scoped3A_324 = tpu.sem_alloc : memref<!tpu.dma_semaphore, #tpu.memory_space<semaphore_mem>>
      %dma_start3A_325 = arith.constant 0 : i32
      %dma_start3A_326 = arith.constant 0 : i32
      %dma_start3A_327 = tpu.memref_slice %arg10[%run_scoped3A_281, %dma_start3A_325, %dma_start3A_326] : memref<5x80x64xf32, #tpu.memory_space<vmem>> -> memref<1x80x64xf32, #tpu.memory_space<vmem>>
      %dma_start3A_328 = tpu.memref_squeeze %dma_start3A_327 : memref<1x80x64xf32, #tpu.memory_space<vmem>> -> memref<80x64xf32, #tpu.memory_space<vmem>>
      %dma_start3A_329 = arith.constant 0 : i32
      %dma_start3A_330 = tpu.memref_slice %arg9[%run_scoped3A_282, %dma_start3A_329] : memref<125x80xi32, #tpu.memory_space<vmem>> -> memref<1x80xi32, #tpu.memory_space<vmem>>
      %dma_start3A_331 = tpu.memref_squeeze %dma_start3A_330 : memref<1x80xi32, #tpu.memory_space<vmem>> -> memref<80xi32, #tpu.memory_space<vmem>>
      %dma_start3A_332 = arith.constant 0 : i32
      %dma_start3A_333 = arith.constant 0 : i32
      %dma_start3A_334 = tpu.memref_slice %arg11[%dma_start3A_332, %dma_start3A_333] : memref<10000x64xf32, #tpu.memory_space<vmem_shared>> -> memref<10000x64xf32, #tpu.memory_space<vmem_shared>>
      tpu.enqueue_indirect_dma source(%dma_start3A_328 : memref<80x64xf32, #tpu.memory_space<vmem>>) target(%dma_start3A_334 : memref<10000x64xf32, #tpu.memory_space<vmem_shared>>) offsets(%dma_start3A_331 : memref<80xi32, #tpu.memory_space<vmem>>) semaphore(%run_scoped3A_324 : memref<!tpu.dma_semaphore, #tpu.memory_space<semaphore_mem>>) {add = true}
      %dma_wait3A_335 = arith.constant 0 : i32
      %dma_wait3A_336 = arith.constant 0 : i32
      %dma_wait3A_337 = tpu.memref_slice %arg10[%run_scoped3A_281, %dma_wait3A_335, %dma_wait3A_336] : memref<5x80x64xf32, #tpu.memory_space<vmem>> -> memref<1x80x64xf32, #tpu.memory_space<vmem>>
      %dma_wait3A_338 = tpu.memref_squeeze %dma_wait3A_337 : memref<1x80x64xf32, #tpu.memory_space<vmem>> -> memref<80x64xf32, #tpu.memory_space<vmem>>
      %dma_wait3A_339 = arith.constant 0 : i32
      %dma_wait3A_340 = tpu.memref_slice %arg9[%run_scoped3A_282, %dma_wait3A_339] : memref<125x80xi32, #tpu.memory_space<vmem>> -> memref<1x80xi32, #tpu.memory_space<vmem>>
      %dma_wait3A_341 = tpu.memref_squeeze %dma_wait3A_340 : memref<1x80xi32, #tpu.memory_space<vmem>> -> memref<80xi32, #tpu.memory_space<vmem>>
      %dma_wait3A_342 = arith.constant 0 : i32
      %dma_wait3A_343 = arith.constant 0 : i32
      %dma_wait3A_344 = tpu.memref_slice %arg11[%dma_wait3A_342, %dma_wait3A_343] : memref<10000x64xf32, #tpu.memory_space<vmem_shared>> -> memref<10000x64xf32, #tpu.memory_space<vmem_shared>>
      tpu.wait_indirect_dma semaphore(%run_scoped3A_324 : memref<!tpu.dma_semaphore, #tpu.memory_space<semaphore_mem>>) src(%dma_wait3A_338 : memref<80x64xf32, #tpu.memory_space<vmem>>) dst(%dma_wait3A_344 : memref<10000x64xf32, #tpu.memory_space<vmem_shared>>)
      tpu.yield
    }) : () -> ()
    %dma_wait3A_283 = arith.constant 123 : i32
    %dma_wait3A_284 = arith.constant 3 : i32
    %dma_wait3A_285 = arith.constant 0 : i32
    %dma_wait3A_286 = arith.constant 0 : i32
    %dma_wait3A_287 = tpu.memref_slice %arg10[%dma_wait3A_284, %dma_wait3A_285, %dma_wait3A_286] : memref<5x80x64xf32, #tpu.memory_space<vmem>> -> memref<1x80x64xf32, #tpu.memory_space<vmem>>
    %dma_wait3A_288 = tpu.memref_squeeze %dma_wait3A_287 : memref<1x80x64xf32, #tpu.memory_space<vmem>> -> memref<80x64xf32, #tpu.memory_space<vmem>>
    %dma_wait3A_289 = arith.constant 0 : i32
    %dma_wait3A_290 = tpu.memref_slice %arg8[%dma_wait3A_283, %dma_wait3A_289] : memref<125x80xi32, #tpu.memory_space<vmem>> -> memref<1x80xi32, #tpu.memory_space<vmem>>
    %dma_wait3A_291 = tpu.memref_squeeze %dma_wait3A_290 : memref<1x80xi32, #tpu.memory_space<vmem>> -> memref<80xi32, #tpu.memory_space<vmem>>
    %dma_wait3A_292 = arith.constant 0 : i32
    %dma_wait3A_293 = arith.constant 0 : i32
    %dma_wait3A_294 = tpu.memref_slice %arg2[%dma_wait3A_292, %dma_wait3A_293] : memref<20000x64xf32, #tpu.memory_space<hbm>> -> memref<20000x64xf32, #tpu.memory_space<hbm>>
    tpu.wait_indirect_dma semaphore(%arg15 : memref<!tpu.dma_semaphore, #tpu.memory_space<semaphore_mem>>) src(%dma_wait3A_294 : memref<20000x64xf32, #tpu.memory_space<hbm>>) dst(%dma_wait3A_288 : memref<80x64xf32, #tpu.memory_space<vmem>>)
    %run_scoped3A_295 = arith.constant 3 : i32
    %run_scoped3A_296 = arith.constant 123 : i32
    "tpu.region"() ({
      %run_scoped3A_324 = tpu.sem_alloc : memref<!tpu.dma_semaphore, #tpu.memory_space<semaphore_mem>>
      %dma_start3A_325 = arith.constant 0 : i32
      %dma_start3A_326 = arith.constant 0 : i32
      %dma_start3A_327 = tpu.memref_slice %arg10[%run_scoped3A_295, %dma_start3A_325, %dma_start3A_326] : memref<5x80x64xf32, #tpu.memory_space<vmem>> -> memref<1x80x64xf32, #tpu.memory_space<vmem>>
      %dma_start3A_328 = tpu.memref_squeeze %dma_start3A_327 : memref<1x80x64xf32, #tpu.memory_space<vmem>> -> memref<80x64xf32, #tpu.memory_space<vmem>>
      %dma_start3A_329 = arith.constant 0 : i32
      %dma_start3A_330 = tpu.memref_slice %arg9[%run_scoped3A_296, %dma_start3A_329] : memref<125x80xi32, #tpu.memory_space<vmem>> -> memref<1x80xi32, #tpu.memory_space<vmem>>
      %dma_start3A_331 = tpu.memref_squeeze %dma_start3A_330 : memref<1x80xi32, #tpu.memory_space<vmem>> -> memref<80xi32, #tpu.memory_space<vmem>>
      %dma_start3A_332 = arith.constant 0 : i32
      %dma_start3A_333 = arith.constant 0 : i32
      %dma_start3A_334 = tpu.memref_slice %arg11[%dma_start3A_332, %dma_start3A_333] : memref<10000x64xf32, #tpu.memory_space<vmem_shared>> -> memref<10000x64xf32, #tpu.memory_space<vmem_shared>>
      tpu.enqueue_indirect_dma source(%dma_start3A_328 : memref<80x64xf32, #tpu.memory_space<vmem>>) target(%dma_start3A_334 : memref<10000x64xf32, #tpu.memory_space<vmem_shared>>) offsets(%dma_start3A_331 : memref<80xi32, #tpu.memory_space<vmem>>) semaphore(%run_scoped3A_324 : memref<!tpu.dma_semaphore, #tpu.memory_space<semaphore_mem>>) {add = true}
      %dma_wait3A_335 = arith.constant 0 : i32
      %dma_wait3A_336 = arith.constant 0 : i32
      %dma_wait3A_337 = tpu.memref_slice %arg10[%run_scoped3A_295, %dma_wait3A_335, %dma_wait3A_336] : memref<5x80x64xf32, #tpu.memory_space<vmem>> -> memref<1x80x64xf32, #tpu.memory_space<vmem>>
      %dma_wait3A_338 = tpu.memref_squeeze %dma_wait3A_337 : memref<1x80x64xf32, #tpu.memory_space<vmem>> -> memref<80x64xf32, #tpu.memory_space<vmem>>
      %dma_wait3A_339 = arith.constant 0 : i32
      %dma_wait3A_340 = tpu.memref_slice %arg9[%run_scoped3A_296, %dma_wait3A_339] : memref<125x80xi32, #tpu.memory_space<vmem>> -> memref<1x80xi32, #tpu.memory_space<vmem>>
      %dma_wait3A_341 = tpu.memref_squeeze %dma_wait3A_340 : memref<1x80xi32, #tpu.memory_space<vmem>> -> memref<80xi32, #tpu.memory_space<vmem>>
      %dma_wait3A_342 = arith.constant 0 : i32
      %dma_wait3A_343 = arith.constant 0 : i32
      %dma_wait3A_344 = tpu.memref_slice %arg11[%dma_wait3A_342, %dma_wait3A_343] : memref<10000x64xf32, #tpu.memory_space<vmem_shared>> -> memref<10000x64xf32, #tpu.memory_space<vmem_shared>>
      tpu.wait_indirect_dma semaphore(%run_scoped3A_324 : memref<!tpu.dma_semaphore, #tpu.memory_space<semaphore_mem>>) src(%dma_wait3A_338 : memref<80x64xf32, #tpu.memory_space<vmem>>) dst(%dma_wait3A_344 : memref<10000x64xf32, #tpu.memory_space<vmem_shared>>)
      tpu.yield
    }) : () -> ()
    %dma_wait3A_297 = arith.constant 124 : i32
    %dma_wait3A_298 = arith.constant 4 : i32
    %dma_wait3A_299 = arith.constant 0 : i32
    %dma_wait3A_300 = arith.constant 0 : i32
    %dma_wait3A_301 = tpu.memref_slice %arg10[%dma_wait3A_298, %dma_wait3A_299, %dma_wait3A_300] : memref<5x80x64xf32, #tpu.memory_space<vmem>> -> memref<1x80x64xf32, #tpu.memory_space<vmem>>
    %dma_wait3A_302 = tpu.memref_squeeze %dma_wait3A_301 : memref<1x80x64xf32, #tpu.memory_space<vmem>> -> memref<80x64xf32, #tpu.memory_space<vmem>>
    %dma_wait3A_303 = arith.constant 0 : i32
    %dma_wait3A_304 = tpu.memref_slice %arg8[%dma_wait3A_297, %dma_wait3A_303] : memref<125x80xi32, #tpu.memory_space<vmem>> -> memref<1x80xi32, #tpu.memory_space<vmem>>
    %dma_wait3A_305 = tpu.memref_squeeze %dma_wait3A_304 : memref<1x80xi32, #tpu.memory_space<vmem>> -> memref<80xi32, #tpu.memory_space<vmem>>
    %dma_wait3A_306 = arith.constant 0 : i32
    %dma_wait3A_307 = arith.constant 0 : i32
    %dma_wait3A_308 = tpu.memref_slice %arg2[%dma_wait3A_306, %dma_wait3A_307] : memref<20000x64xf32, #tpu.memory_space<hbm>> -> memref<20000x64xf32, #tpu.memory_space<hbm>>
    tpu.wait_indirect_dma semaphore(%arg16 : memref<!tpu.dma_semaphore, #tpu.memory_space<semaphore_mem>>) src(%dma_wait3A_308 : memref<20000x64xf32, #tpu.memory_space<hbm>>) dst(%dma_wait3A_302 : memref<80x64xf32, #tpu.memory_space<vmem>>)
    %run_scoped3A_309 = arith.constant 4 : i32
    %run_scoped3A_310 = arith.constant 124 : i32
    "tpu.region"() ({
      %run_scoped3A_324 = tpu.sem_alloc : memref<!tpu.dma_semaphore, #tpu.memory_space<semaphore_mem>>
      %dma_start3A_325 = arith.constant 0 : i32
      %dma_start3A_326 = arith.constant 0 : i32
      %dma_start3A_327 = tpu.memref_slice %arg10[%run_scoped3A_309, %dma_start3A_325, %dma_start3A_326] : memref<5x80x64xf32, #tpu.memory_space<vmem>> -> memref<1x80x64xf32, #tpu.memory_space<vmem>>
      %dma_start3A_328 = tpu.memref_squeeze %dma_start3A_327 : memref<1x80x64xf32, #tpu.memory_space<vmem>> -> memref<80x64xf32, #tpu.memory_space<vmem>>
      %dma_start3A_329 = arith.constant 0 : i32
      %dma_start3A_330 = tpu.memref_slice %arg9[%run_scoped3A_310, %dma_start3A_329] : memref<125x80xi32, #tpu.memory_space<vmem>> -> memref<1x80xi32, #tpu.memory_space<vmem>>
      %dma_start3A_331 = tpu.memref_squeeze %dma_start3A_330 : memref<1x80xi32, #tpu.memory_space<vmem>> -> memref<80xi32, #tpu.memory_space<vmem>>
      %dma_start3A_332 = arith.constant 0 : i32
      %dma_start3A_333 = arith.constant 0 : i32
      %dma_start3A_334 = tpu.memref_slice %arg11[%dma_start3A_332, %dma_start3A_333] : memref<10000x64xf32, #tpu.memory_space<vmem_shared>> -> memref<10000x64xf32, #tpu.memory_space<vmem_shared>>
      tpu.enqueue_indirect_dma source(%dma_start3A_328 : memref<80x64xf32, #tpu.memory_space<vmem>>) target(%dma_start3A_334 : memref<10000x64xf32, #tpu.memory_space<vmem_shared>>) offsets(%dma_start3A_331 : memref<80xi32, #tpu.memory_space<vmem>>) semaphore(%run_scoped3A_324 : memref<!tpu.dma_semaphore, #tpu.memory_space<semaphore_mem>>) {add = true}
      %dma_wait3A_335 = arith.constant 0 : i32
      %dma_wait3A_336 = arith.constant 0 : i32
      %dma_wait3A_337 = tpu.memref_slice %arg10[%run_scoped3A_309, %dma_wait3A_335, %dma_wait3A_336] : memref<5x80x64xf32, #tpu.memory_space<vmem>> -> memref<1x80x64xf32, #tpu.memory_space<vmem>>
      %dma_wait3A_338 = tpu.memref_squeeze %dma_wait3A_337 : memref<1x80x64xf32, #tpu.memory_space<vmem>> -> memref<80x64xf32, #tpu.memory_space<vmem>>
      %dma_wait3A_339 = arith.constant 0 : i32
      %dma_wait3A_340 = tpu.memref_slice %arg9[%run_scoped3A_310, %dma_wait3A_339] : memref<125x80xi32, #tpu.memory_space<vmem>> -> memref<1x80xi32, #tpu.memory_space<vmem>>
      %dma_wait3A_341 = tpu.memref_squeeze %dma_wait3A_340 : memref<1x80xi32, #tpu.memory_space<vmem>> -> memref<80xi32, #tpu.memory_space<vmem>>
      %dma_wait3A_342 = arith.constant 0 : i32
      %dma_wait3A_343 = arith.constant 0 : i32
      %dma_wait3A_344 = tpu.memref_slice %arg11[%dma_wait3A_342, %dma_wait3A_343] : memref<10000x64xf32, #tpu.memory_space<vmem_shared>> -> memref<10000x64xf32, #tpu.memory_space<vmem_shared>>
      tpu.wait_indirect_dma semaphore(%run_scoped3A_324 : memref<!tpu.dma_semaphore, #tpu.memory_space<semaphore_mem>>) src(%dma_wait3A_338 : memref<80x64xf32, #tpu.memory_space<vmem>>) dst(%dma_wait3A_344 : memref<10000x64xf32, #tpu.memory_space<vmem_shared>>)
      tpu.yield
    }) : () -> ()
    %barrier3A_311 = arith.constant 0 : index
    tpu.barrier barrier_id(%barrier3A_311)
    %mul3A_312 = arith.constant 10000 : i32
    %mul3A_313 = arith.muli %arg0, %mul3A_312 : i32
    %lt3A_314 = arith.constant 15 : i32
    %lt3A_315 = arith.cmpi slt, %arg1, %lt3A_314 : i32
    %convert_element_type3A_316 = arith.extui %lt3A_315 : i1 to i32
    %cond3A_317 = arith.constant 0 : i32
    %cond3A_318 = arith.cmpi ne, %convert_element_type3A_316, %cond3A_317 : i32
    scf.if %cond3A_318 {
      %mul3A_324 = arith.constant 624 : i32
      %mul3A_325 = arith.muli %arg1, %mul3A_324 : i32
      %mul3A_326 = arith.constant 624 : i32
      %mul3A_327 = arith.muli %arg1, %mul3A_326 : i32
      %add3A_328 = arith.addi %mul3A_313, %mul3A_327 : i32
      "tpu.region"() ({
        %run_scoped3A_329 = tpu.sem_alloc : memref<!tpu.dma_semaphore, #tpu.memory_space<semaphore_mem>>
        %dma_start3A_330 = arith.constant 64 : i32
        %dma_start3A_331 = tpu.memref_slice %arg6[%add3A_328, %dma_start3A_330] : memref<20000x128xf32, #tpu.memory_space<hbm>> -> memref<624x64xf32, #tpu.memory_space<hbm>>
        %dma_start3A_332 = arith.constant 0 : i32
        %dma_start3A_333 = tpu.memref_slice %arg11[%mul3A_325, %dma_start3A_332] : memref<10000x64xf32, #tpu.memory_space<vmem_shared>> -> memref<624x64xf32, #tpu.memory_space<vmem_shared>>
        tpu.enqueue_dma source(%dma_start3A_333 : memref<624x64xf32, #tpu.memory_space<vmem_shared>>) target(%dma_start3A_331 : memref<624x64xf32, #tpu.memory_space<hbm>>) target_semaphore(%run_scoped3A_329 : memref<!tpu.dma_semaphore, #tpu.memory_space<semaphore_mem>>)
        %dma_wait3A_334 = arith.constant 64 : i32
        %dma_wait3A_335 = tpu.memref_slice %arg6[%add3A_328, %dma_wait3A_334] : memref<20000x128xf32, #tpu.memory_space<hbm>> -> memref<624x64xf32, #tpu.memory_space<hbm>>
        %dma_wait3A_336 = arith.constant 0 : i32
        %dma_wait3A_337 = tpu.memref_slice %arg11[%mul3A_325, %dma_wait3A_336] : memref<10000x64xf32, #tpu.memory_space<vmem_shared>> -> memref<624x64xf32, #tpu.memory_space<vmem_shared>>
        tpu.wait_dma2 semaphore(%run_scoped3A_329 : memref<!tpu.dma_semaphore, #tpu.memory_space<semaphore_mem>>) src(%dma_wait3A_337 : memref<624x64xf32, #tpu.memory_space<vmem_shared>>) dst(%dma_wait3A_335 : memref<624x64xf32, #tpu.memory_space<hbm>>)
        tpu.yield
      }) : () -> ()
    } else {
    }
    %eq3A_319 = arith.constant 15 : i32
    %eq3A_320 = arith.cmpi eq, %arg1, %eq3A_319 : i32
    %convert_element_type3A_321 = arith.extui %eq3A_320 : i1 to i32
    %cond3A_322 = arith.constant 0 : i32
    %cond3A_323 = arith.cmpi ne, %convert_element_type3A_321, %cond3A_322 : i32
    scf.if %cond3A_323 {
      %add3A_324 = arith.constant 9360 : i32
      %add3A_325 = arith.addi %mul3A_313, %add3A_324 : i32
      "tpu.region"() ({
        %run_scoped3A_326 = tpu.sem_alloc : memref<!tpu.dma_semaphore, #tpu.memory_space<semaphore_mem>>
        %dma_start3A_327 = arith.constant 64 : i32
        %dma_start3A_328 = tpu.memref_slice %arg6[%add3A_325, %dma_start3A_327] : memref<20000x128xf32, #tpu.memory_space<hbm>> -> memref<640x64xf32, #tpu.memory_space<hbm>>
        %dma_start3A_329 = arith.constant 9360 : i32
        %dma_start3A_330 = arith.constant 0 : i32
        %dma_start3A_331 = tpu.memref_slice %arg11[%dma_start3A_329, %dma_start3A_330] : memref<10000x64xf32, #tpu.memory_space<vmem_shared>> -> memref<640x64xf32, #tpu.memory_space<vmem_shared>>
        tpu.enqueue_dma source(%dma_start3A_331 : memref<640x64xf32, #tpu.memory_space<vmem_shared>>) target(%dma_start3A_328 : memref<640x64xf32, #tpu.memory_space<hbm>>) target_semaphore(%run_scoped3A_326 : memref<!tpu.dma_semaphore, #tpu.memory_space<semaphore_mem>>)
        %dma_wait3A_332 = arith.constant 64 : i32
        %dma_wait3A_333 = tpu.memref_slice %arg6[%add3A_325, %dma_wait3A_332] : memref<20000x128xf32, #tpu.memory_space<hbm>> -> memref<640x64xf32, #tpu.memory_space<hbm>>
        %dma_wait3A_334 = arith.constant 9360 : i32
        %dma_wait3A_335 = arith.constant 0 : i32
        %dma_wait3A_336 = tpu.memref_slice %arg11[%dma_wait3A_334, %dma_wait3A_335] : memref<10000x64xf32, #tpu.memory_space<vmem_shared>> -> memref<640x64xf32, #tpu.memory_space<vmem_shared>>
        tpu.wait_dma2 semaphore(%run_scoped3A_326 : memref<!tpu.dma_semaphore, #tpu.memory_space<semaphore_mem>>) src(%dma_wait3A_336 : memref<640x64xf32, #tpu.memory_space<vmem_shared>>) dst(%dma_wait3A_333 : memref<640x64xf32, #tpu.memory_space<hbm>>)
        tpu.yield
      }) : () -> ()
    } else {
    }
    return
  }
}

#map = affine_map<(d0, d1) -> (0, 0)>
#map1 = affine_map<(d0, d1) -> (0, 0, 0)>
module attributes {stable_mosaic.version = 14 : i64} {
  func.func @gs_kernel(%arg0: i32, %arg1: i32, %arg2: memref<20000x64xf32, #tpu.memory_space<hbm>>, %arg3: memref<32x125x80xi32, #tpu.memory_space<hbm>>, %arg4: memref<32x125x80xi32, #tpu.memory_space<hbm>>, %arg5: memref<10000x64xf32, #tpu.memory_space<hbm>>, %arg6: memref<20000x128xf32, #tpu.memory_space<hbm>>, %arg7: memref<125x80xi32, #tpu.memory_space<vmem>>, %arg8: memref<125x80xi32, #tpu.memory_space<vmem>>, %arg9: memref<125x80xi32, #tpu.memory_space<vmem>>, %arg10: memref<5x80x64xf32, #tpu.memory_space<vmem>>, %arg11: memref<10000x64xf32, #tpu.memory_space<vmem_shared>>, %arg12: memref<!tpu.dma_semaphore, #tpu.memory_space<semaphore_mem>>, %arg13: memref<!tpu.dma_semaphore, #tpu.memory_space<semaphore_mem>>, %arg14: memref<!tpu.dma_semaphore, #tpu.memory_space<semaphore_mem>>, %arg15: memref<!tpu.dma_semaphore, #tpu.memory_space<semaphore_mem>>, %arg16: memref<!tpu.dma_semaphore, #tpu.memory_space<semaphore_mem>>) attributes {dimension_semantics = [#tpu.dimension_semantics<core_parallel>, #tpu.dimension_semantics<subcore_parallel>], iteration_bounds = array<i64: 2, 16>, scalar_prefetch = 0 : i64, scratch_operands = 10 : i64, tpu.core_type = #tpu.core_type<sc_vector_subcore>, window_params = [{transform_indices = #map}, {transform_indices = #map1}, {transform_indices = #map1}, {transform_indices = #map}, {transform_indices = #map}]} {
    %mul3A = arith.constant 2 : i32
    %mul3A_0 = arith.muli %arg1, %mul3A : i32
    %add3A = arith.addi %mul3A_0, %arg0 : i32
    "tpu.region"() ({
      %run_scoped3A_324 = tpu.sem_alloc : memref<!tpu.dma_semaphore, #tpu.memory_space<semaphore_mem>>
      %dma_start3A_325 = arith.constant 0 : i32
      %dma_start3A_326 = arith.constant 0 : i32
      %dma_start3A_327 = tpu.memref_slice %arg3[%add3A, %dma_start3A_325, %dma_start3A_326] : memref<32x125x80xi32, #tpu.memory_space<hbm>> -> memref<1x125x80xi32, #tpu.memory_space<hbm>>
      %dma_start3A_328 = tpu.memref_squeeze %dma_start3A_327 : memref<1x125x80xi32, #tpu.memory_space<hbm>> -> memref<125x80xi32, #tpu.memory_space<hbm>>
      %dma_start3A_329 = arith.constant 0 : i32
      %dma_start3A_330 = arith.constant 0 : i32
      %dma_start3A_331 = tpu.memref_slice %arg3[%add3A, %dma_start3A_329, %dma_start3A_330] : memref<32x125x80xi32, #tpu.memory_space<hbm>> -> memref<1x125x80xi32, #tpu.memory_space<hbm>>
      %dma_start3A_332 = tpu.memref_squeeze %dma_start3A_331 : memref<1x125x80xi32, #tpu.memory_space<hbm>> -> memref<125x80xi32, #tpu.memory_space<hbm>>
      tpu.enqueue_dma source(%dma_start3A_332 : memref<125x80xi32, #tpu.memory_space<hbm>>) target(%arg7 : memref<125x80xi32, #tpu.memory_space<vmem>>) target_semaphore(%run_scoped3A_324 : memref<!tpu.dma_semaphore, #tpu.memory_space<semaphore_mem>>)
      %dma_wait3A_333 = arith.constant 0 : i32
      %dma_wait3A_334 = arith.constant 0 : i32
      %dma_wait3A_335 = tpu.memref_slice %arg3[%add3A, %dma_wait3A_333, %dma_wait3A_334] : memref<32x125x80xi32, #tpu.memory_space<hbm>> -> memref<1x125x80xi32, #tpu.memory_space<hbm>>
      %dma_wait3A_336 = tpu.memref_squeeze %dma_wait3A_335 : memref<1x125x80xi32, #tpu.memory_space<hbm>> -> memref<125x80xi32, #tpu.memory_space<hbm>>
      %dma_wait3A_337 = arith.constant 0 : i32
      %dma_wait3A_338 = arith.constant 0 : i32
      %dma_wait3A_339 = tpu.memref_slice %arg3[%add3A, %dma_wait3A_337, %dma_wait3A_338] : memref<32x125x80xi32, #tpu.memory_space<hbm>> -> memref<1x125x80xi32, #tpu.memory_space<hbm>>
      %dma_wait3A_340 = tpu.memref_squeeze %dma_wait3A_339 : memref<1x125x80xi32, #tpu.memory_space<hbm>> -> memref<125x80xi32, #tpu.memory_space<hbm>>
      tpu.wait_dma2 semaphore(%run_scoped3A_324 : memref<!tpu.dma_semaphore, #tpu.memory_space<semaphore_mem>>) src(%dma_wait3A_340 : memref<125x80xi32, #tpu.memory_space<hbm>>) dst(%arg7 : memref<125x80xi32, #tpu.memory_space<vmem>>)
      tpu.yield
    }) : () -> ()
    "tpu.region"() ({
      %run_scoped3A_324 = tpu.sem_alloc : memref<!tpu.dma_semaphore, #tpu.memory_space<semaphore_mem>>
      %dma_start3A_325 = arith.constant 0 : i32
      %dma_start3A_326 = arith.constant 0 : i32
      %dma_start3A_327 = tpu.memref_slice %arg4[%add3A, %dma_start3A_325, %dma_start3A_326] : memref<32x125x80xi32, #tpu.memory_space<hbm>> -> memref<1x125x80xi32, #tpu.memory_space<hbm>>
      %dma_start3A_328 = tpu.memref_squeeze %dma_start3A_327 : memref<1x125x80xi32, #tpu.memory_space<hbm>> -> memref<125x80xi32, #tpu.memory_space<hbm>>
      %dma_start3A_329 = arith.constant 0 : i32
      %dma_start3A_330 = arith.constant 0 : i32
      %dma_start3A_331 = tpu.memref_slice %arg4[%add3A, %dma_start3A_329, %dma_start3A_330] : memref<32x125x80xi32, #tpu.memory_space<hbm>> -> memref<1x125x80xi32, #tpu.memory_space<hbm>>
      %dma_start3A_332 = tpu.memref_squeeze %dma_start3A_331 : memref<1x125x80xi32, #tpu.memory_space<hbm>> -> memref<125x80xi32, #tpu.memory_space<hbm>>
      tpu.enqueue_dma source(%dma_start3A_332 : memref<125x80xi32, #tpu.memory_space<hbm>>) target(%arg9 : memref<125x80xi32, #tpu.memory_space<vmem>>) target_semaphore(%run_scoped3A_324 : memref<!tpu.dma_semaphore, #tpu.memory_space<semaphore_mem>>)
      %dma_wait3A_333 = arith.constant 0 : i32
      %dma_wait3A_334 = arith.constant 0 : i32
      %dma_wait3A_335 = tpu.memref_slice %arg4[%add3A, %dma_wait3A_333, %dma_wait3A_334] : memref<32x125x80xi32, #tpu.memory_space<hbm>> -> memref<1x125x80xi32, #tpu.memory_space<hbm>>
      %dma_wait3A_336 = tpu.memref_squeeze %dma_wait3A_335 : memref<1x125x80xi32, #tpu.memory_space<hbm>> -> memref<125x80xi32, #tpu.memory_space<hbm>>
      %dma_wait3A_337 = arith.constant 0 : i32
      %dma_wait3A_338 = arith.constant 0 : i32
      %dma_wait3A_339 = tpu.memref_slice %arg4[%add3A, %dma_wait3A_337, %dma_wait3A_338] : memref<32x125x80xi32, #tpu.memory_space<hbm>> -> memref<1x125x80xi32, #tpu.memory_space<hbm>>
      %dma_wait3A_340 = tpu.memref_squeeze %dma_wait3A_339 : memref<1x125x80xi32, #tpu.memory_space<hbm>> -> memref<125x80xi32, #tpu.memory_space<hbm>>
      tpu.wait_dma2 semaphore(%run_scoped3A_324 : memref<!tpu.dma_semaphore, #tpu.memory_space<semaphore_mem>>) src(%dma_wait3A_340 : memref<125x80xi32, #tpu.memory_space<hbm>>) dst(%arg9 : memref<125x80xi32, #tpu.memory_space<vmem>>)
      tpu.yield
    }) : () -> ()
    %scan3A = arith.constant 0 : i32
    %scan3A_1 = arith.constant 0 : i32
    %scan3A_2 = arith.constant 125 : i32
    %scan3A_3 = arith.addi %scan3A_1, %scan3A_2 : i32
    %scan3A_4 = arith.constant 1 : i32
    scf.for %scan3A_324 = %scan3A_1 to %scan3A_3 step %scan3A_4  : i32 {
      %get3A = arith.index_cast %scan3A_324 : i32 to index
      %get3A_325 = arith.constant 0 : index
      %get3A_326 = tpu.vector_load %arg7[%get3A, %get3A_325] {strides = array<i32>} : memref<125x80xi32, #tpu.memory_space<vmem>>, vector<1x16xi32>,
      %get3A_327 = vector.shape_cast %get3A_326 : vector<1x16xi32> to vector<16xi32>
      %mul3A_328 = arith.constant 2 : i32
      %mul3A_329 = vector.broadcast %mul3A_328 : i32 to vector<16xi32>
      %mul3A_330 = arith.muli %get3A_327, %mul3A_329 : vector<16xi32>
      %swap3A = arith.index_cast %scan3A_324 : i32 to index
      %swap3A_331 = arith.constant 0 : index
      %swap3A_332 = tpu.vector_load %arg8[%swap3A, %swap3A_331] {strides = array<i32>} : memref<125x80xi32, #tpu.memory_space<vmem>>, vector<1x16xi32>,
      %swap3A_333 = vector.shape_cast %swap3A_332 : vector<1x16xi32> to vector<16xi32>
      %swap3A_334 = vector.shape_cast %mul3A_330 : vector<16xi32> to vector<1x16xi32>
      tpu.vector_store %arg8[%swap3A, %swap3A_331], %swap3A_334 {strides = array<i32>} : memref<125x80xi32, #tpu.memory_space<vmem>>, vector<1x16xi32>,
      %get3A_335 = arith.index_cast %scan3A_324 : i32 to index
      %get3A_336 = arith.constant 16 : index
      %get3A_337 = tpu.vector_load %arg7[%get3A_335, %get3A_336] {strides = array<i32>} : memref<125x80xi32, #tpu.memory_space<vmem>>, vector<1x16xi32>,
      %get3A_338 = vector.shape_cast %get3A_337 : vector<1x16xi32> to vector<16xi32>
      %mul3A_339 = arith.constant 2 : i32
      %mul3A_340 = vector.broadcast %mul3A_339 : i32 to vector<16xi32>
      %mul3A_341 = arith.muli %get3A_338, %mul3A_340 : vector<16xi32>
      %swap3A_342 = arith.index_cast %scan3A_324 : i32 to index
      %swap3A_343 = arith.constant 16 : index
      %swap3A_344 = tpu.vector_load %arg8[%swap3A_342, %swap3A_343] {strides = array<i32>} : memref<125x80xi32, #tpu.memory_space<vmem>>, vector<1x16xi32>,
      %swap3A_345 = vector.shape_cast %swap3A_344 : vector<1x16xi32> to vector<16xi32>
      %swap3A_346 = vector.shape_cast %mul3A_341 : vector<16xi32> to vector<1x16xi32>
      tpu.vector_store %arg8[%swap3A_342, %swap3A_343], %swap3A_346 {strides = array<i32>} : memref<125x80xi32, #tpu.memory_space<vmem>>, vector<1x16xi32>,
      %get3A_347 = arith.index_cast %scan3A_324 : i32 to index
      %get3A_348 = arith.constant 32 : index
      %get3A_349 = tpu.vector_load %arg7[%get3A_347, %get3A_348] {strides = array<i32>} : memref<125x80xi32, #tpu.memory_space<vmem>>, vector<1x16xi32>,
      %get3A_350 = vector.shape_cast %get3A_349 : vector<1x16xi32> to vector<16xi32>
      %mul3A_351 = arith.constant 2 : i32
      %mul3A_352 = vector.broadcast %mul3A_351 : i32 to vector<16xi32>
      %mul3A_353 = arith.muli %get3A_350, %mul3A_352 : vector<16xi32>
      %swap3A_354 = arith.index_cast %scan3A_324 : i32 to index
      %swap3A_355 = arith.constant 32 : index
      %swap3A_356 = tpu.vector_load %arg8[%swap3A_354, %swap3A_355] {strides = array<i32>} : memref<125x80xi32, #tpu.memory_space<vmem>>, vector<1x16xi32>,
      %swap3A_357 = vector.shape_cast %swap3A_356 : vector<1x16xi32> to vector<16xi32>
      %swap3A_358 = vector.shape_cast %mul3A_353 : vector<16xi32> to vector<1x16xi32>
      tpu.vector_store %arg8[%swap3A_354, %swap3A_355], %swap3A_358 {strides = array<i32>} : memref<125x80xi32, #tpu.memory_space<vmem>>, vector<1x16xi32>,
      %get3A_359 = arith.index_cast %scan3A_324 : i32 to index
      %get3A_360 = arith.constant 48 : index
      %get3A_361 = tpu.vector_load %arg7[%get3A_359, %get3A_360] {strides = array<i32>} : memref<125x80xi32, #tpu.memory_space<vmem>>, vector<1x16xi32>,
      %get3A_362 = vector.shape_cast %get3A_361 : vector<1x16xi32> to vector<16xi32>
      %mul3A_363 = arith.constant 2 : i32
      %mul3A_364 = vector.broadcast %mul3A_363 : i32 to vector<16xi32>
      %mul3A_365 = arith.muli %get3A_362, %mul3A_364 : vector<16xi32>
      %swap3A_366 = arith.index_cast %scan3A_324 : i32 to index
      %swap3A_367 = arith.constant 48 : index
      %swap3A_368 = tpu.vector_load %arg8[%swap3A_366, %swap3A_367] {strides = array<i32>} : memref<125x80xi32, #tpu.memory_space<vmem>>, vector<1x16xi32>,
      %swap3A_369 = vector.shape_cast %swap3A_368 : vector<1x16xi32> to vector<16xi32>
      %swap3A_370 = vector.shape_cast %mul3A_365 : vector<16xi32> to vector<1x16xi32>
      tpu.vector_store %arg8[%swap3A_366, %swap3A_367], %swap3A_370 {strides = array<i32>} : memref<125x80xi32, #tpu.memory_space<vmem>>, vector<1x16xi32>,
      %get3A_371 = arith.index_cast %scan3A_324 : i32 to index
      %get3A_372 = arith.constant 64 : index
      %get3A_373 = tpu.vector_load %arg7[%get3A_371, %get3A_372] {strides = array<i32>} : memref<125x80xi32, #tpu.memory_space<vmem>>, vector<1x16xi32>,
      %get3A_374 = vector.shape_cast %get3A_373 : vector<1x16xi32> to vector<16xi32>
      %mul3A_375 = arith.constant 2 : i32
      %mul3A_376 = vector.broadcast %mul3A_375 : i32 to vector<16xi32>
      %mul3A_377 = arith.muli %get3A_374, %mul3A_376 : vector<16xi32>
      %swap3A_378 = arith.index_cast %scan3A_324 : i32 to index
      %swap3A_379 = arith.constant 64 : index
      %swap3A_380 = tpu.vector_load %arg8[%swap3A_378, %swap3A_379] {strides = array<i32>} : memref<125x80xi32, #tpu.memory_space<vmem>>, vector<1x16xi32>,
      %swap3A_381 = vector.shape_cast %swap3A_380 : vector<1x16xi32> to vector<16xi32>
      %swap3A_382 = vector.shape_cast %mul3A_377 : vector<16xi32> to vector<1x16xi32>
      tpu.vector_store %arg8[%swap3A_378, %swap3A_379], %swap3A_382 {strides = array<i32>} : memref<125x80xi32, #tpu.memory_space<vmem>>, vector<1x16xi32>,
    }
    %scan3A_5 = arith.constant 125 : i32
    %lt3A = arith.constant 15 : i32
    %lt3A_6 = arith.cmpi slt, %arg1, %lt3A : i32
    %convert_element_type3A = arith.extui %lt3A_6 : i1 to i32
    %cond3A = arith.constant 0 : i32
    %cond3A_7 = arith.cmpi ne, %convert_element_type3A, %cond3A : i32
    scf.if %cond3A_7 {
      %mul3A_324 = arith.constant 624 : i32
      %mul3A_325 = arith.muli %arg1, %mul3A_324 : i32
      %mul3A_326 = arith.constant 624 : i32
      %mul3A_327 = arith.muli %arg1, %mul3A_326 : i32
      "tpu.region"() ({
        %run_scoped3A_328 = tpu.sem_alloc : memref<!tpu.dma_semaphore, #tpu.memory_space<semaphore_mem>>
        %dma_start3A_329 = arith.constant 0 : i32
        %dma_start3A_330 = tpu.memref_slice %arg11[%mul3A_327, %dma_start3A_329] : memref<10000x64xf32, #tpu.memory_space<vmem_shared>> -> memref<624x64xf32, #tpu.memory_space<vmem_shared>>
        %dma_start3A_331 = arith.constant 0 : i32
        %dma_start3A_332 = tpu.memref_slice %arg5[%mul3A_325, %dma_start3A_331] : memref<10000x64xf32, #tpu.memory_space<hbm>> -> memref<624x64xf32, #tpu.memory_space<hbm>>
        tpu.enqueue_dma source(%dma_start3A_332 : memref<624x64xf32, #tpu.memory_space<hbm>>) target(%dma_start3A_330 : memref<624x64xf32, #tpu.memory_space<vmem_shared>>) target_semaphore(%run_scoped3A_328 : memref<!tpu.dma_semaphore, #tpu.memory_space<semaphore_mem>>)
        %dma_wait3A_333 = arith.constant 0 : i32
        %dma_wait3A_334 = tpu.memref_slice %arg11[%mul3A_327, %dma_wait3A_333] : memref<10000x64xf32, #tpu.memory_space<vmem_shared>> -> memref<624x64xf32, #tpu.memory_space<vmem_shared>>
        %dma_wait3A_335 = arith.constant 0 : i32
        %dma_wait3A_336 = tpu.memref_slice %arg5[%mul3A_325, %dma_wait3A_335] : memref<10000x64xf32, #tpu.memory_space<hbm>> -> memref<624x64xf32, #tpu.memory_space<hbm>>
        tpu.wait_dma2 semaphore(%run_scoped3A_328 : memref<!tpu.dma_semaphore, #tpu.memory_space<semaphore_mem>>) src(%dma_wait3A_336 : memref<624x64xf32, #tpu.memory_space<hbm>>) dst(%dma_wait3A_334 : memref<624x64xf32, #tpu.memory_space<vmem_shared>>)
        tpu.yield
      }) : () -> ()
    } else {
    }
    %eq3A = arith.constant 15 : i32
    %eq3A_8 = arith.cmpi eq, %arg1, %eq3A : i32
    %convert_element_type3A_9 = arith.extui %eq3A_8 : i1 to i32
    %cond3A_10 = arith.constant 0 : i32
    %cond3A_11 = arith.cmpi ne, %convert_element_type3A_9, %cond3A_10 : i32
    scf.if %cond3A_11 {
      "tpu.region"() ({
        %run_scoped3A_324 = tpu.sem_alloc : memref<!tpu.dma_semaphore, #tpu.memory_space<semaphore_mem>>
        %dma_start3A_325 = arith.constant 9360 : i32
        %dma_start3A_326 = arith.constant 0 : i32
        %dma_start3A_327 = tpu.memref_slice %arg11[%dma_start3A_325, %dma_start3A_326] : memref<10000x64xf32, #tpu.memory_space<vmem_shared>> -> memref<640x64xf32, #tpu.memory_space<vmem_shared>>
        %dma_start3A_328 = arith.constant 9360 : i32
        %dma_start3A_329 = arith.constant 0 : i32
        %dma_start3A_330 = tpu.memref_slice %arg5[%dma_start3A_328, %dma_start3A_329] : memref<10000x64xf32, #tpu.memory_space<hbm>> -> memref<640x64xf32, #tpu.memory_space<hbm>>
        tpu.enqueue_dma source(%dma_start3A_330 : memref<640x64xf32, #tpu.memory_space<hbm>>) target(%dma_start3A_327 : memref<640x64xf32, #tpu.memory_space<vmem_shared>>) target_semaphore(%run_scoped3A_324 : memref<!tpu.dma_semaphore, #tpu.memory_space<semaphore_mem>>)
        %dma_wait3A_331 = arith.constant 9360 : i32
        %dma_wait3A_332 = arith.constant 0 : i32
        %dma_wait3A_333 = tpu.memref_slice %arg11[%dma_wait3A_331, %dma_wait3A_332] : memref<10000x64xf32, #tpu.memory_space<vmem_shared>> -> memref<640x64xf32, #tpu.memory_space<vmem_shared>>
        %dma_wait3A_334 = arith.constant 9360 : i32
        %dma_wait3A_335 = arith.constant 0 : i32
        %dma_wait3A_336 = tpu.memref_slice %arg5[%dma_wait3A_334, %dma_wait3A_335] : memref<10000x64xf32, #tpu.memory_space<hbm>> -> memref<640x64xf32, #tpu.memory_space<hbm>>
        tpu.wait_dma2 semaphore(%run_scoped3A_324 : memref<!tpu.dma_semaphore, #tpu.memory_space<semaphore_mem>>) src(%dma_wait3A_336 : memref<640x64xf32, #tpu.memory_space<hbm>>) dst(%dma_wait3A_333 : memref<640x64xf32, #tpu.memory_space<vmem_shared>>)
        tpu.yield
      }) : () -> ()
    } else {
    }
    %barrier3A = arith.constant 0 : index
    tpu.barrier barrier_id(%barrier3A)
    %dma_start3A = arith.constant 0 : i32
    %dma_start3A_12 = arith.constant 0 : i32
    %dma_start3A_13 = arith.constant 0 : i32
    %dma_start3A_14 = arith.constant 0 : i32
    %dma_start3A_15 = tpu.memref_slice %arg10[%dma_start3A_12, %dma_start3A_13, %dma_start3A_14] : memref<5x80x64xf32, #tpu.memory_space<vmem>> -> memref<1x80x64xf32, #tpu.memory_space<vmem>>
    %dma_start3A_16 = tpu.memref_squeeze %dma_start3A_15 : memref<1x80x64xf32, #tpu.memory_space<vmem>> -> memref<80x64xf32, #tpu.memory_space<vmem>>
    %dma_start3A_17 = arith.constant 0 : i32
    %dma_start3A_18 = tpu.memref_slice %arg8[%dma_start3A, %dma_start3A_17] : memref<125x80xi32, #tpu.memory_space<vmem>> -> memref<1x80xi32, #tpu.memory_space<vmem>>
    %dma_start3A_19 = tpu.memref_squeeze %dma_start3A_18 : memref<1x80xi32, #tpu.memory_space<vmem>> -> memref<80xi32, #tpu.memory_space<vmem>>
    %dma_start3A_20 = arith.constant 0 : i32
    %dma_start3A_21 = arith.constant 0 : i32
    %dma_start3A_22 = tpu.memref_slice %arg2[%dma_start3A_20, %dma_start3A_21] : memref<20000x64xf32, #tpu.memory_space<hbm>> -> memref<20000x64xf32, #tpu.memory_space<hbm>>
    tpu.enqueue_indirect_dma source(%dma_start3A_22 : memref<20000x64xf32, #tpu.memory_space<hbm>>) target(%dma_start3A_16 : memref<80x64xf32, #tpu.memory_space<vmem>>) offsets(%dma_start3A_19 : memref<80xi32, #tpu.memory_space<vmem>>) semaphore(%arg12 : memref<!tpu.dma_semaphore, #tpu.memory_space<semaphore_mem>>)
    %dma_start3A_23 = arith.constant 1 : i32
    %dma_start3A_24 = arith.constant 1 : i32
    %dma_start3A_25 = arith.constant 0 : i32
    %dma_start3A_26 = arith.constant 0 : i32
    %dma_start3A_27 = tpu.memref_slice %arg10[%dma_start3A_24, %dma_start3A_25, %dma_start3A_26] : memref<5x80x64xf32, #tpu.memory_space<vmem>> -> memref<1x80x64xf32, #tpu.memory_space<vmem>>
    %dma_start3A_28 = tpu.memref_squeeze %dma_start3A_27 : memref<1x80x64xf32, #tpu.memory_space<vmem>> -> memref<80x64xf32, #tpu.memory_space<vmem>>
    %dma_start3A_29 = arith.constant 0 : i32
    %dma_start3A_30 = tpu.memref_slice %arg8[%dma_start3A_23, %dma_start3A_29] : memref<125x80xi32, #tpu.memory_space<vmem>> -> memref<1x80xi32, #tpu.memory_space<vmem>>
    %dma_start3A_31 = tpu.memref_squeeze %dma_start3A_30 : memref<1x80xi32, #tpu.memory_space<vmem>> -> memref<80xi32, #tpu.memory_space<vmem>>
    %dma_start3A_32 = arith.constant 0 : i32
    %dma_start3A_33 = arith.constant 0 : i32
    %dma_start3A_34 = tpu.memref_slice %arg2[%dma_start3A_32, %dma_start3A_33] : memref<20000x64xf32, #tpu.memory_space<hbm>> -> memref<20000x64xf32, #tpu.memory_space<hbm>>
    tpu.enqueue_indirect_dma source(%dma_start3A_34 : memref<20000x64xf32, #tpu.memory_space<hbm>>) target(%dma_start3A_28 : memref<80x64xf32, #tpu.memory_space<vmem>>) offsets(%dma_start3A_31 : memref<80xi32, #tpu.memory_space<vmem>>) semaphore(%arg13 : memref<!tpu.dma_semaphore, #tpu.memory_space<semaphore_mem>>)
    %dma_start3A_35 = arith.constant 2 : i32
    %dma_start3A_36 = arith.constant 2 : i32
    %dma_start3A_37 = arith.constant 0 : i32
    %dma_start3A_38 = arith.constant 0 : i32
    %dma_start3A_39 = tpu.memref_slice %arg10[%dma_start3A_36, %dma_start3A_37, %dma_start3A_38] : memref<5x80x64xf32, #tpu.memory_space<vmem>> -> memref<1x80x64xf32, #tpu.memory_space<vmem>>
    %dma_start3A_40 = tpu.memref_squeeze %dma_start3A_39 : memref<1x80x64xf32, #tpu.memory_space<vmem>> -> memref<80x64xf32, #tpu.memory_space<vmem>>
    %dma_start3A_41 = arith.constant 0 : i32
    %dma_start3A_42 = tpu.memref_slice %arg8[%dma_start3A_35, %dma_start3A_41] : memref<125x80xi32, #tpu.memory_space<vmem>> -> memref<1x80xi32, #tpu.memory_space<vmem>>
    %dma_start3A_43 = tpu.memref_squeeze %dma_start3A_42 : memref<1x80xi32, #tpu.memory_space<vmem>> -> memref<80xi32, #tpu.memory_space<vmem>>
    %dma_start3A_44 = arith.constant 0 : i32
    %dma_start3A_45 = arith.constant 0 : i32
    %dma_start3A_46 = tpu.memref_slice %arg2[%dma_start3A_44, %dma_start3A_45] : memref<20000x64xf32, #tpu.memory_space<hbm>> -> memref<20000x64xf32, #tpu.memory_space<hbm>>
    tpu.enqueue_indirect_dma source(%dma_start3A_46 : memref<20000x64xf32, #tpu.memory_space<hbm>>) target(%dma_start3A_40 : memref<80x64xf32, #tpu.memory_space<vmem>>) offsets(%dma_start3A_43 : memref<80xi32, #tpu.memory_space<vmem>>) semaphore(%arg14 : memref<!tpu.dma_semaphore, #tpu.memory_space<semaphore_mem>>)
    %dma_start3A_47 = arith.constant 3 : i32
    %dma_start3A_48 = arith.constant 3 : i32
    %dma_start3A_49 = arith.constant 0 : i32
    %dma_start3A_50 = arith.constant 0 : i32
    %dma_start3A_51 = tpu.memref_slice %arg10[%dma_start3A_48, %dma_start3A_49, %dma_start3A_50] : memref<5x80x64xf32, #tpu.memory_space<vmem>> -> memref<1x80x64xf32, #tpu.memory_space<vmem>>
    %dma_start3A_52 = tpu.memref_squeeze %dma_start3A_51 : memref<1x80x64xf32, #tpu.memory_space<vmem>> -> memref<80x64xf32, #tpu.memory_space<vmem>>
    %dma_start3A_53 = arith.constant 0 : i32
    %dma_start3A_54 = tpu.memref_slice %arg8[%dma_start3A_47, %dma_start3A_53] : memref<125x80xi32, #tpu.memory_space<vmem>> -> memref<1x80xi32, #tpu.memory_space<vmem>>
    %dma_start3A_55 = tpu.memref_squeeze %dma_start3A_54 : memref<1x80xi32, #tpu.memory_space<vmem>> -> memref<80xi32, #tpu.memory_space<vmem>>
    %dma_start3A_56 = arith.constant 0 : i32
    %dma_start3A_57 = arith.constant 0 : i32
    %dma_start3A_58 = tpu.memref_slice %arg2[%dma_start3A_56, %dma_start3A_57] : memref<20000x64xf32, #tpu.memory_space<hbm>> -> memref<20000x64xf32, #tpu.memory_space<hbm>>
    tpu.enqueue_indirect_dma source(%dma_start3A_58 : memref<20000x64xf32, #tpu.memory_space<hbm>>) target(%dma_start3A_52 : memref<80x64xf32, #tpu.memory_space<vmem>>) offsets(%dma_start3A_55 : memref<80xi32, #tpu.memory_space<vmem>>) semaphore(%arg15 : memref<!tpu.dma_semaphore, #tpu.memory_space<semaphore_mem>>)
    %dma_start3A_59 = arith.constant 4 : i32
    %dma_start3A_60 = arith.constant 4 : i32
    %dma_start3A_61 = arith.constant 0 : i32
    %dma_start3A_62 = arith.constant 0 : i32
    %dma_start3A_63 = tpu.memref_slice %arg10[%dma_start3A_60, %dma_start3A_61, %dma_start3A_62] : memref<5x80x64xf32, #tpu.memory_space<vmem>> -> memref<1x80x64xf32, #tpu.memory_space<vmem>>
    %dma_start3A_64 = tpu.memref_squeeze %dma_start3A_63 : memref<1x80x64xf32, #tpu.memory_space<vmem>> -> memref<80x64xf32, #tpu.memory_space<vmem>>
    %dma_start3A_65 = arith.constant 0 : i32
    %dma_start3A_66 = tpu.memref_slice %arg8[%dma_start3A_59, %dma_start3A_65] : memref<125x80xi32, #tpu.memory_space<vmem>> -> memref<1x80xi32, #tpu.memory_space<vmem>>
    %dma_start3A_67 = tpu.memref_squeeze %dma_start3A_66 : memref<1x80xi32, #tpu.memory_space<vmem>> -> memref<80xi32, #tpu.memory_space<vmem>>
    %dma_start3A_68 = arith.constant 0 : i32
    %dma_start3A_69 = arith.constant 0 : i32
    %dma_start3A_70 = tpu.memref_slice %arg2[%dma_start3A_68, %dma_start3A_69] : memref<20000x64xf32, #tpu.memory_space<hbm>> -> memref<20000x64xf32, #tpu.memory_space<hbm>>
    tpu.enqueue_indirect_dma source(%dma_start3A_70 : memref<20000x64xf32, #tpu.memory_space<hbm>>) target(%dma_start3A_64 : memref<80x64xf32, #tpu.memory_space<vmem>>) offsets(%dma_start3A_67 : memref<80xi32, #tpu.memory_space<vmem>>) semaphore(%arg16 : memref<!tpu.dma_semaphore, #tpu.memory_space<semaphore_mem>>)
    %scan3A_71 = arith.constant 0 : i32
    %scan3A_72 = arith.constant 0 : i32
    %scan3A_73 = arith.constant 24 : i32
    %scan3A_74 = arith.addi %scan3A_72, %scan3A_73 : i32
    %scan3A_75 = arith.constant 1 : i32
    scf.for %scan3A_324 = %scan3A_72 to %scan3A_74 step %scan3A_75  : i32 {
      %mul3A_325 = arith.constant 5 : i32
      %mul3A_326 = arith.muli %scan3A_324, %mul3A_325 : i32
      %add3A_327 = arith.constant 0 : i32
      %add3A_328 = arith.addi %mul3A_326, %add3A_327 : i32
      %dma_wait3A_329 = arith.constant 0 : i32
      %dma_wait3A_330 = arith.constant 0 : i32
      %dma_wait3A_331 = arith.constant 0 : i32
      %dma_wait3A_332 = tpu.memref_slice %arg10[%dma_wait3A_329, %dma_wait3A_330, %dma_wait3A_331] : memref<5x80x64xf32, #tpu.memory_space<vmem>> -> memref<1x80x64xf32, #tpu.memory_space<vmem>>
      %dma_wait3A_333 = tpu.memref_squeeze %dma_wait3A_332 : memref<1x80x64xf32, #tpu.memory_space<vmem>> -> memref<80x64xf32, #tpu.memory_space<vmem>>
      %dma_wait3A_334 = arith.constant 0 : i32
      %dma_wait3A_335 = tpu.memref_slice %arg8[%add3A_328, %dma_wait3A_334] : memref<125x80xi32, #tpu.memory_space<vmem>> -> memref<1x80xi32, #tpu.memory_space<vmem>>
      %dma_wait3A_336 = tpu.memref_squeeze %dma_wait3A_335 : memref<1x80xi32, #tpu.memory_space<vmem>> -> memref<80xi32, #tpu.memory_space<vmem>>
      %dma_wait3A_337 = arith.constant 0 : i32
      %dma_wait3A_338 = arith.constant 0 : i32
      %dma_wait3A_339 = tpu.memref_slice %arg2[%dma_wait3A_337, %dma_wait3A_338] : memref<20000x64xf32, #tpu.memory_space<hbm>> -> memref<20000x64xf32, #tpu.memory_space<hbm>>
      tpu.wait_indirect_dma semaphore(%arg12 : memref<!tpu.dma_semaphore, #tpu.memory_space<semaphore_mem>>) src(%dma_wait3A_339 : memref<20000x64xf32, #tpu.memory_space<hbm>>) dst(%dma_wait3A_333 : memref<80x64xf32, #tpu.memory_space<vmem>>)
      %run_scoped3A_340 = arith.constant 0 : i32
      "tpu.region"() ({
        %run_scoped3A_470 = tpu.sem_alloc : memref<!tpu.dma_semaphore, #tpu.memory_space<semaphore_mem>>
        %dma_start3A_471 = arith.constant 0 : i32
        %dma_start3A_472 = arith.constant 0 : i32
        %dma_start3A_473 = tpu.memref_slice %arg10[%run_scoped3A_340, %dma_start3A_471, %dma_start3A_472] : memref<5x80x64xf32, #tpu.memory_space<vmem>> -> memref<1x80x64xf32, #tpu.memory_space<vmem>>
        %dma_start3A_474 = tpu.memref_squeeze %dma_start3A_473 : memref<1x80x64xf32, #tpu.memory_space<vmem>> -> memref<80x64xf32, #tpu.memory_space<vmem>>
        %dma_start3A_475 = arith.constant 0 : i32
        %dma_start3A_476 = tpu.memref_slice %arg9[%add3A_328, %dma_start3A_475] : memref<125x80xi32, #tpu.memory_space<vmem>> -> memref<1x80xi32, #tpu.memory_space<vmem>>
        %dma_start3A_477 = tpu.memref_squeeze %dma_start3A_476 : memref<1x80xi32, #tpu.memory_space<vmem>> -> memref<80xi32, #tpu.memory_space<vmem>>
        %dma_start3A_478 = arith.constant 0 : i32
        %dma_start3A_479 = arith.constant 0 : i32
        %dma_start3A_480 = tpu.memref_slice %arg11[%dma_start3A_478, %dma_start3A_479] : memref<10000x64xf32, #tpu.memory_space<vmem_shared>> -> memref<10000x64xf32, #tpu.memory_space<vmem_shared>>
        tpu.enqueue_indirect_dma source(%dma_start3A_474 : memref<80x64xf32, #tpu.memory_space<vmem>>) target(%dma_start3A_480 : memref<10000x64xf32, #tpu.memory_space<vmem_shared>>) offsets(%dma_start3A_477 : memref<80xi32, #tpu.memory_space<vmem>>) semaphore(%run_scoped3A_470 : memref<!tpu.dma_semaphore, #tpu.memory_space<semaphore_mem>>) {add = true}
        %dma_wait3A_481 = arith.constant 0 : i32
        %dma_wait3A_482 = arith.constant 0 : i32
        %dma_wait3A_483 = tpu.memref_slice %arg10[%run_scoped3A_340, %dma_wait3A_481, %dma_wait3A_482] : memref<5x80x64xf32, #tpu.memory_space<vmem>> -> memref<1x80x64xf32, #tpu.memory_space<vmem>>
        %dma_wait3A_484 = tpu.memref_squeeze %dma_wait3A_483 : memref<1x80x64xf32, #tpu.memory_space<vmem>> -> memref<80x64xf32, #tpu.memory_space<vmem>>
        %dma_wait3A_485 = arith.constant 0 : i32
        %dma_wait3A_486 = tpu.memref_slice %arg9[%add3A_328, %dma_wait3A_485] : memref<125x80xi32, #tpu.memory_space<vmem>> -> memref<1x80xi32, #tpu.memory_space<vmem>>
        %dma_wait3A_487 = tpu.memref_squeeze %dma_wait3A_486 : memref<1x80xi32, #tpu.memory_space<vmem>> -> memref<80xi32, #tpu.memory_space<vmem>>
        %dma_wait3A_488 = arith.constant 0 : i32
        %dma_wait3A_489 = arith.constant 0 : i32
        %dma_wait3A_490 = tpu.memref_slice %arg11[%dma_wait3A_488, %dma_wait3A_489] : memref<10000x64xf32, #tpu.memory_space<vmem_shared>> -> memref<10000x64xf32, #tpu.memory_space<vmem_shared>>
        tpu.wait_indirect_dma semaphore(%run_scoped3A_470 : memref<!tpu.dma_semaphore, #tpu.memory_space<semaphore_mem>>) src(%dma_wait3A_484 : memref<80x64xf32, #tpu.memory_space<vmem>>) dst(%dma_wait3A_490 : memref<10000x64xf32, #tpu.memory_space<vmem_shared>>)
        tpu.yield
      }) : () -> ()
      %add3A_341 = arith.constant 5 : i32
      %add3A_342 = arith.addi %add3A_328, %add3A_341 : i32
      %dma_start3A_343 = arith.constant 0 : i32
      %dma_start3A_344 = arith.constant 0 : i32
      %dma_start3A_345 = arith.constant 0 : i32
      %dma_start3A_346 = tpu.memref_slice %arg10[%dma_start3A_343, %dma_start3A_344, %dma_start3A_345] : memref<5x80x64xf32, #tpu.memory_space<vmem>> -> memref<1x80x64xf32, #tpu.memory_space<vmem>>
      %dma_start3A_347 = tpu.memref_squeeze %dma_start3A_346 : memref<1x80x64xf32, #tpu.memory_space<vmem>> -> memref<80x64xf32, #tpu.memory_space<vmem>>
      %dma_start3A_348 = arith.constant 0 : i32
      %dma_start3A_349 = tpu.memref_slice %arg8[%add3A_342, %dma_start3A_348] : memref<125x80xi32, #tpu.memory_space<vmem>> -> memref<1x80xi32, #tpu.memory_space<vmem>>
      %dma_start3A_350 = tpu.memref_squeeze %dma_start3A_349 : memref<1x80xi32, #tpu.memory_space<vmem>> -> memref<80xi32, #tpu.memory_space<vmem>>
      %dma_start3A_351 = arith.constant 0 : i32
      %dma_start3A_352 = arith.constant 0 : i32
      %dma_start3A_353 = tpu.memref_slice %arg2[%dma_start3A_351, %dma_start3A_352] : memref<20000x64xf32, #tpu.memory_space<hbm>> -> memref<20000x64xf32, #tpu.memory_space<hbm>>
      tpu.enqueue_indirect_dma source(%dma_start3A_353 : memref<20000x64xf32, #tpu.memory_space<hbm>>) target(%dma_start3A_347 : memref<80x64xf32, #tpu.memory_space<vmem>>) offsets(%dma_start3A_350 : memref<80xi32, #tpu.memory_space<vmem>>) semaphore(%arg12 : memref<!tpu.dma_semaphore, #tpu.memory_space<semaphore_mem>>)
      %mul3A_354 = arith.constant 5 : i32
      %mul3A_355 = arith.muli %scan3A_324, %mul3A_354 : i32
      %add3A_356 = arith.constant 1 : i32
      %add3A_357 = arith.addi %mul3A_355, %add3A_356 : i32
      %dma_wait3A_358 = arith.constant 1 : i32
      %dma_wait3A_359 = arith.constant 0 : i32
      %dma_wait3A_360 = arith.constant 0 : i32
      %dma_wait3A_361 = tpu.memref_slice %arg10[%dma_wait3A_358, %dma_wait3A_359, %dma_wait3A_360] : memref<5x80x64xf32, #tpu.memory_space<vmem>> -> memref<1x80x64xf32, #tpu.memory_space<vmem>>
      %dma_wait3A_362 = tpu.memref_squeeze %dma_wait3A_361 : memref<1x80x64xf32, #tpu.memory_space<vmem>> -> memref<80x64xf32, #tpu.memory_space<vmem>>
      %dma_wait3A_363 = arith.constant 0 : i32
      %dma_wait3A_364 = tpu.memref_slice %arg8[%add3A_357, %dma_wait3A_363] : memref<125x80xi32, #tpu.memory_space<vmem>> -> memref<1x80xi32, #tpu.memory_space<vmem>>
      %dma_wait3A_365 = tpu.memref_squeeze %dma_wait3A_364 : memref<1x80xi32, #tpu.memory_space<vmem>> -> memref<80xi32, #tpu.memory_space<vmem>>
      %dma_wait3A_366 = arith.constant 0 : i32
      %dma_wait3A_367 = arith.constant 0 : i32
      %dma_wait3A_368 = tpu.memref_slice %arg2[%dma_wait3A_366, %dma_wait3A_367] : memref<20000x64xf32, #tpu.memory_space<hbm>> -> memref<20000x64xf32, #tpu.memory_space<hbm>>
      tpu.wait_indirect_dma semaphore(%arg13 : memref<!tpu.dma_semaphore, #tpu.memory_space<semaphore_mem>>) src(%dma_wait3A_368 : memref<20000x64xf32, #tpu.memory_space<hbm>>) dst(%dma_wait3A_362 : memref<80x64xf32, #tpu.memory_space<vmem>>)
      %run_scoped3A_369 = arith.constant 1 : i32
      "tpu.region"() ({
        %run_scoped3A_470 = tpu.sem_alloc : memref<!tpu.dma_semaphore, #tpu.memory_space<semaphore_mem>>
        %dma_start3A_471 = arith.constant 0 : i32
        %dma_start3A_472 = arith.constant 0 : i32
        %dma_start3A_473 = tpu.memref_slice %arg10[%run_scoped3A_369, %dma_start3A_471, %dma_start3A_472] : memref<5x80x64xf32, #tpu.memory_space<vmem>> -> memref<1x80x64xf32, #tpu.memory_space<vmem>>
        %dma_start3A_474 = tpu.memref_squeeze %dma_start3A_473 : memref<1x80x64xf32, #tpu.memory_space<vmem>> -> memref<80x64xf32, #tpu.memory_space<vmem>>
        %dma_start3A_475 = arith.constant 0 : i32
        %dma_start3A_476 = tpu.memref_slice %arg9[%add3A_357, %dma_start3A_475] : memref<125x80xi32, #tpu.memory_space<vmem>> -> memref<1x80xi32, #tpu.memory_space<vmem>>
        %dma_start3A_477 = tpu.memref_squeeze %dma_start3A_476 : memref<1x80xi32, #tpu.memory_space<vmem>> -> memref<80xi32, #tpu.memory_space<vmem>>
        %dma_start3A_478 = arith.constant 0 : i32
        %dma_start3A_479 = arith.constant 0 : i32
        %dma_start3A_480 = tpu.memref_slice %arg11[%dma_start3A_478, %dma_start3A_479] : memref<10000x64xf32, #tpu.memory_space<vmem_shared>> -> memref<10000x64xf32, #tpu.memory_space<vmem_shared>>
        tpu.enqueue_indirect_dma source(%dma_start3A_474 : memref<80x64xf32, #tpu.memory_space<vmem>>) target(%dma_start3A_480 : memref<10000x64xf32, #tpu.memory_space<vmem_shared>>) offsets(%dma_start3A_477 : memref<80xi32, #tpu.memory_space<vmem>>) semaphore(%run_scoped3A_470 : memref<!tpu.dma_semaphore, #tpu.memory_space<semaphore_mem>>) {add = true}
        %dma_wait3A_481 = arith.constant 0 : i32
        %dma_wait3A_482 = arith.constant 0 : i32
        %dma_wait3A_483 = tpu.memref_slice %arg10[%run_scoped3A_369, %dma_wait3A_481, %dma_wait3A_482] : memref<5x80x64xf32, #tpu.memory_space<vmem>> -> memref<1x80x64xf32, #tpu.memory_space<vmem>>
        %dma_wait3A_484 = tpu.memref_squeeze %dma_wait3A_483 : memref<1x80x64xf32, #tpu.memory_space<vmem>> -> memref<80x64xf32, #tpu.memory_space<vmem>>
        %dma_wait3A_485 = arith.constant 0 : i32
        %dma_wait3A_486 = tpu.memref_slice %arg9[%add3A_357, %dma_wait3A_485] : memref<125x80xi32, #tpu.memory_space<vmem>> -> memref<1x80xi32, #tpu.memory_space<vmem>>
        %dma_wait3A_487 = tpu.memref_squeeze %dma_wait3A_486 : memref<1x80xi32, #tpu.memory_space<vmem>> -> memref<80xi32, #tpu.memory_space<vmem>>
        %dma_wait3A_488 = arith.constant 0 : i32
        %dma_wait3A_489 = arith.constant 0 : i32
        %dma_wait3A_490 = tpu.memref_slice %arg11[%dma_wait3A_488, %dma_wait3A_489] : memref<10000x64xf32, #tpu.memory_space<vmem_shared>> -> memref<10000x64xf32, #tpu.memory_space<vmem_shared>>
        tpu.wait_indirect_dma semaphore(%run_scoped3A_470 : memref<!tpu.dma_semaphore, #tpu.memory_space<semaphore_mem>>) src(%dma_wait3A_484 : memref<80x64xf32, #tpu.memory_space<vmem>>) dst(%dma_wait3A_490 : memref<10000x64xf32, #tpu.memory_space<vmem_shared>>)
        tpu.yield
      }) : () -> ()
      %add3A_370 = arith.constant 5 : i32
      %add3A_371 = arith.addi %add3A_357, %add3A_370 : i32
      %dma_start3A_372 = arith.constant 1 : i32
      %dma_start3A_373 = arith.constant 0 : i32
      %dma_start3A_374 = arith.constant 0 : i32
      %dma_start3A_375 = tpu.memref_slice %arg10[%dma_start3A_372, %dma_start3A_373, %dma_start3A_374] : memref<5x80x64xf32, #tpu.memory_space<vmem>> -> memref<1x80x64xf32, #tpu.memory_space<vmem>>
      %dma_start3A_376 = tpu.memref_squeeze %dma_start3A_375 : memref<1x80x64xf32, #tpu.memory_space<vmem>> -> memref<80x64xf32, #tpu.memory_space<vmem>>
      %dma_start3A_377 = arith.constant 0 : i32
      %dma_start3A_378 = tpu.memref_slice %arg8[%add3A_371, %dma_start3A_377] : memref<125x80xi32, #tpu.memory_space<vmem>> -> memref<1x80xi32, #tpu.memory_space<vmem>>
      %dma_start3A_379 = tpu.memref_squeeze %dma_start3A_378 : memref<1x80xi32, #tpu.memory_space<vmem>> -> memref<80xi32, #tpu.memory_space<vmem>>
      %dma_start3A_380 = arith.constant 0 : i32
      %dma_start3A_381 = arith.constant 0 : i32
      %dma_start3A_382 = tpu.memref_slice %arg2[%dma_start3A_380, %dma_start3A_381] : memref<20000x64xf32, #tpu.memory_space<hbm>> -> memref<20000x64xf32, #tpu.memory_space<hbm>>
      tpu.enqueue_indirect_dma source(%dma_start3A_382 : memref<20000x64xf32, #tpu.memory_space<hbm>>) target(%dma_start3A_376 : memref<80x64xf32, #tpu.memory_space<vmem>>) offsets(%dma_start3A_379 : memref<80xi32, #tpu.memory_space<vmem>>) semaphore(%arg13 : memref<!tpu.dma_semaphore, #tpu.memory_space<semaphore_mem>>)
      %mul3A_383 = arith.constant 5 : i32
      %mul3A_384 = arith.muli %scan3A_324, %mul3A_383 : i32
      %add3A_385 = arith.constant 2 : i32
      %add3A_386 = arith.addi %mul3A_384, %add3A_385 : i32
      %dma_wait3A_387 = arith.constant 2 : i32
      %dma_wait3A_388 = arith.constant 0 : i32
      %dma_wait3A_389 = arith.constant 0 : i32
      %dma_wait3A_390 = tpu.memref_slice %arg10[%dma_wait3A_387, %dma_wait3A_388, %dma_wait3A_389] : memref<5x80x64xf32, #tpu.memory_space<vmem>> -> memref<1x80x64xf32, #tpu.memory_space<vmem>>
      %dma_wait3A_391 = tpu.memref_squeeze %dma_wait3A_390 : memref<1x80x64xf32, #tpu.memory_space<vmem>> -> memref<80x64xf32, #tpu.memory_space<vmem>>
      %dma_wait3A_392 = arith.constant 0 : i32
      %dma_wait3A_393 = tpu.memref_slice %arg8[%add3A_386, %dma_wait3A_392] : memref<125x80xi32, #tpu.memory_space<vmem>> -> memref<1x80xi32, #tpu.memory_space<vmem>>
      %dma_wait3A_394 = tpu.memref_squeeze %dma_wait3A_393 : memref<1x80xi32, #tpu.memory_space<vmem>> -> memref<80xi32, #tpu.memory_space<vmem>>
      %dma_wait3A_395 = arith.constant 0 : i32
      %dma_wait3A_396 = arith.constant 0 : i32
      %dma_wait3A_397 = tpu.memref_slice %arg2[%dma_wait3A_395, %dma_wait3A_396] : memref<20000x64xf32, #tpu.memory_space<hbm>> -> memref<20000x64xf32, #tpu.memory_space<hbm>>
      tpu.wait_indirect_dma semaphore(%arg14 : memref<!tpu.dma_semaphore, #tpu.memory_space<semaphore_mem>>) src(%dma_wait3A_397 : memref<20000x64xf32, #tpu.memory_space<hbm>>) dst(%dma_wait3A_391 : memref<80x64xf32, #tpu.memory_space<vmem>>)
      %run_scoped3A_398 = arith.constant 2 : i32
      "tpu.region"() ({
        %run_scoped3A_470 = tpu.sem_alloc : memref<!tpu.dma_semaphore, #tpu.memory_space<semaphore_mem>>
        %dma_start3A_471 = arith.constant 0 : i32
        %dma_start3A_472 = arith.constant 0 : i32
        %dma_start3A_473 = tpu.memref_slice %arg10[%run_scoped3A_398, %dma_start3A_471, %dma_start3A_472] : memref<5x80x64xf32, #tpu.memory_space<vmem>> -> memref<1x80x64xf32, #tpu.memory_space<vmem>>
        %dma_start3A_474 = tpu.memref_squeeze %dma_start3A_473 : memref<1x80x64xf32, #tpu.memory_space<vmem>> -> memref<80x64xf32, #tpu.memory_space<vmem>>
        %dma_start3A_475 = arith.constant 0 : i32
        %dma_start3A_476 = tpu.memref_slice %arg9[%add3A_386, %dma_start3A_475] : memref<125x80xi32, #tpu.memory_space<vmem>> -> memref<1x80xi32, #tpu.memory_space<vmem>>
        %dma_start3A_477 = tpu.memref_squeeze %dma_start3A_476 : memref<1x80xi32, #tpu.memory_space<vmem>> -> memref<80xi32, #tpu.memory_space<vmem>>
        %dma_start3A_478 = arith.constant 0 : i32
        %dma_start3A_479 = arith.constant 0 : i32
        %dma_start3A_480 = tpu.memref_slice %arg11[%dma_start3A_478, %dma_start3A_479] : memref<10000x64xf32, #tpu.memory_space<vmem_shared>> -> memref<10000x64xf32, #tpu.memory_space<vmem_shared>>
        tpu.enqueue_indirect_dma source(%dma_start3A_474 : memref<80x64xf32, #tpu.memory_space<vmem>>) target(%dma_start3A_480 : memref<10000x64xf32, #tpu.memory_space<vmem_shared>>) offsets(%dma_start3A_477 : memref<80xi32, #tpu.memory_space<vmem>>) semaphore(%run_scoped3A_470 : memref<!tpu.dma_semaphore, #tpu.memory_space<semaphore_mem>>) {add = true}
        %dma_wait3A_481 = arith.constant 0 : i32
        %dma_wait3A_482 = arith.constant 0 : i32
        %dma_wait3A_483 = tpu.memref_slice %arg10[%run_scoped3A_398, %dma_wait3A_481, %dma_wait3A_482] : memref<5x80x64xf32, #tpu.memory_space<vmem>> -> memref<1x80x64xf32, #tpu.memory_space<vmem>>
        %dma_wait3A_484 = tpu.memref_squeeze %dma_wait3A_483 : memref<1x80x64xf32, #tpu.memory_space<vmem>> -> memref<80x64xf32, #tpu.memory_space<vmem>>
        %dma_wait3A_485 = arith.constant 0 : i32
        %dma_wait3A_486 = tpu.memref_slice %arg9[%add3A_386, %dma_wait3A_485] : memref<125x80xi32, #tpu.memory_space<vmem>> -> memref<1x80xi32, #tpu.memory_space<vmem>>
        %dma_wait3A_487 = tpu.memref_squeeze %dma_wait3A_486 : memref<1x80xi32, #tpu.memory_space<vmem>> -> memref<80xi32, #tpu.memory_space<vmem>>
        %dma_wait3A_488 = arith.constant 0 : i32
        %dma_wait3A_489 = arith.constant 0 : i32
        %dma_wait3A_490 = tpu.memref_slice %arg11[%dma_wait3A_488, %dma_wait3A_489] : memref<10000x64xf32, #tpu.memory_space<vmem_shared>> -> memref<10000x64xf32, #tpu.memory_space<vmem_shared>>
        tpu.wait_indirect_dma semaphore(%run_scoped3A_470 : memref<!tpu.dma_semaphore, #tpu.memory_space<semaphore_mem>>) src(%dma_wait3A_484 : memref<80x64xf32, #tpu.memory_space<vmem>>) dst(%dma_wait3A_490 : memref<10000x64xf32, #tpu.memory_space<vmem_shared>>)
        tpu.yield
      }) : () -> ()
      %add3A_399 = arith.constant 5 : i32
      %add3A_400 = arith.addi %add3A_386, %add3A_399 : i32
      %dma_start3A_401 = arith.constant 2 : i32
      %dma_start3A_402 = arith.constant 0 : i32
      %dma_start3A_403 = arith.constant 0 : i32
      %dma_start3A_404 = tpu.memref_slice %arg10[%dma_start3A_401, %dma_start3A_402, %dma_start3A_403] : memref<5x80x64xf32, #tpu.memory_space<vmem>> -> memref<1x80x64xf32, #tpu.memory_space<vmem>>
      %dma_start3A_405 = tpu.memref_squeeze %dma_start3A_404 : memref<1x80x64xf32, #tpu.memory_space<vmem>> -> memref<80x64xf32, #tpu.memory_space<vmem>>
      %dma_start3A_406 = arith.constant 0 : i32
      %dma_start3A_407 = tpu.memref_slice %arg8[%add3A_400, %dma_start3A_406] : memref<125x80xi32, #tpu.memory_space<vmem>> -> memref<1x80xi32, #tpu.memory_space<vmem>>
      %dma_start3A_408 = tpu.memref_squeeze %dma_start3A_407 : memref<1x80xi32, #tpu.memory_space<vmem>> -> memref<80xi32, #tpu.memory_space<vmem>>
      %dma_start3A_409 = arith.constant 0 : i32
      %dma_start3A_410 = arith.constant 0 : i32
      %dma_start3A_411 = tpu.memref_slice %arg2[%dma_start3A_409, %dma_start3A_410] : memref<20000x64xf32, #tpu.memory_space<hbm>> -> memref<20000x64xf32, #tpu.memory_space<hbm>>
      tpu.enqueue_indirect_dma source(%dma_start3A_411 : memref<20000x64xf32, #tpu.memory_space<hbm>>) target(%dma_start3A_405 : memref<80x64xf32, #tpu.memory_space<vmem>>) offsets(%dma_start3A_408 : memref<80xi32, #tpu.memory_space<vmem>>) semaphore(%arg14 : memref<!tpu.dma_semaphore, #tpu.memory_space<semaphore_mem>>)
      %mul3A_412 = arith.constant 5 : i32
      %mul3A_413 = arith.muli %scan3A_324, %mul3A_412 : i32
      %add3A_414 = arith.constant 3 : i32
      %add3A_415 = arith.addi %mul3A_413, %add3A_414 : i32
      %dma_wait3A_416 = arith.constant 3 : i32
      %dma_wait3A_417 = arith.constant 0 : i32
      %dma_wait3A_418 = arith.constant 0 : i32
      %dma_wait3A_419 = tpu.memref_slice %arg10[%dma_wait3A_416, %dma_wait3A_417, %dma_wait3A_418] : memref<5x80x64xf32, #tpu.memory_space<vmem>> -> memref<1x80x64xf32, #tpu.memory_space<vmem>>
      %dma_wait3A_420 = tpu.memref_squeeze %dma_wait3A_419 : memref<1x80x64xf32, #tpu.memory_space<vmem>> -> memref<80x64xf32, #tpu.memory_space<vmem>>
      %dma_wait3A_421 = arith.constant 0 : i32
      %dma_wait3A_422 = tpu.memref_slice %arg8[%add3A_415, %dma_wait3A_421] : memref<125x80xi32, #tpu.memory_space<vmem>> -> memref<1x80xi32, #tpu.memory_space<vmem>>
      %dma_wait3A_423 = tpu.memref_squeeze %dma_wait3A_422 : memref<1x80xi32, #tpu.memory_space<vmem>> -> memref<80xi32, #tpu.memory_space<vmem>>
      %dma_wait3A_424 = arith.constant 0 : i32
      %dma_wait3A_425 = arith.constant 0 : i32
      %dma_wait3A_426 = tpu.memref_slice %arg2[%dma_wait3A_424, %dma_wait3A_425] : memref<20000x64xf32, #tpu.memory_space<hbm>> -> memref<20000x64xf32, #tpu.memory_space<hbm>>
      tpu.wait_indirect_dma semaphore(%arg15 : memref<!tpu.dma_semaphore, #tpu.memory_space<semaphore_mem>>) src(%dma_wait3A_426 : memref<20000x64xf32, #tpu.memory_space<hbm>>) dst(%dma_wait3A_420 : memref<80x64xf32, #tpu.memory_space<vmem>>)
      %run_scoped3A_427 = arith.constant 3 : i32
      "tpu.region"() ({
        %run_scoped3A_470 = tpu.sem_alloc : memref<!tpu.dma_semaphore, #tpu.memory_space<semaphore_mem>>
        %dma_start3A_471 = arith.constant 0 : i32
        %dma_start3A_472 = arith.constant 0 : i32
        %dma_start3A_473 = tpu.memref_slice %arg10[%run_scoped3A_427, %dma_start3A_471, %dma_start3A_472] : memref<5x80x64xf32, #tpu.memory_space<vmem>> -> memref<1x80x64xf32, #tpu.memory_space<vmem>>
        %dma_start3A_474 = tpu.memref_squeeze %dma_start3A_473 : memref<1x80x64xf32, #tpu.memory_space<vmem>> -> memref<80x64xf32, #tpu.memory_space<vmem>>
        %dma_start3A_475 = arith.constant 0 : i32
        %dma_start3A_476 = tpu.memref_slice %arg9[%add3A_415, %dma_start3A_475] : memref<125x80xi32, #tpu.memory_space<vmem>> -> memref<1x80xi32, #tpu.memory_space<vmem>>
        %dma_start3A_477 = tpu.memref_squeeze %dma_start3A_476 : memref<1x80xi32, #tpu.memory_space<vmem>> -> memref<80xi32, #tpu.memory_space<vmem>>
        %dma_start3A_478 = arith.constant 0 : i32
        %dma_start3A_479 = arith.constant 0 : i32
        %dma_start3A_480 = tpu.memref_slice %arg11[%dma_start3A_478, %dma_start3A_479] : memref<10000x64xf32, #tpu.memory_space<vmem_shared>> -> memref<10000x64xf32, #tpu.memory_space<vmem_shared>>
        tpu.enqueue_indirect_dma source(%dma_start3A_474 : memref<80x64xf32, #tpu.memory_space<vmem>>) target(%dma_start3A_480 : memref<10000x64xf32, #tpu.memory_space<vmem_shared>>) offsets(%dma_start3A_477 : memref<80xi32, #tpu.memory_space<vmem>>) semaphore(%run_scoped3A_470 : memref<!tpu.dma_semaphore, #tpu.memory_space<semaphore_mem>>) {add = true}
        %dma_wait3A_481 = arith.constant 0 : i32
        %dma_wait3A_482 = arith.constant 0 : i32
        %dma_wait3A_483 = tpu.memref_slice %arg10[%run_scoped3A_427, %dma_wait3A_481, %dma_wait3A_482] : memref<5x80x64xf32, #tpu.memory_space<vmem>> -> memref<1x80x64xf32, #tpu.memory_space<vmem>>
        %dma_wait3A_484 = tpu.memref_squeeze %dma_wait3A_483 : memref<1x80x64xf32, #tpu.memory_space<vmem>> -> memref<80x64xf32, #tpu.memory_space<vmem>>
        %dma_wait3A_485 = arith.constant 0 : i32
        %dma_wait3A_486 = tpu.memref_slice %arg9[%add3A_415, %dma_wait3A_485] : memref<125x80xi32, #tpu.memory_space<vmem>> -> memref<1x80xi32, #tpu.memory_space<vmem>>
        %dma_wait3A_487 = tpu.memref_squeeze %dma_wait3A_486 : memref<1x80xi32, #tpu.memory_space<vmem>> -> memref<80xi32, #tpu.memory_space<vmem>>
        %dma_wait3A_488 = arith.constant 0 : i32
        %dma_wait3A_489 = arith.constant 0 : i32
        %dma_wait3A_490 = tpu.memref_slice %arg11[%dma_wait3A_488, %dma_wait3A_489] : memref<10000x64xf32, #tpu.memory_space<vmem_shared>> -> memref<10000x64xf32, #tpu.memory_space<vmem_shared>>
        tpu.wait_indirect_dma semaphore(%run_scoped3A_470 : memref<!tpu.dma_semaphore, #tpu.memory_space<semaphore_mem>>) src(%dma_wait3A_484 : memref<80x64xf32, #tpu.memory_space<vmem>>) dst(%dma_wait3A_490 : memref<10000x64xf32, #tpu.memory_space<vmem_shared>>)
        tpu.yield
      }) : () -> ()
      %add3A_428 = arith.constant 5 : i32
      %add3A_429 = arith.addi %add3A_415, %add3A_428 : i32
      %dma_start3A_430 = arith.constant 3 : i32
      %dma_start3A_431 = arith.constant 0 : i32
      %dma_start3A_432 = arith.constant 0 : i32
      %dma_start3A_433 = tpu.memref_slice %arg10[%dma_start3A_430, %dma_start3A_431, %dma_start3A_432] : memref<5x80x64xf32, #tpu.memory_space<vmem>> -> memref<1x80x64xf32, #tpu.memory_space<vmem>>
      %dma_start3A_434 = tpu.memref_squeeze %dma_start3A_433 : memref<1x80x64xf32, #tpu.memory_space<vmem>> -> memref<80x64xf32, #tpu.memory_space<vmem>>
      %dma_start3A_435 = arith.constant 0 : i32
      %dma_start3A_436 = tpu.memref_slice %arg8[%add3A_429, %dma_start3A_435] : memref<125x80xi32, #tpu.memory_space<vmem>> -> memref<1x80xi32, #tpu.memory_space<vmem>>
      %dma_start3A_437 = tpu.memref_squeeze %dma_start3A_436 : memref<1x80xi32, #tpu.memory_space<vmem>> -> memref<80xi32, #tpu.memory_space<vmem>>
      %dma_start3A_438 = arith.constant 0 : i32
      %dma_start3A_439 = arith.constant 0 : i32
      %dma_start3A_440 = tpu.memref_slice %arg2[%dma_start3A_438, %dma_start3A_439] : memref<20000x64xf32, #tpu.memory_space<hbm>> -> memref<20000x64xf32, #tpu.memory_space<hbm>>
      tpu.enqueue_indirect_dma source(%dma_start3A_440 : memref<20000x64xf32, #tpu.memory_space<hbm>>) target(%dma_start3A_434 : memref<80x64xf32, #tpu.memory_space<vmem>>) offsets(%dma_start3A_437 : memref<80xi32, #tpu.memory_space<vmem>>) semaphore(%arg15 : memref<!tpu.dma_semaphore, #tpu.memory_space<semaphore_mem>>)
      %mul3A_441 = arith.constant 5 : i32
      %mul3A_442 = arith.muli %scan3A_324, %mul3A_441 : i32
      %add3A_443 = arith.constant 4 : i32
      %add3A_444 = arith.addi %mul3A_442, %add3A_443 : i32
      %dma_wait3A_445 = arith.constant 4 : i32
      %dma_wait3A_446 = arith.constant 0 : i32
      %dma_wait3A_447 = arith.constant 0 : i32
      %dma_wait3A_448 = tpu.memref_slice %arg10[%dma_wait3A_445, %dma_wait3A_446, %dma_wait3A_447] : memref<5x80x64xf32, #tpu.memory_space<vmem>> -> memref<1x80x64xf32, #tpu.memory_space<vmem>>
      %dma_wait3A_449 = tpu.memref_squeeze %dma_wait3A_448 : memref<1x80x64xf32, #tpu.memory_space<vmem>> -> memref<80x64xf32, #tpu.memory_space<vmem>>
      %dma_wait3A_450 = arith.constant 0 : i32
      %dma_wait3A_451 = tpu.memref_slice %arg8[%add3A_444, %dma_wait3A_450] : memref<125x80xi32, #tpu.memory_space<vmem>> -> memref<1x80xi32, #tpu.memory_space<vmem>>
      %dma_wait3A_452 = tpu.memref_squeeze %dma_wait3A_451 : memref<1x80xi32, #tpu.memory_space<vmem>> -> memref<80xi32, #tpu.memory_space<vmem>>
      %dma_wait3A_453 = arith.constant 0 : i32
      %dma_wait3A_454 = arith.constant 0 : i32
      %dma_wait3A_455 = tpu.memref_slice %arg2[%dma_wait3A_453, %dma_wait3A_454] : memref<20000x64xf32, #tpu.memory_space<hbm>> -> memref<20000x64xf32, #tpu.memory_space<hbm>>
      tpu.wait_indirect_dma semaphore(%arg16 : memref<!tpu.dma_semaphore, #tpu.memory_space<semaphore_mem>>) src(%dma_wait3A_455 : memref<20000x64xf32, #tpu.memory_space<hbm>>) dst(%dma_wait3A_449 : memref<80x64xf32, #tpu.memory_space<vmem>>)
      %run_scoped3A_456 = arith.constant 4 : i32
      "tpu.region"() ({
        %run_scoped3A_470 = tpu.sem_alloc : memref<!tpu.dma_semaphore, #tpu.memory_space<semaphore_mem>>
        %dma_start3A_471 = arith.constant 0 : i32
        %dma_start3A_472 = arith.constant 0 : i32
        %dma_start3A_473 = tpu.memref_slice %arg10[%run_scoped3A_456, %dma_start3A_471, %dma_start3A_472] : memref<5x80x64xf32, #tpu.memory_space<vmem>> -> memref<1x80x64xf32, #tpu.memory_space<vmem>>
        %dma_start3A_474 = tpu.memref_squeeze %dma_start3A_473 : memref<1x80x64xf32, #tpu.memory_space<vmem>> -> memref<80x64xf32, #tpu.memory_space<vmem>>
        %dma_start3A_475 = arith.constant 0 : i32
        %dma_start3A_476 = tpu.memref_slice %arg9[%add3A_444, %dma_start3A_475] : memref<125x80xi32, #tpu.memory_space<vmem>> -> memref<1x80xi32, #tpu.memory_space<vmem>>
        %dma_start3A_477 = tpu.memref_squeeze %dma_start3A_476 : memref<1x80xi32, #tpu.memory_space<vmem>> -> memref<80xi32, #tpu.memory_space<vmem>>
        %dma_start3A_478 = arith.constant 0 : i32
        %dma_start3A_479 = arith.constant 0 : i32
        %dma_start3A_480 = tpu.memref_slice %arg11[%dma_start3A_478, %dma_start3A_479] : memref<10000x64xf32, #tpu.memory_space<vmem_shared>> -> memref<10000x64xf32, #tpu.memory_space<vmem_shared>>
        tpu.enqueue_indirect_dma source(%dma_start3A_474 : memref<80x64xf32, #tpu.memory_space<vmem>>) target(%dma_start3A_480 : memref<10000x64xf32, #tpu.memory_space<vmem_shared>>) offsets(%dma_start3A_477 : memref<80xi32, #tpu.memory_space<vmem>>) semaphore(%run_scoped3A_470 : memref<!tpu.dma_semaphore, #tpu.memory_space<semaphore_mem>>) {add = true}
        %dma_wait3A_481 = arith.constant 0 : i32
        %dma_wait3A_482 = arith.constant 0 : i32
        %dma_wait3A_483 = tpu.memref_slice %arg10[%run_scoped3A_456, %dma_wait3A_481, %dma_wait3A_482] : memref<5x80x64xf32, #tpu.memory_space<vmem>> -> memref<1x80x64xf32, #tpu.memory_space<vmem>>
        %dma_wait3A_484 = tpu.memref_squeeze %dma_wait3A_483 : memref<1x80x64xf32, #tpu.memory_space<vmem>> -> memref<80x64xf32, #tpu.memory_space<vmem>>
        %dma_wait3A_485 = arith.constant 0 : i32
        %dma_wait3A_486 = tpu.memref_slice %arg9[%add3A_444, %dma_wait3A_485] : memref<125x80xi32, #tpu.memory_space<vmem>> -> memref<1x80xi32, #tpu.memory_space<vmem>>
        %dma_wait3A_487 = tpu.memref_squeeze %dma_wait3A_486 : memref<1x80xi32, #tpu.memory_space<vmem>> -> memref<80xi32, #tpu.memory_space<vmem>>
        %dma_wait3A_488 = arith.constant 0 : i32
        %dma_wait3A_489 = arith.constant 0 : i32
        %dma_wait3A_490 = tpu.memref_slice %arg11[%dma_wait3A_488, %dma_wait3A_489] : memref<10000x64xf32, #tpu.memory_space<vmem_shared>> -> memref<10000x64xf32, #tpu.memory_space<vmem_shared>>
        tpu.wait_indirect_dma semaphore(%run_scoped3A_470 : memref<!tpu.dma_semaphore, #tpu.memory_space<semaphore_mem>>) src(%dma_wait3A_484 : memref<80x64xf32, #tpu.memory_space<vmem>>) dst(%dma_wait3A_490 : memref<10000x64xf32, #tpu.memory_space<vmem_shared>>)
        tpu.yield
      }) : () -> ()
      %add3A_457 = arith.constant 5 : i32
      %add3A_458 = arith.addi %add3A_444, %add3A_457 : i32
      %dma_start3A_459 = arith.constant 4 : i32
      %dma_start3A_460 = arith.constant 0 : i32
      %dma_start3A_461 = arith.constant 0 : i32
      %dma_start3A_462 = tpu.memref_slice %arg10[%dma_start3A_459, %dma_start3A_460, %dma_start3A_461] : memref<5x80x64xf32, #tpu.memory_space<vmem>> -> memref<1x80x64xf32, #tpu.memory_space<vmem>>
      %dma_start3A_463 = tpu.memref_squeeze %dma_start3A_462 : memref<1x80x64xf32, #tpu.memory_space<vmem>> -> memref<80x64xf32, #tpu.memory_space<vmem>>
      %dma_start3A_464 = arith.constant 0 : i32
      %dma_start3A_465 = tpu.memref_slice %arg8[%add3A_458, %dma_start3A_464] : memref<125x80xi32, #tpu.memory_space<vmem>> -> memref<1x80xi32, #tpu.memory_space<vmem>>
      %dma_start3A_466 = tpu.memref_squeeze %dma_start3A_465 : memref<1x80xi32, #tpu.memory_space<vmem>> -> memref<80xi32, #tpu.memory_space<vmem>>
      %dma_start3A_467 = arith.constant 0 : i32
      %dma_start3A_468 = arith.constant 0 : i32
      %dma_start3A_469 = tpu.memref_slice %arg2[%dma_start3A_467, %dma_start3A_468] : memref<20000x64xf32, #tpu.memory_space<hbm>> -> memref<20000x64xf32, #tpu.memory_space<hbm>>
      tpu.enqueue_indirect_dma source(%dma_start3A_469 : memref<20000x64xf32, #tpu.memory_space<hbm>>) target(%dma_start3A_463 : memref<80x64xf32, #tpu.memory_space<vmem>>) offsets(%dma_start3A_466 : memref<80xi32, #tpu.memory_space<vmem>>) semaphore(%arg16 : memref<!tpu.dma_semaphore, #tpu.memory_space<semaphore_mem>>)
    }
    %scan3A_76 = arith.constant 24 : i32
    %dma_wait3A = arith.constant 120 : i32
    %dma_wait3A_77 = arith.constant 0 : i32
    %dma_wait3A_78 = arith.constant 0 : i32
    %dma_wait3A_79 = arith.constant 0 : i32
    %dma_wait3A_80 = tpu.memref_slice %arg10[%dma_wait3A_77, %dma_wait3A_78, %dma_wait3A_79] : memref<5x80x64xf32, #tpu.memory_space<vmem>> -> memref<1x80x64xf32, #tpu.memory_space<vmem>>
    %dma_wait3A_81 = tpu.memref_squeeze %dma_wait3A_80 : memref<1x80x64xf32, #tpu.memory_space<vmem>> -> memref<80x64xf32, #tpu.memory_space<vmem>>
    %dma_wait3A_82 = arith.constant 0 : i32
    %dma_wait3A_83 = tpu.memref_slice %arg8[%dma_wait3A, %dma_wait3A_82] : memref<125x80xi32, #tpu.memory_space<vmem>> -> memref<1x80xi32, #tpu.memory_space<vmem>>
    %dma_wait3A_84 = tpu.memref_squeeze %dma_wait3A_83 : memref<1x80xi32, #tpu.memory_space<vmem>> -> memref<80xi32, #tpu.memory_space<vmem>>
    %dma_wait3A_85 = arith.constant 0 : i32
    %dma_wait3A_86 = arith.constant 0 : i32
    %dma_wait3A_87 = tpu.memref_slice %arg2[%dma_wait3A_85, %dma_wait3A_86] : memref<20000x64xf32, #tpu.memory_space<hbm>> -> memref<20000x64xf32, #tpu.memory_space<hbm>>
    tpu.wait_indirect_dma semaphore(%arg12 : memref<!tpu.dma_semaphore, #tpu.memory_space<semaphore_mem>>) src(%dma_wait3A_87 : memref<20000x64xf32, #tpu.memory_space<hbm>>) dst(%dma_wait3A_81 : memref<80x64xf32, #tpu.memory_space<vmem>>)
    %run_scoped3A = arith.constant 0 : i32
    %run_scoped3A_88 = arith.constant 120 : i32
    "tpu.region"() ({
      %run_scoped3A_324 = tpu.sem_alloc : memref<!tpu.dma_semaphore, #tpu.memory_space<semaphore_mem>>
      %dma_start3A_325 = arith.constant 0 : i32
      %dma_start3A_326 = arith.constant 0 : i32
      %dma_start3A_327 = tpu.memref_slice %arg10[%run_scoped3A, %dma_start3A_325, %dma_start3A_326] : memref<5x80x64xf32, #tpu.memory_space<vmem>> -> memref<1x80x64xf32, #tpu.memory_space<vmem>>
      %dma_start3A_328 = tpu.memref_squeeze %dma_start3A_327 : memref<1x80x64xf32, #tpu.memory_space<vmem>> -> memref<80x64xf32, #tpu.memory_space<vmem>>
      %dma_start3A_329 = arith.constant 0 : i32
      %dma_start3A_330 = tpu.memref_slice %arg9[%run_scoped3A_88, %dma_start3A_329] : memref<125x80xi32, #tpu.memory_space<vmem>> -> memref<1x80xi32, #tpu.memory_space<vmem>>
      %dma_start3A_331 = tpu.memref_squeeze %dma_start3A_330 : memref<1x80xi32, #tpu.memory_space<vmem>> -> memref<80xi32, #tpu.memory_space<vmem>>
      %dma_start3A_332 = arith.constant 0 : i32
      %dma_start3A_333 = arith.constant 0 : i32
      %dma_start3A_334 = tpu.memref_slice %arg11[%dma_start3A_332, %dma_start3A_333] : memref<10000x64xf32, #tpu.memory_space<vmem_shared>> -> memref<10000x64xf32, #tpu.memory_space<vmem_shared>>
      tpu.enqueue_indirect_dma source(%dma_start3A_328 : memref<80x64xf32, #tpu.memory_space<vmem>>) target(%dma_start3A_334 : memref<10000x64xf32, #tpu.memory_space<vmem_shared>>) offsets(%dma_start3A_331 : memref<80xi32, #tpu.memory_space<vmem>>) semaphore(%run_scoped3A_324 : memref<!tpu.dma_semaphore, #tpu.memory_space<semaphore_mem>>) {add = true}
      %dma_wait3A_335 = arith.constant 0 : i32
      %dma_wait3A_336 = arith.constant 0 : i32
      %dma_wait3A_337 = tpu.memref_slice %arg10[%run_scoped3A, %dma_wait3A_335, %dma_wait3A_336] : memref<5x80x64xf32, #tpu.memory_space<vmem>> -> memref<1x80x64xf32, #tpu.memory_space<vmem>>
      %dma_wait3A_338 = tpu.memref_squeeze %dma_wait3A_337 : memref<1x80x64xf32, #tpu.memory_space<vmem>> -> memref<80x64xf32, #tpu.memory_space<vmem>>
      %dma_wait3A_339 = arith.constant 0 : i32
      %dma_wait3A_340 = tpu.memref_slice %arg9[%run_scoped3A_88, %dma_wait3A_339] : memref<125x80xi32, #tpu.memory_space<vmem>> -> memref<1x80xi32, #tpu.memory_space<vmem>>
      %dma_wait3A_341 = tpu.memref_squeeze %dma_wait3A_340 : memref<1x80xi32, #tpu.memory_space<vmem>> -> memref<80xi32, #tpu.memory_space<vmem>>
      %dma_wait3A_342 = arith.constant 0 : i32
      %dma_wait3A_343 = arith.constant 0 : i32
      %dma_wait3A_344 = tpu.memref_slice %arg11[%dma_wait3A_342, %dma_wait3A_343] : memref<10000x64xf32, #tpu.memory_space<vmem_shared>> -> memref<10000x64xf32, #tpu.memory_space<vmem_shared>>
      tpu.wait_indirect_dma semaphore(%run_scoped3A_324 : memref<!tpu.dma_semaphore, #tpu.memory_space<semaphore_mem>>) src(%dma_wait3A_338 : memref<80x64xf32, #tpu.memory_space<vmem>>) dst(%dma_wait3A_344 : memref<10000x64xf32, #tpu.memory_space<vmem_shared>>)
      tpu.yield
    }) : () -> ()
    %dma_wait3A_89 = arith.constant 121 : i32
    %dma_wait3A_90 = arith.constant 1 : i32
    %dma_wait3A_91 = arith.constant 0 : i32
    %dma_wait3A_92 = arith.constant 0 : i32
    %dma_wait3A_93 = tpu.memref_slice %arg10[%dma_wait3A_90, %dma_wait3A_91, %dma_wait3A_92] : memref<5x80x64xf32, #tpu.memory_space<vmem>> -> memref<1x80x64xf32, #tpu.memory_space<vmem>>
    %dma_wait3A_94 = tpu.memref_squeeze %dma_wait3A_93 : memref<1x80x64xf32, #tpu.memory_space<vmem>> -> memref<80x64xf32, #tpu.memory_space<vmem>>
    %dma_wait3A_95 = arith.constant 0 : i32
    %dma_wait3A_96 = tpu.memref_slice %arg8[%dma_wait3A_89, %dma_wait3A_95] : memref<125x80xi32, #tpu.memory_space<vmem>> -> memref<1x80xi32, #tpu.memory_space<vmem>>
    %dma_wait3A_97 = tpu.memref_squeeze %dma_wait3A_96 : memref<1x80xi32, #tpu.memory_space<vmem>> -> memref<80xi32, #tpu.memory_space<vmem>>
    %dma_wait3A_98 = arith.constant 0 : i32
    %dma_wait3A_99 = arith.constant 0 : i32
    %dma_wait3A_100 = tpu.memref_slice %arg2[%dma_wait3A_98, %dma_wait3A_99] : memref<20000x64xf32, #tpu.memory_space<hbm>> -> memref<20000x64xf32, #tpu.memory_space<hbm>>
    tpu.wait_indirect_dma semaphore(%arg13 : memref<!tpu.dma_semaphore, #tpu.memory_space<semaphore_mem>>) src(%dma_wait3A_100 : memref<20000x64xf32, #tpu.memory_space<hbm>>) dst(%dma_wait3A_94 : memref<80x64xf32, #tpu.memory_space<vmem>>)
    %run_scoped3A_101 = arith.constant 1 : i32
    %run_scoped3A_102 = arith.constant 121 : i32
    "tpu.region"() ({
      %run_scoped3A_324 = tpu.sem_alloc : memref<!tpu.dma_semaphore, #tpu.memory_space<semaphore_mem>>
      %dma_start3A_325 = arith.constant 0 : i32
      %dma_start3A_326 = arith.constant 0 : i32
      %dma_start3A_327 = tpu.memref_slice %arg10[%run_scoped3A_101, %dma_start3A_325, %dma_start3A_326] : memref<5x80x64xf32, #tpu.memory_space<vmem>> -> memref<1x80x64xf32, #tpu.memory_space<vmem>>
      %dma_start3A_328 = tpu.memref_squeeze %dma_start3A_327 : memref<1x80x64xf32, #tpu.memory_space<vmem>> -> memref<80x64xf32, #tpu.memory_space<vmem>>
      %dma_start3A_329 = arith.constant 0 : i32
      %dma_start3A_330 = tpu.memref_slice %arg9[%run_scoped3A_102, %dma_start3A_329] : memref<125x80xi32, #tpu.memory_space<vmem>> -> memref<1x80xi32, #tpu.memory_space<vmem>>
      %dma_start3A_331 = tpu.memref_squeeze %dma_start3A_330 : memref<1x80xi32, #tpu.memory_space<vmem>> -> memref<80xi32, #tpu.memory_space<vmem>>
      %dma_start3A_332 = arith.constant 0 : i32
      %dma_start3A_333 = arith.constant 0 : i32
      %dma_start3A_334 = tpu.memref_slice %arg11[%dma_start3A_332, %dma_start3A_333] : memref<10000x64xf32, #tpu.memory_space<vmem_shared>> -> memref<10000x64xf32, #tpu.memory_space<vmem_shared>>
      tpu.enqueue_indirect_dma source(%dma_start3A_328 : memref<80x64xf32, #tpu.memory_space<vmem>>) target(%dma_start3A_334 : memref<10000x64xf32, #tpu.memory_space<vmem_shared>>) offsets(%dma_start3A_331 : memref<80xi32, #tpu.memory_space<vmem>>) semaphore(%run_scoped3A_324 : memref<!tpu.dma_semaphore, #tpu.memory_space<semaphore_mem>>) {add = true}
      %dma_wait3A_335 = arith.constant 0 : i32
      %dma_wait3A_336 = arith.constant 0 : i32
      %dma_wait3A_337 = tpu.memref_slice %arg10[%run_scoped3A_101, %dma_wait3A_335, %dma_wait3A_336] : memref<5x80x64xf32, #tpu.memory_space<vmem>> -> memref<1x80x64xf32, #tpu.memory_space<vmem>>
      %dma_wait3A_338 = tpu.memref_squeeze %dma_wait3A_337 : memref<1x80x64xf32, #tpu.memory_space<vmem>> -> memref<80x64xf32, #tpu.memory_space<vmem>>
      %dma_wait3A_339 = arith.constant 0 : i32
      %dma_wait3A_340 = tpu.memref_slice %arg9[%run_scoped3A_102, %dma_wait3A_339] : memref<125x80xi32, #tpu.memory_space<vmem>> -> memref<1x80xi32, #tpu.memory_space<vmem>>
      %dma_wait3A_341 = tpu.memref_squeeze %dma_wait3A_340 : memref<1x80xi32, #tpu.memory_space<vmem>> -> memref<80xi32, #tpu.memory_space<vmem>>
      %dma_wait3A_342 = arith.constant 0 : i32
      %dma_wait3A_343 = arith.constant 0 : i32
      %dma_wait3A_344 = tpu.memref_slice %arg11[%dma_wait3A_342, %dma_wait3A_343] : memref<10000x64xf32, #tpu.memory_space<vmem_shared>> -> memref<10000x64xf32, #tpu.memory_space<vmem_shared>>
      tpu.wait_indirect_dma semaphore(%run_scoped3A_324 : memref<!tpu.dma_semaphore, #tpu.memory_space<semaphore_mem>>) src(%dma_wait3A_338 : memref<80x64xf32, #tpu.memory_space<vmem>>) dst(%dma_wait3A_344 : memref<10000x64xf32, #tpu.memory_space<vmem_shared>>)
      tpu.yield
    }) : () -> ()
    %dma_wait3A_103 = arith.constant 122 : i32
    %dma_wait3A_104 = arith.constant 2 : i32
    %dma_wait3A_105 = arith.constant 0 : i32
    %dma_wait3A_106 = arith.constant 0 : i32
    %dma_wait3A_107 = tpu.memref_slice %arg10[%dma_wait3A_104, %dma_wait3A_105, %dma_wait3A_106] : memref<5x80x64xf32, #tpu.memory_space<vmem>> -> memref<1x80x64xf32, #tpu.memory_space<vmem>>
    %dma_wait3A_108 = tpu.memref_squeeze %dma_wait3A_107 : memref<1x80x64xf32, #tpu.memory_space<vmem>> -> memref<80x64xf32, #tpu.memory_space<vmem>>
    %dma_wait3A_109 = arith.constant 0 : i32
    %dma_wait3A_110 = tpu.memref_slice %arg8[%dma_wait3A_103, %dma_wait3A_109] : memref<125x80xi32, #tpu.memory_space<vmem>> -> memref<1x80xi32, #tpu.memory_space<vmem>>
    %dma_wait3A_111 = tpu.memref_squeeze %dma_wait3A_110 : memref<1x80xi32, #tpu.memory_space<vmem>> -> memref<80xi32, #tpu.memory_space<vmem>>
    %dma_wait3A_112 = arith.constant 0 : i32
    %dma_wait3A_113 = arith.constant 0 : i32
    %dma_wait3A_114 = tpu.memref_slice %arg2[%dma_wait3A_112, %dma_wait3A_113] : memref<20000x64xf32, #tpu.memory_space<hbm>> -> memref<20000x64xf32, #tpu.memory_space<hbm>>
    tpu.wait_indirect_dma semaphore(%arg14 : memref<!tpu.dma_semaphore, #tpu.memory_space<semaphore_mem>>) src(%dma_wait3A_114 : memref<20000x64xf32, #tpu.memory_space<hbm>>) dst(%dma_wait3A_108 : memref<80x64xf32, #tpu.memory_space<vmem>>)
    %run_scoped3A_115 = arith.constant 2 : i32
    %run_scoped3A_116 = arith.constant 122 : i32
    "tpu.region"() ({
      %run_scoped3A_324 = tpu.sem_alloc : memref<!tpu.dma_semaphore, #tpu.memory_space<semaphore_mem>>
      %dma_start3A_325 = arith.constant 0 : i32
      %dma_start3A_326 = arith.constant 0 : i32
      %dma_start3A_327 = tpu.memref_slice %arg10[%run_scoped3A_115, %dma_start3A_325, %dma_start3A_326] : memref<5x80x64xf32, #tpu.memory_space<vmem>> -> memref<1x80x64xf32, #tpu.memory_space<vmem>>
      %dma_start3A_328 = tpu.memref_squeeze %dma_start3A_327 : memref<1x80x64xf32, #tpu.memory_space<vmem>> -> memref<80x64xf32, #tpu.memory_space<vmem>>
      %dma_start3A_329 = arith.constant 0 : i32
      %dma_start3A_330 = tpu.memref_slice %arg9[%run_scoped3A_116, %dma_start3A_329] : memref<125x80xi32, #tpu.memory_space<vmem>> -> memref<1x80xi32, #tpu.memory_space<vmem>>
      %dma_start3A_331 = tpu.memref_squeeze %dma_start3A_330 : memref<1x80xi32, #tpu.memory_space<vmem>> -> memref<80xi32, #tpu.memory_space<vmem>>
      %dma_start3A_332 = arith.constant 0 : i32
      %dma_start3A_333 = arith.constant 0 : i32
      %dma_start3A_334 = tpu.memref_slice %arg11[%dma_start3A_332, %dma_start3A_333] : memref<10000x64xf32, #tpu.memory_space<vmem_shared>> -> memref<10000x64xf32, #tpu.memory_space<vmem_shared>>
      tpu.enqueue_indirect_dma source(%dma_start3A_328 : memref<80x64xf32, #tpu.memory_space<vmem>>) target(%dma_start3A_334 : memref<10000x64xf32, #tpu.memory_space<vmem_shared>>) offsets(%dma_start3A_331 : memref<80xi32, #tpu.memory_space<vmem>>) semaphore(%run_scoped3A_324 : memref<!tpu.dma_semaphore, #tpu.memory_space<semaphore_mem>>) {add = true}
      %dma_wait3A_335 = arith.constant 0 : i32
      %dma_wait3A_336 = arith.constant 0 : i32
      %dma_wait3A_337 = tpu.memref_slice %arg10[%run_scoped3A_115, %dma_wait3A_335, %dma_wait3A_336] : memref<5x80x64xf32, #tpu.memory_space<vmem>> -> memref<1x80x64xf32, #tpu.memory_space<vmem>>
      %dma_wait3A_338 = tpu.memref_squeeze %dma_wait3A_337 : memref<1x80x64xf32, #tpu.memory_space<vmem>> -> memref<80x64xf32, #tpu.memory_space<vmem>>
      %dma_wait3A_339 = arith.constant 0 : i32
      %dma_wait3A_340 = tpu.memref_slice %arg9[%run_scoped3A_116, %dma_wait3A_339] : memref<125x80xi32, #tpu.memory_space<vmem>> -> memref<1x80xi32, #tpu.memory_space<vmem>>
      %dma_wait3A_341 = tpu.memref_squeeze %dma_wait3A_340 : memref<1x80xi32, #tpu.memory_space<vmem>> -> memref<80xi32, #tpu.memory_space<vmem>>
      %dma_wait3A_342 = arith.constant 0 : i32
      %dma_wait3A_343 = arith.constant 0 : i32
      %dma_wait3A_344 = tpu.memref_slice %arg11[%dma_wait3A_342, %dma_wait3A_343] : memref<10000x64xf32, #tpu.memory_space<vmem_shared>> -> memref<10000x64xf32, #tpu.memory_space<vmem_shared>>
      tpu.wait_indirect_dma semaphore(%run_scoped3A_324 : memref<!tpu.dma_semaphore, #tpu.memory_space<semaphore_mem>>) src(%dma_wait3A_338 : memref<80x64xf32, #tpu.memory_space<vmem>>) dst(%dma_wait3A_344 : memref<10000x64xf32, #tpu.memory_space<vmem_shared>>)
      tpu.yield
    }) : () -> ()
    %dma_wait3A_117 = arith.constant 123 : i32
    %dma_wait3A_118 = arith.constant 3 : i32
    %dma_wait3A_119 = arith.constant 0 : i32
    %dma_wait3A_120 = arith.constant 0 : i32
    %dma_wait3A_121 = tpu.memref_slice %arg10[%dma_wait3A_118, %dma_wait3A_119, %dma_wait3A_120] : memref<5x80x64xf32, #tpu.memory_space<vmem>> -> memref<1x80x64xf32, #tpu.memory_space<vmem>>
    %dma_wait3A_122 = tpu.memref_squeeze %dma_wait3A_121 : memref<1x80x64xf32, #tpu.memory_space<vmem>> -> memref<80x64xf32, #tpu.memory_space<vmem>>
    %dma_wait3A_123 = arith.constant 0 : i32
    %dma_wait3A_124 = tpu.memref_slice %arg8[%dma_wait3A_117, %dma_wait3A_123] : memref<125x80xi32, #tpu.memory_space<vmem>> -> memref<1x80xi32, #tpu.memory_space<vmem>>
    %dma_wait3A_125 = tpu.memref_squeeze %dma_wait3A_124 : memref<1x80xi32, #tpu.memory_space<vmem>> -> memref<80xi32, #tpu.memory_space<vmem>>
    %dma_wait3A_126 = arith.constant 0 : i32
    %dma_wait3A_127 = arith.constant 0 : i32
    %dma_wait3A_128 = tpu.memref_slice %arg2[%dma_wait3A_126, %dma_wait3A_127] : memref<20000x64xf32, #tpu.memory_space<hbm>> -> memref<20000x64xf32, #tpu.memory_space<hbm>>
    tpu.wait_indirect_dma semaphore(%arg15 : memref<!tpu.dma_semaphore, #tpu.memory_space<semaphore_mem>>) src(%dma_wait3A_128 : memref<20000x64xf32, #tpu.memory_space<hbm>>) dst(%dma_wait3A_122 : memref<80x64xf32, #tpu.memory_space<vmem>>)
    %run_scoped3A_129 = arith.constant 3 : i32
    %run_scoped3A_130 = arith.constant 123 : i32
    "tpu.region"() ({
      %run_scoped3A_324 = tpu.sem_alloc : memref<!tpu.dma_semaphore, #tpu.memory_space<semaphore_mem>>
      %dma_start3A_325 = arith.constant 0 : i32
      %dma_start3A_326 = arith.constant 0 : i32
      %dma_start3A_327 = tpu.memref_slice %arg10[%run_scoped3A_129, %dma_start3A_325, %dma_start3A_326] : memref<5x80x64xf32, #tpu.memory_space<vmem>> -> memref<1x80x64xf32, #tpu.memory_space<vmem>>
      %dma_start3A_328 = tpu.memref_squeeze %dma_start3A_327 : memref<1x80x64xf32, #tpu.memory_space<vmem>> -> memref<80x64xf32, #tpu.memory_space<vmem>>
      %dma_start3A_329 = arith.constant 0 : i32
      %dma_start3A_330 = tpu.memref_slice %arg9[%run_scoped3A_130, %dma_start3A_329] : memref<125x80xi32, #tpu.memory_space<vmem>> -> memref<1x80xi32, #tpu.memory_space<vmem>>
      %dma_start3A_331 = tpu.memref_squeeze %dma_start3A_330 : memref<1x80xi32, #tpu.memory_space<vmem>> -> memref<80xi32, #tpu.memory_space<vmem>>
      %dma_start3A_332 = arith.constant 0 : i32
      %dma_start3A_333 = arith.constant 0 : i32
      %dma_start3A_334 = tpu.memref_slice %arg11[%dma_start3A_332, %dma_start3A_333] : memref<10000x64xf32, #tpu.memory_space<vmem_shared>> -> memref<10000x64xf32, #tpu.memory_space<vmem_shared>>
      tpu.enqueue_indirect_dma source(%dma_start3A_328 : memref<80x64xf32, #tpu.memory_space<vmem>>) target(%dma_start3A_334 : memref<10000x64xf32, #tpu.memory_space<vmem_shared>>) offsets(%dma_start3A_331 : memref<80xi32, #tpu.memory_space<vmem>>) semaphore(%run_scoped3A_324 : memref<!tpu.dma_semaphore, #tpu.memory_space<semaphore_mem>>) {add = true}
      %dma_wait3A_335 = arith.constant 0 : i32
      %dma_wait3A_336 = arith.constant 0 : i32
      %dma_wait3A_337 = tpu.memref_slice %arg10[%run_scoped3A_129, %dma_wait3A_335, %dma_wait3A_336] : memref<5x80x64xf32, #tpu.memory_space<vmem>> -> memref<1x80x64xf32, #tpu.memory_space<vmem>>
      %dma_wait3A_338 = tpu.memref_squeeze %dma_wait3A_337 : memref<1x80x64xf32, #tpu.memory_space<vmem>> -> memref<80x64xf32, #tpu.memory_space<vmem>>
      %dma_wait3A_339 = arith.constant 0 : i32
      %dma_wait3A_340 = tpu.memref_slice %arg9[%run_scoped3A_130, %dma_wait3A_339] : memref<125x80xi32, #tpu.memory_space<vmem>> -> memref<1x80xi32, #tpu.memory_space<vmem>>
      %dma_wait3A_341 = tpu.memref_squeeze %dma_wait3A_340 : memref<1x80xi32, #tpu.memory_space<vmem>> -> memref<80xi32, #tpu.memory_space<vmem>>
      %dma_wait3A_342 = arith.constant 0 : i32
      %dma_wait3A_343 = arith.constant 0 : i32
      %dma_wait3A_344 = tpu.memref_slice %arg11[%dma_wait3A_342, %dma_wait3A_343] : memref<10000x64xf32, #tpu.memory_space<vmem_shared>> -> memref<10000x64xf32, #tpu.memory_space<vmem_shared>>
      tpu.wait_indirect_dma semaphore(%run_scoped3A_324 : memref<!tpu.dma_semaphore, #tpu.memory_space<semaphore_mem>>) src(%dma_wait3A_338 : memref<80x64xf32, #tpu.memory_space<vmem>>) dst(%dma_wait3A_344 : memref<10000x64xf32, #tpu.memory_space<vmem_shared>>)
      tpu.yield
    }) : () -> ()
    %dma_wait3A_131 = arith.constant 124 : i32
    %dma_wait3A_132 = arith.constant 4 : i32
    %dma_wait3A_133 = arith.constant 0 : i32
    %dma_wait3A_134 = arith.constant 0 : i32
    %dma_wait3A_135 = tpu.memref_slice %arg10[%dma_wait3A_132, %dma_wait3A_133, %dma_wait3A_134] : memref<5x80x64xf32, #tpu.memory_space<vmem>> -> memref<1x80x64xf32, #tpu.memory_space<vmem>>
    %dma_wait3A_136 = tpu.memref_squeeze %dma_wait3A_135 : memref<1x80x64xf32, #tpu.memory_space<vmem>> -> memref<80x64xf32, #tpu.memory_space<vmem>>
    %dma_wait3A_137 = arith.constant 0 : i32
    %dma_wait3A_138 = tpu.memref_slice %arg8[%dma_wait3A_131, %dma_wait3A_137] : memref<125x80xi32, #tpu.memory_space<vmem>> -> memref<1x80xi32, #tpu.memory_space<vmem>>
    %dma_wait3A_139 = tpu.memref_squeeze %dma_wait3A_138 : memref<1x80xi32, #tpu.memory_space<vmem>> -> memref<80xi32, #tpu.memory_space<vmem>>
    %dma_wait3A_140 = arith.constant 0 : i32
    %dma_wait3A_141 = arith.constant 0 : i32
    %dma_wait3A_142 = tpu.memref_slice %arg2[%dma_wait3A_140, %dma_wait3A_141] : memref<20000x64xf32, #tpu.memory_space<hbm>> -> memref<20000x64xf32, #tpu.memory_space<hbm>>
    tpu.wait_indirect_dma semaphore(%arg16 : memref<!tpu.dma_semaphore, #tpu.memory_space<semaphore_mem>>) src(%dma_wait3A_142 : memref<20000x64xf32, #tpu.memory_space<hbm>>) dst(%dma_wait3A_136 : memref<80x64xf32, #tpu.memory_space<vmem>>)
    %run_scoped3A_143 = arith.constant 4 : i32
    %run_scoped3A_144 = arith.constant 124 : i32
    "tpu.region"() ({
      %run_scoped3A_324 = tpu.sem_alloc : memref<!tpu.dma_semaphore, #tpu.memory_space<semaphore_mem>>
      %dma_start3A_325 = arith.constant 0 : i32
      %dma_start3A_326 = arith.constant 0 : i32
      %dma_start3A_327 = tpu.memref_slice %arg10[%run_scoped3A_143, %dma_start3A_325, %dma_start3A_326] : memref<5x80x64xf32, #tpu.memory_space<vmem>> -> memref<1x80x64xf32, #tpu.memory_space<vmem>>
      %dma_start3A_328 = tpu.memref_squeeze %dma_start3A_327 : memref<1x80x64xf32, #tpu.memory_space<vmem>> -> memref<80x64xf32, #tpu.memory_space<vmem>>
      %dma_start3A_329 = arith.constant 0 : i32
      %dma_start3A_330 = tpu.memref_slice %arg9[%run_scoped3A_144, %dma_start3A_329] : memref<125x80xi32, #tpu.memory_space<vmem>> -> memref<1x80xi32, #tpu.memory_space<vmem>>
      %dma_start3A_331 = tpu.memref_squeeze %dma_start3A_330 : memref<1x80xi32, #tpu.memory_space<vmem>> -> memref<80xi32, #tpu.memory_space<vmem>>
      %dma_start3A_332 = arith.constant 0 : i32
      %dma_start3A_333 = arith.constant 0 : i32
      %dma_start3A_334 = tpu.memref_slice %arg11[%dma_start3A_332, %dma_start3A_333] : memref<10000x64xf32, #tpu.memory_space<vmem_shared>> -> memref<10000x64xf32, #tpu.memory_space<vmem_shared>>
      tpu.enqueue_indirect_dma source(%dma_start3A_328 : memref<80x64xf32, #tpu.memory_space<vmem>>) target(%dma_start3A_334 : memref<10000x64xf32, #tpu.memory_space<vmem_shared>>) offsets(%dma_start3A_331 : memref<80xi32, #tpu.memory_space<vmem>>) semaphore(%run_scoped3A_324 : memref<!tpu.dma_semaphore, #tpu.memory_space<semaphore_mem>>) {add = true}
      %dma_wait3A_335 = arith.constant 0 : i32
      %dma_wait3A_336 = arith.constant 0 : i32
      %dma_wait3A_337 = tpu.memref_slice %arg10[%run_scoped3A_143, %dma_wait3A_335, %dma_wait3A_336] : memref<5x80x64xf32, #tpu.memory_space<vmem>> -> memref<1x80x64xf32, #tpu.memory_space<vmem>>
      %dma_wait3A_338 = tpu.memref_squeeze %dma_wait3A_337 : memref<1x80x64xf32, #tpu.memory_space<vmem>> -> memref<80x64xf32, #tpu.memory_space<vmem>>
      %dma_wait3A_339 = arith.constant 0 : i32
      %dma_wait3A_340 = tpu.memref_slice %arg9[%run_scoped3A_144, %dma_wait3A_339] : memref<125x80xi32, #tpu.memory_space<vmem>> -> memref<1x80xi32, #tpu.memory_space<vmem>>
      %dma_wait3A_341 = tpu.memref_squeeze %dma_wait3A_340 : memref<1x80xi32, #tpu.memory_space<vmem>> -> memref<80xi32, #tpu.memory_space<vmem>>
      %dma_wait3A_342 = arith.constant 0 : i32
      %dma_wait3A_343 = arith.constant 0 : i32
      %dma_wait3A_344 = tpu.memref_slice %arg11[%dma_wait3A_342, %dma_wait3A_343] : memref<10000x64xf32, #tpu.memory_space<vmem_shared>> -> memref<10000x64xf32, #tpu.memory_space<vmem_shared>>
      tpu.wait_indirect_dma semaphore(%run_scoped3A_324 : memref<!tpu.dma_semaphore, #tpu.memory_space<semaphore_mem>>) src(%dma_wait3A_338 : memref<80x64xf32, #tpu.memory_space<vmem>>) dst(%dma_wait3A_344 : memref<10000x64xf32, #tpu.memory_space<vmem_shared>>)
      tpu.yield
    }) : () -> ()
    %barrier3A_145 = arith.constant 0 : index
    tpu.barrier barrier_id(%barrier3A_145)
    %mul3A_146 = arith.constant 10000 : i32
    %mul3A_147 = arith.muli %arg0, %mul3A_146 : i32
    %lt3A_148 = arith.constant 15 : i32
    %lt3A_149 = arith.cmpi slt, %arg1, %lt3A_148 : i32
    %convert_element_type3A_150 = arith.extui %lt3A_149 : i1 to i32
    %cond3A_151 = arith.constant 0 : i32
    %cond3A_152 = arith.cmpi ne, %convert_element_type3A_150, %cond3A_151 : i32
    scf.if %cond3A_152 {
      %mul3A_324 = arith.constant 624 : i32
      %mul3A_325 = arith.muli %arg1, %mul3A_324 : i32
      %mul3A_326 = arith.constant 624 : i32
      %mul3A_327 = arith.muli %arg1, %mul3A_326 : i32
      %add3A_328 = arith.addi %mul3A_147, %mul3A_327 : i32
      "tpu.region"() ({
        %run_scoped3A_329 = tpu.sem_alloc : memref<!tpu.dma_semaphore, #tpu.memory_space<semaphore_mem>>
        %dma_start3A_330 = arith.constant 0 : i32
        %dma_start3A_331 = tpu.memref_slice %arg6[%add3A_328, %dma_start3A_330] : memref<20000x128xf32, #tpu.memory_space<hbm>> -> memref<624x64xf32, #tpu.memory_space<hbm>>
        %dma_start3A_332 = arith.constant 0 : i32
        %dma_start3A_333 = tpu.memref_slice %arg11[%mul3A_325, %dma_start3A_332] : memref<10000x64xf32, #tpu.memory_space<vmem_shared>> -> memref<624x64xf32, #tpu.memory_space<vmem_shared>>
        tpu.enqueue_dma source(%dma_start3A_333 : memref<624x64xf32, #tpu.memory_space<vmem_shared>>) target(%dma_start3A_331 : memref<624x64xf32, #tpu.memory_space<hbm>>) target_semaphore(%run_scoped3A_329 : memref<!tpu.dma_semaphore, #tpu.memory_space<semaphore_mem>>)
        %dma_wait3A_334 = arith.constant 0 : i32
        %dma_wait3A_335 = tpu.memref_slice %arg6[%add3A_328, %dma_wait3A_334] : memref<20000x128xf32, #tpu.memory_space<hbm>> -> memref<624x64xf32, #tpu.memory_space<hbm>>
        %dma_wait3A_336 = arith.constant 0 : i32
        %dma_wait3A_337 = tpu.memref_slice %arg11[%mul3A_325, %dma_wait3A_336] : memref<10000x64xf32, #tpu.memory_space<vmem_shared>> -> memref<624x64xf32, #tpu.memory_space<vmem_shared>>
        tpu.wait_dma2 semaphore(%run_scoped3A_329 : memref<!tpu.dma_semaphore, #tpu.memory_space<semaphore_mem>>) src(%dma_wait3A_337 : memref<624x64xf32, #tpu.memory_space<vmem_shared>>) dst(%dma_wait3A_335 : memref<624x64xf32, #tpu.memory_space<hbm>>)
        tpu.yield
      }) : () -> ()
    } else {
    }
    %eq3A_153 = arith.constant 15 : i32
    %eq3A_154 = arith.cmpi eq, %arg1, %eq3A_153 : i32
    %convert_element_type3A_155 = arith.extui %eq3A_154 : i1 to i32
    %cond3A_156 = arith.constant 0 : i32
    %cond3A_157 = arith.cmpi ne, %convert_element_type3A_155, %cond3A_156 : i32
    scf.if %cond3A_157 {
      %add3A_324 = arith.constant 9360 : i32
      %add3A_325 = arith.addi %mul3A_147, %add3A_324 : i32
      "tpu.region"() ({
        %run_scoped3A_326 = tpu.sem_alloc : memref<!tpu.dma_semaphore, #tpu.memory_space<semaphore_mem>>
        %dma_start3A_327 = arith.constant 0 : i32
        %dma_start3A_328 = tpu.memref_slice %arg6[%add3A_325, %dma_start3A_327] : memref<20000x128xf32, #tpu.memory_space<hbm>> -> memref<640x64xf32, #tpu.memory_space<hbm>>
        %dma_start3A_329 = arith.constant 9360 : i32
        %dma_start3A_330 = arith.constant 0 : i32
        %dma_start3A_331 = tpu.memref_slice %arg11[%dma_start3A_329, %dma_start3A_330] : memref<10000x64xf32, #tpu.memory_space<vmem_shared>> -> memref<640x64xf32, #tpu.memory_space<vmem_shared>>
        tpu.enqueue_dma source(%dma_start3A_331 : memref<640x64xf32, #tpu.memory_space<vmem_shared>>) target(%dma_start3A_328 : memref<640x64xf32, #tpu.memory_space<hbm>>) target_semaphore(%run_scoped3A_326 : memref<!tpu.dma_semaphore, #tpu.memory_space<semaphore_mem>>)
        %dma_wait3A_332 = arith.constant 0 : i32
        %dma_wait3A_333 = tpu.memref_slice %arg6[%add3A_325, %dma_wait3A_332] : memref<20000x128xf32, #tpu.memory_space<hbm>> -> memref<640x64xf32, #tpu.memory_space<hbm>>
        %dma_wait3A_334 = arith.constant 9360 : i32
        %dma_wait3A_335 = arith.constant 0 : i32
        %dma_wait3A_336 = tpu.memref_slice %arg11[%dma_wait3A_334, %dma_wait3A_335] : memref<10000x64xf32, #tpu.memory_space<vmem_shared>> -> memref<640x64xf32, #tpu.memory_space<vmem_shared>>
        tpu.wait_dma2 semaphore(%run_scoped3A_326 : memref<!tpu.dma_semaphore, #tpu.memory_space<semaphore_mem>>) src(%dma_wait3A_336 : memref<640x64xf32, #tpu.memory_space<vmem_shared>>) dst(%dma_wait3A_333 : memref<640x64xf32, #tpu.memory_space<hbm>>)
        tpu.yield
      }) : () -> ()
    } else {
    }
    %scan3A_158 = arith.constant 0 : i32
    %scan3A_159 = arith.constant 0 : i32
    %scan3A_160 = arith.constant 125 : i32
    %scan3A_161 = arith.addi %scan3A_159, %scan3A_160 : i32
    %scan3A_162 = arith.constant 1 : i32
    scf.for %scan3A_324 = %scan3A_159 to %scan3A_161 step %scan3A_162  : i32 {
      %get3A = arith.index_cast %scan3A_324 : i32 to index
      %get3A_325 = arith.constant 0 : index
      %get3A_326 = tpu.vector_load %arg8[%get3A, %get3A_325] {strides = array<i32>} : memref<125x80xi32, #tpu.memory_space<vmem>>, vector<1x16xi32>,
      %get3A_327 = vector.shape_cast %get3A_326 : vector<1x16xi32> to vector<16xi32>
      %add3A_328 = arith.constant 1 : i32
      %add3A_329 = vector.broadcast %add3A_328 : i32 to vector<16xi32>
      %add3A_330 = arith.addi %get3A_327, %add3A_329 : vector<16xi32>
      %swap3A = arith.index_cast %scan3A_324 : i32 to index
      %swap3A_331 = arith.constant 0 : index
      %swap3A_332 = tpu.vector_load %arg8[%swap3A, %swap3A_331] {strides = array<i32>} : memref<125x80xi32, #tpu.memory_space<vmem>>, vector<1x16xi32>,
      %swap3A_333 = vector.shape_cast %swap3A_332 : vector<1x16xi32> to vector<16xi32>
      %swap3A_334 = vector.shape_cast %add3A_330 : vector<16xi32> to vector<1x16xi32>
      tpu.vector_store %arg8[%swap3A, %swap3A_331], %swap3A_334 {strides = array<i32>} : memref<125x80xi32, #tpu.memory_space<vmem>>, vector<1x16xi32>,
      %get3A_335 = arith.index_cast %scan3A_324 : i32 to index
      %get3A_336 = arith.constant 16 : index
      %get3A_337 = tpu.vector_load %arg8[%get3A_335, %get3A_336] {strides = array<i32>} : memref<125x80xi32, #tpu.memory_space<vmem>>, vector<1x16xi32>,
      %get3A_338 = vector.shape_cast %get3A_337 : vector<1x16xi32> to vector<16xi32>
      %add3A_339 = arith.constant 1 : i32
      %add3A_340 = vector.broadcast %add3A_339 : i32 to vector<16xi32>
      %add3A_341 = arith.addi %get3A_338, %add3A_340 : vector<16xi32>
      %swap3A_342 = arith.index_cast %scan3A_324 : i32 to index
      %swap3A_343 = arith.constant 16 : index
      %swap3A_344 = tpu.vector_load %arg8[%swap3A_342, %swap3A_343] {strides = array<i32>} : memref<125x80xi32, #tpu.memory_space<vmem>>, vector<1x16xi32>,
      %swap3A_345 = vector.shape_cast %swap3A_344 : vector<1x16xi32> to vector<16xi32>
      %swap3A_346 = vector.shape_cast %add3A_341 : vector<16xi32> to vector<1x16xi32>
      tpu.vector_store %arg8[%swap3A_342, %swap3A_343], %swap3A_346 {strides = array<i32>} : memref<125x80xi32, #tpu.memory_space<vmem>>, vector<1x16xi32>,
      %get3A_347 = arith.index_cast %scan3A_324 : i32 to index
      %get3A_348 = arith.constant 32 : index
      %get3A_349 = tpu.vector_load %arg8[%get3A_347, %get3A_348] {strides = array<i32>} : memref<125x80xi32, #tpu.memory_space<vmem>>, vector<1x16xi32>,
      %get3A_350 = vector.shape_cast %get3A_349 : vector<1x16xi32> to vector<16xi32>
      %add3A_351 = arith.constant 1 : i32
      %add3A_352 = vector.broadcast %add3A_351 : i32 to vector<16xi32>
      %add3A_353 = arith.addi %get3A_350, %add3A_352 : vector<16xi32>
      %swap3A_354 = arith.index_cast %scan3A_324 : i32 to index
      %swap3A_355 = arith.constant 32 : index
      %swap3A_356 = tpu.vector_load %arg8[%swap3A_354, %swap3A_355] {strides = array<i32>} : memref<125x80xi32, #tpu.memory_space<vmem>>, vector<1x16xi32>,
      %swap3A_357 = vector.shape_cast %swap3A_356 : vector<1x16xi32> to vector<16xi32>
      %swap3A_358 = vector.shape_cast %add3A_353 : vector<16xi32> to vector<1x16xi32>
      tpu.vector_store %arg8[%swap3A_354, %swap3A_355], %swap3A_358 {strides = array<i32>} : memref<125x80xi32, #tpu.memory_space<vmem>>, vector<1x16xi32>,
      %get3A_359 = arith.index_cast %scan3A_324 : i32 to index
      %get3A_360 = arith.constant 48 : index
      %get3A_361 = tpu.vector_load %arg8[%get3A_359, %get3A_360] {strides = array<i32>} : memref<125x80xi32, #tpu.memory_space<vmem>>, vector<1x16xi32>,
      %get3A_362 = vector.shape_cast %get3A_361 : vector<1x16xi32> to vector<16xi32>
      %add3A_363 = arith.constant 1 : i32
      %add3A_364 = vector.broadcast %add3A_363 : i32 to vector<16xi32>
      %add3A_365 = arith.addi %get3A_362, %add3A_364 : vector<16xi32>
      %swap3A_366 = arith.index_cast %scan3A_324 : i32 to index
      %swap3A_367 = arith.constant 48 : index
      %swap3A_368 = tpu.vector_load %arg8[%swap3A_366, %swap3A_367] {strides = array<i32>} : memref<125x80xi32, #tpu.memory_space<vmem>>, vector<1x16xi32>,
      %swap3A_369 = vector.shape_cast %swap3A_368 : vector<1x16xi32> to vector<16xi32>
      %swap3A_370 = vector.shape_cast %add3A_365 : vector<16xi32> to vector<1x16xi32>
      tpu.vector_store %arg8[%swap3A_366, %swap3A_367], %swap3A_370 {strides = array<i32>} : memref<125x80xi32, #tpu.memory_space<vmem>>, vector<1x16xi32>,
      %get3A_371 = arith.index_cast %scan3A_324 : i32 to index
      %get3A_372 = arith.constant 64 : index
      %get3A_373 = tpu.vector_load %arg8[%get3A_371, %get3A_372] {strides = array<i32>} : memref<125x80xi32, #tpu.memory_space<vmem>>, vector<1x16xi32>,
      %get3A_374 = vector.shape_cast %get3A_373 : vector<1x16xi32> to vector<16xi32>
      %add3A_375 = arith.constant 1 : i32
      %add3A_376 = vector.broadcast %add3A_375 : i32 to vector<16xi32>
      %add3A_377 = arith.addi %get3A_374, %add3A_376 : vector<16xi32>
      %swap3A_378 = arith.index_cast %scan3A_324 : i32 to index
      %swap3A_379 = arith.constant 64 : index
      %swap3A_380 = tpu.vector_load %arg8[%swap3A_378, %swap3A_379] {strides = array<i32>} : memref<125x80xi32, #tpu.memory_space<vmem>>, vector<1x16xi32>,
      %swap3A_381 = vector.shape_cast %swap3A_380 : vector<1x16xi32> to vector<16xi32>
      %swap3A_382 = vector.shape_cast %add3A_377 : vector<16xi32> to vector<1x16xi32>
      tpu.vector_store %arg8[%swap3A_378, %swap3A_379], %swap3A_382 {strides = array<i32>} : memref<125x80xi32, #tpu.memory_space<vmem>>, vector<1x16xi32>,
    }
    %scan3A_163 = arith.constant 125 : i32
    %lt3A_164 = arith.constant 15 : i32
    %lt3A_165 = arith.cmpi slt, %arg1, %lt3A_164 : i32
    %convert_element_type3A_166 = arith.extui %lt3A_165 : i1 to i32
    %cond3A_167 = arith.constant 0 : i32
    %cond3A_168 = arith.cmpi ne, %convert_element_type3A_166, %cond3A_167 : i32
    scf.if %cond3A_168 {
      %mul3A_324 = arith.constant 624 : i32
      %mul3A_325 = arith.muli %arg1, %mul3A_324 : i32
      %mul3A_326 = arith.constant 624 : i32
      %mul3A_327 = arith.muli %arg1, %mul3A_326 : i32
      "tpu.region"() ({
        %run_scoped3A_328 = tpu.sem_alloc : memref<!tpu.dma_semaphore, #tpu.memory_space<semaphore_mem>>
        %dma_start3A_329 = arith.constant 0 : i32
        %dma_start3A_330 = tpu.memref_slice %arg11[%mul3A_327, %dma_start3A_329] : memref<10000x64xf32, #tpu.memory_space<vmem_shared>> -> memref<624x64xf32, #tpu.memory_space<vmem_shared>>
        %dma_start3A_331 = arith.constant 0 : i32
        %dma_start3A_332 = tpu.memref_slice %arg5[%mul3A_325, %dma_start3A_331] : memref<10000x64xf32, #tpu.memory_space<hbm>> -> memref<624x64xf32, #tpu.memory_space<hbm>>
        tpu.enqueue_dma source(%dma_start3A_332 : memref<624x64xf32, #tpu.memory_space<hbm>>) target(%dma_start3A_330 : memref<624x64xf32, #tpu.memory_space<vmem_shared>>) target_semaphore(%run_scoped3A_328 : memref<!tpu.dma_semaphore, #tpu.memory_space<semaphore_mem>>)
        %dma_wait3A_333 = arith.constant 0 : i32
        %dma_wait3A_334 = tpu.memref_slice %arg11[%mul3A_327, %dma_wait3A_333] : memref<10000x64xf32, #tpu.memory_space<vmem_shared>> -> memref<624x64xf32, #tpu.memory_space<vmem_shared>>
        %dma_wait3A_335 = arith.constant 0 : i32
        %dma_wait3A_336 = tpu.memref_slice %arg5[%mul3A_325, %dma_wait3A_335] : memref<10000x64xf32, #tpu.memory_space<hbm>> -> memref<624x64xf32, #tpu.memory_space<hbm>>
        tpu.wait_dma2 semaphore(%run_scoped3A_328 : memref<!tpu.dma_semaphore, #tpu.memory_space<semaphore_mem>>) src(%dma_wait3A_336 : memref<624x64xf32, #tpu.memory_space<hbm>>) dst(%dma_wait3A_334 : memref<624x64xf32, #tpu.memory_space<vmem_shared>>)
        tpu.yield
      }) : () -> ()
    } else {
    }
    %eq3A_169 = arith.constant 15 : i32
    %eq3A_170 = arith.cmpi eq, %arg1, %eq3A_169 : i32
    %convert_element_type3A_171 = arith.extui %eq3A_170 : i1 to i32
    %cond3A_172 = arith.constant 0 : i32
    %cond3A_173 = arith.cmpi ne, %convert_element_type3A_171, %cond3A_172 : i32
    scf.if %cond3A_173 {
      "tpu.region"() ({
        %run_scoped3A_324 = tpu.sem_alloc : memref<!tpu.dma_semaphore, #tpu.memory_space<semaphore_mem>>
        %dma_start3A_325 = arith.constant 9360 : i32
        %dma_start3A_326 = arith.constant 0 : i32
        %dma_start3A_327 = tpu.memref_slice %arg11[%dma_start3A_325, %dma_start3A_326] : memref<10000x64xf32, #tpu.memory_space<vmem_shared>> -> memref<640x64xf32, #tpu.memory_space<vmem_shared>>
        %dma_start3A_328 = arith.constant 9360 : i32
        %dma_start3A_329 = arith.constant 0 : i32
        %dma_start3A_330 = tpu.memref_slice %arg5[%dma_start3A_328, %dma_start3A_329] : memref<10000x64xf32, #tpu.memory_space<hbm>> -> memref<640x64xf32, #tpu.memory_space<hbm>>
        tpu.enqueue_dma source(%dma_start3A_330 : memref<640x64xf32, #tpu.memory_space<hbm>>) target(%dma_start3A_327 : memref<640x64xf32, #tpu.memory_space<vmem_shared>>) target_semaphore(%run_scoped3A_324 : memref<!tpu.dma_semaphore, #tpu.memory_space<semaphore_mem>>)
        %dma_wait3A_331 = arith.constant 9360 : i32
        %dma_wait3A_332 = arith.constant 0 : i32
        %dma_wait3A_333 = tpu.memref_slice %arg11[%dma_wait3A_331, %dma_wait3A_332] : memref<10000x64xf32, #tpu.memory_space<vmem_shared>> -> memref<640x64xf32, #tpu.memory_space<vmem_shared>>
        %dma_wait3A_334 = arith.constant 9360 : i32
        %dma_wait3A_335 = arith.constant 0 : i32
        %dma_wait3A_336 = tpu.memref_slice %arg5[%dma_wait3A_334, %dma_wait3A_335] : memref<10000x64xf32, #tpu.memory_space<hbm>> -> memref<640x64xf32, #tpu.memory_space<hbm>>
        tpu.wait_dma2 semaphore(%run_scoped3A_324 : memref<!tpu.dma_semaphore, #tpu.memory_space<semaphore_mem>>) src(%dma_wait3A_336 : memref<640x64xf32, #tpu.memory_space<hbm>>) dst(%dma_wait3A_333 : memref<640x64xf32, #tpu.memory_space<vmem_shared>>)
        tpu.yield
      }) : () -> ()
    } else {
    }
    %barrier3A_174 = arith.constant 0 : index
    tpu.barrier barrier_id(%barrier3A_174)
    %dma_start3A_175 = arith.constant 0 : i32
    %dma_start3A_176 = arith.constant 0 : i32
    %dma_start3A_177 = arith.constant 0 : i32
    %dma_start3A_178 = arith.constant 0 : i32
    %dma_start3A_179 = tpu.memref_slice %arg10[%dma_start3A_176, %dma_start3A_177, %dma_start3A_178] : memref<5x80x64xf32, #tpu.memory_space<vmem>> -> memref<1x80x64xf32, #tpu.memory_space<vmem>>
    %dma_start3A_180 = tpu.memref_squeeze %dma_start3A_179 : memref<1x80x64xf32, #tpu.memory_space<vmem>> -> memref<80x64xf32, #tpu.memory_space<vmem>>
    %dma_start3A_181 = arith.constant 0 : i32
    %dma_start3A_182 = tpu.memref_slice %arg8[%dma_start3A_175, %dma_start3A_181] : memref<125x80xi32, #tpu.memory_space<vmem>> -> memref<1x80xi32, #tpu.memory_space<vmem>>
    %dma_start3A_183 = tpu.memref_squeeze %dma_start3A_182 : memref<1x80xi32, #tpu.memory_space<vmem>> -> memref<80xi32, #tpu.memory_space<vmem>>
    %dma_start3A_184 = arith.constant 0 : i32
    %dma_start3A_185 = arith.constant 0 : i32
    %dma_start3A_186 = tpu.memref_slice %arg2[%dma_start3A_184, %dma_start3A_185] : memref<20000x64xf32, #tpu.memory_space<hbm>> -> memref<20000x64xf32, #tpu.memory_space<hbm>>
    tpu.enqueue_indirect_dma source(%dma_start3A_186 : memref<20000x64xf32, #tpu.memory_space<hbm>>) target(%dma_start3A_180 : memref<80x64xf32, #tpu.memory_space<vmem>>) offsets(%dma_start3A_183 : memref<80xi32, #tpu.memory_space<vmem>>) semaphore(%arg12 : memref<!tpu.dma_semaphore, #tpu.memory_space<semaphore_mem>>)
    %dma_start3A_187 = arith.constant 1 : i32
    %dma_start3A_188 = arith.constant 1 : i32
    %dma_start3A_189 = arith.constant 0 : i32
    %dma_start3A_190 = arith.constant 0 : i32
    %dma_start3A_191 = tpu.memref_slice %arg10[%dma_start3A_188, %dma_start3A_189, %dma_start3A_190] : memref<5x80x64xf32, #tpu.memory_space<vmem>> -> memref<1x80x64xf32, #tpu.memory_space<vmem>>
    %dma_start3A_192 = tpu.memref_squeeze %dma_start3A_191 : memref<1x80x64xf32, #tpu.memory_space<vmem>> -> memref<80x64xf32, #tpu.memory_space<vmem>>
    %dma_start3A_193 = arith.constant 0 : i32
    %dma_start3A_194 = tpu.memref_slice %arg8[%dma_start3A_187, %dma_start3A_193] : memref<125x80xi32, #tpu.memory_space<vmem>> -> memref<1x80xi32, #tpu.memory_space<vmem>>
    %dma_start3A_195 = tpu.memref_squeeze %dma_start3A_194 : memref<1x80xi32, #tpu.memory_space<vmem>> -> memref<80xi32, #tpu.memory_space<vmem>>
    %dma_start3A_196 = arith.constant 0 : i32
    %dma_start3A_197 = arith.constant 0 : i32
    %dma_start3A_198 = tpu.memref_slice %arg2[%dma_start3A_196, %dma_start3A_197] : memref<20000x64xf32, #tpu.memory_space<hbm>> -> memref<20000x64xf32, #tpu.memory_space<hbm>>
    tpu.enqueue_indirect_dma source(%dma_start3A_198 : memref<20000x64xf32, #tpu.memory_space<hbm>>) target(%dma_start3A_192 : memref<80x64xf32, #tpu.memory_space<vmem>>) offsets(%dma_start3A_195 : memref<80xi32, #tpu.memory_space<vmem>>) semaphore(%arg13 : memref<!tpu.dma_semaphore, #tpu.memory_space<semaphore_mem>>)
    %dma_start3A_199 = arith.constant 2 : i32
    %dma_start3A_200 = arith.constant 2 : i32
    %dma_start3A_201 = arith.constant 0 : i32
    %dma_start3A_202 = arith.constant 0 : i32
    %dma_start3A_203 = tpu.memref_slice %arg10[%dma_start3A_200, %dma_start3A_201, %dma_start3A_202] : memref<5x80x64xf32, #tpu.memory_space<vmem>> -> memref<1x80x64xf32, #tpu.memory_space<vmem>>
    %dma_start3A_204 = tpu.memref_squeeze %dma_start3A_203 : memref<1x80x64xf32, #tpu.memory_space<vmem>> -> memref<80x64xf32, #tpu.memory_space<vmem>>
    %dma_start3A_205 = arith.constant 0 : i32
    %dma_start3A_206 = tpu.memref_slice %arg8[%dma_start3A_199, %dma_start3A_205] : memref<125x80xi32, #tpu.memory_space<vmem>> -> memref<1x80xi32, #tpu.memory_space<vmem>>
    %dma_start3A_207 = tpu.memref_squeeze %dma_start3A_206 : memref<1x80xi32, #tpu.memory_space<vmem>> -> memref<80xi32, #tpu.memory_space<vmem>>
    %dma_start3A_208 = arith.constant 0 : i32
    %dma_start3A_209 = arith.constant 0 : i32
    %dma_start3A_210 = tpu.memref_slice %arg2[%dma_start3A_208, %dma_start3A_209] : memref<20000x64xf32, #tpu.memory_space<hbm>> -> memref<20000x64xf32, #tpu.memory_space<hbm>>
    tpu.enqueue_indirect_dma source(%dma_start3A_210 : memref<20000x64xf32, #tpu.memory_space<hbm>>) target(%dma_start3A_204 : memref<80x64xf32, #tpu.memory_space<vmem>>) offsets(%dma_start3A_207 : memref<80xi32, #tpu.memory_space<vmem>>) semaphore(%arg14 : memref<!tpu.dma_semaphore, #tpu.memory_space<semaphore_mem>>)
    %dma_start3A_211 = arith.constant 3 : i32
    %dma_start3A_212 = arith.constant 3 : i32
    %dma_start3A_213 = arith.constant 0 : i32
    %dma_start3A_214 = arith.constant 0 : i32
    %dma_start3A_215 = tpu.memref_slice %arg10[%dma_start3A_212, %dma_start3A_213, %dma_start3A_214] : memref<5x80x64xf32, #tpu.memory_space<vmem>> -> memref<1x80x64xf32, #tpu.memory_space<vmem>>
    %dma_start3A_216 = tpu.memref_squeeze %dma_start3A_215 : memref<1x80x64xf32, #tpu.memory_space<vmem>> -> memref<80x64xf32, #tpu.memory_space<vmem>>
    %dma_start3A_217 = arith.constant 0 : i32
    %dma_start3A_218 = tpu.memref_slice %arg8[%dma_start3A_211, %dma_start3A_217] : memref<125x80xi32, #tpu.memory_space<vmem>> -> memref<1x80xi32, #tpu.memory_space<vmem>>
    %dma_start3A_219 = tpu.memref_squeeze %dma_start3A_218 : memref<1x80xi32, #tpu.memory_space<vmem>> -> memref<80xi32, #tpu.memory_space<vmem>>
    %dma_start3A_220 = arith.constant 0 : i32
    %dma_start3A_221 = arith.constant 0 : i32
    %dma_start3A_222 = tpu.memref_slice %arg2[%dma_start3A_220, %dma_start3A_221] : memref<20000x64xf32, #tpu.memory_space<hbm>> -> memref<20000x64xf32, #tpu.memory_space<hbm>>
    tpu.enqueue_indirect_dma source(%dma_start3A_222 : memref<20000x64xf32, #tpu.memory_space<hbm>>) target(%dma_start3A_216 : memref<80x64xf32, #tpu.memory_space<vmem>>) offsets(%dma_start3A_219 : memref<80xi32, #tpu.memory_space<vmem>>) semaphore(%arg15 : memref<!tpu.dma_semaphore, #tpu.memory_space<semaphore_mem>>)
    %dma_start3A_223 = arith.constant 4 : i32
    %dma_start3A_224 = arith.constant 4 : i32
    %dma_start3A_225 = arith.constant 0 : i32
    %dma_start3A_226 = arith.constant 0 : i32
    %dma_start3A_227 = tpu.memref_slice %arg10[%dma_start3A_224, %dma_start3A_225, %dma_start3A_226] : memref<5x80x64xf32, #tpu.memory_space<vmem>> -> memref<1x80x64xf32, #tpu.memory_space<vmem>>
    %dma_start3A_228 = tpu.memref_squeeze %dma_start3A_227 : memref<1x80x64xf32, #tpu.memory_space<vmem>> -> memref<80x64xf32, #tpu.memory_space<vmem>>
    %dma_start3A_229 = arith.constant 0 : i32
    %dma_start3A_230 = tpu.memref_slice %arg8[%dma_start3A_223, %dma_start3A_229] : memref<125x80xi32, #tpu.memory_space<vmem>> -> memref<1x80xi32, #tpu.memory_space<vmem>>
    %dma_start3A_231 = tpu.memref_squeeze %dma_start3A_230 : memref<1x80xi32, #tpu.memory_space<vmem>> -> memref<80xi32, #tpu.memory_space<vmem>>
    %dma_start3A_232 = arith.constant 0 : i32
    %dma_start3A_233 = arith.constant 0 : i32
    %dma_start3A_234 = tpu.memref_slice %arg2[%dma_start3A_232, %dma_start3A_233] : memref<20000x64xf32, #tpu.memory_space<hbm>> -> memref<20000x64xf32, #tpu.memory_space<hbm>>
    tpu.enqueue_indirect_dma source(%dma_start3A_234 : memref<20000x64xf32, #tpu.memory_space<hbm>>) target(%dma_start3A_228 : memref<80x64xf32, #tpu.memory_space<vmem>>) offsets(%dma_start3A_231 : memref<80xi32, #tpu.memory_space<vmem>>) semaphore(%arg16 : memref<!tpu.dma_semaphore, #tpu.memory_space<semaphore_mem>>)
    %scan3A_235 = arith.constant 0 : i32
    %scan3A_236 = arith.constant 0 : i32
    %scan3A_237 = arith.constant 24 : i32
    %scan3A_238 = arith.addi %scan3A_236, %scan3A_237 : i32
    %scan3A_239 = arith.constant 1 : i32
    scf.for %scan3A_324 = %scan3A_236 to %scan3A_238 step %scan3A_239  : i32 {
      %mul3A_325 = arith.constant 5 : i32
      %mul3A_326 = arith.muli %scan3A_324, %mul3A_325 : i32
      %add3A_327 = arith.constant 0 : i32
      %add3A_328 = arith.addi %mul3A_326, %add3A_327 : i32
      %dma_wait3A_329 = arith.constant 0 : i32
      %dma_wait3A_330 = arith.constant 0 : i32
      %dma_wait3A_331 = arith.constant 0 : i32
      %dma_wait3A_332 = tpu.memref_slice %arg10[%dma_wait3A_329, %dma_wait3A_330, %dma_wait3A_331] : memref<5x80x64xf32, #tpu.memory_space<vmem>> -> memref<1x80x64xf32, #tpu.memory_space<vmem>>
      %dma_wait3A_333 = tpu.memref_squeeze %dma_wait3A_332 : memref<1x80x64xf32, #tpu.memory_space<vmem>> -> memref<80x64xf32, #tpu.memory_space<vmem>>
      %dma_wait3A_334 = arith.constant 0 : i32
      %dma_wait3A_335 = tpu.memref_slice %arg8[%add3A_328, %dma_wait3A_334] : memref<125x80xi32, #tpu.memory_space<vmem>> -> memref<1x80xi32, #tpu.memory_space<vmem>>
      %dma_wait3A_336 = tpu.memref_squeeze %dma_wait3A_335 : memref<1x80xi32, #tpu.memory_space<vmem>> -> memref<80xi32, #tpu.memory_space<vmem>>
      %dma_wait3A_337 = arith.constant 0 : i32
      %dma_wait3A_338 = arith.constant 0 : i32
      %dma_wait3A_339 = tpu.memref_slice %arg2[%dma_wait3A_337, %dma_wait3A_338] : memref<20000x64xf32, #tpu.memory_space<hbm>> -> memref<20000x64xf32, #tpu.memory_space<hbm>>
      tpu.wait_indirect_dma semaphore(%arg12 : memref<!tpu.dma_semaphore, #tpu.memory_space<semaphore_mem>>) src(%dma_wait3A_339 : memref<20000x64xf32, #tpu.memory_space<hbm>>) dst(%dma_wait3A_333 : memref<80x64xf32, #tpu.memory_space<vmem>>)
      %run_scoped3A_340 = arith.constant 0 : i32
      "tpu.region"() ({
        %run_scoped3A_470 = tpu.sem_alloc : memref<!tpu.dma_semaphore, #tpu.memory_space<semaphore_mem>>
        %dma_start3A_471 = arith.constant 0 : i32
        %dma_start3A_472 = arith.constant 0 : i32
        %dma_start3A_473 = tpu.memref_slice %arg10[%run_scoped3A_340, %dma_start3A_471, %dma_start3A_472] : memref<5x80x64xf32, #tpu.memory_space<vmem>> -> memref<1x80x64xf32, #tpu.memory_space<vmem>>
        %dma_start3A_474 = tpu.memref_squeeze %dma_start3A_473 : memref<1x80x64xf32, #tpu.memory_space<vmem>> -> memref<80x64xf32, #tpu.memory_space<vmem>>
        %dma_start3A_475 = arith.constant 0 : i32
        %dma_start3A_476 = tpu.memref_slice %arg9[%add3A_328, %dma_start3A_475] : memref<125x80xi32, #tpu.memory_space<vmem>> -> memref<1x80xi32, #tpu.memory_space<vmem>>
        %dma_start3A_477 = tpu.memref_squeeze %dma_start3A_476 : memref<1x80xi32, #tpu.memory_space<vmem>> -> memref<80xi32, #tpu.memory_space<vmem>>
        %dma_start3A_478 = arith.constant 0 : i32
        %dma_start3A_479 = arith.constant 0 : i32
        %dma_start3A_480 = tpu.memref_slice %arg11[%dma_start3A_478, %dma_start3A_479] : memref<10000x64xf32, #tpu.memory_space<vmem_shared>> -> memref<10000x64xf32, #tpu.memory_space<vmem_shared>>
        tpu.enqueue_indirect_dma source(%dma_start3A_474 : memref<80x64xf32, #tpu.memory_space<vmem>>) target(%dma_start3A_480 : memref<10000x64xf32, #tpu.memory_space<vmem_shared>>) offsets(%dma_start3A_477 : memref<80xi32, #tpu.memory_space<vmem>>) semaphore(%run_scoped3A_470 : memref<!tpu.dma_semaphore, #tpu.memory_space<semaphore_mem>>) {add = true}
        %dma_wait3A_481 = arith.constant 0 : i32
        %dma_wait3A_482 = arith.constant 0 : i32
        %dma_wait3A_483 = tpu.memref_slice %arg10[%run_scoped3A_340, %dma_wait3A_481, %dma_wait3A_482] : memref<5x80x64xf32, #tpu.memory_space<vmem>> -> memref<1x80x64xf32, #tpu.memory_space<vmem>>
        %dma_wait3A_484 = tpu.memref_squeeze %dma_wait3A_483 : memref<1x80x64xf32, #tpu.memory_space<vmem>> -> memref<80x64xf32, #tpu.memory_space<vmem>>
        %dma_wait3A_485 = arith.constant 0 : i32
        %dma_wait3A_486 = tpu.memref_slice %arg9[%add3A_328, %dma_wait3A_485] : memref<125x80xi32, #tpu.memory_space<vmem>> -> memref<1x80xi32, #tpu.memory_space<vmem>>
        %dma_wait3A_487 = tpu.memref_squeeze %dma_wait3A_486 : memref<1x80xi32, #tpu.memory_space<vmem>> -> memref<80xi32, #tpu.memory_space<vmem>>
        %dma_wait3A_488 = arith.constant 0 : i32
        %dma_wait3A_489 = arith.constant 0 : i32
        %dma_wait3A_490 = tpu.memref_slice %arg11[%dma_wait3A_488, %dma_wait3A_489] : memref<10000x64xf32, #tpu.memory_space<vmem_shared>> -> memref<10000x64xf32, #tpu.memory_space<vmem_shared>>
        tpu.wait_indirect_dma semaphore(%run_scoped3A_470 : memref<!tpu.dma_semaphore, #tpu.memory_space<semaphore_mem>>) src(%dma_wait3A_484 : memref<80x64xf32, #tpu.memory_space<vmem>>) dst(%dma_wait3A_490 : memref<10000x64xf32, #tpu.memory_space<vmem_shared>>)
        tpu.yield
      }) : () -> ()
      %add3A_341 = arith.constant 5 : i32
      %add3A_342 = arith.addi %add3A_328, %add3A_341 : i32
      %dma_start3A_343 = arith.constant 0 : i32
      %dma_start3A_344 = arith.constant 0 : i32
      %dma_start3A_345 = arith.constant 0 : i32
      %dma_start3A_346 = tpu.memref_slice %arg10[%dma_start3A_343, %dma_start3A_344, %dma_start3A_345] : memref<5x80x64xf32, #tpu.memory_space<vmem>> -> memref<1x80x64xf32, #tpu.memory_space<vmem>>
      %dma_start3A_347 = tpu.memref_squeeze %dma_start3A_346 : memref<1x80x64xf32, #tpu.memory_space<vmem>> -> memref<80x64xf32, #tpu.memory_space<vmem>>
      %dma_start3A_348 = arith.constant 0 : i32
      %dma_start3A_349 = tpu.memref_slice %arg8[%add3A_342, %dma_start3A_348] : memref<125x80xi32, #tpu.memory_space<vmem>> -> memref<1x80xi32, #tpu.memory_space<vmem>>
      %dma_start3A_350 = tpu.memref_squeeze %dma_start3A_349 : memref<1x80xi32, #tpu.memory_space<vmem>> -> memref<80xi32, #tpu.memory_space<vmem>>
      %dma_start3A_351 = arith.constant 0 : i32
      %dma_start3A_352 = arith.constant 0 : i32
      %dma_start3A_353 = tpu.memref_slice %arg2[%dma_start3A_351, %dma_start3A_352] : memref<20000x64xf32, #tpu.memory_space<hbm>> -> memref<20000x64xf32, #tpu.memory_space<hbm>>
      tpu.enqueue_indirect_dma source(%dma_start3A_353 : memref<20000x64xf32, #tpu.memory_space<hbm>>) target(%dma_start3A_347 : memref<80x64xf32, #tpu.memory_space<vmem>>) offsets(%dma_start3A_350 : memref<80xi32, #tpu.memory_space<vmem>>) semaphore(%arg12 : memref<!tpu.dma_semaphore, #tpu.memory_space<semaphore_mem>>)
      %mul3A_354 = arith.constant 5 : i32
      %mul3A_355 = arith.muli %scan3A_324, %mul3A_354 : i32
      %add3A_356 = arith.constant 1 : i32
      %add3A_357 = arith.addi %mul3A_355, %add3A_356 : i32
      %dma_wait3A_358 = arith.constant 1 : i32
      %dma_wait3A_359 = arith.constant 0 : i32
      %dma_wait3A_360 = arith.constant 0 : i32
      %dma_wait3A_361 = tpu.memref_slice %arg10[%dma_wait3A_358, %dma_wait3A_359, %dma_wait3A_360] : memref<5x80x64xf32, #tpu.memory_space<vmem>> -> memref<1x80x64xf32, #tpu.memory_space<vmem>>
      %dma_wait3A_362 = tpu.memref_squeeze %dma_wait3A_361 : memref<1x80x64xf32, #tpu.memory_space<vmem>> -> memref<80x64xf32, #tpu.memory_space<vmem>>
      %dma_wait3A_363 = arith.constant 0 : i32
      %dma_wait3A_364 = tpu.memref_slice %arg8[%add3A_357, %dma_wait3A_363] : memref<125x80xi32, #tpu.memory_space<vmem>> -> memref<1x80xi32, #tpu.memory_space<vmem>>
      %dma_wait3A_365 = tpu.memref_squeeze %dma_wait3A_364 : memref<1x80xi32, #tpu.memory_space<vmem>> -> memref<80xi32, #tpu.memory_space<vmem>>
      %dma_wait3A_366 = arith.constant 0 : i32
      %dma_wait3A_367 = arith.constant 0 : i32
      %dma_wait3A_368 = tpu.memref_slice %arg2[%dma_wait3A_366, %dma_wait3A_367] : memref<20000x64xf32, #tpu.memory_space<hbm>> -> memref<20000x64xf32, #tpu.memory_space<hbm>>
      tpu.wait_indirect_dma semaphore(%arg13 : memref<!tpu.dma_semaphore, #tpu.memory_space<semaphore_mem>>) src(%dma_wait3A_368 : memref<20000x64xf32, #tpu.memory_space<hbm>>) dst(%dma_wait3A_362 : memref<80x64xf32, #tpu.memory_space<vmem>>)
      %run_scoped3A_369 = arith.constant 1 : i32
      "tpu.region"() ({
        %run_scoped3A_470 = tpu.sem_alloc : memref<!tpu.dma_semaphore, #tpu.memory_space<semaphore_mem>>
        %dma_start3A_471 = arith.constant 0 : i32
        %dma_start3A_472 = arith.constant 0 : i32
        %dma_start3A_473 = tpu.memref_slice %arg10[%run_scoped3A_369, %dma_start3A_471, %dma_start3A_472] : memref<5x80x64xf32, #tpu.memory_space<vmem>> -> memref<1x80x64xf32, #tpu.memory_space<vmem>>
        %dma_start3A_474 = tpu.memref_squeeze %dma_start3A_473 : memref<1x80x64xf32, #tpu.memory_space<vmem>> -> memref<80x64xf32, #tpu.memory_space<vmem>>
        %dma_start3A_475 = arith.constant 0 : i32
        %dma_start3A_476 = tpu.memref_slice %arg9[%add3A_357, %dma_start3A_475] : memref<125x80xi32, #tpu.memory_space<vmem>> -> memref<1x80xi32, #tpu.memory_space<vmem>>
        %dma_start3A_477 = tpu.memref_squeeze %dma_start3A_476 : memref<1x80xi32, #tpu.memory_space<vmem>> -> memref<80xi32, #tpu.memory_space<vmem>>
        %dma_start3A_478 = arith.constant 0 : i32
        %dma_start3A_479 = arith.constant 0 : i32
        %dma_start3A_480 = tpu.memref_slice %arg11[%dma_start3A_478, %dma_start3A_479] : memref<10000x64xf32, #tpu.memory_space<vmem_shared>> -> memref<10000x64xf32, #tpu.memory_space<vmem_shared>>
        tpu.enqueue_indirect_dma source(%dma_start3A_474 : memref<80x64xf32, #tpu.memory_space<vmem>>) target(%dma_start3A_480 : memref<10000x64xf32, #tpu.memory_space<vmem_shared>>) offsets(%dma_start3A_477 : memref<80xi32, #tpu.memory_space<vmem>>) semaphore(%run_scoped3A_470 : memref<!tpu.dma_semaphore, #tpu.memory_space<semaphore_mem>>) {add = true}
        %dma_wait3A_481 = arith.constant 0 : i32
        %dma_wait3A_482 = arith.constant 0 : i32
        %dma_wait3A_483 = tpu.memref_slice %arg10[%run_scoped3A_369, %dma_wait3A_481, %dma_wait3A_482] : memref<5x80x64xf32, #tpu.memory_space<vmem>> -> memref<1x80x64xf32, #tpu.memory_space<vmem>>
        %dma_wait3A_484 = tpu.memref_squeeze %dma_wait3A_483 : memref<1x80x64xf32, #tpu.memory_space<vmem>> -> memref<80x64xf32, #tpu.memory_space<vmem>>
        %dma_wait3A_485 = arith.constant 0 : i32
        %dma_wait3A_486 = tpu.memref_slice %arg9[%add3A_357, %dma_wait3A_485] : memref<125x80xi32, #tpu.memory_space<vmem>> -> memref<1x80xi32, #tpu.memory_space<vmem>>
        %dma_wait3A_487 = tpu.memref_squeeze %dma_wait3A_486 : memref<1x80xi32, #tpu.memory_space<vmem>> -> memref<80xi32, #tpu.memory_space<vmem>>
        %dma_wait3A_488 = arith.constant 0 : i32
        %dma_wait3A_489 = arith.constant 0 : i32
        %dma_wait3A_490 = tpu.memref_slice %arg11[%dma_wait3A_488, %dma_wait3A_489] : memref<10000x64xf32, #tpu.memory_space<vmem_shared>> -> memref<10000x64xf32, #tpu.memory_space<vmem_shared>>
        tpu.wait_indirect_dma semaphore(%run_scoped3A_470 : memref<!tpu.dma_semaphore, #tpu.memory_space<semaphore_mem>>) src(%dma_wait3A_484 : memref<80x64xf32, #tpu.memory_space<vmem>>) dst(%dma_wait3A_490 : memref<10000x64xf32, #tpu.memory_space<vmem_shared>>)
        tpu.yield
      }) : () -> ()
      %add3A_370 = arith.constant 5 : i32
      %add3A_371 = arith.addi %add3A_357, %add3A_370 : i32
      %dma_start3A_372 = arith.constant 1 : i32
      %dma_start3A_373 = arith.constant 0 : i32
      %dma_start3A_374 = arith.constant 0 : i32
      %dma_start3A_375 = tpu.memref_slice %arg10[%dma_start3A_372, %dma_start3A_373, %dma_start3A_374] : memref<5x80x64xf32, #tpu.memory_space<vmem>> -> memref<1x80x64xf32, #tpu.memory_space<vmem>>
      %dma_start3A_376 = tpu.memref_squeeze %dma_start3A_375 : memref<1x80x64xf32, #tpu.memory_space<vmem>> -> memref<80x64xf32, #tpu.memory_space<vmem>>
      %dma_start3A_377 = arith.constant 0 : i32
      %dma_start3A_378 = tpu.memref_slice %arg8[%add3A_371, %dma_start3A_377] : memref<125x80xi32, #tpu.memory_space<vmem>> -> memref<1x80xi32, #tpu.memory_space<vmem>>
      %dma_start3A_379 = tpu.memref_squeeze %dma_start3A_378 : memref<1x80xi32, #tpu.memory_space<vmem>> -> memref<80xi32, #tpu.memory_space<vmem>>
      %dma_start3A_380 = arith.constant 0 : i32
      %dma_start3A_381 = arith.constant 0 : i32
      %dma_start3A_382 = tpu.memref_slice %arg2[%dma_start3A_380, %dma_start3A_381] : memref<20000x64xf32, #tpu.memory_space<hbm>> -> memref<20000x64xf32, #tpu.memory_space<hbm>>
      tpu.enqueue_indirect_dma source(%dma_start3A_382 : memref<20000x64xf32, #tpu.memory_space<hbm>>) target(%dma_start3A_376 : memref<80x64xf32, #tpu.memory_space<vmem>>) offsets(%dma_start3A_379 : memref<80xi32, #tpu.memory_space<vmem>>) semaphore(%arg13 : memref<!tpu.dma_semaphore, #tpu.memory_space<semaphore_mem>>)
      %mul3A_383 = arith.constant 5 : i32
      %mul3A_384 = arith.muli %scan3A_324, %mul3A_383 : i32
      %add3A_385 = arith.constant 2 : i32
      %add3A_386 = arith.addi %mul3A_384, %add3A_385 : i32
      %dma_wait3A_387 = arith.constant 2 : i32
      %dma_wait3A_388 = arith.constant 0 : i32
      %dma_wait3A_389 = arith.constant 0 : i32
      %dma_wait3A_390 = tpu.memref_slice %arg10[%dma_wait3A_387, %dma_wait3A_388, %dma_wait3A_389] : memref<5x80x64xf32, #tpu.memory_space<vmem>> -> memref<1x80x64xf32, #tpu.memory_space<vmem>>
      %dma_wait3A_391 = tpu.memref_squeeze %dma_wait3A_390 : memref<1x80x64xf32, #tpu.memory_space<vmem>> -> memref<80x64xf32, #tpu.memory_space<vmem>>
      %dma_wait3A_392 = arith.constant 0 : i32
      %dma_wait3A_393 = tpu.memref_slice %arg8[%add3A_386, %dma_wait3A_392] : memref<125x80xi32, #tpu.memory_space<vmem>> -> memref<1x80xi32, #tpu.memory_space<vmem>>
      %dma_wait3A_394 = tpu.memref_squeeze %dma_wait3A_393 : memref<1x80xi32, #tpu.memory_space<vmem>> -> memref<80xi32, #tpu.memory_space<vmem>>
      %dma_wait3A_395 = arith.constant 0 : i32
      %dma_wait3A_396 = arith.constant 0 : i32
      %dma_wait3A_397 = tpu.memref_slice %arg2[%dma_wait3A_395, %dma_wait3A_396] : memref<20000x64xf32, #tpu.memory_space<hbm>> -> memref<20000x64xf32, #tpu.memory_space<hbm>>
      tpu.wait_indirect_dma semaphore(%arg14 : memref<!tpu.dma_semaphore, #tpu.memory_space<semaphore_mem>>) src(%dma_wait3A_397 : memref<20000x64xf32, #tpu.memory_space<hbm>>) dst(%dma_wait3A_391 : memref<80x64xf32, #tpu.memory_space<vmem>>)
      %run_scoped3A_398 = arith.constant 2 : i32
      "tpu.region"() ({
        %run_scoped3A_470 = tpu.sem_alloc : memref<!tpu.dma_semaphore, #tpu.memory_space<semaphore_mem>>
        %dma_start3A_471 = arith.constant 0 : i32
        %dma_start3A_472 = arith.constant 0 : i32
        %dma_start3A_473 = tpu.memref_slice %arg10[%run_scoped3A_398, %dma_start3A_471, %dma_start3A_472] : memref<5x80x64xf32, #tpu.memory_space<vmem>> -> memref<1x80x64xf32, #tpu.memory_space<vmem>>
        %dma_start3A_474 = tpu.memref_squeeze %dma_start3A_473 : memref<1x80x64xf32, #tpu.memory_space<vmem>> -> memref<80x64xf32, #tpu.memory_space<vmem>>
        %dma_start3A_475 = arith.constant 0 : i32
        %dma_start3A_476 = tpu.memref_slice %arg9[%add3A_386, %dma_start3A_475] : memref<125x80xi32, #tpu.memory_space<vmem>> -> memref<1x80xi32, #tpu.memory_space<vmem>>
        %dma_start3A_477 = tpu.memref_squeeze %dma_start3A_476 : memref<1x80xi32, #tpu.memory_space<vmem>> -> memref<80xi32, #tpu.memory_space<vmem>>
        %dma_start3A_478 = arith.constant 0 : i32
        %dma_start3A_479 = arith.constant 0 : i32
        %dma_start3A_480 = tpu.memref_slice %arg11[%dma_start3A_478, %dma_start3A_479] : memref<10000x64xf32, #tpu.memory_space<vmem_shared>> -> memref<10000x64xf32, #tpu.memory_space<vmem_shared>>
        tpu.enqueue_indirect_dma source(%dma_start3A_474 : memref<80x64xf32, #tpu.memory_space<vmem>>) target(%dma_start3A_480 : memref<10000x64xf32, #tpu.memory_space<vmem_shared>>) offsets(%dma_start3A_477 : memref<80xi32, #tpu.memory_space<vmem>>) semaphore(%run_scoped3A_470 : memref<!tpu.dma_semaphore, #tpu.memory_space<semaphore_mem>>) {add = true}
        %dma_wait3A_481 = arith.constant 0 : i32
        %dma_wait3A_482 = arith.constant 0 : i32
        %dma_wait3A_483 = tpu.memref_slice %arg10[%run_scoped3A_398, %dma_wait3A_481, %dma_wait3A_482] : memref<5x80x64xf32, #tpu.memory_space<vmem>> -> memref<1x80x64xf32, #tpu.memory_space<vmem>>
        %dma_wait3A_484 = tpu.memref_squeeze %dma_wait3A_483 : memref<1x80x64xf32, #tpu.memory_space<vmem>> -> memref<80x64xf32, #tpu.memory_space<vmem>>
        %dma_wait3A_485 = arith.constant 0 : i32
        %dma_wait3A_486 = tpu.memref_slice %arg9[%add3A_386, %dma_wait3A_485] : memref<125x80xi32, #tpu.memory_space<vmem>> -> memref<1x80xi32, #tpu.memory_space<vmem>>
        %dma_wait3A_487 = tpu.memref_squeeze %dma_wait3A_486 : memref<1x80xi32, #tpu.memory_space<vmem>> -> memref<80xi32, #tpu.memory_space<vmem>>
        %dma_wait3A_488 = arith.constant 0 : i32
        %dma_wait3A_489 = arith.constant 0 : i32
        %dma_wait3A_490 = tpu.memref_slice %arg11[%dma_wait3A_488, %dma_wait3A_489] : memref<10000x64xf32, #tpu.memory_space<vmem_shared>> -> memref<10000x64xf32, #tpu.memory_space<vmem_shared>>
        tpu.wait_indirect_dma semaphore(%run_scoped3A_470 : memref<!tpu.dma_semaphore, #tpu.memory_space<semaphore_mem>>) src(%dma_wait3A_484 : memref<80x64xf32, #tpu.memory_space<vmem>>) dst(%dma_wait3A_490 : memref<10000x64xf32, #tpu.memory_space<vmem_shared>>)
        tpu.yield
      }) : () -> ()
      %add3A_399 = arith.constant 5 : i32
      %add3A_400 = arith.addi %add3A_386, %add3A_399 : i32
      %dma_start3A_401 = arith.constant 2 : i32
      %dma_start3A_402 = arith.constant 0 : i32
      %dma_start3A_403 = arith.constant 0 : i32
      %dma_start3A_404 = tpu.memref_slice %arg10[%dma_start3A_401, %dma_start3A_402, %dma_start3A_403] : memref<5x80x64xf32, #tpu.memory_space<vmem>> -> memref<1x80x64xf32, #tpu.memory_space<vmem>>
      %dma_start3A_405 = tpu.memref_squeeze %dma_start3A_404 : memref<1x80x64xf32, #tpu.memory_space<vmem>> -> memref<80x64xf32, #tpu.memory_space<vmem>>
      %dma_start3A_406 = arith.constant 0 : i32
      %dma_start3A_407 = tpu.memref_slice %arg8[%add3A_400, %dma_start3A_406] : memref<125x80xi32, #tpu.memory_space<vmem>> -> memref<1x80xi32, #tpu.memory_space<vmem>>
      %dma_start3A_408 = tpu.memref_squeeze %dma_start3A_407 : memref<1x80xi32, #tpu.memory_space<vmem>> -> memref<80xi32, #tpu.memory_space<vmem>>
      %dma_start3A_409 = arith.constant 0 : i32
      %dma_start3A_410 = arith.constant 0 : i32
      %dma_start3A_411 = tpu.memref_slice %arg2[%dma_start3A_409, %dma_start3A_410] : memref<20000x64xf32, #tpu.memory_space<hbm>> -> memref<20000x64xf32, #tpu.memory_space<hbm>>
      tpu.enqueue_indirect_dma source(%dma_start3A_411 : memref<20000x64xf32, #tpu.memory_space<hbm>>) target(%dma_start3A_405 : memref<80x64xf32, #tpu.memory_space<vmem>>) offsets(%dma_start3A_408 : memref<80xi32, #tpu.memory_space<vmem>>) semaphore(%arg14 : memref<!tpu.dma_semaphore, #tpu.memory_space<semaphore_mem>>)
      %mul3A_412 = arith.constant 5 : i32
      %mul3A_413 = arith.muli %scan3A_324, %mul3A_412 : i32
      %add3A_414 = arith.constant 3 : i32
      %add3A_415 = arith.addi %mul3A_413, %add3A_414 : i32
      %dma_wait3A_416 = arith.constant 3 : i32
      %dma_wait3A_417 = arith.constant 0 : i32
      %dma_wait3A_418 = arith.constant 0 : i32
      %dma_wait3A_419 = tpu.memref_slice %arg10[%dma_wait3A_416, %dma_wait3A_417, %dma_wait3A_418] : memref<5x80x64xf32, #tpu.memory_space<vmem>> -> memref<1x80x64xf32, #tpu.memory_space<vmem>>
      %dma_wait3A_420 = tpu.memref_squeeze %dma_wait3A_419 : memref<1x80x64xf32, #tpu.memory_space<vmem>> -> memref<80x64xf32, #tpu.memory_space<vmem>>
      %dma_wait3A_421 = arith.constant 0 : i32
      %dma_wait3A_422 = tpu.memref_slice %arg8[%add3A_415, %dma_wait3A_421] : memref<125x80xi32, #tpu.memory_space<vmem>> -> memref<1x80xi32, #tpu.memory_space<vmem>>
      %dma_wait3A_423 = tpu.memref_squeeze %dma_wait3A_422 : memref<1x80xi32, #tpu.memory_space<vmem>> -> memref<80xi32, #tpu.memory_space<vmem>>
      %dma_wait3A_424 = arith.constant 0 : i32
      %dma_wait3A_425 = arith.constant 0 : i32
      %dma_wait3A_426 = tpu.memref_slice %arg2[%dma_wait3A_424, %dma_wait3A_425] : memref<20000x64xf32, #tpu.memory_space<hbm>> -> memref<20000x64xf32, #tpu.memory_space<hbm>>
      tpu.wait_indirect_dma semaphore(%arg15 : memref<!tpu.dma_semaphore, #tpu.memory_space<semaphore_mem>>) src(%dma_wait3A_426 : memref<20000x64xf32, #tpu.memory_space<hbm>>) dst(%dma_wait3A_420 : memref<80x64xf32, #tpu.memory_space<vmem>>)
      %run_scoped3A_427 = arith.constant 3 : i32
      "tpu.region"() ({
        %run_scoped3A_470 = tpu.sem_alloc : memref<!tpu.dma_semaphore, #tpu.memory_space<semaphore_mem>>
        %dma_start3A_471 = arith.constant 0 : i32
        %dma_start3A_472 = arith.constant 0 : i32
        %dma_start3A_473 = tpu.memref_slice %arg10[%run_scoped3A_427, %dma_start3A_471, %dma_start3A_472] : memref<5x80x64xf32, #tpu.memory_space<vmem>> -> memref<1x80x64xf32, #tpu.memory_space<vmem>>
        %dma_start3A_474 = tpu.memref_squeeze %dma_start3A_473 : memref<1x80x64xf32, #tpu.memory_space<vmem>> -> memref<80x64xf32, #tpu.memory_space<vmem>>
        %dma_start3A_475 = arith.constant 0 : i32
        %dma_start3A_476 = tpu.memref_slice %arg9[%add3A_415, %dma_start3A_475] : memref<125x80xi32, #tpu.memory_space<vmem>> -> memref<1x80xi32, #tpu.memory_space<vmem>>
        %dma_start3A_477 = tpu.memref_squeeze %dma_start3A_476 : memref<1x80xi32, #tpu.memory_space<vmem>> -> memref<80xi32, #tpu.memory_space<vmem>>
        %dma_start3A_478 = arith.constant 0 : i32
        %dma_start3A_479 = arith.constant 0 : i32
        %dma_start3A_480 = tpu.memref_slice %arg11[%dma_start3A_478, %dma_start3A_479] : memref<10000x64xf32, #tpu.memory_space<vmem_shared>> -> memref<10000x64xf32, #tpu.memory_space<vmem_shared>>
        tpu.enqueue_indirect_dma source(%dma_start3A_474 : memref<80x64xf32, #tpu.memory_space<vmem>>) target(%dma_start3A_480 : memref<10000x64xf32, #tpu.memory_space<vmem_shared>>) offsets(%dma_start3A_477 : memref<80xi32, #tpu.memory_space<vmem>>) semaphore(%run_scoped3A_470 : memref<!tpu.dma_semaphore, #tpu.memory_space<semaphore_mem>>) {add = true}
        %dma_wait3A_481 = arith.constant 0 : i32
        %dma_wait3A_482 = arith.constant 0 : i32
        %dma_wait3A_483 = tpu.memref_slice %arg10[%run_scoped3A_427, %dma_wait3A_481, %dma_wait3A_482] : memref<5x80x64xf32, #tpu.memory_space<vmem>> -> memref<1x80x64xf32, #tpu.memory_space<vmem>>
        %dma_wait3A_484 = tpu.memref_squeeze %dma_wait3A_483 : memref<1x80x64xf32, #tpu.memory_space<vmem>> -> memref<80x64xf32, #tpu.memory_space<vmem>>
        %dma_wait3A_485 = arith.constant 0 : i32
        %dma_wait3A_486 = tpu.memref_slice %arg9[%add3A_415, %dma_wait3A_485] : memref<125x80xi32, #tpu.memory_space<vmem>> -> memref<1x80xi32, #tpu.memory_space<vmem>>
        %dma_wait3A_487 = tpu.memref_squeeze %dma_wait3A_486 : memref<1x80xi32, #tpu.memory_space<vmem>> -> memref<80xi32, #tpu.memory_space<vmem>>
        %dma_wait3A_488 = arith.constant 0 : i32
        %dma_wait3A_489 = arith.constant 0 : i32
        %dma_wait3A_490 = tpu.memref_slice %arg11[%dma_wait3A_488, %dma_wait3A_489] : memref<10000x64xf32, #tpu.memory_space<vmem_shared>> -> memref<10000x64xf32, #tpu.memory_space<vmem_shared>>
        tpu.wait_indirect_dma semaphore(%run_scoped3A_470 : memref<!tpu.dma_semaphore, #tpu.memory_space<semaphore_mem>>) src(%dma_wait3A_484 : memref<80x64xf32, #tpu.memory_space<vmem>>) dst(%dma_wait3A_490 : memref<10000x64xf32, #tpu.memory_space<vmem_shared>>)
        tpu.yield
      }) : () -> ()
      %add3A_428 = arith.constant 5 : i32
      %add3A_429 = arith.addi %add3A_415, %add3A_428 : i32
      %dma_start3A_430 = arith.constant 3 : i32
      %dma_start3A_431 = arith.constant 0 : i32
      %dma_start3A_432 = arith.constant 0 : i32
      %dma_start3A_433 = tpu.memref_slice %arg10[%dma_start3A_430, %dma_start3A_431, %dma_start3A_432] : memref<5x80x64xf32, #tpu.memory_space<vmem>> -> memref<1x80x64xf32, #tpu.memory_space<vmem>>
      %dma_start3A_434 = tpu.memref_squeeze %dma_start3A_433 : memref<1x80x64xf32, #tpu.memory_space<vmem>> -> memref<80x64xf32, #tpu.memory_space<vmem>>
      %dma_start3A_435 = arith.constant 0 : i32
      %dma_start3A_436 = tpu.memref_slice %arg8[%add3A_429, %dma_start3A_435] : memref<125x80xi32, #tpu.memory_space<vmem>> -> memref<1x80xi32, #tpu.memory_space<vmem>>
      %dma_start3A_437 = tpu.memref_squeeze %dma_start3A_436 : memref<1x80xi32, #tpu.memory_space<vmem>> -> memref<80xi32, #tpu.memory_space<vmem>>
      %dma_start3A_438 = arith.constant 0 : i32
      %dma_start3A_439 = arith.constant 0 : i32
      %dma_start3A_440 = tpu.memref_slice %arg2[%dma_start3A_438, %dma_start3A_439] : memref<20000x64xf32, #tpu.memory_space<hbm>> -> memref<20000x64xf32, #tpu.memory_space<hbm>>
      tpu.enqueue_indirect_dma source(%dma_start3A_440 : memref<20000x64xf32, #tpu.memory_space<hbm>>) target(%dma_start3A_434 : memref<80x64xf32, #tpu.memory_space<vmem>>) offsets(%dma_start3A_437 : memref<80xi32, #tpu.memory_space<vmem>>) semaphore(%arg15 : memref<!tpu.dma_semaphore, #tpu.memory_space<semaphore_mem>>)
      %mul3A_441 = arith.constant 5 : i32
      %mul3A_442 = arith.muli %scan3A_324, %mul3A_441 : i32
      %add3A_443 = arith.constant 4 : i32
      %add3A_444 = arith.addi %mul3A_442, %add3A_443 : i32
      %dma_wait3A_445 = arith.constant 4 : i32
      %dma_wait3A_446 = arith.constant 0 : i32
      %dma_wait3A_447 = arith.constant 0 : i32
      %dma_wait3A_448 = tpu.memref_slice %arg10[%dma_wait3A_445, %dma_wait3A_446, %dma_wait3A_447] : memref<5x80x64xf32, #tpu.memory_space<vmem>> -> memref<1x80x64xf32, #tpu.memory_space<vmem>>
      %dma_wait3A_449 = tpu.memref_squeeze %dma_wait3A_448 : memref<1x80x64xf32, #tpu.memory_space<vmem>> -> memref<80x64xf32, #tpu.memory_space<vmem>>
      %dma_wait3A_450 = arith.constant 0 : i32
      %dma_wait3A_451 = tpu.memref_slice %arg8[%add3A_444, %dma_wait3A_450] : memref<125x80xi32, #tpu.memory_space<vmem>> -> memref<1x80xi32, #tpu.memory_space<vmem>>
      %dma_wait3A_452 = tpu.memref_squeeze %dma_wait3A_451 : memref<1x80xi32, #tpu.memory_space<vmem>> -> memref<80xi32, #tpu.memory_space<vmem>>
      %dma_wait3A_453 = arith.constant 0 : i32
      %dma_wait3A_454 = arith.constant 0 : i32
      %dma_wait3A_455 = tpu.memref_slice %arg2[%dma_wait3A_453, %dma_wait3A_454] : memref<20000x64xf32, #tpu.memory_space<hbm>> -> memref<20000x64xf32, #tpu.memory_space<hbm>>
      tpu.wait_indirect_dma semaphore(%arg16 : memref<!tpu.dma_semaphore, #tpu.memory_space<semaphore_mem>>) src(%dma_wait3A_455 : memref<20000x64xf32, #tpu.memory_space<hbm>>) dst(%dma_wait3A_449 : memref<80x64xf32, #tpu.memory_space<vmem>>)
      %run_scoped3A_456 = arith.constant 4 : i32
      "tpu.region"() ({
        %run_scoped3A_470 = tpu.sem_alloc : memref<!tpu.dma_semaphore, #tpu.memory_space<semaphore_mem>>
        %dma_start3A_471 = arith.constant 0 : i32
        %dma_start3A_472 = arith.constant 0 : i32
        %dma_start3A_473 = tpu.memref_slice %arg10[%run_scoped3A_456, %dma_start3A_471, %dma_start3A_472] : memref<5x80x64xf32, #tpu.memory_space<vmem>> -> memref<1x80x64xf32, #tpu.memory_space<vmem>>
        %dma_start3A_474 = tpu.memref_squeeze %dma_start3A_473 : memref<1x80x64xf32, #tpu.memory_space<vmem>> -> memref<80x64xf32, #tpu.memory_space<vmem>>
        %dma_start3A_475 = arith.constant 0 : i32
        %dma_start3A_476 = tpu.memref_slice %arg9[%add3A_444, %dma_start3A_475] : memref<125x80xi32, #tpu.memory_space<vmem>> -> memref<1x80xi32, #tpu.memory_space<vmem>>
        %dma_start3A_477 = tpu.memref_squeeze %dma_start3A_476 : memref<1x80xi32, #tpu.memory_space<vmem>> -> memref<80xi32, #tpu.memory_space<vmem>>
        %dma_start3A_478 = arith.constant 0 : i32
        %dma_start3A_479 = arith.constant 0 : i32
        %dma_start3A_480 = tpu.memref_slice %arg11[%dma_start3A_478, %dma_start3A_479] : memref<10000x64xf32, #tpu.memory_space<vmem_shared>> -> memref<10000x64xf32, #tpu.memory_space<vmem_shared>>
        tpu.enqueue_indirect_dma source(%dma_start3A_474 : memref<80x64xf32, #tpu.memory_space<vmem>>) target(%dma_start3A_480 : memref<10000x64xf32, #tpu.memory_space<vmem_shared>>) offsets(%dma_start3A_477 : memref<80xi32, #tpu.memory_space<vmem>>) semaphore(%run_scoped3A_470 : memref<!tpu.dma_semaphore, #tpu.memory_space<semaphore_mem>>) {add = true}
        %dma_wait3A_481 = arith.constant 0 : i32
        %dma_wait3A_482 = arith.constant 0 : i32
        %dma_wait3A_483 = tpu.memref_slice %arg10[%run_scoped3A_456, %dma_wait3A_481, %dma_wait3A_482] : memref<5x80x64xf32, #tpu.memory_space<vmem>> -> memref<1x80x64xf32, #tpu.memory_space<vmem>>
        %dma_wait3A_484 = tpu.memref_squeeze %dma_wait3A_483 : memref<1x80x64xf32, #tpu.memory_space<vmem>> -> memref<80x64xf32, #tpu.memory_space<vmem>>
        %dma_wait3A_485 = arith.constant 0 : i32
        %dma_wait3A_486 = tpu.memref_slice %arg9[%add3A_444, %dma_wait3A_485] : memref<125x80xi32, #tpu.memory_space<vmem>> -> memref<1x80xi32, #tpu.memory_space<vmem>>
        %dma_wait3A_487 = tpu.memref_squeeze %dma_wait3A_486 : memref<1x80xi32, #tpu.memory_space<vmem>> -> memref<80xi32, #tpu.memory_space<vmem>>
        %dma_wait3A_488 = arith.constant 0 : i32
        %dma_wait3A_489 = arith.constant 0 : i32
        %dma_wait3A_490 = tpu.memref_slice %arg11[%dma_wait3A_488, %dma_wait3A_489] : memref<10000x64xf32, #tpu.memory_space<vmem_shared>> -> memref<10000x64xf32, #tpu.memory_space<vmem_shared>>
        tpu.wait_indirect_dma semaphore(%run_scoped3A_470 : memref<!tpu.dma_semaphore, #tpu.memory_space<semaphore_mem>>) src(%dma_wait3A_484 : memref<80x64xf32, #tpu.memory_space<vmem>>) dst(%dma_wait3A_490 : memref<10000x64xf32, #tpu.memory_space<vmem_shared>>)
        tpu.yield
      }) : () -> ()
      %add3A_457 = arith.constant 5 : i32
      %add3A_458 = arith.addi %add3A_444, %add3A_457 : i32
      %dma_start3A_459 = arith.constant 4 : i32
      %dma_start3A_460 = arith.constant 0 : i32
      %dma_start3A_461 = arith.constant 0 : i32
      %dma_start3A_462 = tpu.memref_slice %arg10[%dma_start3A_459, %dma_start3A_460, %dma_start3A_461] : memref<5x80x64xf32, #tpu.memory_space<vmem>> -> memref<1x80x64xf32, #tpu.memory_space<vmem>>
      %dma_start3A_463 = tpu.memref_squeeze %dma_start3A_462 : memref<1x80x64xf32, #tpu.memory_space<vmem>> -> memref<80x64xf32, #tpu.memory_space<vmem>>
      %dma_start3A_464 = arith.constant 0 : i32
      %dma_start3A_465 = tpu.memref_slice %arg8[%add3A_458, %dma_start3A_464] : memref<125x80xi32, #tpu.memory_space<vmem>> -> memref<1x80xi32, #tpu.memory_space<vmem>>
      %dma_start3A_466 = tpu.memref_squeeze %dma_start3A_465 : memref<1x80xi32, #tpu.memory_space<vmem>> -> memref<80xi32, #tpu.memory_space<vmem>>
      %dma_start3A_467 = arith.constant 0 : i32
      %dma_start3A_468 = arith.constant 0 : i32
      %dma_start3A_469 = tpu.memref_slice %arg2[%dma_start3A_467, %dma_start3A_468] : memref<20000x64xf32, #tpu.memory_space<hbm>> -> memref<20000x64xf32, #tpu.memory_space<hbm>>
      tpu.enqueue_indirect_dma source(%dma_start3A_469 : memref<20000x64xf32, #tpu.memory_space<hbm>>) target(%dma_start3A_463 : memref<80x64xf32, #tpu.memory_space<vmem>>) offsets(%dma_start3A_466 : memref<80xi32, #tpu.memory_space<vmem>>) semaphore(%arg16 : memref<!tpu.dma_semaphore, #tpu.memory_space<semaphore_mem>>)
    }
    %scan3A_240 = arith.constant 24 : i32
    %dma_wait3A_241 = arith.constant 120 : i32
    %dma_wait3A_242 = arith.constant 0 : i32
    %dma_wait3A_243 = arith.constant 0 : i32
    %dma_wait3A_244 = arith.constant 0 : i32
    %dma_wait3A_245 = tpu.memref_slice %arg10[%dma_wait3A_242, %dma_wait3A_243, %dma_wait3A_244] : memref<5x80x64xf32, #tpu.memory_space<vmem>> -> memref<1x80x64xf32, #tpu.memory_space<vmem>>
    %dma_wait3A_246 = tpu.memref_squeeze %dma_wait3A_245 : memref<1x80x64xf32, #tpu.memory_space<vmem>> -> memref<80x64xf32, #tpu.memory_space<vmem>>
    %dma_wait3A_247 = arith.constant 0 : i32
    %dma_wait3A_248 = tpu.memref_slice %arg8[%dma_wait3A_241, %dma_wait3A_247] : memref<125x80xi32, #tpu.memory_space<vmem>> -> memref<1x80xi32, #tpu.memory_space<vmem>>
    %dma_wait3A_249 = tpu.memref_squeeze %dma_wait3A_248 : memref<1x80xi32, #tpu.memory_space<vmem>> -> memref<80xi32, #tpu.memory_space<vmem>>
    %dma_wait3A_250 = arith.constant 0 : i32
    %dma_wait3A_251 = arith.constant 0 : i32
    %dma_wait3A_252 = tpu.memref_slice %arg2[%dma_wait3A_250, %dma_wait3A_251] : memref<20000x64xf32, #tpu.memory_space<hbm>> -> memref<20000x64xf32, #tpu.memory_space<hbm>>
    tpu.wait_indirect_dma semaphore(%arg12 : memref<!tpu.dma_semaphore, #tpu.memory_space<semaphore_mem>>) src(%dma_wait3A_252 : memref<20000x64xf32, #tpu.memory_space<hbm>>) dst(%dma_wait3A_246 : memref<80x64xf32, #tpu.memory_space<vmem>>)
    %run_scoped3A_253 = arith.constant 0 : i32
    %run_scoped3A_254 = arith.constant 120 : i32
    "tpu.region"() ({
      %run_scoped3A_324 = tpu.sem_alloc : memref<!tpu.dma_semaphore, #tpu.memory_space<semaphore_mem>>
      %dma_start3A_325 = arith.constant 0 : i32
      %dma_start3A_326 = arith.constant 0 : i32
      %dma_start3A_327 = tpu.memref_slice %arg10[%run_scoped3A_253, %dma_start3A_325, %dma_start3A_326] : memref<5x80x64xf32, #tpu.memory_space<vmem>> -> memref<1x80x64xf32, #tpu.memory_space<vmem>>
      %dma_start3A_328 = tpu.memref_squeeze %dma_start3A_327 : memref<1x80x64xf32, #tpu.memory_space<vmem>> -> memref<80x64xf32, #tpu.memory_space<vmem>>
      %dma_start3A_329 = arith.constant 0 : i32
      %dma_start3A_330 = tpu.memref_slice %arg9[%run_scoped3A_254, %dma_start3A_329] : memref<125x80xi32, #tpu.memory_space<vmem>> -> memref<1x80xi32, #tpu.memory_space<vmem>>
      %dma_start3A_331 = tpu.memref_squeeze %dma_start3A_330 : memref<1x80xi32, #tpu.memory_space<vmem>> -> memref<80xi32, #tpu.memory_space<vmem>>
      %dma_start3A_332 = arith.constant 0 : i32
      %dma_start3A_333 = arith.constant 0 : i32
      %dma_start3A_334 = tpu.memref_slice %arg11[%dma_start3A_332, %dma_start3A_333] : memref<10000x64xf32, #tpu.memory_space<vmem_shared>> -> memref<10000x64xf32, #tpu.memory_space<vmem_shared>>
      tpu.enqueue_indirect_dma source(%dma_start3A_328 : memref<80x64xf32, #tpu.memory_space<vmem>>) target(%dma_start3A_334 : memref<10000x64xf32, #tpu.memory_space<vmem_shared>>) offsets(%dma_start3A_331 : memref<80xi32, #tpu.memory_space<vmem>>) semaphore(%run_scoped3A_324 : memref<!tpu.dma_semaphore, #tpu.memory_space<semaphore_mem>>) {add = true}
      %dma_wait3A_335 = arith.constant 0 : i32
      %dma_wait3A_336 = arith.constant 0 : i32
      %dma_wait3A_337 = tpu.memref_slice %arg10[%run_scoped3A_253, %dma_wait3A_335, %dma_wait3A_336] : memref<5x80x64xf32, #tpu.memory_space<vmem>> -> memref<1x80x64xf32, #tpu.memory_space<vmem>>
      %dma_wait3A_338 = tpu.memref_squeeze %dma_wait3A_337 : memref<1x80x64xf32, #tpu.memory_space<vmem>> -> memref<80x64xf32, #tpu.memory_space<vmem>>
      %dma_wait3A_339 = arith.constant 0 : i32
      %dma_wait3A_340 = tpu.memref_slice %arg9[%run_scoped3A_254, %dma_wait3A_339] : memref<125x80xi32, #tpu.memory_space<vmem>> -> memref<1x80xi32, #tpu.memory_space<vmem>>
      %dma_wait3A_341 = tpu.memref_squeeze %dma_wait3A_340 : memref<1x80xi32, #tpu.memory_space<vmem>> -> memref<80xi32, #tpu.memory_space<vmem>>
      %dma_wait3A_342 = arith.constant 0 : i32
      %dma_wait3A_343 = arith.constant 0 : i32
      %dma_wait3A_344 = tpu.memref_slice %arg11[%dma_wait3A_342, %dma_wait3A_343] : memref<10000x64xf32, #tpu.memory_space<vmem_shared>> -> memref<10000x64xf32, #tpu.memory_space<vmem_shared>>
      tpu.wait_indirect_dma semaphore(%run_scoped3A_324 : memref<!tpu.dma_semaphore, #tpu.memory_space<semaphore_mem>>) src(%dma_wait3A_338 : memref<80x64xf32, #tpu.memory_space<vmem>>) dst(%dma_wait3A_344 : memref<10000x64xf32, #tpu.memory_space<vmem_shared>>)
      tpu.yield
    }) : () -> ()
    %dma_wait3A_255 = arith.constant 121 : i32
    %dma_wait3A_256 = arith.constant 1 : i32
    %dma_wait3A_257 = arith.constant 0 : i32
    %dma_wait3A_258 = arith.constant 0 : i32
    %dma_wait3A_259 = tpu.memref_slice %arg10[%dma_wait3A_256, %dma_wait3A_257, %dma_wait3A_258] : memref<5x80x64xf32, #tpu.memory_space<vmem>> -> memref<1x80x64xf32, #tpu.memory_space<vmem>>
    %dma_wait3A_260 = tpu.memref_squeeze %dma_wait3A_259 : memref<1x80x64xf32, #tpu.memory_space<vmem>> -> memref<80x64xf32, #tpu.memory_space<vmem>>
    %dma_wait3A_261 = arith.constant 0 : i32
    %dma_wait3A_262 = tpu.memref_slice %arg8[%dma_wait3A_255, %dma_wait3A_261] : memref<125x80xi32, #tpu.memory_space<vmem>> -> memref<1x80xi32, #tpu.memory_space<vmem>>
    %dma_wait3A_263 = tpu.memref_squeeze %dma_wait3A_262 : memref<1x80xi32, #tpu.memory_space<vmem>> -> memref<80xi32, #tpu.memory_space<vmem>>
    %dma_wait3A_264 = arith.constant 0 : i32
    %dma_wait3A_265 = arith.constant 0 : i32
    %dma_wait3A_266 = tpu.memref_slice %arg2[%dma_wait3A_264, %dma_wait3A_265] : memref<20000x64xf32, #tpu.memory_space<hbm>> -> memref<20000x64xf32, #tpu.memory_space<hbm>>
    tpu.wait_indirect_dma semaphore(%arg13 : memref<!tpu.dma_semaphore, #tpu.memory_space<semaphore_mem>>) src(%dma_wait3A_266 : memref<20000x64xf32, #tpu.memory_space<hbm>>) dst(%dma_wait3A_260 : memref<80x64xf32, #tpu.memory_space<vmem>>)
    %run_scoped3A_267 = arith.constant 1 : i32
    %run_scoped3A_268 = arith.constant 121 : i32
    "tpu.region"() ({
      %run_scoped3A_324 = tpu.sem_alloc : memref<!tpu.dma_semaphore, #tpu.memory_space<semaphore_mem>>
      %dma_start3A_325 = arith.constant 0 : i32
      %dma_start3A_326 = arith.constant 0 : i32
      %dma_start3A_327 = tpu.memref_slice %arg10[%run_scoped3A_267, %dma_start3A_325, %dma_start3A_326] : memref<5x80x64xf32, #tpu.memory_space<vmem>> -> memref<1x80x64xf32, #tpu.memory_space<vmem>>
      %dma_start3A_328 = tpu.memref_squeeze %dma_start3A_327 : memref<1x80x64xf32, #tpu.memory_space<vmem>> -> memref<80x64xf32, #tpu.memory_space<vmem>>
      %dma_start3A_329 = arith.constant 0 : i32
      %dma_start3A_330 = tpu.memref_slice %arg9[%run_scoped3A_268, %dma_start3A_329] : memref<125x80xi32, #tpu.memory_space<vmem>> -> memref<1x80xi32, #tpu.memory_space<vmem>>
      %dma_start3A_331 = tpu.memref_squeeze %dma_start3A_330 : memref<1x80xi32, #tpu.memory_space<vmem>> -> memref<80xi32, #tpu.memory_space<vmem>>
      %dma_start3A_332 = arith.constant 0 : i32
      %dma_start3A_333 = arith.constant 0 : i32
      %dma_start3A_334 = tpu.memref_slice %arg11[%dma_start3A_332, %dma_start3A_333] : memref<10000x64xf32, #tpu.memory_space<vmem_shared>> -> memref<10000x64xf32, #tpu.memory_space<vmem_shared>>
      tpu.enqueue_indirect_dma source(%dma_start3A_328 : memref<80x64xf32, #tpu.memory_space<vmem>>) target(%dma_start3A_334 : memref<10000x64xf32, #tpu.memory_space<vmem_shared>>) offsets(%dma_start3A_331 : memref<80xi32, #tpu.memory_space<vmem>>) semaphore(%run_scoped3A_324 : memref<!tpu.dma_semaphore, #tpu.memory_space<semaphore_mem>>) {add = true}
      %dma_wait3A_335 = arith.constant 0 : i32
      %dma_wait3A_336 = arith.constant 0 : i32
      %dma_wait3A_337 = tpu.memref_slice %arg10[%run_scoped3A_267, %dma_wait3A_335, %dma_wait3A_336] : memref<5x80x64xf32, #tpu.memory_space<vmem>> -> memref<1x80x64xf32, #tpu.memory_space<vmem>>
      %dma_wait3A_338 = tpu.memref_squeeze %dma_wait3A_337 : memref<1x80x64xf32, #tpu.memory_space<vmem>> -> memref<80x64xf32, #tpu.memory_space<vmem>>
      %dma_wait3A_339 = arith.constant 0 : i32
      %dma_wait3A_340 = tpu.memref_slice %arg9[%run_scoped3A_268, %dma_wait3A_339] : memref<125x80xi32, #tpu.memory_space<vmem>> -> memref<1x80xi32, #tpu.memory_space<vmem>>
      %dma_wait3A_341 = tpu.memref_squeeze %dma_wait3A_340 : memref<1x80xi32, #tpu.memory_space<vmem>> -> memref<80xi32, #tpu.memory_space<vmem>>
      %dma_wait3A_342 = arith.constant 0 : i32
      %dma_wait3A_343 = arith.constant 0 : i32
      %dma_wait3A_344 = tpu.memref_slice %arg11[%dma_wait3A_342, %dma_wait3A_343] : memref<10000x64xf32, #tpu.memory_space<vmem_shared>> -> memref<10000x64xf32, #tpu.memory_space<vmem_shared>>
      tpu.wait_indirect_dma semaphore(%run_scoped3A_324 : memref<!tpu.dma_semaphore, #tpu.memory_space<semaphore_mem>>) src(%dma_wait3A_338 : memref<80x64xf32, #tpu.memory_space<vmem>>) dst(%dma_wait3A_344 : memref<10000x64xf32, #tpu.memory_space<vmem_shared>>)
      tpu.yield
    }) : () -> ()
    %dma_wait3A_269 = arith.constant 122 : i32
    %dma_wait3A_270 = arith.constant 2 : i32
    %dma_wait3A_271 = arith.constant 0 : i32
    %dma_wait3A_272 = arith.constant 0 : i32
    %dma_wait3A_273 = tpu.memref_slice %arg10[%dma_wait3A_270, %dma_wait3A_271, %dma_wait3A_272] : memref<5x80x64xf32, #tpu.memory_space<vmem>> -> memref<1x80x64xf32, #tpu.memory_space<vmem>>
    %dma_wait3A_274 = tpu.memref_squeeze %dma_wait3A_273 : memref<1x80x64xf32, #tpu.memory_space<vmem>> -> memref<80x64xf32, #tpu.memory_space<vmem>>
    %dma_wait3A_275 = arith.constant 0 : i32
    %dma_wait3A_276 = tpu.memref_slice %arg8[%dma_wait3A_269, %dma_wait3A_275] : memref<125x80xi32, #tpu.memory_space<vmem>> -> memref<1x80xi32, #tpu.memory_space<vmem>>
    %dma_wait3A_277 = tpu.memref_squeeze %dma_wait3A_276 : memref<1x80xi32, #tpu.memory_space<vmem>> -> memref<80xi32, #tpu.memory_space<vmem>>
    %dma_wait3A_278 = arith.constant 0 : i32
    %dma_wait3A_279 = arith.constant 0 : i32
    %dma_wait3A_280 = tpu.memref_slice %arg2[%dma_wait3A_278, %dma_wait3A_279] : memref<20000x64xf32, #tpu.memory_space<hbm>> -> memref<20000x64xf32, #tpu.memory_space<hbm>>
    tpu.wait_indirect_dma semaphore(%arg14 : memref<!tpu.dma_semaphore, #tpu.memory_space<semaphore_mem>>) src(%dma_wait3A_280 : memref<20000x64xf32, #tpu.memory_space<hbm>>) dst(%dma_wait3A_274 : memref<80x64xf32, #tpu.memory_space<vmem>>)
    %run_scoped3A_281 = arith.constant 2 : i32
    %run_scoped3A_282 = arith.constant 122 : i32
    "tpu.region"() ({
      %run_scoped3A_324 = tpu.sem_alloc : memref<!tpu.dma_semaphore, #tpu.memory_space<semaphore_mem>>
      %dma_start3A_325 = arith.constant 0 : i32
      %dma_start3A_326 = arith.constant 0 : i32
      %dma_start3A_327 = tpu.memref_slice %arg10[%run_scoped3A_281, %dma_start3A_325, %dma_start3A_326] : memref<5x80x64xf32, #tpu.memory_space<vmem>> -> memref<1x80x64xf32, #tpu.memory_space<vmem>>
      %dma_start3A_328 = tpu.memref_squeeze %dma_start3A_327 : memref<1x80x64xf32, #tpu.memory_space<vmem>> -> memref<80x64xf32, #tpu.memory_space<vmem>>
      %dma_start3A_329 = arith.constant 0 : i32
      %dma_start3A_330 = tpu.memref_slice %arg9[%run_scoped3A_282, %dma_start3A_329] : memref<125x80xi32, #tpu.memory_space<vmem>> -> memref<1x80xi32, #tpu.memory_space<vmem>>
      %dma_start3A_331 = tpu.memref_squeeze %dma_start3A_330 : memref<1x80xi32, #tpu.memory_space<vmem>> -> memref<80xi32, #tpu.memory_space<vmem>>
      %dma_start3A_332 = arith.constant 0 : i32
      %dma_start3A_333 = arith.constant 0 : i32
      %dma_start3A_334 = tpu.memref_slice %arg11[%dma_start3A_332, %dma_start3A_333] : memref<10000x64xf32, #tpu.memory_space<vmem_shared>> -> memref<10000x64xf32, #tpu.memory_space<vmem_shared>>
      tpu.enqueue_indirect_dma source(%dma_start3A_328 : memref<80x64xf32, #tpu.memory_space<vmem>>) target(%dma_start3A_334 : memref<10000x64xf32, #tpu.memory_space<vmem_shared>>) offsets(%dma_start3A_331 : memref<80xi32, #tpu.memory_space<vmem>>) semaphore(%run_scoped3A_324 : memref<!tpu.dma_semaphore, #tpu.memory_space<semaphore_mem>>) {add = true}
      %dma_wait3A_335 = arith.constant 0 : i32
      %dma_wait3A_336 = arith.constant 0 : i32
      %dma_wait3A_337 = tpu.memref_slice %arg10[%run_scoped3A_281, %dma_wait3A_335, %dma_wait3A_336] : memref<5x80x64xf32, #tpu.memory_space<vmem>> -> memref<1x80x64xf32, #tpu.memory_space<vmem>>
      %dma_wait3A_338 = tpu.memref_squeeze %dma_wait3A_337 : memref<1x80x64xf32, #tpu.memory_space<vmem>> -> memref<80x64xf32, #tpu.memory_space<vmem>>
      %dma_wait3A_339 = arith.constant 0 : i32
      %dma_wait3A_340 = tpu.memref_slice %arg9[%run_scoped3A_282, %dma_wait3A_339] : memref<125x80xi32, #tpu.memory_space<vmem>> -> memref<1x80xi32, #tpu.memory_space<vmem>>
      %dma_wait3A_341 = tpu.memref_squeeze %dma_wait3A_340 : memref<1x80xi32, #tpu.memory_space<vmem>> -> memref<80xi32, #tpu.memory_space<vmem>>
      %dma_wait3A_342 = arith.constant 0 : i32
      %dma_wait3A_343 = arith.constant 0 : i32
      %dma_wait3A_344 = tpu.memref_slice %arg11[%dma_wait3A_342, %dma_wait3A_343] : memref<10000x64xf32, #tpu.memory_space<vmem_shared>> -> memref<10000x64xf32, #tpu.memory_space<vmem_shared>>
      tpu.wait_indirect_dma semaphore(%run_scoped3A_324 : memref<!tpu.dma_semaphore, #tpu.memory_space<semaphore_mem>>) src(%dma_wait3A_338 : memref<80x64xf32, #tpu.memory_space<vmem>>) dst(%dma_wait3A_344 : memref<10000x64xf32, #tpu.memory_space<vmem_shared>>)
      tpu.yield
    }) : () -> ()
    %dma_wait3A_283 = arith.constant 123 : i32
    %dma_wait3A_284 = arith.constant 3 : i32
    %dma_wait3A_285 = arith.constant 0 : i32
    %dma_wait3A_286 = arith.constant 0 : i32
    %dma_wait3A_287 = tpu.memref_slice %arg10[%dma_wait3A_284, %dma_wait3A_285, %dma_wait3A_286] : memref<5x80x64xf32, #tpu.memory_space<vmem>> -> memref<1x80x64xf32, #tpu.memory_space<vmem>>
    %dma_wait3A_288 = tpu.memref_squeeze %dma_wait3A_287 : memref<1x80x64xf32, #tpu.memory_space<vmem>> -> memref<80x64xf32, #tpu.memory_space<vmem>>
    %dma_wait3A_289 = arith.constant 0 : i32
    %dma_wait3A_290 = tpu.memref_slice %arg8[%dma_wait3A_283, %dma_wait3A_289] : memref<125x80xi32, #tpu.memory_space<vmem>> -> memref<1x80xi32, #tpu.memory_space<vmem>>
    %dma_wait3A_291 = tpu.memref_squeeze %dma_wait3A_290 : memref<1x80xi32, #tpu.memory_space<vmem>> -> memref<80xi32, #tpu.memory_space<vmem>>
    %dma_wait3A_292 = arith.constant 0 : i32
    %dma_wait3A_293 = arith.constant 0 : i32
    %dma_wait3A_294 = tpu.memref_slice %arg2[%dma_wait3A_292, %dma_wait3A_293] : memref<20000x64xf32, #tpu.memory_space<hbm>> -> memref<20000x64xf32, #tpu.memory_space<hbm>>
    tpu.wait_indirect_dma semaphore(%arg15 : memref<!tpu.dma_semaphore, #tpu.memory_space<semaphore_mem>>) src(%dma_wait3A_294 : memref<20000x64xf32, #tpu.memory_space<hbm>>) dst(%dma_wait3A_288 : memref<80x64xf32, #tpu.memory_space<vmem>>)
    %run_scoped3A_295 = arith.constant 3 : i32
    %run_scoped3A_296 = arith.constant 123 : i32
    "tpu.region"() ({
      %run_scoped3A_324 = tpu.sem_alloc : memref<!tpu.dma_semaphore, #tpu.memory_space<semaphore_mem>>
      %dma_start3A_325 = arith.constant 0 : i32
      %dma_start3A_326 = arith.constant 0 : i32
      %dma_start3A_327 = tpu.memref_slice %arg10[%run_scoped3A_295, %dma_start3A_325, %dma_start3A_326] : memref<5x80x64xf32, #tpu.memory_space<vmem>> -> memref<1x80x64xf32, #tpu.memory_space<vmem>>
      %dma_start3A_328 = tpu.memref_squeeze %dma_start3A_327 : memref<1x80x64xf32, #tpu.memory_space<vmem>> -> memref<80x64xf32, #tpu.memory_space<vmem>>
      %dma_start3A_329 = arith.constant 0 : i32
      %dma_start3A_330 = tpu.memref_slice %arg9[%run_scoped3A_296, %dma_start3A_329] : memref<125x80xi32, #tpu.memory_space<vmem>> -> memref<1x80xi32, #tpu.memory_space<vmem>>
      %dma_start3A_331 = tpu.memref_squeeze %dma_start3A_330 : memref<1x80xi32, #tpu.memory_space<vmem>> -> memref<80xi32, #tpu.memory_space<vmem>>
      %dma_start3A_332 = arith.constant 0 : i32
      %dma_start3A_333 = arith.constant 0 : i32
      %dma_start3A_334 = tpu.memref_slice %arg11[%dma_start3A_332, %dma_start3A_333] : memref<10000x64xf32, #tpu.memory_space<vmem_shared>> -> memref<10000x64xf32, #tpu.memory_space<vmem_shared>>
      tpu.enqueue_indirect_dma source(%dma_start3A_328 : memref<80x64xf32, #tpu.memory_space<vmem>>) target(%dma_start3A_334 : memref<10000x64xf32, #tpu.memory_space<vmem_shared>>) offsets(%dma_start3A_331 : memref<80xi32, #tpu.memory_space<vmem>>) semaphore(%run_scoped3A_324 : memref<!tpu.dma_semaphore, #tpu.memory_space<semaphore_mem>>) {add = true}
      %dma_wait3A_335 = arith.constant 0 : i32
      %dma_wait3A_336 = arith.constant 0 : i32
      %dma_wait3A_337 = tpu.memref_slice %arg10[%run_scoped3A_295, %dma_wait3A_335, %dma_wait3A_336] : memref<5x80x64xf32, #tpu.memory_space<vmem>> -> memref<1x80x64xf32, #tpu.memory_space<vmem>>
      %dma_wait3A_338 = tpu.memref_squeeze %dma_wait3A_337 : memref<1x80x64xf32, #tpu.memory_space<vmem>> -> memref<80x64xf32, #tpu.memory_space<vmem>>
      %dma_wait3A_339 = arith.constant 0 : i32
      %dma_wait3A_340 = tpu.memref_slice %arg9[%run_scoped3A_296, %dma_wait3A_339] : memref<125x80xi32, #tpu.memory_space<vmem>> -> memref<1x80xi32, #tpu.memory_space<vmem>>
      %dma_wait3A_341 = tpu.memref_squeeze %dma_wait3A_340 : memref<1x80xi32, #tpu.memory_space<vmem>> -> memref<80xi32, #tpu.memory_space<vmem>>
      %dma_wait3A_342 = arith.constant 0 : i32
      %dma_wait3A_343 = arith.constant 0 : i32
      %dma_wait3A_344 = tpu.memref_slice %arg11[%dma_wait3A_342, %dma_wait3A_343] : memref<10000x64xf32, #tpu.memory_space<vmem_shared>> -> memref<10000x64xf32, #tpu.memory_space<vmem_shared>>
      tpu.wait_indirect_dma semaphore(%run_scoped3A_324 : memref<!tpu.dma_semaphore, #tpu.memory_space<semaphore_mem>>) src(%dma_wait3A_338 : memref<80x64xf32, #tpu.memory_space<vmem>>) dst(%dma_wait3A_344 : memref<10000x64xf32, #tpu.memory_space<vmem_shared>>)
      tpu.yield
    }) : () -> ()
    %dma_wait3A_297 = arith.constant 124 : i32
    %dma_wait3A_298 = arith.constant 4 : i32
    %dma_wait3A_299 = arith.constant 0 : i32
    %dma_wait3A_300 = arith.constant 0 : i32
    %dma_wait3A_301 = tpu.memref_slice %arg10[%dma_wait3A_298, %dma_wait3A_299, %dma_wait3A_300] : memref<5x80x64xf32, #tpu.memory_space<vmem>> -> memref<1x80x64xf32, #tpu.memory_space<vmem>>
    %dma_wait3A_302 = tpu.memref_squeeze %dma_wait3A_301 : memref<1x80x64xf32, #tpu.memory_space<vmem>> -> memref<80x64xf32, #tpu.memory_space<vmem>>
    %dma_wait3A_303 = arith.constant 0 : i32
    %dma_wait3A_304 = tpu.memref_slice %arg8[%dma_wait3A_297, %dma_wait3A_303] : memref<125x80xi32, #tpu.memory_space<vmem>> -> memref<1x80xi32, #tpu.memory_space<vmem>>
    %dma_wait3A_305 = tpu.memref_squeeze %dma_wait3A_304 : memref<1x80xi32, #tpu.memory_space<vmem>> -> memref<80xi32, #tpu.memory_space<vmem>>
    %dma_wait3A_306 = arith.constant 0 : i32
    %dma_wait3A_307 = arith.constant 0 : i32
    %dma_wait3A_308 = tpu.memref_slice %arg2[%dma_wait3A_306, %dma_wait3A_307] : memref<20000x64xf32, #tpu.memory_space<hbm>> -> memref<20000x64xf32, #tpu.memory_space<hbm>>
    tpu.wait_indirect_dma semaphore(%arg16 : memref<!tpu.dma_semaphore, #tpu.memory_space<semaphore_mem>>) src(%dma_wait3A_308 : memref<20000x64xf32, #tpu.memory_space<hbm>>) dst(%dma_wait3A_302 : memref<80x64xf32, #tpu.memory_space<vmem>>)
    %run_scoped3A_309 = arith.constant 4 : i32
    %run_scoped3A_310 = arith.constant 124 : i32
    "tpu.region"() ({
      %run_scoped3A_324 = tpu.sem_alloc : memref<!tpu.dma_semaphore, #tpu.memory_space<semaphore_mem>>
      %dma_start3A_325 = arith.constant 0 : i32
      %dma_start3A_326 = arith.constant 0 : i32
      %dma_start3A_327 = tpu.memref_slice %arg10[%run_scoped3A_309, %dma_start3A_325, %dma_start3A_326] : memref<5x80x64xf32, #tpu.memory_space<vmem>> -> memref<1x80x64xf32, #tpu.memory_space<vmem>>
      %dma_start3A_328 = tpu.memref_squeeze %dma_start3A_327 : memref<1x80x64xf32, #tpu.memory_space<vmem>> -> memref<80x64xf32, #tpu.memory_space<vmem>>
      %dma_start3A_329 = arith.constant 0 : i32
      %dma_start3A_330 = tpu.memref_slice %arg9[%run_scoped3A_310, %dma_start3A_329] : memref<125x80xi32, #tpu.memory_space<vmem>> -> memref<1x80xi32, #tpu.memory_space<vmem>>
      %dma_start3A_331 = tpu.memref_squeeze %dma_start3A_330 : memref<1x80xi32, #tpu.memory_space<vmem>> -> memref<80xi32, #tpu.memory_space<vmem>>
      %dma_start3A_332 = arith.constant 0 : i32
      %dma_start3A_333 = arith.constant 0 : i32
      %dma_start3A_334 = tpu.memref_slice %arg11[%dma_start3A_332, %dma_start3A_333] : memref<10000x64xf32, #tpu.memory_space<vmem_shared>> -> memref<10000x64xf32, #tpu.memory_space<vmem_shared>>
      tpu.enqueue_indirect_dma source(%dma_start3A_328 : memref<80x64xf32, #tpu.memory_space<vmem>>) target(%dma_start3A_334 : memref<10000x64xf32, #tpu.memory_space<vmem_shared>>) offsets(%dma_start3A_331 : memref<80xi32, #tpu.memory_space<vmem>>) semaphore(%run_scoped3A_324 : memref<!tpu.dma_semaphore, #tpu.memory_space<semaphore_mem>>) {add = true}
      %dma_wait3A_335 = arith.constant 0 : i32
      %dma_wait3A_336 = arith.constant 0 : i32
      %dma_wait3A_337 = tpu.memref_slice %arg10[%run_scoped3A_309, %dma_wait3A_335, %dma_wait3A_336] : memref<5x80x64xf32, #tpu.memory_space<vmem>> -> memref<1x80x64xf32, #tpu.memory_space<vmem>>
      %dma_wait3A_338 = tpu.memref_squeeze %dma_wait3A_337 : memref<1x80x64xf32, #tpu.memory_space<vmem>> -> memref<80x64xf32, #tpu.memory_space<vmem>>
      %dma_wait3A_339 = arith.constant 0 : i32
      %dma_wait3A_340 = tpu.memref_slice %arg9[%run_scoped3A_310, %dma_wait3A_339] : memref<125x80xi32, #tpu.memory_space<vmem>> -> memref<1x80xi32, #tpu.memory_space<vmem>>
      %dma_wait3A_341 = tpu.memref_squeeze %dma_wait3A_340 : memref<1x80xi32, #tpu.memory_space<vmem>> -> memref<80xi32, #tpu.memory_space<vmem>>
      %dma_wait3A_342 = arith.constant 0 : i32
      %dma_wait3A_343 = arith.constant 0 : i32
      %dma_wait3A_344 = tpu.memref_slice %arg11[%dma_wait3A_342, %dma_wait3A_343] : memref<10000x64xf32, #tpu.memory_space<vmem_shared>> -> memref<10000x64xf32, #tpu.memory_space<vmem_shared>>
      tpu.wait_indirect_dma semaphore(%run_scoped3A_324 : memref<!tpu.dma_semaphore, #tpu.memory_space<semaphore_mem>>) src(%dma_wait3A_338 : memref<80x64xf32, #tpu.memory_space<vmem>>) dst(%dma_wait3A_344 : memref<10000x64xf32, #tpu.memory_space<vmem_shared>>)
      tpu.yield
    }) : () -> ()
    %barrier3A_311 = arith.constant 0 : index
    tpu.barrier barrier_id(%barrier3A_311)
    %mul3A_312 = arith.constant 10000 : i32
    %mul3A_313 = arith.muli %arg0, %mul3A_312 : i32
    %lt3A_314 = arith.constant 15 : i32
    %lt3A_315 = arith.cmpi slt, %arg1, %lt3A_314 : i32
    %convert_element_type3A_316 = arith.extui %lt3A_315 : i1 to i32
    %cond3A_317 = arith.constant 0 : i32
    %cond3A_318 = arith.cmpi ne, %convert_element_type3A_316, %cond3A_317 : i32
    scf.if %cond3A_318 {
      %mul3A_324 = arith.constant 624 : i32
      %mul3A_325 = arith.muli %arg1, %mul3A_324 : i32
      %mul3A_326 = arith.constant 624 : i32
      %mul3A_327 = arith.muli %arg1, %mul3A_326 : i32
      %add3A_328 = arith.addi %mul3A_313, %mul3A_327 : i32
      "tpu.region"() ({
        %run_scoped3A_329 = tpu.sem_alloc : memref<!tpu.dma_semaphore, #tpu.memory_space<semaphore_mem>>
        %dma_start3A_330 = arith.constant 64 : i32
        %dma_start3A_331 = tpu.memref_slice %arg6[%add3A_328, %dma_start3A_330] : memref<20000x128xf32, #tpu.memory_space<hbm>> -> memref<624x64xf32, #tpu.memory_space<hbm>>
        %dma_start3A_332 = arith.constant 0 : i32
        %dma_start3A_333 = tpu.memref_slice %arg11[%mul3A_325, %dma_start3A_332] : memref<10000x64xf32, #tpu.memory_space<vmem_shared>> -> memref<624x64xf32, #tpu.memory_space<vmem_shared>>
        tpu.enqueue_dma source(%dma_start3A_333 : memref<624x64xf32, #tpu.memory_space<vmem_shared>>) target(%dma_start3A_331 : memref<624x64xf32, #tpu.memory_space<hbm>>) target_semaphore(%run_scoped3A_329 : memref<!tpu.dma_semaphore, #tpu.memory_space<semaphore_mem>>)
        %dma_wait3A_334 = arith.constant 64 : i32
        %dma_wait3A_335 = tpu.memref_slice %arg6[%add3A_328, %dma_wait3A_334] : memref<20000x128xf32, #tpu.memory_space<hbm>> -> memref<624x64xf32, #tpu.memory_space<hbm>>
        %dma_wait3A_336 = arith.constant 0 : i32
        %dma_wait3A_337 = tpu.memref_slice %arg11[%mul3A_325, %dma_wait3A_336] : memref<10000x64xf32, #tpu.memory_space<vmem_shared>> -> memref<624x64xf32, #tpu.memory_space<vmem_shared>>
        tpu.wait_dma2 semaphore(%run_scoped3A_329 : memref<!tpu.dma_semaphore, #tpu.memory_space<semaphore_mem>>) src(%dma_wait3A_337 : memref<624x64xf32, #tpu.memory_space<vmem_shared>>) dst(%dma_wait3A_335 : memref<624x64xf32, #tpu.memory_space<hbm>>)
        tpu.yield
      }) : () -> ()
    } else {
    }
    %eq3A_319 = arith.constant 15 : i32
    %eq3A_320 = arith.cmpi eq, %arg1, %eq3A_319 : i32
    %convert_element_type3A_321 = arith.extui %eq3A_320 : i1 to i32
    %cond3A_322 = arith.constant 0 : i32
    %cond3A_323 = arith.cmpi ne, %convert_element_type3A_321, %cond3A_322 : i32
    scf.if %cond3A_323 {
      %add3A_324 = arith.constant 9360 : i32
      %add3A_325 = arith.addi %mul3A_313, %add3A_324 : i32
      "tpu.region"() ({
        %run_scoped3A_326 = tpu.sem_alloc : memref<!tpu.dma_semaphore, #tpu.memory_space<semaphore_mem>>
        %dma_start3A_327 = arith.constant 64 : i32
        %dma_start3A_328 = tpu.memref_slice %arg6[%add3A_325, %dma_start3A_327] : memref<20000x128xf32, #tpu.memory_space<hbm>> -> memref<640x64xf32, #tpu.memory_space<hbm>>
        %dma_start3A_329 = arith.constant 9360 : i32
        %dma_start3A_330 = arith.constant 0 : i32
        %dma_start3A_331 = tpu.memref_slice %arg11[%dma_start3A_329, %dma_start3A_330] : memref<10000x64xf32, #tpu.memory_space<vmem_shared>> -> memref<640x64xf32, #tpu.memory_space<vmem_shared>>
        tpu.enqueue_dma source(%dma_start3A_331 : memref<640x64xf32, #tpu.memory_space<vmem_shared>>) target(%dma_start3A_328 : memref<640x64xf32, #tpu.memory_space<hbm>>) target_semaphore(%run_scoped3A_326 : memref<!tpu.dma_semaphore, #tpu.memory_space<semaphore_mem>>)
        %dma_wait3A_332 = arith.constant 64 : i32
        %dma_wait3A_333 = tpu.memref_slice %arg6[%add3A_325, %dma_wait3A_332] : memref<20000x128xf32, #tpu.memory_space<hbm>> -> memref<640x64xf32, #tpu.memory_space<hbm>>
        %dma_wait3A_334 = arith.constant 9360 : i32
        %dma_wait3A_335 = arith.constant 0 : i32
        %dma_wait3A_336 = tpu.memref_slice %arg11[%dma_wait3A_334, %dma_wait3A_335] : memref<10000x64xf32, #tpu.memory_space<vmem_shared>> -> memref<640x64xf32, #tpu.memory_space<vmem_shared>>
        tpu.wait_dma2 semaphore(%run_scoped3A_326 : memref<!tpu.dma_semaphore, #tpu.memory_space<semaphore_mem>>) src(%dma_wait3A_336 : memref<640x64xf32, #tpu.memory_space<vmem_shared>>) dst(%dma_wait3A_333 : memref<640x64xf32, #tpu.memory_space<hbm>>)
        tpu.yield
      }) : () -> ()
    } else {
    }
    return
  }
}

#map = affine_map<(d0, d1) -> (0, 0, 0)>
#map1 = affine_map<(d0, d1) -> (0)>
module attributes {stable_mosaic.version = 14 : i64} {
  func.func @deg_kernel(%arg0: i32, %arg1: i32, %arg2: memref<32x125x80xi32, #tpu.memory_space<hbm>>, %arg3: memref<32x125x80xi32, #tpu.memory_space<hbm>>, %arg4: memref<80xf32, #tpu.memory_space<hbm>>, %arg5: memref<20480xf32, #tpu.memory_space<hbm>>, %arg6: memref<40960xf32, #tpu.memory_space<hbm>>, %arg7: memref<125x80xi32, #tpu.memory_space<vmem>>, %arg8: memref<125x80xi32, #tpu.memory_space<vmem>>, %arg9: memref<80xf32, #tpu.memory_space<vmem>>, %arg10: memref<20480xf32, #tpu.memory_space<vmem_shared>>) attributes {dimension_semantics = [#tpu.dimension_semantics<core_parallel>, #tpu.dimension_semantics<subcore_parallel>], iteration_bounds = array<i64: 2, 16>, scalar_prefetch = 0 : i64, scratch_operands = 4 : i64, tpu.core_type = #tpu.core_type<sc_vector_subcore>, window_params = [{transform_indices = #map}, {transform_indices = #map}, {transform_indices = #map1}, {transform_indices = #map1}, {transform_indices = #map1}]} {
    %mul3A = arith.constant 2 : i32
    %mul3A_0 = arith.muli %arg1, %mul3A : i32
    %add3A = arith.addi %mul3A_0, %arg0 : i32
    %mul3A_1 = arith.constant 1280 : i32
    %mul3A_2 = arith.muli %arg1, %mul3A_1 : i32
    %mul3A_3 = arith.constant 1280 : i32
    %mul3A_4 = arith.muli %arg1, %mul3A_3 : i32
    "tpu.region"() ({
      %run_scoped3A = tpu.sem_alloc : memref<!tpu.dma_semaphore, #tpu.memory_space<semaphore_mem>>
      %dma_start3A = tpu.memref_slice %arg10[%mul3A_4] : memref<20480xf32, #tpu.memory_space<vmem_shared>> -> memref<1280xf32, #tpu.memory_space<vmem_shared>>
      %dma_start3A_32 = tpu.memref_slice %arg5[%mul3A_2] : memref<20480xf32, #tpu.memory_space<hbm>> -> memref<1280xf32, #tpu.memory_space<hbm>>
      tpu.enqueue_dma source(%dma_start3A_32 : memref<1280xf32, #tpu.memory_space<hbm>>) target(%dma_start3A : memref<1280xf32, #tpu.memory_space<vmem_shared>>) target_semaphore(%run_scoped3A : memref<!tpu.dma_semaphore, #tpu.memory_space<semaphore_mem>>)
      %dma_wait3A = tpu.memref_slice %arg10[%mul3A_4] : memref<20480xf32, #tpu.memory_space<vmem_shared>> -> memref<1280xf32, #tpu.memory_space<vmem_shared>>
      %dma_wait3A_33 = tpu.memref_slice %arg5[%mul3A_2] : memref<20480xf32, #tpu.memory_space<hbm>> -> memref<1280xf32, #tpu.memory_space<hbm>>
      tpu.wait_dma2 semaphore(%run_scoped3A : memref<!tpu.dma_semaphore, #tpu.memory_space<semaphore_mem>>) src(%dma_wait3A_33 : memref<1280xf32, #tpu.memory_space<hbm>>) dst(%dma_wait3A : memref<1280xf32, #tpu.memory_space<vmem_shared>>)
      tpu.yield
    }) : () -> ()
    "tpu.region"() ({
      %run_scoped3A = tpu.sem_alloc : memref<!tpu.dma_semaphore, #tpu.memory_space<semaphore_mem>>
      %dma_start3A = arith.constant 0 : i32
      %dma_start3A_32 = arith.constant 0 : i32
      %dma_start3A_33 = tpu.memref_slice %arg2[%add3A, %dma_start3A, %dma_start3A_32] : memref<32x125x80xi32, #tpu.memory_space<hbm>> -> memref<1x125x80xi32, #tpu.memory_space<hbm>>
      %dma_start3A_34 = tpu.memref_squeeze %dma_start3A_33 : memref<1x125x80xi32, #tpu.memory_space<hbm>> -> memref<125x80xi32, #tpu.memory_space<hbm>>
      %dma_start3A_35 = arith.constant 0 : i32
      %dma_start3A_36 = arith.constant 0 : i32
      %dma_start3A_37 = tpu.memref_slice %arg2[%add3A, %dma_start3A_35, %dma_start3A_36] : memref<32x125x80xi32, #tpu.memory_space<hbm>> -> memref<1x125x80xi32, #tpu.memory_space<hbm>>
      %dma_start3A_38 = tpu.memref_squeeze %dma_start3A_37 : memref<1x125x80xi32, #tpu.memory_space<hbm>> -> memref<125x80xi32, #tpu.memory_space<hbm>>
      tpu.enqueue_dma source(%dma_start3A_38 : memref<125x80xi32, #tpu.memory_space<hbm>>) target(%arg7 : memref<125x80xi32, #tpu.memory_space<vmem>>) target_semaphore(%run_scoped3A : memref<!tpu.dma_semaphore, #tpu.memory_space<semaphore_mem>>)
      %dma_wait3A = arith.constant 0 : i32
      %dma_wait3A_39 = arith.constant 0 : i32
      %dma_wait3A_40 = tpu.memref_slice %arg2[%add3A, %dma_wait3A, %dma_wait3A_39] : memref<32x125x80xi32, #tpu.memory_space<hbm>> -> memref<1x125x80xi32, #tpu.memory_space<hbm>>
      %dma_wait3A_41 = tpu.memref_squeeze %dma_wait3A_40 : memref<1x125x80xi32, #tpu.memory_space<hbm>> -> memref<125x80xi32, #tpu.memory_space<hbm>>
      %dma_wait3A_42 = arith.constant 0 : i32
      %dma_wait3A_43 = arith.constant 0 : i32
      %dma_wait3A_44 = tpu.memref_slice %arg2[%add3A, %dma_wait3A_42, %dma_wait3A_43] : memref<32x125x80xi32, #tpu.memory_space<hbm>> -> memref<1x125x80xi32, #tpu.memory_space<hbm>>
      %dma_wait3A_45 = tpu.memref_squeeze %dma_wait3A_44 : memref<1x125x80xi32, #tpu.memory_space<hbm>> -> memref<125x80xi32, #tpu.memory_space<hbm>>
      tpu.wait_dma2 semaphore(%run_scoped3A : memref<!tpu.dma_semaphore, #tpu.memory_space<semaphore_mem>>) src(%dma_wait3A_45 : memref<125x80xi32, #tpu.memory_space<hbm>>) dst(%arg7 : memref<125x80xi32, #tpu.memory_space<vmem>>)
      tpu.yield
    }) : () -> ()
    "tpu.region"() ({
      %run_scoped3A = tpu.sem_alloc : memref<!tpu.dma_semaphore, #tpu.memory_space<semaphore_mem>>
      %dma_start3A = arith.constant 0 : i32
      %dma_start3A_32 = arith.constant 0 : i32
      %dma_start3A_33 = tpu.memref_slice %arg3[%add3A, %dma_start3A, %dma_start3A_32] : memref<32x125x80xi32, #tpu.memory_space<hbm>> -> memref<1x125x80xi32, #tpu.memory_space<hbm>>
      %dma_start3A_34 = tpu.memref_squeeze %dma_start3A_33 : memref<1x125x80xi32, #tpu.memory_space<hbm>> -> memref<125x80xi32, #tpu.memory_space<hbm>>
      %dma_start3A_35 = arith.constant 0 : i32
      %dma_start3A_36 = arith.constant 0 : i32
      %dma_start3A_37 = tpu.memref_slice %arg3[%add3A, %dma_start3A_35, %dma_start3A_36] : memref<32x125x80xi32, #tpu.memory_space<hbm>> -> memref<1x125x80xi32, #tpu.memory_space<hbm>>
      %dma_start3A_38 = tpu.memref_squeeze %dma_start3A_37 : memref<1x125x80xi32, #tpu.memory_space<hbm>> -> memref<125x80xi32, #tpu.memory_space<hbm>>
      tpu.enqueue_dma source(%dma_start3A_38 : memref<125x80xi32, #tpu.memory_space<hbm>>) target(%arg8 : memref<125x80xi32, #tpu.memory_space<vmem>>) target_semaphore(%run_scoped3A : memref<!tpu.dma_semaphore, #tpu.memory_space<semaphore_mem>>)
      %dma_wait3A = arith.constant 0 : i32
      %dma_wait3A_39 = arith.constant 0 : i32
      %dma_wait3A_40 = tpu.memref_slice %arg3[%add3A, %dma_wait3A, %dma_wait3A_39] : memref<32x125x80xi32, #tpu.memory_space<hbm>> -> memref<1x125x80xi32, #tpu.memory_space<hbm>>
      %dma_wait3A_41 = tpu.memref_squeeze %dma_wait3A_40 : memref<1x125x80xi32, #tpu.memory_space<hbm>> -> memref<125x80xi32, #tpu.memory_space<hbm>>
      %dma_wait3A_42 = arith.constant 0 : i32
      %dma_wait3A_43 = arith.constant 0 : i32
      %dma_wait3A_44 = tpu.memref_slice %arg3[%add3A, %dma_wait3A_42, %dma_wait3A_43] : memref<32x125x80xi32, #tpu.memory_space<hbm>> -> memref<1x125x80xi32, #tpu.memory_space<hbm>>
      %dma_wait3A_45 = tpu.memref_squeeze %dma_wait3A_44 : memref<1x125x80xi32, #tpu.memory_space<hbm>> -> memref<125x80xi32, #tpu.memory_space<hbm>>
      tpu.wait_dma2 semaphore(%run_scoped3A : memref<!tpu.dma_semaphore, #tpu.memory_space<semaphore_mem>>) src(%dma_wait3A_45 : memref<125x80xi32, #tpu.memory_space<hbm>>) dst(%arg8 : memref<125x80xi32, #tpu.memory_space<vmem>>)
      tpu.yield
    }) : () -> ()
    "tpu.region"() ({
      %run_scoped3A = tpu.sem_alloc : memref<!tpu.dma_semaphore, #tpu.memory_space<semaphore_mem>>
      tpu.enqueue_dma source(%arg4 : memref<80xf32, #tpu.memory_space<hbm>>) target(%arg9 : memref<80xf32, #tpu.memory_space<vmem>>) target_semaphore(%run_scoped3A : memref<!tpu.dma_semaphore, #tpu.memory_space<semaphore_mem>>)
      tpu.wait_dma2 semaphore(%run_scoped3A : memref<!tpu.dma_semaphore, #tpu.memory_space<semaphore_mem>>) src(%arg4 : memref<80xf32, #tpu.memory_space<hbm>>) dst(%arg9 : memref<80xf32, #tpu.memory_space<vmem>>)
      tpu.yield
    }) : () -> ()
    %scan3A = arith.constant 0 : i32
    %scan3A_5 = arith.constant 0 : i32
    %scan3A_6 = arith.constant 125 : i32
    %scan3A_7 = arith.addi %scan3A_5, %scan3A_6 : i32
    %scan3A_8 = arith.constant 1 : i32
    scf.for %scan3A_32 = %scan3A_5 to %scan3A_7 step %scan3A_8  : i32 {
      %get3A = arith.index_cast %scan3A_32 : i32 to index
      %get3A_33 = arith.constant 0 : index
      %get3A_34 = tpu.vector_load %arg8[%get3A, %get3A_33] {strides = array<i32>} : memref<125x80xi32, #tpu.memory_space<vmem>>, vector<1x16xi32>,
      %get3A_35 = vector.shape_cast %get3A_34 : vector<1x16xi32> to vector<16xi32>
      %add3A_36 = arith.constant 10240 : i32
      %add3A_37 = vector.broadcast %add3A_36 : i32 to vector<16xi32>
      %add3A_38 = arith.addi %get3A_35, %add3A_37 : vector<16xi32>
      %swap3A = arith.index_cast %scan3A_32 : i32 to index
      %swap3A_39 = arith.constant 0 : index
      %swap3A_40 = tpu.vector_load %arg8[%swap3A, %swap3A_39] {strides = array<i32>} : memref<125x80xi32, #tpu.memory_space<vmem>>, vector<1x16xi32>,
      %swap3A_41 = vector.shape_cast %swap3A_40 : vector<1x16xi32> to vector<16xi32>
      %swap3A_42 = vector.shape_cast %add3A_38 : vector<16xi32> to vector<1x16xi32>
      tpu.vector_store %arg8[%swap3A, %swap3A_39], %swap3A_42 {strides = array<i32>} : memref<125x80xi32, #tpu.memory_space<vmem>>, vector<1x16xi32>,
      %get3A_43 = arith.index_cast %scan3A_32 : i32 to index
      %get3A_44 = arith.constant 16 : index
      %get3A_45 = tpu.vector_load %arg8[%get3A_43, %get3A_44] {strides = array<i32>} : memref<125x80xi32, #tpu.memory_space<vmem>>, vector<1x16xi32>,
      %get3A_46 = vector.shape_cast %get3A_45 : vector<1x16xi32> to vector<16xi32>
      %add3A_47 = arith.constant 10240 : i32
      %add3A_48 = vector.broadcast %add3A_47 : i32 to vector<16xi32>
      %add3A_49 = arith.addi %get3A_46, %add3A_48 : vector<16xi32>
      %swap3A_50 = arith.index_cast %scan3A_32 : i32 to index
      %swap3A_51 = arith.constant 16 : index
      %swap3A_52 = tpu.vector_load %arg8[%swap3A_50, %swap3A_51] {strides = array<i32>} : memref<125x80xi32, #tpu.memory_space<vmem>>, vector<1x16xi32>,
      %swap3A_53 = vector.shape_cast %swap3A_52 : vector<1x16xi32> to vector<16xi32>
      %swap3A_54 = vector.shape_cast %add3A_49 : vector<16xi32> to vector<1x16xi32>
      tpu.vector_store %arg8[%swap3A_50, %swap3A_51], %swap3A_54 {strides = array<i32>} : memref<125x80xi32, #tpu.memory_space<vmem>>, vector<1x16xi32>,
      %get3A_55 = arith.index_cast %scan3A_32 : i32 to index
      %get3A_56 = arith.constant 32 : index
      %get3A_57 = tpu.vector_load %arg8[%get3A_55, %get3A_56] {strides = array<i32>} : memref<125x80xi32, #tpu.memory_space<vmem>>, vector<1x16xi32>,
      %get3A_58 = vector.shape_cast %get3A_57 : vector<1x16xi32> to vector<16xi32>
      %add3A_59 = arith.constant 10240 : i32
      %add3A_60 = vector.broadcast %add3A_59 : i32 to vector<16xi32>
      %add3A_61 = arith.addi %get3A_58, %add3A_60 : vector<16xi32>
      %swap3A_62 = arith.index_cast %scan3A_32 : i32 to index
      %swap3A_63 = arith.constant 32 : index
      %swap3A_64 = tpu.vector_load %arg8[%swap3A_62, %swap3A_63] {strides = array<i32>} : memref<125x80xi32, #tpu.memory_space<vmem>>, vector<1x16xi32>,
      %swap3A_65 = vector.shape_cast %swap3A_64 : vector<1x16xi32> to vector<16xi32>
      %swap3A_66 = vector.shape_cast %add3A_61 : vector<16xi32> to vector<1x16xi32>
      tpu.vector_store %arg8[%swap3A_62, %swap3A_63], %swap3A_66 {strides = array<i32>} : memref<125x80xi32, #tpu.memory_space<vmem>>, vector<1x16xi32>,
      %get3A_67 = arith.index_cast %scan3A_32 : i32 to index
      %get3A_68 = arith.constant 48 : index
      %get3A_69 = tpu.vector_load %arg8[%get3A_67, %get3A_68] {strides = array<i32>} : memref<125x80xi32, #tpu.memory_space<vmem>>, vector<1x16xi32>,
      %get3A_70 = vector.shape_cast %get3A_69 : vector<1x16xi32> to vector<16xi32>
      %add3A_71 = arith.constant 10240 : i32
      %add3A_72 = vector.broadcast %add3A_71 : i32 to vector<16xi32>
      %add3A_73 = arith.addi %get3A_70, %add3A_72 : vector<16xi32>
      %swap3A_74 = arith.index_cast %scan3A_32 : i32 to index
      %swap3A_75 = arith.constant 48 : index
      %swap3A_76 = tpu.vector_load %arg8[%swap3A_74, %swap3A_75] {strides = array<i32>} : memref<125x80xi32, #tpu.memory_space<vmem>>, vector<1x16xi32>,
      %swap3A_77 = vector.shape_cast %swap3A_76 : vector<1x16xi32> to vector<16xi32>
      %swap3A_78 = vector.shape_cast %add3A_73 : vector<16xi32> to vector<1x16xi32>
      tpu.vector_store %arg8[%swap3A_74, %swap3A_75], %swap3A_78 {strides = array<i32>} : memref<125x80xi32, #tpu.memory_space<vmem>>, vector<1x16xi32>,
      %get3A_79 = arith.index_cast %scan3A_32 : i32 to index
      %get3A_80 = arith.constant 64 : index
      %get3A_81 = tpu.vector_load %arg8[%get3A_79, %get3A_80] {strides = array<i32>} : memref<125x80xi32, #tpu.memory_space<vmem>>, vector<1x16xi32>,
      %get3A_82 = vector.shape_cast %get3A_81 : vector<1x16xi32> to vector<16xi32>
      %add3A_83 = arith.constant 10240 : i32
      %add3A_84 = vector.broadcast %add3A_83 : i32 to vector<16xi32>
      %add3A_85 = arith.addi %get3A_82, %add3A_84 : vector<16xi32>
      %swap3A_86 = arith.index_cast %scan3A_32 : i32 to index
      %swap3A_87 = arith.constant 64 : index
      %swap3A_88 = tpu.vector_load %arg8[%swap3A_86, %swap3A_87] {strides = array<i32>} : memref<125x80xi32, #tpu.memory_space<vmem>>, vector<1x16xi32>,
      %swap3A_89 = vector.shape_cast %swap3A_88 : vector<1x16xi32> to vector<16xi32>
      %swap3A_90 = vector.shape_cast %add3A_85 : vector<16xi32> to vector<1x16xi32>
      tpu.vector_store %arg8[%swap3A_86, %swap3A_87], %swap3A_90 {strides = array<i32>} : memref<125x80xi32, #tpu.memory_space<vmem>>, vector<1x16xi32>,
    }
    %scan3A_9 = arith.constant 125 : i32
    %barrier3A = arith.constant 0 : index
    tpu.barrier barrier_id(%barrier3A)
    %scan3A_10 = arith.constant 0 : i32
    %scan3A_11 = arith.constant 0 : i32
    %scan3A_12 = arith.constant 125 : i32
    %scan3A_13 = arith.addi %scan3A_11, %scan3A_12 : i32
    %scan3A_14 = arith.constant 1 : i32
    scf.for %scan3A_32 = %scan3A_11 to %scan3A_13 step %scan3A_14  : i32 {
      "tpu.region"() ({
        %run_scoped3A = tpu.sem_alloc : memref<!tpu.dma_semaphore, #tpu.memory_space<semaphore_mem>>
        %dma_start3A = arith.constant 0 : i32
        %dma_start3A_33 = tpu.memref_slice %arg7[%scan3A_32, %dma_start3A] : memref<125x80xi32, #tpu.memory_space<vmem>> -> memref<1x80xi32, #tpu.memory_space<vmem>>
        %dma_start3A_34 = tpu.memref_squeeze %dma_start3A_33 : memref<1x80xi32, #tpu.memory_space<vmem>> -> memref<80xi32, #tpu.memory_space<vmem>>
        %dma_start3A_35 = arith.constant 0 : i32
        %dma_start3A_36 = tpu.memref_slice %arg10[%dma_start3A_35] : memref<20480xf32, #tpu.memory_space<vmem_shared>> -> memref<20480xf32, #tpu.memory_space<vmem_shared>>
        tpu.enqueue_indirect_dma source(%arg9 : memref<80xf32, #tpu.memory_space<vmem>>) target(%dma_start3A_36 : memref<20480xf32, #tpu.memory_space<vmem_shared>>) offsets(%dma_start3A_34 : memref<80xi32, #tpu.memory_space<vmem>>) semaphore(%run_scoped3A : memref<!tpu.dma_semaphore, #tpu.memory_space<semaphore_mem>>) {add = true}
        %dma_wait3A = arith.constant 0 : i32
        %dma_wait3A_37 = tpu.memref_slice %arg7[%scan3A_32, %dma_wait3A] : memref<125x80xi32, #tpu.memory_space<vmem>> -> memref<1x80xi32, #tpu.memory_space<vmem>>
        %dma_wait3A_38 = tpu.memref_squeeze %dma_wait3A_37 : memref<1x80xi32, #tpu.memory_space<vmem>> -> memref<80xi32, #tpu.memory_space<vmem>>
        %dma_wait3A_39 = arith.constant 0 : i32
        %dma_wait3A_40 = tpu.memref_slice %arg10[%dma_wait3A_39] : memref<20480xf32, #tpu.memory_space<vmem_shared>> -> memref<20480xf32, #tpu.memory_space<vmem_shared>>
        tpu.wait_indirect_dma semaphore(%run_scoped3A : memref<!tpu.dma_semaphore, #tpu.memory_space<semaphore_mem>>) src(%arg9 : memref<80xf32, #tpu.memory_space<vmem>>) dst(%dma_wait3A_40 : memref<20480xf32, #tpu.memory_space<vmem_shared>>)
        tpu.yield
      }) : () -> ()
    }
    %scan3A_15 = arith.constant 125 : i32
    %scan3A_16 = arith.constant 0 : i32
    %scan3A_17 = arith.constant 0 : i32
    %scan3A_18 = arith.constant 125 : i32
    %scan3A_19 = arith.addi %scan3A_17, %scan3A_18 : i32
    %scan3A_20 = arith.constant 1 : i32
    scf.for %scan3A_32 = %scan3A_17 to %scan3A_19 step %scan3A_20  : i32 {
      "tpu.region"() ({
        %run_scoped3A = tpu.sem_alloc : memref<!tpu.dma_semaphore, #tpu.memory_space<semaphore_mem>>
        %dma_start3A = arith.constant 0 : i32
        %dma_start3A_33 = tpu.memref_slice %arg8[%scan3A_32, %dma_start3A] : memref<125x80xi32, #tpu.memory_space<vmem>> -> memref<1x80xi32, #tpu.memory_space<vmem>>
        %dma_start3A_34 = tpu.memref_squeeze %dma_start3A_33 : memref<1x80xi32, #tpu.memory_space<vmem>> -> memref<80xi32, #tpu.memory_space<vmem>>
        %dma_start3A_35 = arith.constant 0 : i32
        %dma_start3A_36 = tpu.memref_slice %arg10[%dma_start3A_35] : memref<20480xf32, #tpu.memory_space<vmem_shared>> -> memref<20480xf32, #tpu.memory_space<vmem_shared>>
        tpu.enqueue_indirect_dma source(%arg9 : memref<80xf32, #tpu.memory_space<vmem>>) target(%dma_start3A_36 : memref<20480xf32, #tpu.memory_space<vmem_shared>>) offsets(%dma_start3A_34 : memref<80xi32, #tpu.memory_space<vmem>>) semaphore(%run_scoped3A : memref<!tpu.dma_semaphore, #tpu.memory_space<semaphore_mem>>) {add = true}
        %dma_wait3A = arith.constant 0 : i32
        %dma_wait3A_37 = tpu.memref_slice %arg8[%scan3A_32, %dma_wait3A] : memref<125x80xi32, #tpu.memory_space<vmem>> -> memref<1x80xi32, #tpu.memory_space<vmem>>
        %dma_wait3A_38 = tpu.memref_squeeze %dma_wait3A_37 : memref<1x80xi32, #tpu.memory_space<vmem>> -> memref<80xi32, #tpu.memory_space<vmem>>
        %dma_wait3A_39 = arith.constant 0 : i32
        %dma_wait3A_40 = tpu.memref_slice %arg10[%dma_wait3A_39] : memref<20480xf32, #tpu.memory_space<vmem_shared>> -> memref<20480xf32, #tpu.memory_space<vmem_shared>>
        tpu.wait_indirect_dma semaphore(%run_scoped3A : memref<!tpu.dma_semaphore, #tpu.memory_space<semaphore_mem>>) src(%arg9 : memref<80xf32, #tpu.memory_space<vmem>>) dst(%dma_wait3A_40 : memref<20480xf32, #tpu.memory_space<vmem_shared>>)
        tpu.yield
      }) : () -> ()
    }
    %scan3A_21 = arith.constant 125 : i32
    %barrier3A_22 = arith.constant 0 : index
    tpu.barrier barrier_id(%barrier3A_22)
    %mul3A_23 = arith.constant 1280 : i32
    %mul3A_24 = arith.muli %arg1, %mul3A_23 : i32
    %mul3A_25 = arith.constant 2 : i32
    %mul3A_26 = arith.muli %arg0, %mul3A_25 : i32
    %mul3A_27 = arith.constant 10240 : i32
    %mul3A_28 = arith.muli %mul3A_26, %mul3A_27 : i32
    %mul3A_29 = arith.constant 1280 : i32
    %mul3A_30 = arith.muli %arg1, %mul3A_29 : i32
    %add3A_31 = arith.addi %mul3A_28, %mul3A_30 : i32
    "tpu.region"() ({
      %run_scoped3A = tpu.sem_alloc : memref<!tpu.dma_semaphore, #tpu.memory_space<semaphore_mem>>
      %dma_start3A = tpu.memref_slice %arg6[%add3A_31] : memref<40960xf32, #tpu.memory_space<hbm>> -> memref<1280xf32, #tpu.memory_space<hbm>>
      %dma_start3A_32 = tpu.memref_slice %arg10[%mul3A_24] : memref<20480xf32, #tpu.memory_space<vmem_shared>> -> memref<1280xf32, #tpu.memory_space<vmem_shared>>
      tpu.enqueue_dma source(%dma_start3A_32 : memref<1280xf32, #tpu.memory_space<vmem_shared>>) target(%dma_start3A : memref<1280xf32, #tpu.memory_space<hbm>>) target_semaphore(%run_scoped3A : memref<!tpu.dma_semaphore, #tpu.memory_space<semaphore_mem>>)
      %dma_wait3A = tpu.memref_slice %arg6[%add3A_31] : memref<40960xf32, #tpu.memory_space<hbm>> -> memref<1280xf32, #tpu.memory_space<hbm>>
      %dma_wait3A_33 = tpu.memref_slice %arg10[%mul3A_24] : memref<20480xf32, #tpu.memory_space<vmem_shared>> -> memref<1280xf32, #tpu.memory_space<vmem_shared>>
      tpu.wait_dma2 semaphore(%run_scoped3A : memref<!tpu.dma_semaphore, #tpu.memory_space<semaphore_mem>>) src(%dma_wait3A_33 : memref<1280xf32, #tpu.memory_space<vmem_shared>>) dst(%dma_wait3A : memref<1280xf32, #tpu.memory_space<hbm>>)
      tpu.yield
    }) : () -> ()
    return
  }
}

module attributes {stable_mosaic.version = 14 : i64} {
  func.func @_in_body(%arg0: i32, %arg1: memref<1000x128xf32, #tpu.memory_space<vmem>>, %arg2: memref<128x128xf32, #tpu.memory_space<vmem>>, %arg3: memref<2x2x1000x1xf32, #tpu.memory_space<vmem>>, %arg4: memref<1000x128xf32, #tpu.memory_space<vmem>>, %arg5: memref<1000x128xf32, #tpu.memory_space<vmem>>) attributes {dimension_semantics = [#tpu.dimension_semantics<arbitrary>], iteration_bounds = array<i64: 10>, scalar_prefetch = 0 : i64, scratch_operands = 0 : i64, tpu.core_type = #tpu.core_type<tc>, window_params = [{transform_indices = @transform_0, window_bounds = array<i64: 1000, 128>}, {pipeline_mode = #tpu.pipeline_mode<synchronous>, transform_indices = @transform_1, window_bounds = array<i64: 128, 128>}, {transform_indices = @transform_2, window_bounds = array<i64: 2, 2, 1000, 1>}, {transform_indices = @transform_3, window_bounds = array<i64: 1000, 128>}, {transform_indices = @transform_4, window_bounds = array<i64: 1000, 128>}]} {
    %get3A = arith.constant 0 : index
    %get3A_0 = arith.constant 0 : index
    %get3A_1 = arith.constant 0 : index
    %get3A_2 = arith.constant 0 : index
    %get3A_3 = vector.load %arg3[%get3A, %get3A_0, %get3A_1, %get3A_2] : memref<2x2x1000x1xf32, #tpu.memory_space<vmem>>, vector<2x2x1000x1xf32>
    %slice3A = vector.extract_strided_slice %get3A_3 {offsets = [0, 0, 0, 0], sizes = [1, 1, 1000, 1], strides = [1, 1, 1, 1]} : vector<2x2x1000x1xf32> to vector<1x1x1000x1xf32>
    %squeeze3A = vector.shape_cast %slice3A : vector<1x1x1000x1xf32> to vector<1000x1xf32>
    %slice3A_4 = vector.extract_strided_slice %get3A_3 {offsets = [1, 0, 0, 0], sizes = [1, 1, 1000, 1], strides = [1, 1, 1, 1]} : vector<2x2x1000x1xf32> to vector<1x1x1000x1xf32>
    %squeeze3A_5 = vector.shape_cast %slice3A_4 : vector<1x1x1000x1xf32> to vector<1000x1xf32>
    %add3A = arith.addf %squeeze3A, %squeeze3A_5 : vector<1000x1xf32>
    %max3A = arith.constant 1.000000e+00 : f32
    %max3A_6 = vector.broadcast %max3A : f32 to vector<1000x1xf32>
    %max3A_7 = arith.maximumf %add3A, %max3A_6 : vector<1000x1xf32>
    %rsqrt3A = math.rsqrt %max3A_7 : vector<1000x1xf32>
    %get3A_8 = arith.constant 0 : index
    %get3A_9 = arith.constant 0 : index
    %get3A_10 = vector.load %arg1[%get3A_8, %get3A_9] : memref<1000x128xf32, #tpu.memory_space<vmem>>, vector<1000x128xf32>
    %get3A_11 = arith.constant 0 : index
    %get3A_12 = arith.constant 0 : index
    %get3A_13 = vector.load %arg2[%get3A_11, %get3A_12] : memref<128x128xf32, #tpu.memory_space<vmem>>, vector<128x128xf32>
    %dot_general3A = arith.constant dense<0.000000e+00> : vector<1000x128xf32>
    %dot_general3A_14 = tpu.matmul %get3A_10, %get3A_13, %dot_general3A {dimension_numbers = #tpu.dot_dimension_numbers<[1], [0], [0], [1], [0, 0, 1, 1], [], []>, transpose_lhs_hint = false} : vector<1000x128xf32>, vector<128x128xf32>, vector<1000x128xf32> -> vector<1000x128xf32>
    %max3A_15 = arith.constant 0.000000e+00 : f32
    %max3A_16 = vector.broadcast %max3A_15 : f32 to vector<1000x128xf32>
    %max3A_17 = arith.maximumf %dot_general3A_14, %max3A_16 : vector<1000x128xf32>
    %swap3A = arith.constant 0 : index
    %swap3A_18 = arith.constant 0 : index
    %swap3A_19 = vector.load %arg4[%swap3A, %swap3A_18] : memref<1000x128xf32, #tpu.memory_space<vmem>>, vector<1000x128xf32>
    tpu.vector_store %arg4[%swap3A, %swap3A_18], %max3A_17 {strides = array<i32>} : memref<1000x128xf32, #tpu.memory_space<vmem>>, vector<1000x128xf32>,
    %mul3A = vector.broadcast %rsqrt3A : vector<1000x1xf32> to vector<1000x128xf32>
    %mul3A_20 = arith.mulf %max3A_17, %mul3A : vector<1000x128xf32>
    %swap3A_21 = arith.constant 0 : index
    %swap3A_22 = arith.constant 0 : index
    %swap3A_23 = vector.load %arg5[%swap3A_21, %swap3A_22] : memref<1000x128xf32, #tpu.memory_space<vmem>>, vector<1000x128xf32>
    tpu.vector_store %arg5[%swap3A_21, %swap3A_22], %mul3A_20 {strides = array<i32>} : memref<1000x128xf32, #tpu.memory_space<vmem>>, vector<1000x128xf32>,
    return
  }
  func.func @transform_0(%arg0: i32) -> (i32, i32) {
    %c0_i32 = arith.constant 0 : i32
    %c0_i32_0 = arith.constant 0 : i32
    return %arg0, %c0_i32 : i32, i32
  }
  func.func @transform_1(%arg0: i32) -> (i32, i32) {
    %c0_i32 = arith.constant 0 : i32
    %c0_i32_0 = arith.constant 0 : i32
    %c0_i32_1 = arith.constant 0 : i32
    return %c0_i32, %c0_i32_0 : i32, i32
  }
  func.func @transform_2(%arg0: i32) -> (i32, i32, i32, i32) {
    %c0_i32 = arith.constant 0 : i32
    %c0_i32_0 = arith.constant 0 : i32
    %c0_i32_1 = arith.constant 0 : i32
    %c0_i32_2 = arith.constant 0 : i32
    return %c0_i32, %c0_i32_0, %arg0, %c0_i32_1 : i32, i32, i32, i32
  }
  func.func @transform_3(%arg0: i32) -> (i32, i32) {
    %c0_i32 = arith.constant 0 : i32
    %c0_i32_0 = arith.constant 0 : i32
    return %arg0, %c0_i32 : i32, i32
  }
  func.func @transform_4(%arg0: i32) -> (i32, i32) {
    %c0_i32 = arith.constant 0 : i32
    %c0_i32_0 = arith.constant 0 : i32
    return %arg0, %c0_i32 : i32, i32
  }
}

module attributes {stable_mosaic.version = 14 : i64} {
  func.func @_mid_body(%arg0: i32, %arg1: memref<2x1000x128xf32, #tpu.memory_space<vmem>>, %arg2: memref<1000x128xf32, #tpu.memory_space<vmem>>, %arg3: memref<2x2x1000x1xf32, #tpu.memory_space<vmem>>, %arg4: memref<128x128xf32, #tpu.memory_space<vmem>>, %arg5: memref<1000x128xf32, #tpu.memory_space<vmem>>) attributes {dimension_semantics = [#tpu.dimension_semantics<arbitrary>], iteration_bounds = array<i64: 10>, scalar_prefetch = 0 : i64, scratch_operands = 0 : i64, tpu.core_type = #tpu.core_type<tc>, window_params = [{transform_indices = @transform_0, window_bounds = array<i64: 2, 1000, 128>}, {transform_indices = @transform_1, window_bounds = array<i64: 1000, 128>}, {transform_indices = @transform_2, window_bounds = array<i64: 2, 2, 1000, 1>}, {pipeline_mode = #tpu.pipeline_mode<synchronous>, transform_indices = @transform_3, window_bounds = array<i64: 128, 128>}, {transform_indices = @transform_4, window_bounds = array<i64: 1000, 128>}]} {
    %get3A = arith.constant 0 : index
    %get3A_0 = arith.constant 0 : index
    %get3A_1 = arith.constant 0 : index
    %get3A_2 = arith.constant 0 : index
    %get3A_3 = vector.load %arg3[%get3A, %get3A_0, %get3A_1, %get3A_2] : memref<2x2x1000x1xf32, #tpu.memory_space<vmem>>, vector<2x2x1000x1xf32>
    %slice3A = vector.extract_strided_slice %get3A_3 {offsets = [0, 0, 0, 0], sizes = [1, 1, 1000, 1], strides = [1, 1, 1, 1]} : vector<2x2x1000x1xf32> to vector<1x1x1000x1xf32>
    %squeeze3A = vector.shape_cast %slice3A : vector<1x1x1000x1xf32> to vector<1000x1xf32>
    %slice3A_4 = vector.extract_strided_slice %get3A_3 {offsets = [1, 0, 0, 0], sizes = [1, 1, 1000, 1], strides = [1, 1, 1, 1]} : vector<2x2x1000x1xf32> to vector<1x1x1000x1xf32>
    %squeeze3A_5 = vector.shape_cast %slice3A_4 : vector<1x1x1000x1xf32> to vector<1000x1xf32>
    %add3A = arith.addf %squeeze3A, %squeeze3A_5 : vector<1000x1xf32>
    %slice3A_6 = vector.extract_strided_slice %get3A_3 {offsets = [0, 1, 0, 0], sizes = [1, 1, 1000, 1], strides = [1, 1, 1, 1]} : vector<2x2x1000x1xf32> to vector<1x1x1000x1xf32>
    %squeeze3A_7 = vector.shape_cast %slice3A_6 : vector<1x1x1000x1xf32> to vector<1000x1xf32>
    %slice3A_8 = vector.extract_strided_slice %get3A_3 {offsets = [1, 1, 0, 0], sizes = [1, 1, 1000, 1], strides = [1, 1, 1, 1]} : vector<2x2x1000x1xf32> to vector<1x1x1000x1xf32>
    %squeeze3A_9 = vector.shape_cast %slice3A_8 : vector<1x1x1000x1xf32> to vector<1000x1xf32>
    %add3A_10 = arith.addf %squeeze3A_7, %squeeze3A_9 : vector<1000x1xf32>
    %max3A = arith.constant 1.000000e+00 : f32
    %max3A_11 = vector.broadcast %max3A : f32 to vector<1000x1xf32>
    %max3A_12 = arith.maximumf %add3A, %max3A_11 : vector<1000x1xf32>
    %rsqrt3A = math.rsqrt %max3A_12 : vector<1000x1xf32>
    %max3A_13 = arith.constant 1.000000e+00 : f32
    %max3A_14 = vector.broadcast %max3A_13 : f32 to vector<1000x1xf32>
    %max3A_15 = arith.maximumf %add3A_10, %max3A_14 : vector<1000x1xf32>
    %rsqrt3A_16 = math.rsqrt %max3A_15 : vector<1000x1xf32>
    %get3A_17 = arith.constant 0 : index
    %get3A_18 = arith.constant 0 : index
    %get3A_19 = arith.constant 0 : index
    %get3A_20 = vector.load %arg1[%get3A_17, %get3A_18, %get3A_19] : memref<2x1000x128xf32, #tpu.memory_space<vmem>>, vector<1x1000x128xf32>
    %get3A_21 = vector.shape_cast %get3A_20 : vector<1x1000x128xf32> to vector<1000x128xf32>
    %get3A_22 = arith.constant 1 : index
    %get3A_23 = arith.constant 0 : index
    %get3A_24 = arith.constant 0 : index
    %get3A_25 = vector.load %arg1[%get3A_22, %get3A_23, %get3A_24] : memref<2x1000x128xf32, #tpu.memory_space<vmem>>, vector<1x1000x128xf32>
    %get3A_26 = vector.shape_cast %get3A_25 : vector<1x1000x128xf32> to vector<1000x128xf32>
    %add3A_27 = arith.addf %get3A_21, %get3A_26 : vector<1000x128xf32>
    %mul3A = vector.broadcast %rsqrt3A_16 : vector<1000x1xf32> to vector<1000x128xf32>
    %mul3A_28 = arith.mulf %add3A_27, %mul3A : vector<1000x128xf32>
    %get3A_29 = arith.constant 0 : index
    %get3A_30 = arith.constant 0 : index
    %get3A_31 = vector.load %arg2[%get3A_29, %get3A_30] : memref<1000x128xf32, #tpu.memory_space<vmem>>, vector<1000x128xf32>
    %add3A_32 = arith.addf %mul3A_28, %get3A_31 : vector<1000x128xf32>
    %get3A_33 = arith.constant 0 : index
    %get3A_34 = arith.constant 0 : index
    %get3A_35 = vector.load %arg4[%get3A_33, %get3A_34] : memref<128x128xf32, #tpu.memory_space<vmem>>, vector<128x128xf32>
    %dot_general3A = arith.constant dense<0.000000e+00> : vector<1000x128xf32>
    %dot_general3A_36 = tpu.matmul %add3A_32, %get3A_35, %dot_general3A {dimension_numbers = #tpu.dot_dimension_numbers<[1], [0], [0], [1], [0, 0, 1, 1], [], []>, transpose_lhs_hint = false} : vector<1000x128xf32>, vector<128x128xf32>, vector<1000x128xf32> -> vector<1000x128xf32>
    %max3A_37 = arith.constant 0.000000e+00 : f32
    %max3A_38 = vector.broadcast %max3A_37 : f32 to vector<1000x128xf32>
    %max3A_39 = arith.maximumf %dot_general3A_36, %max3A_38 : vector<1000x128xf32>
    %mul3A_40 = vector.broadcast %rsqrt3A : vector<1000x1xf32> to vector<1000x128xf32>
    %mul3A_41 = arith.mulf %max3A_39, %mul3A_40 : vector<1000x128xf32>
    %swap3A = arith.constant 0 : index
    %swap3A_42 = arith.constant 0 : index
    %swap3A_43 = vector.load %arg5[%swap3A, %swap3A_42] : memref<1000x128xf32, #tpu.memory_space<vmem>>, vector<1000x128xf32>
    tpu.vector_store %arg5[%swap3A, %swap3A_42], %mul3A_41 {strides = array<i32>} : memref<1000x128xf32, #tpu.memory_space<vmem>>, vector<1000x128xf32>,
    return
  }
  func.func @transform_0(%arg0: i32) -> (i32, i32, i32) {
    %c0_i32 = arith.constant 0 : i32
    %c0_i32_0 = arith.constant 0 : i32
    %c0_i32_1 = arith.constant 0 : i32
    return %c0_i32, %arg0, %c0_i32_0 : i32, i32, i32
  }
  func.func @transform_1(%arg0: i32) -> (i32, i32) {
    %c0_i32 = arith.constant 0 : i32
    %c0_i32_0 = arith.constant 0 : i32
    return %arg0, %c0_i32 : i32, i32
  }
  func.func @transform_2(%arg0: i32) -> (i32, i32, i32, i32) {
    %c0_i32 = arith.constant 0 : i32
    %c0_i32_0 = arith.constant 0 : i32
    %c0_i32_1 = arith.constant 0 : i32
    %c0_i32_2 = arith.constant 0 : i32
    return %c0_i32, %c0_i32_0, %arg0, %c0_i32_1 : i32, i32, i32, i32
  }
  func.func @transform_3(%arg0: i32) -> (i32, i32) {
    %c0_i32 = arith.constant 0 : i32
    %c0_i32_0 = arith.constant 0 : i32
    %c0_i32_1 = arith.constant 0 : i32
    return %c0_i32, %c0_i32_0 : i32, i32
  }
  func.func @transform_4(%arg0: i32) -> (i32, i32) {
    %c0_i32 = arith.constant 0 : i32
    %c0_i32_0 = arith.constant 0 : i32
    return %arg0, %c0_i32 : i32, i32
  }
}

module attributes {stable_mosaic.version = 14 : i64} {
  func.func @_out_body(%arg0: i32, %arg1: memref<2x1000x128xf32, #tpu.memory_space<vmem>>, %arg2: memref<1000x128xf32, #tpu.memory_space<vmem>>, %arg3: memref<2x2x1000x1xf32, #tpu.memory_space<vmem>>, %arg4: memref<128x128xf32, #tpu.memory_space<vmem>>, %arg5: memref<128x64xf32, #tpu.memory_space<vmem>>, %arg6: memref<1000x64xf32, #tpu.memory_space<vmem>>) attributes {dimension_semantics = [#tpu.dimension_semantics<arbitrary>], iteration_bounds = array<i64: 10>, scalar_prefetch = 0 : i64, scratch_operands = 0 : i64, tpu.core_type = #tpu.core_type<tc>, window_params = [{transform_indices = @transform_0, window_bounds = array<i64: 2, 1000, 128>}, {transform_indices = @transform_1, window_bounds = array<i64: 1000, 128>}, {transform_indices = @transform_2, window_bounds = array<i64: 2, 2, 1000, 1>}, {pipeline_mode = #tpu.pipeline_mode<synchronous>, transform_indices = @transform_3, window_bounds = array<i64: 128, 128>}, {pipeline_mode = #tpu.pipeline_mode<synchronous>, transform_indices = @transform_4, window_bounds = array<i64: 128, 64>}, {transform_indices = @transform_5, window_bounds = array<i64: 1000, 64>}]} {
    %get3A = arith.constant 0 : index
    %get3A_0 = arith.constant 0 : index
    %get3A_1 = arith.constant 0 : index
    %get3A_2 = arith.constant 0 : index
    %get3A_3 = vector.load %arg3[%get3A, %get3A_0, %get3A_1, %get3A_2] : memref<2x2x1000x1xf32, #tpu.memory_space<vmem>>, vector<2x2x1000x1xf32>
    %slice3A = vector.extract_strided_slice %get3A_3 {offsets = [0, 1, 0, 0], sizes = [1, 1, 1000, 1], strides = [1, 1, 1, 1]} : vector<2x2x1000x1xf32> to vector<1x1x1000x1xf32>
    %squeeze3A = vector.shape_cast %slice3A : vector<1x1x1000x1xf32> to vector<1000x1xf32>
    %slice3A_4 = vector.extract_strided_slice %get3A_3 {offsets = [1, 1, 0, 0], sizes = [1, 1, 1000, 1], strides = [1, 1, 1, 1]} : vector<2x2x1000x1xf32> to vector<1x1x1000x1xf32>
    %squeeze3A_5 = vector.shape_cast %slice3A_4 : vector<1x1x1000x1xf32> to vector<1000x1xf32>
    %add3A = arith.addf %squeeze3A, %squeeze3A_5 : vector<1000x1xf32>
    %max3A = arith.constant 1.000000e+00 : f32
    %max3A_6 = vector.broadcast %max3A : f32 to vector<1000x1xf32>
    %max3A_7 = arith.maximumf %add3A, %max3A_6 : vector<1000x1xf32>
    %rsqrt3A = math.rsqrt %max3A_7 : vector<1000x1xf32>
    %get3A_8 = arith.constant 0 : index
    %get3A_9 = arith.constant 0 : index
    %get3A_10 = arith.constant 0 : index
    %get3A_11 = vector.load %arg1[%get3A_8, %get3A_9, %get3A_10] : memref<2x1000x128xf32, #tpu.memory_space<vmem>>, vector<1x1000x128xf32>
    %get3A_12 = vector.shape_cast %get3A_11 : vector<1x1000x128xf32> to vector<1000x128xf32>
    %get3A_13 = arith.constant 1 : index
    %get3A_14 = arith.constant 0 : index
    %get3A_15 = arith.constant 0 : index
    %get3A_16 = vector.load %arg1[%get3A_13, %get3A_14, %get3A_15] : memref<2x1000x128xf32, #tpu.memory_space<vmem>>, vector<1x1000x128xf32>
    %get3A_17 = vector.shape_cast %get3A_16 : vector<1x1000x128xf32> to vector<1000x128xf32>
    %add3A_18 = arith.addf %get3A_12, %get3A_17 : vector<1000x128xf32>
    %mul3A = vector.broadcast %rsqrt3A : vector<1000x1xf32> to vector<1000x128xf32>
    %mul3A_19 = arith.mulf %add3A_18, %mul3A : vector<1000x128xf32>
    %get3A_20 = arith.constant 0 : index
    %get3A_21 = arith.constant 0 : index
    %get3A_22 = vector.load %arg2[%get3A_20, %get3A_21] : memref<1000x128xf32, #tpu.memory_space<vmem>>, vector<1000x128xf32>
    %add3A_23 = arith.addf %mul3A_19, %get3A_22 : vector<1000x128xf32>
    %get3A_24 = arith.constant 0 : index
    %get3A_25 = arith.constant 0 : index
    %get3A_26 = vector.load %arg4[%get3A_24, %get3A_25] : memref<128x128xf32, #tpu.memory_space<vmem>>, vector<128x128xf32>
    %dot_general3A = arith.constant dense<0.000000e+00> : vector<1000x128xf32>
    %dot_general3A_27 = tpu.matmul %add3A_23, %get3A_26, %dot_general3A {dimension_numbers = #tpu.dot_dimension_numbers<[1], [0], [0], [1], [0, 0, 1, 1], [], []>, transpose_lhs_hint = false} : vector<1000x128xf32>, vector<128x128xf32>, vector<1000x128xf32> -> vector<1000x128xf32>
    %max3A_28 = arith.constant 0.000000e+00 : f32
    %max3A_29 = vector.broadcast %max3A_28 : f32 to vector<1000x128xf32>
    %max3A_30 = arith.maximumf %dot_general3A_27, %max3A_29 : vector<1000x128xf32>
    %get3A_31 = arith.constant 0 : index
    %get3A_32 = arith.constant 0 : index
    %get3A_33 = vector.load %arg5[%get3A_31, %get3A_32] : memref<128x64xf32, #tpu.memory_space<vmem>>, vector<128x64xf32>
    %dot_general3A_34 = arith.constant dense<0.000000e+00> : vector<1000x64xf32>
    %dot_general3A_35 = tpu.matmul %max3A_30, %get3A_33, %dot_general3A_34 {dimension_numbers = #tpu.dot_dimension_numbers<[1], [0], [0], [1], [0, 0, 1, 1], [], []>, transpose_lhs_hint = false} : vector<1000x128xf32>, vector<128x64xf32>, vector<1000x64xf32> -> vector<1000x64xf32>
    %swap3A = arith.constant 0 : index
    %swap3A_36 = arith.constant 0 : index
    %swap3A_37 = vector.load %arg6[%swap3A, %swap3A_36] : memref<1000x64xf32, #tpu.memory_space<vmem>>, vector<1000x64xf32>
    tpu.vector_store %arg6[%swap3A, %swap3A_36], %dot_general3A_35 {strides = array<i32>} : memref<1000x64xf32, #tpu.memory_space<vmem>>, vector<1000x64xf32>,
    return
  }
  func.func @transform_0(%arg0: i32) -> (i32, i32, i32) {
    %c0_i32 = arith.constant 0 : i32
    %c0_i32_0 = arith.constant 0 : i32
    %c0_i32_1 = arith.constant 0 : i32
    return %c0_i32, %arg0, %c0_i32_0 : i32, i32, i32
  }
  func.func @transform_1(%arg0: i32) -> (i32, i32) {
    %c0_i32 = arith.constant 0 : i32
    %c0_i32_0 = arith.constant 0 : i32
    return %arg0, %c0_i32 : i32, i32
  }
  func.func @transform_2(%arg0: i32) -> (i32, i32, i32, i32) {
    %c0_i32 = arith.constant 0 : i32
    %c0_i32_0 = arith.constant 0 : i32
    %c0_i32_1 = arith.constant 0 : i32
    %c0_i32_2 = arith.constant 0 : i32
    return %c0_i32, %c0_i32_0, %arg0, %c0_i32_1 : i32, i32, i32, i32
  }
  func.func @transform_3(%arg0: i32) -> (i32, i32) {
    %c0_i32 = arith.constant 0 : i32
    %c0_i32_0 = arith.constant 0 : i32
    %c0_i32_1 = arith.constant 0 : i32
    return %c0_i32, %c0_i32_0 : i32, i32
  }
  func.func @transform_4(%arg0: i32) -> (i32, i32) {
    %c0_i32 = arith.constant 0 : i32
    %c0_i32_0 = arith.constant 0 : i32
    %c0_i32_1 = arith.constant 0 : i32
    return %c0_i32, %c0_i32_0 : i32, i32
  }
  func.func @transform_5(%arg0: i32) -> (i32, i32) {
    %c0_i32 = arith.constant 0 : i32
    %c0_i32_0 = arith.constant 0 : i32
    return %arg0, %c0_i32 : i32, i32
  }
}

</mosaic_0001>

<sc_bundles>
// kernel: kernel.11.cloned.1.call-start
scs
__scs_entry_jumppad:
0x0: {  	(pc) =	sbr.rel $0x88, $3  }
0x1: {  	(tag) =	ssettag $0x0;
	lr =	simm.s32 $0x1  }
0x2: {  	[smem:$0x3F9B] =	sst lr;
	_ =	strace $0xD0000000  }
0x3: {  	_ = 	snop  }
0x4: {  	_ = 	snop  }
0x5: {  	_ = 	snop  }
0x6: {  	_ = 	snop  }
0x7: {  	_ = 	snop  }
__scs_overlays_trampoline_lowered:
0x8: {  	[smem:$0x3FAA] =	sst s0  }
0x9: {  	[smem:$0x3FAB] =	sst s1  }
0xa: {  	[smem:$0x3FAC] =	sst s2  }
0xb: {  	[smem:$0x3FAD] =	sst s3  }
0xc: {  	[smem:$0x3FAE] =	sst s4  }
0xd: {  	[smem:$0x3FAF] =	sst s5  }
0xe: {  	[smem:$0x3FB0] =	sst s6  }
0xf: {  	[smem:$0x3FB1] =	sst s7  }
0x10: {  	[smem:$0x3FB2] =	sst s8  }
0x11: {  	[smem:$0x3FB3] =	sst s9;
	s0 =	simm.s32 @!p0 $0x0  }
0x12: {  	s1 =	sld [smem:$0x3F99];
	s0 =	simm.s32 @p0 $0x1  }
0x13: {  	[smem:$0x3FB4] =	sst s0;
	s0 =	simm.s32 @!p1 $0x0  }
0x14: {  	s2 =	sld [smem:$0x3F98];
	s0 =	simm.s32 @p1 $0x1  }
0x15: {  	[smem:$0x3FB5] =	sst s0;
	s0 =	simm.s32 @!p2 $0x0  }
0x16: {  	s3 =	sld [smem:$0x3FDB];
	s0 =	simm.s32 @p2 $0x1  }
0x17: {  	s4 =	simm.s32 $0x1BF5;
	[smem:$0x3FB7] =	sst s0  }
0x18: {  	s0 =	sld [smem:$0x3F9A];
	_ =	swait.ge [sflag:s4], $0x0  }
0x19: {  	s7 =	sld [smem:$0x3F9B]  }
0x1a: {  	s8 =	sadd.s32 $0xFFFFE003, lr  }
0x1b: {  	s9 =	sadd.s32 $0xFFFFFEF7, lr;
	s5 =	simm.s32 $0xFFFFFFFF;
	p2 =	slt.u32 s8, $0xFFFFF086  }
0x1c: {  	p1 =	slt.u32 s9, $0xF7A;
	s5 =	simm.s32 @!p2 $0x0  }
0x1d: {  	s5 =	simm.s32 @p1 $0x1;
	p0 =	seq.s32 s7, s2  }
0x1e: {  	s7 =	smul.u32 @!p0 $0xF7A, s2;
	p2 =	seq.s32 @!p0 s5, $0x0  }
0x1f: {  	s9 =	smul.u32 $0xF7A, s1;
	s8 =	simm.s32 @!p0 $0x1BF5;
	p2 =	por !p2, p0  }
0x20: {  	[sflag:s8] =	ssyncset.s32 @!p0 $0xFFFFF086;
	s6 =	sadd.s32 @!p0 s3, s7;
	s7 =	simm.s32 @!p0 $0x108  }
0x21: {  	s3 =	sadd.s32 s3, s9;
	s6 =	sadd.s32 @!p0 $0x88, s6;
	s7 =	simm.s32 @p2 $0x1082  }
0x22: {  	[simem:s7], [sflag:s8] =	dma.local @!p0 [hbm:s6], $0xF7A  }
0x23: {  	s9 =	sor.u32 $0xD0000000, s2;
	s6 =	simm.s32 $0x108;
	_ =	swait.ge @!p0 [sflag:s8], $0x0  }
0x24: {  	s3 =	sadd.s32 $0x88, s3;
	s6 =	simm.s32 @!p1 $0x1082;
	[sflag:s4] =	ssyncset.s32 $0xFFFFF086  }
0x25: {  	[simem:s6], [sflag:s4] =	dma.local [hbm:s3], $0xF7A  }
0x26: {  	[smem:$0x3F9B] =	sst s1;
	(tag) =	ssettag s2;
	_ =	strace s9  }
0x27: {  	s1 =	sld [smem:$0x3FAB]  }
0x28: {  	s2 =	sld [smem:$0x3FAC]  }
0x29: {  	s4 =	sld [smem:$0x3FAE]  }
0x2a: {  	p0 =	seq.s32 s5, $0x0;
	s5 =	sld [smem:$0x3FAF]  }
0x2b: {  	s6 =	sld [smem:$0x3FB0]  }
0x2c: {  	s7 =	sld [smem:$0x3FB1]  }
0x2d: {  	s3 =	simm.s32 $0x108;
	s8 =	sld [smem:$0x3FB2]  }
0x2e: {  	s3 =	simm.s32 @!p0 $0x1082;
	s9 =	sld [smem:$0x3FB3]  }
0x2f: {  	lr =	sadd.s32 s0, s3;
	s0 =	sld [smem:$0x3FAA]  }
0x30: {  	s3 =	sld [smem:$0x3FAD]  }
0x31: {  	[smem:$0x3FB6] =	sst s10  }
0x32: {  	s10 =	sld [smem:$0x3FB4];
	_ =	sdelay $0x3  }
0x33: {  	p0 =	seq.s32 s10, $0x1;
	s10 =	sld [smem:$0x3FB6];
	_ =	sdelay $0x3  }
0x34: {  	[smem:$0x3FB6] =	sst s10  }
0x35: {  	s10 =	sld [smem:$0x3FB5];
	_ =	sdelay $0x3  }
0x36: {  	p1 =	seq.s32 s10, $0x1;
	s10 =	sld [smem:$0x3FB6];
	_ =	sdelay $0x3  }
0x37: {  	[smem:$0x3FB6] =	sst s10  }
0x38: {  	s10 =	sld [smem:$0x3FB7]  }
0x39: {  	_ = 	snop;
	(pc) =	sbr.ind lr, $3  }
0x3a: {  	_ = 	snop  }
0x3b: {  	_ = 	snop  }
0x3c: {  	p2 =	seq.s32 s10, $0x1;
	s10 =	sld [smem:$0x3FB6]  }
0x3d: {  	_ =	shalt  }
0x3e: {  	_ =	shalt  }
0x3f: {  	_ =	shalt  }
0x40: {  	_ =	shalt  }
0x41: {  	_ =	shalt  }
0x42: {  	_ =	shalt  }
0x43: {  	_ =	shalt  }
0x44: {  	_ =	shalt  }
0x45: {  	_ =	shalt  }
0x46: {  	_ =	shalt  }
0x47: {  	_ =	shalt  }
0x48: {  	_ =	shalt  }
0x49: {  	_ =	shalt  }
0x4a: {  	_ =	shalt  }
0x4b: {  	_ =	shalt  }
0x4c: {  	_ =	shalt  }
0x4d: {  	_ =	shalt  }
0x4e: {  	_ =	shalt  }
0x4f: {  	_ =	shalt  }
0x50: {  	_ =	shalt  }
0x51: {  	_ =	shalt  }
0x52: {  	_ =	shalt  }
0x53: {  	_ =	shalt  }
0x54: {  	_ =	shalt  }
0x55: {  	_ =	shalt  }
0x56: {  	_ =	shalt  }
0x57: {  	_ =	shalt  }
0x58: {  	_ =	shalt  }
0x59: {  	_ =	shalt  }
0x5a: {  	_ =	shalt  }
0x5b: {  	_ =	shalt  }
0x5c: {  	_ =	shalt  }
0x5d: {  	_ =	shalt  }
0x5e: {  	_ =	shalt  }
0x5f: {  	_ =	shalt  }
0x60: {  	_ =	shalt  }
0x61: {  	_ =	shalt  }
0x62: {  	_ =	shalt  }
0x63: {  	_ =	shalt  }
0x64: {  	_ =	shalt  }
0x65: {  	_ =	shalt  }
0x66: {  	_ =	shalt  }
0x67: {  	_ =	shalt  }
0x68: {  	_ =	shalt  }
0x69: {  	_ =	shalt  }
0x6a: {  	_ =	shalt  }
0x6b: {  	_ =	shalt  }
0x6c: {  	_ =	shalt  }
0x6d: {  	_ =	shalt  }
0x6e: {  	_ =	shalt  }
0x6f: {  	_ =	shalt  }
0x70: {  	_ =	shalt  }
0x71: {  	_ =	shalt  }
0x72: {  	_ =	shalt  }
0x73: {  	_ =	shalt  }
0x74: {  	_ =	shalt  }
0x75: {  	_ =	shalt  }
0x76: {  	_ =	shalt  }
0x77: {  	_ =	shalt  }
0x78: {  	_ =	shalt  }
0x79: {  	_ =	shalt  }
0x7a: {  	_ =	shalt  }
0x7b: {  	_ =	shalt  }
0x7c: {  	_ =	shalt  }
0x7d: {  	_ =	shalt  }
0x7e: {  	_ =	shalt  }
0x7f: {  	_ =	shalt  }
0x80: {  	_ =	shalt  }
0x81: {  	_ =	shalt  }
0x82: {  	_ =	shalt  }
0x83: {  	_ =	shalt  }
0x84: {  	_ =	shalt  }
0x85: {  	_ =	shalt  }
0x86: {  	_ =	shalt  }
0x87: {  	_ =	shalt  }
.Lfunc_end0:
.L_simem_size_0:
called_computation.1_lowered:
.L_overlay_start_0:
0x88: {  	s2 =	sld [smem:$0x3FD9]  }
0x89: {  	s3 =	sld [smem:$0x3FFE];
	_ =	sdelay $0x1  }
0x8a: {  	s1 =	srdreg.scid  }
0x8b: {  	s0 =	sand.u32 $0x1, s1  }
0x8c: {  	s17 =	sshll.u32 s0, $0xA;
	s2 =	sadd.s32 s3, s2  }
0x8d: {  	s2 =	sadd.s32 s2, s17  }
0x8e: {  	[smem:$0x3FC2] =	sst s2  }
0x8f: {  	_ = 	snop  }
0x90: {  	s2 =	sld [smem:$0x3FD0];
	(tm) =	ssettm $0x1  }
0x91: {  	s18 =	sld [smem:$0x3FFB];
	_ =	sdelay $0x3  }
0x92: {  	_ =	strace s18  }
0x93: {  	s3 =	sld [smem:$0x3FFC];
	_ =	sdelay $0x3  }
0x94: {  	_ =	strace s3  }
0x95: {  	s3 =	sld [smem:$0x3FFD];
	_ =	sdelay $0x3  }
0x96: {  	_ =	strace s3  }
0x97: {  	_ =	strace $0x8FFFFFFF  }
0x98: {  	s19 =	sld [smem:$0x3FDB];
	_ =	sdelay $0x1  }
0x99: {  	s4 =	simm.s32 $_scs_section_size  }
0x9a: {  	s5 =	simm.s32 $_size__tile_overlayer_lowered;
	s6 =	simm.s32 $_tile_overlayer_lowered  }
0x9b: {  	s22 =	simm.s32 $0x1BFF;
	s21 =	sshll.u32 s6, $0x1;
	s3 =	sadd.s32 s4, s19  }
0x9c: {  	s7 =	simm.s32 $0x0;
	s20 =	sshll.u32 s5, $0x1;
	s5 =	sadd.s32 s21, s3  }
0x9d: {  	[timem:s7], [sflag:s22] =	dma.local [hbm:s5], s20  }
0x9e: {  	_ =	swait.ge [sflag:s22], s20  }
0x9f: {  	s4 =	ssub.s32 $0x0, s20;
	[sflag:s22] =	ssyncset.done $0x0  }
0xa0: {  	[sflag:s22] =	ssyncadd.s32 s4;
	_ =	sdelay $0x1  }
0xa1: {  	s23 =	simm.s32 $0x1B8B  }
0xa2: {  	_ =	swait.ge [sflag:s23], $0x1  }
0xa3: {  	[sflag:s23] =	ssyncset.done $0x0  }
0xa4: {  	s25 =	simm.s32 $0x1B8E;
	s24 =	sld [smem:$0x3FFE];
	[sflag:s23] =	ssyncadd.s32 $0xFFFFFFFF  }
0xa5: {  	s26 =	simm.s32 $execute0_lowered;
	[smem:$0x3FD2] =	sst s25  }
0xa6: {  	s5 =	sshll.u32 s26, $0x1;
	_ =	strace $0x80000049;
	[dreg:$0x1] =	wrdreg $0xFFFFFFFF  }
0xa7: {  	s28 =	simm.s32 $_size_execute0_lowered;
	s3 =	sadd.s32 s3, s5;
	[dreg:$0x0] =	wrdreg $0x0  }
0xa8: {  	s5 =	sshll.u32 s28, $0x1;
	[dreg:$0x2] =	wrdreg s3  }
0xa9: {  	[dreg:$0x3] =	wrdreg s5  }
0xaa: {  	[dreg:$0x4] =	wrdreg $0xC0  }
0xab: {  	_ =	task [dreg:s7], $0x5FFFF  }
0xac: {  	[dreg:$0x1] =	wrdreg $0xFFFFFFFF  }
0xad: {  	[dreg:$0x0] =	wrdreg $0x60  }
0xae: {  	[dreg:$0x2] =	wrdreg s24  }
0xaf: {  	[dreg:$0x3] =	wrdreg s2  }
0xb0: {  	[dreg:$0x4] =	wrdreg $0xD9300  }
0xb1: {  	[dreg:$0x5] =	wrdreg $0x9  }
0xb2: {  	_ =	task.clear_ibuf [dreg:s7], $0x6FFFF;
	_ =	strace $0x90000049  }
0xb3: {  	s29 =	simm.s32 $0x9;
	_ =	strace $0x8000004B  }
0xb4: {  	_ =	swait.ge [sflag:s29], $0x1  }
0xb5: {  	[sflag:s29] =	ssyncadd.s32 $0xFFFFFFFF  }
0xb6: {  	_ =	strace $0x9000004B  }
0xb7: {  	_ =	sfence  }
0xb8: {  	s30 =	sld [smem:$0x0];
	_ =	sdelay $0x2  }
0xb9: {  	s31 =	sshll.u32 s1, $0xD;
	s1 =	sshrl.u32 s1, $0x2  }
0xba: {  	s3 =	sand.u32 $0x4000, s31;
	s1 =	sadd.s32 s1, s30  }
0xbb: {  	s0 =	sor.u32 s3, s0;
	s1 =	sshll.u32 s1, $0x11  }
0xbc: {  	s0 =	sor.u32 s1, s0  }
0xbd: {  	s0 =	sadd.s32 $0x8F2B, s0  }
0xbe: {  	[sflag:s0] =	ssyncadd.remote.s32 $0x1  }
0xbf: {  	_ =	sfence.sel $0xFFFF  }
0xc0: {  	[dreg:$0x0] =	wrdreg $0xFFFFFFFF;
	(pc) =	sbr.abs _section_cstart, $3  }
0xc1: {  	[dreg:$0x1] =	wrdreg $0xFFFFFFFF  }
0xc2: {  	_ =	task.clear_ibuf [dreg:s7], $0x2FFFF;
	_ =	strace $0x9FFFFFFF  }
0xc3: {  	(tm) =	ssettm $0x7FFFFFFF  }
tec
execute0_lowered:
.L_overlay_start_1:
0x0: {  	(tag) =	ssettag $0x1  }
0x1: {  	s0 =	rddreg [dreg:$0x0]  }
0x2: {  	s1 =	rddreg [dreg:$0x1];
	s3 =	srdreg.scid  }
0x3: {  	s12 =	stileid.u32;
	s2 =	rddreg [dreg:$0x2]  }
0x4: {  	s5 =	simm.s32 $0x0;
	s16 =	simm.s32 $0x6;
	s29 =	simm.s32 $0xB130  }
0x5: {  	s31 =	simm.s32 $0xC530;
	s17 =	simm.s32 $0x3;
	s8 =	smul.u32 $0x9C00, s12  }
0x6: {  	s13 =	simm.s32 $0x74E0;
	s3 =	sand.u32 $0x1, s3;
	s9 =	smul.u32 $0x270, s12  }
0x7: {  	s4 =	sshll.u32 s12, $0x1;
	[smem:$0x7FF] =	sst s5;
	s11 =	smul.u32 $0x27000, s12  }
0x8: {  	p0 =	seq.s32 s12, $0xF;
	s4 =	sor.u32 s3, s4;
	s22 =	smul.u32 $0x2710, s3  }
0x9: {  	_ =	strace $0x8000004A;
	s6 =	ssub.s32 $0x2, s3;
	s3 =	smul.u32 $0x138800, s3  }
0xa: {  	s20 =	smul.u32 $0x4E2, s4;
	s4 =	sadd.s32 $0xC7E00, s0;
	s7 =	sshrl.u32 s6, $0x1  }
0xb: {  	s23 =	sshrl.u32 s8, $0x3;
	s8 =	sadd.s32 s8, s2;
	s25 =	sshrl.u32 s11, $0x2  }
0xc: {  	s11 =	simm.s32 $0x7440;
	s6 =	ssub.s32 s6, s7;
	[dreg:$0x6] =	wrdreg s8  }
0xd: {  	s8 =	sadd.s32 s1, s23;
	s7 =	sadd.s32 s9, s22;
	s9 =	sadd.s32 $0x12480, s1  }
0xe: {  	s3 =	sshrl.u32 s3, $0x3;
	s1 =	sadd.s32 s25, s2;
	s22 =	simm.s32 $0x7530  }
0xf: {  	s5 =	sadd.s32 s20, s0;
	s0 =	sadd.s32 $0xEF000, s0;
	s24 =	sshll.u32 s7, $0x4  }
0x10: {  	[dreg:$0x7] =	wrdreg s1;
	s30 =	smax.u32 s6, $0x1;
	s20 =	simm.s32 $0x50  }
0x11: {  	s1 =	simm.s32 $0x1;
	s6 =	simm.s32 $0x73A0;
	s7 =	simm.s32 $0x73F0  }
0x12: {  	s21 =	sadd.s32 $0xC000, s5;
	s5 =	sadd.s32 $0x2200, s5;
	[dreg:$0xb] =	wrdreg s30  }
0x13: {  	s10 =	sadd.s32 s0, s24;
	s0 =	sadd.s32 s0, s3;
	[dreg:$0x4] =	wrdreg s21  }
0x14: {  	s24 =	simm.s32 $0x8930;
	[dreg:$0x5] =	wrdreg s5;
	s26 =	sadd.s32 $0x24900, s0  }
0x15: {  	s3 =	simm.s32 $0x4;
	s28 =	sadd.s32 $0x8, s10;
	[dreg:$0x8] =	wrdreg s26  }
0x16: {  	s5 =	sadd.s32 $0x92400, s2;
	s0 =	sadd.s32 $0x24908, s0;
	[dreg:$0x9] =	wrdreg s28  }
0x17: {  	s21 =	simm.s32 $0x0;
	[dreg:$0xa] =	wrdreg s0;
	s0 =	sshll.u32 @!p0 s12, $0x6  }
0x18: {  	s18 =	sshrl.u32 @p0 s5, $0x3;
	s26 =	simm.s32 $0x9D30;
	s5 =	simm.s32 $0x5  }
0x19: {  	s12 =	simm.s32 $0x7490;
	s19 =	sor.u32 @!p0 $0x1C06, s0;
	s0 =	simm.s32 $0x2  }
.LBB2_1:
0x1a: {  	s14 =	simm.s32 $0x0;
	s15 =	rddreg [dreg:$0x4]  }
0x1b: {  	[tilespmem:s14], [sflag:$0x6] =	stream.linear.gather [hbm4b:s15+s14], $0x2710, $0x38;
	[tilespmem:$0x17570] =	vst v63  }
0x1c: {  	_ =	swait.ge [sflag:s16], $0x2710  }
0x1d: {  	[sflag:s16] =	ssyncset.done $0x0  }
0x1e: {  	s23 =	simm.s32 $0x4E20;
	s30 =	rddreg [dreg:$0x5];
	[sflag:s16] =	ssyncadd.s32 $0xFFFFD8F0  }
0x1f: {  	[tilespmem:s23], [sflag:$0x6] =	stream.linear.gather [hbm4b:s30+s14], $0x2710, $0x38;
	[tilespmem:$0x17570] =	vst v63  }
0x20: {  	_ =	swait.ge [sflag:s16], $0x2710  }
0x21: {  	[sflag:s16] =	ssyncset.done $0x0  }
0x22: {  	s14 =	simm.s32 $0x0;
	[sflag:s16] =	ssyncadd.s32 $0xFFFFD8F0  }
0x23: {  	v3 =	vld [tilespmem:s14+$0x40]  }
0x24: {  	v4 =	vld [tilespmem:s14+$0x0]  }
0x25: {  	v2 =	vld [tilespmem:s14+$0x10]  }
0x26: {  	v0 =	vld [tilespmem:s14+$0x20]  }
0x27: {  	s15 =	simm.s32 $0x140;
	v1 =	vld [tilespmem:s14+$0x30]  }
.LBB2_2:
0x28: {  	s23 =	sshra.s32 s15, $0x2;
	p1 =	sne.s32 s15, $0x9B00;
	s15 =	sadd.s32 $0x140, s15;
	v5 =	vshll.u32 v3, $0x1  }
.Ltmp0:
0x29: {  	v3 =	vld [tilespmem:s23+$0x40];
	v6 =	vshll.u32 v4, $0x1;
	[tilespmem:s14+$0x2750] =	vst v5;
	(pc) =	sbr.rel @p1 .LBB2_2-.Ltmp0, $4  }
0x2a: {  	v4 =	vld [tilespmem:s23+$0x0];
	[tilespmem:s14+$0x2710] =	vst v6;
	v5 =	vshll.u32 v2, $0x1  }
0x2b: {  	v2 =	vld [tilespmem:s23+$0x10];
	[tilespmem:s14+$0x2720] =	vst v5;
	v5 =	vshll.u32 v0, $0x1  }
0x2c: {  	v0 =	vld [tilespmem:s23+$0x20];
	[tilespmem:s14+$0x2730] =	vst v5;
	v5 =	vshll.u32 v1, $0x1  }
0x2d: {  	v1 =	vld [tilespmem:s23+$0x30];
	[tilespmem:s14+$0x2740] =	vst v5;
	s14 =	smov.u32 s23  }
0x2e: {  	v3 =	vshll.u32 v3, $0x1  }
0x2f: {  	v4 =	vshll.u32 v4, $0x1;
	[tilespmem:s14+$0x2750] =	vst v3  }
0x30: {  	[tilespmem:s14+$0x2710] =	vst v4;
	v2 =	vshll.u32 v2, $0x1  }
0x31: {  	[tilespmem:s14+$0x2720] =	vst v2;
	v0 =	vshll.u32 v0, $0x1  }
0x32: {  	[tilespmem:s14+$0x2730] =	vst v0;
	v63 =	vshll.u32 v1, $0x1  }
0x33: {  	[tilespmem:s14+$0x2740] =	vst v63;
	s14 =	simm.s32 @p0 $0x1FC6  }
0x34: {  	[spmem:s18], [sflag:s14] =	dma.local @p0 [hbm:s9], $0x1400  }
0x35: {  	s14 =	simm.s32 @p0 $0x6  }
0x36: {  	_ =	swait.ge @p0 [sflag:s14], $0x1400  }
0x37: {  	[sflag:s14] =	ssyncset.done @p0 $0x0  }
0x38: {  	[sflag:s14] =	ssyncadd.s32 @p0 $0xFFFFEC00;
	s14 =	rddreg [dreg:$0x6]  }
0x39: {  	s15 =	sshrl.u32 @!p0 s14, $0x3;
	s14 =	simm.s32 @!p0 $0x6  }
0x3a: {  	[spmem:s15], [sflag:s19] =	dma.local @!p0 [hbm:s8], $0x1380  }
0x3b: {  	_ =	swait.ge @!p0 [sflag:s14], $0x1380  }
0x3c: {  	[sflag:s14] =	ssyncset.done @!p0 $0x0  }
0x3d: {  	[sflag:s14] =	ssyncadd.s32 @!p0 $0xFFFFEC80  }
0x3e: {  	s28 =	simm.s32 $0x2710;
	[bflag:$0x0] =	sbarrier.arrive $0xFFFF  }
0x3f: {  	[tilespmem:s22], [sflag:$0x1] =	stream.indirect.gather [hbm4b:s4+s20], $0x40, s28, s20, $0xb8;
	[tilespmem:$0x17570] =	vst v63  }
0x40: {  	s30 =	simm.s32 $0x2760  }
0x41: {  	[tilespmem:s24], [sflag:$0x2] =	stream.indirect.gather [hbm4b:s4+s20], $0x40, s30, s20, $0xb8;
	[tilespmem:$0x17570] =	vst v63  }
0x42: {  	s23 =	simm.s32 $0x27B0  }
0x43: {  	[tilespmem:s26], [sflag:$0x3] =	stream.indirect.gather [hbm4b:s4+s20], $0x40, s23, s20, $0xb8;
	[tilespmem:$0x17570] =	vst v63  }
0x44: {  	s25 =	simm.s32 $0x2800  }
0x45: {  	[tilespmem:s29], [sflag:$0x4] =	stream.indirect.gather [hbm4b:s4+s20], $0x40, s25, s20, $0xb8;
	[tilespmem:$0x17570] =	vst v63  }
0x46: {  	s28 =	simm.s32 $0x2850  }
0x47: {  	[tilespmem:s31], [sflag:$0x5] =	stream.indirect.gather [hbm4b:s4+s20], $0x40, s28, s20, $0xb8;
	[tilespmem:$0x17570] =	vst v63  }
0x48: {  	_ =	swait.ge [sflag:s1], $0x1400  }
0x49: {  	[sflag:s1] =	ssyncset.done $0x0  }
0x4a: {  	s30 =	simm.s32 $0x4E20;
	[sflag:s1] =	ssyncadd.s32 $0xFFFFEC00  }
0x4b: {  	[spmem:s2] =	stream.indirect.scatter.add.f32 [tilespmem:s22], [sflag:$0x6], $0x40, s30, s20, $0xb8;
	[tilespmem:$0x17570] =	vst v63  }
0x4c: {  	_ =	swait.ge [sflag:s16], $0x1400  }
0x4d: {  	[sflag:s16] =	ssyncset.done $0x0  }
0x4e: {  	s23 =	simm.s32 $0x28A0;
	[sflag:s16] =	ssyncadd.s32 $0xFFFFEC00  }
0x4f: {  	[tilespmem:s22], [sflag:$0x1] =	stream.indirect.gather [hbm4b:s4+s20], $0x40, s23, s20, $0xb8;
	[tilespmem:$0x17570] =	vst v63  }
0x50: {  	_ =	swait.ge [sflag:s0], $0x1400  }
0x51: {  	[sflag:s0] =	ssyncset.done $0x0  }
0x52: {  	s25 =	simm.s32 $0x4E70;
	[sflag:s0] =	ssyncadd.s32 $0xFFFFEC00  }
0x53: {  	[spmem:s2] =	stream.indirect.scatter.add.f32 [tilespmem:s24], [sflag:$0x6], $0x40, s25, s20, $0xb8;
	[tilespmem:$0x17570] =	vst v63  }
0x54: {  	_ =	swait.ge [sflag:s16], $0x1400  }
0x55: {  	[sflag:s16] =	ssyncset.done $0x0  }
0x56: {  	s28 =	simm.s32 $0x28F0;
	[sflag:s16] =	ssyncadd.s32 $0xFFFFEC00  }
0x57: {  	[tilespmem:s24], [sflag:$0x2] =	stream.indirect.gather [hbm4b:s4+s20], $0x40, s28, s20, $0xb8;
	[tilespmem:$0x17570] =	vst v63  }
0x58: {  	_ =	swait.ge [sflag:s17], $0x1400  }
0x59: {  	[sflag:s17] =	ssyncset.done $0x0  }
0x5a: {  	s30 =	simm.s32 $0x4EC0;
	[sflag:s17] =	ssyncadd.s32 $0xFFFFEC00  }
0x5b: {  	[spmem:s2] =	stream.indirect.scatter.add.f32 [tilespmem:s26], [sflag:$0x6], $0x40, s30, s20, $0xb8;
	[tilespmem:$0x17570] =	vst v63  }
0x5c: {  	_ =	swait.ge [sflag:s16], $0x1400  }
0x5d: {  	[sflag:s16] =	ssyncset.done $0x0  }
0x5e: {  	s23 =	simm.s32 $0x2940;
	[sflag:s16] =	ssyncadd.s32 $0xFFFFEC00  }
0x5f: {  	[tilespmem:s26], [sflag:$0x3] =	stream.indirect.gather [hbm4b:s4+s20], $0x40, s23, s20, $0xb8;
	[tilespmem:$0x17570] =	vst v63  }
0x60: {  	_ =	swait.ge [sflag:s3], $0x1400  }
0x61: {  	[sflag:s3] =	ssyncset.done $0x0  }
0x62: {  	s25 =	simm.s32 $0x4F10;
	[sflag:s3] =	ssyncadd.s32 $0xFFFFEC00  }
0x63: {  	[spmem:s2] =	stream.indirect.scatter.add.f32 [tilespmem:s29], [sflag:$0x6], $0x40, s25, s20, $0xb8;
	[tilespmem:$0x17570] =	vst v63  }
0x64: {  	_ =	swait.ge [sflag:s16], $0x1400  }
0x65: {  	[sflag:s16] =	ssyncset.done $0x0  }
0x66: {  	s28 =	simm.s32 $0x2990;
	[sflag:s16] =	ssyncadd.s32 $0xFFFFEC00  }
0x67: {  	[tilespmem:s29], [sflag:$0x4] =	stream.indirect.gather [hbm4b:s4+s20], $0x40, s28, s20, $0xb8;
	[tilespmem:$0x17570] =	vst v63  }
0x68: {  	_ =	swait.ge [sflag:s5], $0x1400  }
0x69: {  	[sflag:s5] =	ssyncset.done $0x0  }
0x6a: {  	s30 =	simm.s32 $0x4F60;
	[sflag:s5] =	ssyncadd.s32 $0xFFFFEC00  }
0x6b: {  	[spmem:s2] =	stream.indirect.scatter.add.f32 [tilespmem:s31], [sflag:$0x6], $0x40, s30, s20, $0xb8;
	[tilespmem:$0x17570] =	vst v63  }
0x6c: {  	_ =	swait.ge [sflag:s16], $0x1400  }
0x6d: {  	[sflag:s16] =	ssyncset.done $0x0  }
0x6e: {  	s14 =	simm.s32 $0x640;
	s23 =	simm.s32 $0x29E0;
	[sflag:s16] =	ssyncadd.s32 $0xFFFFEC00  }
.LBB2_4:
0x6f: {  	[tilespmem:s31], [sflag:$0x5] =	stream.indirect.gather [hbm4b:s4+s20], $0x40, s23, s20, $0xb8;
	[tilespmem:$0x17570] =	vst v63  }
0x70: {  	s23 =	smov.u32 s14  }
0x71: {  	p1 =	sne.s32 s14, $0x8FC0;
	s14 =	sadd.s32 $0x640, s14;
	_ =	swait.ge [sflag:s1], $0x1400  }
0x72: {  	s23 =	sshra.s32 s23, $0x2;
	[sflag:s1] =	ssyncset.done $0x0  }
0x73: {  	s25 =	sadd.s32 $0x4E20, s23;
	[sflag:s1] =	ssyncadd.s32 $0xFFFFEC00  }
0x74: {  	[spmem:s2] =	stream.indirect.scatter.add.f32 [tilespmem:s22], [sflag:$0x6], $0x40, s25, s20, $0xb8;
	[tilespmem:$0x17570] =	vst v63  }
0x75: {  	_ =	swait.ge [sflag:s16], $0x1400  }
0x76: {  	[sflag:s16] =	ssyncset.done $0x0  }
0x77: {  	s25 =	sadd.s32 $0x28A0, s23;
	[sflag:s16] =	ssyncadd.s32 $0xFFFFEC00  }
0x78: {  	[tilespmem:s22], [sflag:$0x1] =	stream.indirect.gather [hbm4b:s4+s20], $0x40, s25, s20, $0xb8;
	[tilespmem:$0x17570] =	vst v63  }
0x79: {  	_ =	swait.ge [sflag:s0], $0x1400  }
0x7a: {  	[sflag:s0] =	ssyncset.done $0x0  }
0x7b: {  	s25 =	sadd.s32 $0x4E70, s23;
	[sflag:s0] =	ssyncadd.s32 $0xFFFFEC00  }
0x7c: {  	[spmem:s2] =	stream.indirect.scatter.add.f32 [tilespmem:s24], [sflag:$0x6], $0x40, s25, s20, $0xb8;
	[tilespmem:$0x17570] =	vst v63  }
0x7d: {  	_ =	swait.ge [sflag:s16], $0x1400  }
0x7e: {  	[sflag:s16] =	ssyncset.done $0x0  }
0x7f: {  	s25 =	sadd.s32 $0x28F0, s23;
	[sflag:s16] =	ssyncadd.s32 $0xFFFFEC00  }
0x80: {  	[tilespmem:s24], [sflag:$0x2] =	stream.indirect.gather [hbm4b:s4+s20], $0x40, s25, s20, $0xb8;
	[tilespmem:$0x17570] =	vst v63  }
0x81: {  	_ =	swait.ge [sflag:s17], $0x1400  }
0x82: {  	[sflag:s17] =	ssyncset.done $0x0  }
0x83: {  	s25 =	sadd.s32 $0x4EC0, s23;
	[sflag:s17] =	ssyncadd.s32 $0xFFFFEC00  }
0x84: {  	[spmem:s2] =	stream.indirect.scatter.add.f32 [tilespmem:s26], [sflag:$0x6], $0x40, s25, s20, $0xb8;
	[tilespmem:$0x17570] =	vst v63  }
0x85: {  	_ =	swait.ge [sflag:s16], $0x1400  }
0x86: {  	[sflag:s16] =	ssyncset.done $0x0  }
0x87: {  	s25 =	sadd.s32 $0x2940, s23;
	[sflag:s16] =	ssyncadd.s32 $0xFFFFEC00  }
0x88: {  	[tilespmem:s26], [sflag:$0x3] =	stream.indirect.gather [hbm4b:s4+s20], $0x40, s25, s20, $0xb8;
	[tilespmem:$0x17570] =	vst v63  }
0x89: {  	_ =	swait.ge [sflag:s3], $0x1400  }
0x8a: {  	[sflag:s3] =	ssyncset.done $0x0  }
0x8b: {  	s25 =	sadd.s32 $0x4F10, s23;
	[sflag:s3] =	ssyncadd.s32 $0xFFFFEC00  }
0x8c: {  	[spmem:s2] =	stream.indirect.scatter.add.f32 [tilespmem:s29], [sflag:$0x6], $0x40, s25, s20, $0xb8;
	[tilespmem:$0x17570] =	vst v63  }
0x8d: {  	_ =	swait.ge [sflag:s16], $0x1400  }
0x8e: {  	[sflag:s16] =	ssyncset.done $0x0  }
0x8f: {  	s25 =	sadd.s32 $0x2990, s23;
	[sflag:s16] =	ssyncadd.s32 $0xFFFFEC00  }
0x90: {  	[tilespmem:s29], [sflag:$0x4] =	stream.indirect.gather [hbm4b:s4+s20], $0x40, s25, s20, $0xb8;
	[tilespmem:$0x17570] =	vst v63  }
0x91: {  	_ =	swait.ge [sflag:s5], $0x1400  }
0x92: {  	[sflag:s5] =	ssyncset.done $0x0  }
.Ltmp1:
0x93: {  	s25 =	sadd.s32 $0x4F60, s23;
	[sflag:s5] =	ssyncadd.s32 $0xFFFFEC00;
	(pc) =	sbr.rel @p1 .LBB2_4-.Ltmp1, $4  }
0x94: {  	[spmem:s2] =	stream.indirect.scatter.add.f32 [tilespmem:s31], [sflag:$0x6], $0x40, s25, s20, $0xb8;
	[tilespmem:$0x17570] =	vst v63  }
0x95: {  	_ =	swait.ge [sflag:s16], $0x1400  }
0x96: {  	[sflag:s16] =	ssyncset.done $0x0  }
0x97: {  	s23 =	sadd.s32 $0x29E0, s23;
	[sflag:s16] =	ssyncadd.s32 $0xFFFFEC00  }
0x98: {  	[tilespmem:s31], [sflag:$0x5] =	stream.indirect.gather [hbm4b:s4+s20], $0x40, s23, s20, $0xb8;
	[tilespmem:$0x17570] =	vst v63  }
0x99: {  	_ =	swait.ge [sflag:s1], $0x1400  }
0x9a: {  	[sflag:s1] =	ssyncset.done $0x0  }
0x9b: {  	[sflag:s1] =	ssyncadd.s32 $0xFFFFEC00  }
0x9c: {  	[spmem:s2] =	stream.indirect.scatter.add.f32 [tilespmem:s22], [sflag:$0x6], $0x40, s6, s20, $0xb8;
	[tilespmem:$0x17570] =	vst v63  }
0x9d: {  	_ =	swait.ge [sflag:s16], $0x1400  }
0x9e: {  	[sflag:s16] =	ssyncset.done $0x0  }
0x9f: {  	[sflag:s16] =	ssyncadd.s32 $0xFFFFEC00  }
0xa0: {  	_ =	swait.ge [sflag:s0], $0x1400  }
0xa1: {  	[sflag:s0] =	ssyncset.done $0x0  }
0xa2: {  	[sflag:s0] =	ssyncadd.s32 $0xFFFFEC00  }
0xa3: {  	[spmem:s2] =	stream.indirect.scatter.add.f32 [tilespmem:s24], [sflag:$0x6], $0x40, s7, s20, $0xb8;
	[tilespmem:$0x17570] =	vst v63  }
0xa4: {  	_ =	swait.ge [sflag:s16], $0x1400  }
0xa5: {  	[sflag:s16] =	ssyncset.done $0x0  }
0xa6: {  	[sflag:s16] =	ssyncadd.s32 $0xFFFFEC00  }
0xa7: {  	_ =	swait.ge [sflag:s17], $0x1400  }
0xa8: {  	[sflag:s17] =	ssyncset.done $0x0  }
0xa9: {  	[sflag:s17] =	ssyncadd.s32 $0xFFFFEC00  }
0xaa: {  	[spmem:s2] =	stream.indirect.scatter.add.f32 [tilespmem:s26], [sflag:$0x6], $0x40, s11, s20, $0xb8;
	[tilespmem:$0x17570] =	vst v63  }
0xab: {  	_ =	swait.ge [sflag:s16], $0x1400  }
0xac: {  	[sflag:s16] =	ssyncset.done $0x0  }
0xad: {  	[sflag:s16] =	ssyncadd.s32 $0xFFFFEC00  }
0xae: {  	_ =	swait.ge [sflag:s3], $0x1400  }
0xaf: {  	[sflag:s3] =	ssyncset.done $0x0  }
0xb0: {  	[sflag:s3] =	ssyncadd.s32 $0xFFFFEC00  }
0xb1: {  	[spmem:s2] =	stream.indirect.scatter.add.f32 [tilespmem:s29], [sflag:$0x6], $0x40, s12, s20, $0xb8;
	[tilespmem:$0x17570] =	vst v63  }
0xb2: {  	_ =	swait.ge [sflag:s16], $0x1400  }
0xb3: {  	[sflag:s16] =	ssyncset.done $0x0  }
0xb4: {  	[sflag:s16] =	ssyncadd.s32 $0xFFFFEC00  }
0xb5: {  	_ =	swait.ge [sflag:s5], $0x1400  }
0xb6: {  	[sflag:s5] =	ssyncset.done $0x0  }
0xb7: {  	[sflag:s5] =	ssyncadd.s32 $0xFFFFEC00  }
0xb8: {  	[spmem:s2] =	stream.indirect.scatter.add.f32 [tilespmem:s31], [sflag:$0x6], $0x40, s13, s20, $0xb8;
	[tilespmem:$0x17570] =	vst v63  }
0xb9: {  	_ =	swait.ge [sflag:s16], $0x1400  }
0xba: {  	[sflag:s16] =	ssyncset.done $0x0  }
0xbb: {  	[sflag:s16] =	ssyncadd.s32 $0xFFFFEC00  }
0xbc: {  	s14 =	simm.s32 @p0 $0x1;
	s23 =	simm.s32 @p0 $0x10;
	[bflag:$0x0] =	sbarrier.arrive $0xFFFF  }
0xbd: {  	s25 =	simm.s32 @p0 $0x8;
	s28 =	simm.s32 @p0 $0x1FC6;
	s30 =	rddreg [dreg:$0x8]  }
0xbe: {  	[hbm:s30@s23], [sflag:s28] =	dma.strided @p0 [spmem:s18@s25], $0x1400, s14, $0x8   }
0xbf: {  	s14 =	simm.s32 @p0 $0x6  }
0xc0: {  	_ =	swait.ge @p0 [sflag:s14], $0x1400  }
0xc1: {  	[sflag:s14] =	ssyncset.done @p0 $0x0  }
0xc2: {  	s23 =	simm.s32 @!p0 $0x1;
	[sflag:s14] =	ssyncadd.s32 @p0 $0xFFFFEC00;
	s14 =	rddreg [dreg:$0x7]  }
0xc3: {  	s25 =	simm.s32 @!p0 $0x10;
	s28 =	simm.s32 @!p0 $0x8;
	s14 =	sshrl.u32 @!p0 s14, $0x3  }
0xc4: {  	[hbm:s10@s25], [sflag:s19] =	dma.strided @!p0 [spmem:s14@s28], $0x1380, s23, $0x8   }
0xc5: {  	s23 =	simm.s32 @!p0 $0x6  }
0xc6: {  	_ =	swait.ge @!p0 [sflag:s23], $0x1380  }
0xc7: {  	[sflag:s23] =	ssyncset.done @!p0 $0x0  }
0xc8: {  	[sflag:s23] =	ssyncadd.s32 @!p0 $0xFFFFEC80;
	s23 =	simm.s32 $0x0  }
0xc9: {  	v3 =	vld [tilespmem:s23+$0x2710]  }
0xca: {  	v2 =	vld [tilespmem:s23+$0x2720]  }
0xcb: {  	v1 =	vld [tilespmem:s23+$0x2730]  }
0xcc: {  	s25 =	simm.s32 $0x140;
	v0 =	vld [tilespmem:s23+$0x2740]  }
.LBB2_6:
0xcd: {  	p1 =	sne.s32 s25, $0x9B00;
	v4 =	vld [tilespmem:s23+$0x2750]  }
0xce: {  	v3 =	vadd.s32 $0x1, v3  }
.Ltmp2:
0xcf: {  	s28 =	sshra.s32 s25, $0x2;
	[tilespmem:s23+$0x2710] =	vst v3;
	v2 =	vadd.s32 $0x1, v2;
	(pc) =	sbr.rel @p1 .LBB2_6-.Ltmp2, $4  }
0xd0: {  	v3 =	vld [tilespmem:s28+$0x2710];
	[tilespmem:s23+$0x2720] =	vst v2;
	v1 =	vadd.s32 $0x1, v1  }
0xd1: {  	v2 =	vld [tilespmem:s28+$0x2720];
	[tilespmem:s23+$0x2730] =	vst v1;
	v0 =	vadd.s32 $0x1, v0  }
0xd2: {  	v1 =	vld [tilespmem:s28+$0x2730];
	[tilespmem:s23+$0x2740] =	vst v0;
	v4 =	vadd.s32 $0x1, v4  }
0xd3: {  	s25 =	sadd.s32 $0x140, s25;
	v0 =	vld [tilespmem:s28+$0x2740];
	[tilespmem:s23+$0x2750] =	vst v4;
	s23 =	smov.u32 s28  }
0xd4: {  	v4 =	vld [tilespmem:s23+$0x2750]  }
0xd5: {  	v3 =	vadd.s32 $0x1, v3  }
0xd6: {  	[tilespmem:s23+$0x2710] =	vst v3;
	v2 =	vadd.s32 $0x1, v2  }
0xd7: {  	[tilespmem:s23+$0x2720] =	vst v2;
	v1 =	vadd.s32 $0x1, v1  }
0xd8: {  	[tilespmem:s23+$0x2730] =	vst v1;
	v0 =	vadd.s32 $0x1, v0  }
0xd9: {  	[tilespmem:s23+$0x2740] =	vst v0;
	v63 =	vadd.s32 $0x1, v4  }
0xda: {  	[tilespmem:s23+$0x2750] =	vst v63;
	s23 =	simm.s32 @p0 $0x1FC6  }
0xdb: {  	[spmem:s18], [sflag:s23] =	dma.local @p0 [hbm:s9], $0x1400  }
0xdc: {  	s23 =	simm.s32 @p0 $0x6  }
0xdd: {  	_ =	swait.ge @p0 [sflag:s23], $0x1400  }
0xde: {  	[sflag:s23] =	ssyncset.done @p0 $0x0  }
0xdf: {  	[sflag:s23] =	ssyncadd.s32 @p0 $0xFFFFEC00  }
0xe0: {  	[spmem:s15], [sflag:s19] =	dma.local @!p0 [hbm:s8], $0x1380  }
0xe1: {  	s15 =	simm.s32 @!p0 $0x6  }
0xe2: {  	_ =	swait.ge @!p0 [sflag:s15], $0x1380  }
0xe3: {  	[sflag:s15] =	ssyncset.done @!p0 $0x0  }
0xe4: {  	[sflag:s15] =	ssyncadd.s32 @!p0 $0xFFFFEC80  }
0xe5: {  	s28 =	simm.s32 $0x2710;
	[bflag:$0x0] =	sbarrier.arrive $0xFFFF  }
0xe6: {  	[tilespmem:s22], [sflag:$0x1] =	stream.indirect.gather [hbm4b:s4+s20], $0x40, s28, s20, $0xb8;
	[tilespmem:$0x17570] =	vst v63  }
0xe7: {  	s30 =	simm.s32 $0x2760  }
0xe8: {  	[tilespmem:s24], [sflag:$0x2] =	stream.indirect.gather [hbm4b:s4+s20], $0x40, s30, s20, $0xb8;
	[tilespmem:$0x17570] =	vst v63  }
0xe9: {  	s23 =	simm.s32 $0x27B0  }
0xea: {  	[tilespmem:s26], [sflag:$0x3] =	stream.indirect.gather [hbm4b:s4+s20], $0x40, s23, s20, $0xb8;
	[tilespmem:$0x17570] =	vst v63  }
0xeb: {  	s25 =	simm.s32 $0x2800  }
0xec: {  	[tilespmem:s29], [sflag:$0x4] =	stream.indirect.gather [hbm4b:s4+s20], $0x40, s25, s20, $0xb8;
	[tilespmem:$0x17570] =	vst v63  }
0xed: {  	s28 =	simm.s32 $0x2850  }
0xee: {  	[tilespmem:s31], [sflag:$0x5] =	stream.indirect.gather [hbm4b:s4+s20], $0x40, s28, s20, $0xb8;
	[tilespmem:$0x17570] =	vst v63  }
0xef: {  	_ =	swait.ge [sflag:s1], $0x1400  }
0xf0: {  	[sflag:s1] =	ssyncset.done $0x0  }
0xf1: {  	s30 =	simm.s32 $0x4E20;
	[sflag:s1] =	ssyncadd.s32 $0xFFFFEC00  }
0xf2: {  	[spmem:s2] =	stream.indirect.scatter.add.f32 [tilespmem:s22], [sflag:$0x6], $0x40, s30, s20, $0xb8;
	[tilespmem:$0x17570] =	vst v63  }
0xf3: {  	_ =	swait.ge [sflag:s16], $0x1400  }
0xf4: {  	[sflag:s16] =	ssyncset.done $0x0  }
0xf5: {  	s23 =	simm.s32 $0x28A0;
	[sflag:s16] =	ssyncadd.s32 $0xFFFFEC00  }
0xf6: {  	[tilespmem:s22], [sflag:$0x1] =	stream.indirect.gather [hbm4b:s4+s20], $0x40, s23, s20, $0xb8;
	[tilespmem:$0x17570] =	vst v63  }
0xf7: {  	_ =	swait.ge [sflag:s0], $0x1400  }
0xf8: {  	[sflag:s0] =	ssyncset.done $0x0  }
0xf9: {  	s25 =	simm.s32 $0x4E70;
	[sflag:s0] =	ssyncadd.s32 $0xFFFFEC00  }
0xfa: {  	[spmem:s2] =	stream.indirect.scatter.add.f32 [tilespmem:s24], [sflag:$0x6], $0x40, s25, s20, $0xb8;
	[tilespmem:$0x17570] =	vst v63  }
0xfb: {  	_ =	swait.ge [sflag:s16], $0x1400  }
0xfc: {  	[sflag:s16] =	ssyncset.done $0x0  }
0xfd: {  	s28 =	simm.s32 $0x28F0;
	[sflag:s16] =	ssyncadd.s32 $0xFFFFEC00  }
0xfe: {  	[tilespmem:s24], [sflag:$0x2] =	stream.indirect.gather [hbm4b:s4+s20], $0x40, s28, s20, $0xb8;
	[tilespmem:$0x17570] =	vst v63  }
0xff: {  	_ =	swait.ge [sflag:s17], $0x1400  }
0x100: {  	[sflag:s17] =	ssyncset.done $0x0  }
0x101: {  	s30 =	simm.s32 $0x4EC0;
	[sflag:s17] =	ssyncadd.s32 $0xFFFFEC00  }
0x102: {  	[spmem:s2] =	stream.indirect.scatter.add.f32 [tilespmem:s26], [sflag:$0x6], $0x40, s30, s20, $0xb8;
	[tilespmem:$0x17570] =	vst v63  }
0x103: {  	_ =	swait.ge [sflag:s16], $0x1400  }
0x104: {  	[sflag:s16] =	ssyncset.done $0x0  }
0x105: {  	s23 =	simm.s32 $0x2940;
	[sflag:s16] =	ssyncadd.s32 $0xFFFFEC00  }
0x106: {  	[tilespmem:s26], [sflag:$0x3] =	stream.indirect.gather [hbm4b:s4+s20], $0x40, s23, s20, $0xb8;
	[tilespmem:$0x17570] =	vst v63  }
0x107: {  	_ =	swait.ge [sflag:s3], $0x1400  }
0x108: {  	[sflag:s3] =	ssyncset.done $0x0  }
0x109: {  	s25 =	simm.s32 $0x4F10;
	[sflag:s3] =	ssyncadd.s32 $0xFFFFEC00  }
0x10a: {  	[spmem:s2] =	stream.indirect.scatter.add.f32 [tilespmem:s29], [sflag:$0x6], $0x40, s25, s20, $0xb8;
	[tilespmem:$0x17570] =	vst v63  }
0x10b: {  	_ =	swait.ge [sflag:s16], $0x1400  }
0x10c: {  	[sflag:s16] =	ssyncset.done $0x0  }
0x10d: {  	s28 =	simm.s32 $0x2990;
	[sflag:s16] =	ssyncadd.s32 $0xFFFFEC00  }
0x10e: {  	[tilespmem:s29], [sflag:$0x4] =	stream.indirect.gather [hbm4b:s4+s20], $0x40, s28, s20, $0xb8;
	[tilespmem:$0x17570] =	vst v63  }
0x10f: {  	_ =	swait.ge [sflag:s5], $0x1400  }
0x110: {  	[sflag:s5] =	ssyncset.done $0x0  }
0x111: {  	s30 =	simm.s32 $0x4F60;
	[sflag:s5] =	ssyncadd.s32 $0xFFFFEC00  }
0x112: {  	[spmem:s2] =	stream.indirect.scatter.add.f32 [tilespmem:s31], [sflag:$0x6], $0x40, s30, s20, $0xb8;
	[tilespmem:$0x17570] =	vst v63  }
0x113: {  	_ =	swait.ge [sflag:s16], $0x1400  }
0x114: {  	[sflag:s16] =	ssyncset.done $0x0  }
0x115: {  	s15 =	simm.s32 $0x640;
	s23 =	simm.s32 $0x29E0;
	[sflag:s16] =	ssyncadd.s32 $0xFFFFEC00  }
.LBB2_8:
0x116: {  	[tilespmem:s31], [sflag:$0x5] =	stream.indirect.gather [hbm4b:s4+s20], $0x40, s23, s20, $0xb8;
	[tilespmem:$0x17570] =	vst v63  }
0x117: {  	s23 =	smov.u32 s15  }
0x118: {  	p1 =	sne.s32 s15, $0x8FC0;
	s15 =	sadd.s32 $0x640, s15;
	_ =	swait.ge [sflag:s1], $0x1400  }
0x119: {  	s23 =	sshra.s32 s23, $0x2;
	[sflag:s1] =	ssyncset.done $0x0  }
0x11a: {  	s25 =	sadd.s32 $0x4E20, s23;
	[sflag:s1] =	ssyncadd.s32 $0xFFFFEC00  }
0x11b: {  	[spmem:s2] =	stream.indirect.scatter.add.f32 [tilespmem:s22], [sflag:$0x6], $0x40, s25, s20, $0xb8;
	[tilespmem:$0x17570] =	vst v63  }
0x11c: {  	_ =	swait.ge [sflag:s16], $0x1400  }
0x11d: {  	[sflag:s16] =	ssyncset.done $0x0  }
0x11e: {  	s25 =	sadd.s32 $0x28A0, s23;
	[sflag:s16] =	ssyncadd.s32 $0xFFFFEC00  }
0x11f: {  	[tilespmem:s22], [sflag:$0x1] =	stream.indirect.gather [hbm4b:s4+s20], $0x40, s25, s20, $0xb8;
	[tilespmem:$0x17570] =	vst v63  }
0x120: {  	_ =	swait.ge [sflag:s0], $0x1400  }
0x121: {  	[sflag:s0] =	ssyncset.done $0x0  }
0x122: {  	s25 =	sadd.s32 $0x4E70, s23;
	[sflag:s0] =	ssyncadd.s32 $0xFFFFEC00  }
0x123: {  	[spmem:s2] =	stream.indirect.scatter.add.f32 [tilespmem:s24], [sflag:$0x6], $0x40, s25, s20, $0xb8;
	[tilespmem:$0x17570] =	vst v63  }
0x124: {  	_ =	swait.ge [sflag:s16], $0x1400  }
0x125: {  	[sflag:s16] =	ssyncset.done $0x0  }
0x126: {  	s25 =	sadd.s32 $0x28F0, s23;
	[sflag:s16] =	ssyncadd.s32 $0xFFFFEC00  }
0x127: {  	[tilespmem:s24], [sflag:$0x2] =	stream.indirect.gather [hbm4b:s4+s20], $0x40, s25, s20, $0xb8;
	[tilespmem:$0x17570] =	vst v63  }
0x128: {  	_ =	swait.ge [sflag:s17], $0x1400  }
0x129: {  	[sflag:s17] =	ssyncset.done $0x0  }
0x12a: {  	s25 =	sadd.s32 $0x4EC0, s23;
	[sflag:s17] =	ssyncadd.s32 $0xFFFFEC00  }
0x12b: {  	[spmem:s2] =	stream.indirect.scatter.add.f32 [tilespmem:s26], [sflag:$0x6], $0x40, s25, s20, $0xb8;
	[tilespmem:$0x17570] =	vst v63  }
0x12c: {  	_ =	swait.ge [sflag:s16], $0x1400  }
0x12d: {  	[sflag:s16] =	ssyncset.done $0x0  }
0x12e: {  	s25 =	sadd.s32 $0x2940, s23;
	[sflag:s16] =	ssyncadd.s32 $0xFFFFEC00  }
0x12f: {  	[tilespmem:s26], [sflag:$0x3] =	stream.indirect.gather [hbm4b:s4+s20], $0x40, s25, s20, $0xb8;
	[tilespmem:$0x17570] =	vst v63  }
0x130: {  	_ =	swait.ge [sflag:s3], $0x1400  }
0x131: {  	[sflag:s3] =	ssyncset.done $0x0  }
0x132: {  	s25 =	sadd.s32 $0x4F10, s23;
	[sflag:s3] =	ssyncadd.s32 $0xFFFFEC00  }
0x133: {  	[spmem:s2] =	stream.indirect.scatter.add.f32 [tilespmem:s29], [sflag:$0x6], $0x40, s25, s20, $0xb8;
	[tilespmem:$0x17570] =	vst v63  }
0x134: {  	_ =	swait.ge [sflag:s16], $0x1400  }
0x135: {  	[sflag:s16] =	ssyncset.done $0x0  }
0x136: {  	s25 =	sadd.s32 $0x2990, s23;
	[sflag:s16] =	ssyncadd.s32 $0xFFFFEC00  }
0x137: {  	[tilespmem:s29], [sflag:$0x4] =	stream.indirect.gather [hbm4b:s4+s20], $0x40, s25, s20, $0xb8;
	[tilespmem:$0x17570] =	vst v63  }
0x138: {  	_ =	swait.ge [sflag:s5], $0x1400  }
0x139: {  	[sflag:s5] =	ssyncset.done $0x0  }
.Ltmp3:
0x13a: {  	s25 =	sadd.s32 $0x4F60, s23;
	[sflag:s5] =	ssyncadd.s32 $0xFFFFEC00;
	(pc) =	sbr.rel @p1 .LBB2_8-.Ltmp3, $4  }
0x13b: {  	[spmem:s2] =	stream.indirect.scatter.add.f32 [tilespmem:s31], [sflag:$0x6], $0x40, s25, s20, $0xb8;
	[tilespmem:$0x17570] =	vst v63  }
0x13c: {  	_ =	swait.ge [sflag:s16], $0x1400  }
0x13d: {  	[sflag:s16] =	ssyncset.done $0x0  }
0x13e: {  	s23 =	sadd.s32 $0x29E0, s23;
	[sflag:s16] =	ssyncadd.s32 $0xFFFFEC00  }
0x13f: {  	[tilespmem:s31], [sflag:$0x5] =	stream.indirect.gather [hbm4b:s4+s20], $0x40, s23, s20, $0xb8;
	[tilespmem:$0x17570] =	vst v63  }
0x140: {  	_ =	swait.ge [sflag:s1], $0x1400  }
0x141: {  	[sflag:s1] =	ssyncset.done $0x0  }
0x142: {  	[sflag:s1] =	ssyncadd.s32 $0xFFFFEC00  }
0x143: {  	[spmem:s2] =	stream.indirect.scatter.add.f32 [tilespmem:s22], [sflag:$0x6], $0x40, s6, s20, $0xb8;
	[tilespmem:$0x17570] =	vst v63  }
0x144: {  	_ =	swait.ge [sflag:s16], $0x1400  }
0x145: {  	[sflag:s16] =	ssyncset.done $0x0  }
0x146: {  	[sflag:s16] =	ssyncadd.s32 $0xFFFFEC00  }
0x147: {  	_ =	swait.ge [sflag:s0], $0x1400  }
0x148: {  	[sflag:s0] =	ssyncset.done $0x0  }
0x149: {  	[sflag:s0] =	ssyncadd.s32 $0xFFFFEC00  }
0x14a: {  	[spmem:s2] =	stream.indirect.scatter.add.f32 [tilespmem:s24], [sflag:$0x6], $0x40, s7, s20, $0xb8;
	[tilespmem:$0x17570] =	vst v63  }
0x14b: {  	_ =	swait.ge [sflag:s16], $0x1400  }
0x14c: {  	[sflag:s16] =	ssyncset.done $0x0  }
0x14d: {  	[sflag:s16] =	ssyncadd.s32 $0xFFFFEC00  }
0x14e: {  	_ =	swait.ge [sflag:s17], $0x1400  }
0x14f: {  	[sflag:s17] =	ssyncset.done $0x0  }
0x150: {  	[sflag:s17] =	ssyncadd.s32 $0xFFFFEC00  }
0x151: {  	[spmem:s2] =	stream.indirect.scatter.add.f32 [tilespmem:s26], [sflag:$0x6], $0x40, s11, s20, $0xb8;
	[tilespmem:$0x17570] =	vst v63  }
0x152: {  	_ =	swait.ge [sflag:s16], $0x1400  }
0x153: {  	[sflag:s16] =	ssyncset.done $0x0  }
0x154: {  	[sflag:s16] =	ssyncadd.s32 $0xFFFFEC00  }
0x155: {  	_ =	swait.ge [sflag:s3], $0x1400  }
0x156: {  	[sflag:s3] =	ssyncset.done $0x0  }
0x157: {  	[sflag:s3] =	ssyncadd.s32 $0xFFFFEC00  }
0x158: {  	[spmem:s2] =	stream.indirect.scatter.add.f32 [tilespmem:s29], [sflag:$0x6], $0x40, s12, s20, $0xb8;
	[tilespmem:$0x17570] =	vst v63  }
0x159: {  	_ =	swait.ge [sflag:s16], $0x1400  }
0x15a: {  	[sflag:s16] =	ssyncset.done $0x0  }
0x15b: {  	[sflag:s16] =	ssyncadd.s32 $0xFFFFEC00  }
0x15c: {  	_ =	swait.ge [sflag:s5], $0x1400  }
0x15d: {  	[sflag:s5] =	ssyncset.done $0x0  }
0x15e: {  	[sflag:s5] =	ssyncadd.s32 $0xFFFFEC00  }
0x15f: {  	[spmem:s2] =	stream.indirect.scatter.add.f32 [tilespmem:s31], [sflag:$0x6], $0x40, s13, s20, $0xb8;
	[tilespmem:$0x17570] =	vst v63  }
0x160: {  	_ =	swait.ge [sflag:s16], $0x1400  }
0x161: {  	[sflag:s16] =	ssyncset.done $0x0  }
0x162: {  	[sflag:s16] =	ssyncadd.s32 $0xFFFFEC00  }
0x163: {  	s15 =	simm.s32 @p0 $0x1;
	s23 =	simm.s32 @p0 $0x10;
	[bflag:$0x0] =	sbarrier.arrive $0xFFFF  }
0x164: {  	s25 =	simm.s32 @p0 $0x8;
	s28 =	simm.s32 @p0 $0x1FC6;
	s30 =	rddreg [dreg:$0xa]  }
0x165: {  	[hbm:s30@s23], [sflag:s28] =	dma.strided @p0 [spmem:s18@s25], $0x1400, s15, $0x8   }
0x166: {  	s15 =	simm.s32 @p0 $0x6  }
0x167: {  	_ =	swait.ge @p0 [sflag:s15], $0x1400  }
0x168: {  	s23 =	simm.s32 @!p0 $0x10;
	s25 =	simm.s32 @!p0 $0x8;
	[sflag:s15] =	ssyncset.done @p0 $0x0  }
0x169: {  	s28 =	rddreg [dreg:$0x9];
	[sflag:s15] =	ssyncadd.s32 @p0 $0xFFFFEC00;
	s15 =	simm.s32 @!p0 $0x1  }
0x16a: {  	[hbm:s28@s23], [sflag:s19] =	dma.strided @!p0 [spmem:s14@s25], $0x1380, s15, $0x8   }
0x16b: {  	s14 =	simm.s32 @!p0 $0x6  }
0x16c: {  	_ =	swait.ge @!p0 [sflag:s14], $0x1380  }
0x16d: {  	s21 =	sadd.s32 $0x1, s21;
	s30 =	rddreg [dreg:$0xb]  }
0x16e: {  	p1 =	sne.s32 s21, s30  }
.Ltmp4:
0x16f: {  	_ = 	snop;
	(pc) =	sbr.rel @p1 .LBB2_1-.Ltmp4, $3  }
0x170: {  	_ =	sdelay $0x1  }
0x171: {  	[sflag:s14] =	ssyncset.done @!p0 $0x0  }
0x172: {  	[sflag:s14] =	ssyncadd.s32 @!p0 $0xFFFFEC80  }
0x173: {  	_ =	sfence.sel $0x180000  }
0x174: {  	[bflag:$0x0] =	sbarrier.arrive $0xFFFF  }
0x175: {  	_ =	strace $0x9000004A  }
0x176: {  	s0 =	stileid.u32;
	[bflag:$0x2] =	sbarrier.arrive $0xFFFF  }
0x177: {  	p0 =	sne.s32 s0, $0x0;
	s0 =	rddreg [dreg:$0x3]  }
0x178: {  	s0 =	sadd.s32 @!p0 $0x100000, s0  }
0x179: {  	[sflag:s0] =	ssyncadd.tile.s32 @!p0 $0x1;
	_ =	shalt  }
.Lfunc_end2:
_tile_overlayer_lowered:
.L_overlay_start_2:
0x17a: {  	(tag) =	ssettag $0x2  }
0x17b: {  	s0 =	rddreg [dreg:$0x0];
	s2 =	stileid.u32  }
0x17c: {  	s1 =	rddreg [dreg:$0x1];
	p0 =	sne.s32 s2, $0x0  }
0x17d: {  	s3 =	rddreg [dreg:$0x2];
	[bflag:$0x3] =	sbarrier.arrive $0xFFFF;
	s2 =	simm.s32 @!p0 $0x1C06  }
0x17e: {  	[timem:s3], [sflag:s2] =	dma.local @!p0 [hbm:s0], s1  }
0x17f: {  	s0 =	simm.s32 @!p0 $0x6  }
0x180: {  	_ =	swait.ge @!p0 [sflag:s0], s1  }
0x181: {  	s1 =	ssub.s32 @!p0 $0x0, s1;
	[sflag:s0] =	ssyncset.done @!p0 $0x0  }
0x182: {  	[sflag:s0] =	ssyncadd.s32 @!p0 s1  }
0x183: {  	[bflag:$0x3] =	sbarrier.arrive $0xFFFF  }
0x184: {  	_ =	shalt  }

// kernel: kernel.14.cloned.1.call-start
scs
__scs_entry_jumppad:
0x0: {  	(pc) =	sbr.rel $0x88, $3  }
0x1: {  	(tag) =	ssettag $0x0;
	lr =	simm.s32 $0x1  }
0x2: {  	[smem:$0x3F9B] =	sst lr;
	_ =	strace $0xD0000000  }
0x3: {  	_ = 	snop  }
0x4: {  	_ = 	snop  }
0x5: {  	_ = 	snop  }
0x6: {  	_ = 	snop  }
0x7: {  	_ = 	snop  }
__scs_overlays_trampoline_lowered:
0x8: {  	[smem:$0x3FAA] =	sst s0  }
0x9: {  	[smem:$0x3FAB] =	sst s1  }
0xa: {  	[smem:$0x3FAC] =	sst s2  }
0xb: {  	[smem:$0x3FAD] =	sst s3  }
0xc: {  	[smem:$0x3FAE] =	sst s4  }
0xd: {  	[smem:$0x3FAF] =	sst s5  }
0xe: {  	[smem:$0x3FB0] =	sst s6  }
0xf: {  	[smem:$0x3FB1] =	sst s7  }
0x10: {  	[smem:$0x3FB2] =	sst s8  }
0x11: {  	[smem:$0x3FB3] =	sst s9;
	s0 =	simm.s32 @!p0 $0x0  }
0x12: {  	s1 =	sld [smem:$0x3F99];
	s0 =	simm.s32 @p0 $0x1  }
0x13: {  	[smem:$0x3FB4] =	sst s0;
	s0 =	simm.s32 @!p1 $0x0  }
0x14: {  	s2 =	sld [smem:$0x3F98];
	s0 =	simm.s32 @p1 $0x1  }
0x15: {  	[smem:$0x3FB5] =	sst s0;
	s0 =	simm.s32 @!p2 $0x0  }
0x16: {  	s3 =	sld [smem:$0x3FDB];
	s0 =	simm.s32 @p2 $0x1  }
0x17: {  	s4 =	simm.s32 $0x1BF5;
	[smem:$0x3FB7] =	sst s0  }
0x18: {  	s0 =	sld [smem:$0x3F9A];
	_ =	swait.ge [sflag:s4], $0x0  }
0x19: {  	s7 =	sld [smem:$0x3F9B]  }
0x1a: {  	s8 =	sadd.s32 $0xFFFFE003, lr  }
0x1b: {  	s9 =	sadd.s32 $0xFFFFFEF7, lr;
	s5 =	simm.s32 $0xFFFFFFFF;
	p2 =	slt.u32 s8, $0xFFFFF086  }
0x1c: {  	p1 =	slt.u32 s9, $0xF7A;
	s5 =	simm.s32 @!p2 $0x0  }
0x1d: {  	s5 =	simm.s32 @p1 $0x1;
	p0 =	seq.s32 s7, s2  }
0x1e: {  	s7 =	smul.u32 @!p0 $0xF7A, s2;
	p2 =	seq.s32 @!p0 s5, $0x0  }
0x1f: {  	s9 =	smul.u32 $0xF7A, s1;
	s8 =	simm.s32 @!p0 $0x1BF5;
	p2 =	por !p2, p0  }
0x20: {  	[sflag:s8] =	ssyncset.s32 @!p0 $0xFFFFF086;
	s6 =	sadd.s32 @!p0 s3, s7;
	s7 =	simm.s32 @!p0 $0x108  }
0x21: {  	s3 =	sadd.s32 s3, s9;
	s6 =	sadd.s32 @!p0 $0x88, s6;
	s7 =	simm.s32 @p2 $0x1082  }
0x22: {  	[simem:s7], [sflag:s8] =	dma.local @!p0 [hbm:s6], $0xF7A  }
0x23: {  	s9 =	sor.u32 $0xD0000000, s2;
	s6 =	simm.s32 $0x108;
	_ =	swait.ge @!p0 [sflag:s8], $0x0  }
0x24: {  	s3 =	sadd.s32 $0x88, s3;
	s6 =	simm.s32 @!p1 $0x1082;
	[sflag:s4] =	ssyncset.s32 $0xFFFFF086  }
0x25: {  	[simem:s6], [sflag:s4] =	dma.local [hbm:s3], $0xF7A  }
0x26: {  	[smem:$0x3F9B] =	sst s1;
	(tag) =	ssettag s2;
	_ =	strace s9  }
0x27: {  	s1 =	sld [smem:$0x3FAB]  }
0x28: {  	s2 =	sld [smem:$0x3FAC]  }
0x29: {  	s4 =	sld [smem:$0x3FAE]  }
0x2a: {  	p0 =	seq.s32 s5, $0x0;
	s5 =	sld [smem:$0x3FAF]  }
0x2b: {  	s6 =	sld [smem:$0x3FB0]  }
0x2c: {  	s7 =	sld [smem:$0x3FB1]  }
0x2d: {  	s3 =	simm.s32 $0x108;
	s8 =	sld [smem:$0x3FB2]  }
0x2e: {  	s3 =	simm.s32 @!p0 $0x1082;
	s9 =	sld [smem:$0x3FB3]  }
0x2f: {  	lr =	sadd.s32 s0, s3;
	s0 =	sld [smem:$0x3FAA]  }
0x30: {  	s3 =	sld [smem:$0x3FAD]  }
0x31: {  	[smem:$0x3FB6] =	sst s10  }
0x32: {  	s10 =	sld [smem:$0x3FB4];
	_ =	sdelay $0x3  }
0x33: {  	p0 =	seq.s32 s10, $0x1;
	s10 =	sld [smem:$0x3FB6];
	_ =	sdelay $0x3  }
0x34: {  	[smem:$0x3FB6] =	sst s10  }
0x35: {  	s10 =	sld [smem:$0x3FB5];
	_ =	sdelay $0x3  }
0x36: {  	p1 =	seq.s32 s10, $0x1;
	s10 =	sld [smem:$0x3FB6];
	_ =	sdelay $0x3  }
0x37: {  	[smem:$0x3FB6] =	sst s10  }
0x38: {  	s10 =	sld [smem:$0x3FB7]  }
0x39: {  	_ = 	snop;
	(pc) =	sbr.ind lr, $3  }
0x3a: {  	_ = 	snop  }
0x3b: {  	_ = 	snop  }
0x3c: {  	p2 =	seq.s32 s10, $0x1;
	s10 =	sld [smem:$0x3FB6]  }
0x3d: {  	_ =	shalt  }
0x3e: {  	_ =	shalt  }
0x3f: {  	_ =	shalt  }
0x40: {  	_ =	shalt  }
0x41: {  	_ =	shalt  }
0x42: {  	_ =	shalt  }
0x43: {  	_ =	shalt  }
0x44: {  	_ =	shalt  }
0x45: {  	_ =	shalt  }
0x46: {  	_ =	shalt  }
0x47: {  	_ =	shalt  }
0x48: {  	_ =	shalt  }
0x49: {  	_ =	shalt  }
0x4a: {  	_ =	shalt  }
0x4b: {  	_ =	shalt  }
0x4c: {  	_ =	shalt  }
0x4d: {  	_ =	shalt  }
0x4e: {  	_ =	shalt  }
0x4f: {  	_ =	shalt  }
0x50: {  	_ =	shalt  }
0x51: {  	_ =	shalt  }
0x52: {  	_ =	shalt  }
0x53: {  	_ =	shalt  }
0x54: {  	_ =	shalt  }
0x55: {  	_ =	shalt  }
0x56: {  	_ =	shalt  }
0x57: {  	_ =	shalt  }
0x58: {  	_ =	shalt  }
0x59: {  	_ =	shalt  }
0x5a: {  	_ =	shalt  }
0x5b: {  	_ =	shalt  }
0x5c: {  	_ =	shalt  }
0x5d: {  	_ =	shalt  }
0x5e: {  	_ =	shalt  }
0x5f: {  	_ =	shalt  }
0x60: {  	_ =	shalt  }
0x61: {  	_ =	shalt  }
0x62: {  	_ =	shalt  }
0x63: {  	_ =	shalt  }
0x64: {  	_ =	shalt  }
0x65: {  	_ =	shalt  }
0x66: {  	_ =	shalt  }
0x67: {  	_ =	shalt  }
0x68: {  	_ =	shalt  }
0x69: {  	_ =	shalt  }
0x6a: {  	_ =	shalt  }
0x6b: {  	_ =	shalt  }
0x6c: {  	_ =	shalt  }
0x6d: {  	_ =	shalt  }
0x6e: {  	_ =	shalt  }
0x6f: {  	_ =	shalt  }
0x70: {  	_ =	shalt  }
0x71: {  	_ =	shalt  }
0x72: {  	_ =	shalt  }
0x73: {  	_ =	shalt  }
0x74: {  	_ =	shalt  }
0x75: {  	_ =	shalt  }
0x76: {  	_ =	shalt  }
0x77: {  	_ =	shalt  }
0x78: {  	_ =	shalt  }
0x79: {  	_ =	shalt  }
0x7a: {  	_ =	shalt  }
0x7b: {  	_ =	shalt  }
0x7c: {  	_ =	shalt  }
0x7d: {  	_ =	shalt  }
0x7e: {  	_ =	shalt  }
0x7f: {  	_ =	shalt  }
0x80: {  	_ =	shalt  }
0x81: {  	_ =	shalt  }
0x82: {  	_ =	shalt  }
0x83: {  	_ =	shalt  }
0x84: {  	_ =	shalt  }
0x85: {  	_ =	shalt  }
0x86: {  	_ =	shalt  }
0x87: {  	_ =	shalt  }
.Lfunc_end0:
.L_simem_size_0:
called_computation.2_lowered:
.L_overlay_start_0:
0x88: {  	s2 =	sld [smem:$0x3FD9]  }
0x89: {  	s3 =	sld [smem:$0x3FFE];
	_ =	sdelay $0x1  }
0x8a: {  	s1 =	srdreg.scid  }
0x8b: {  	s0 =	sand.u32 $0x1, s1  }
0x8c: {  	s17 =	sshll.u32 s0, $0xA;
	s2 =	sadd.s32 s3, s2  }
0x8d: {  	s2 =	sadd.s32 s2, s17  }
0x8e: {  	[smem:$0x3FC2] =	sst s2  }
0x8f: {  	_ = 	snop  }
0x90: {  	s2 =	sld [smem:$0x3FD0];
	(tm) =	ssettm $0x1  }
0x91: {  	s18 =	sld [smem:$0x3FFB];
	_ =	sdelay $0x3  }
0x92: {  	_ =	strace s18  }
0x93: {  	s3 =	sld [smem:$0x3FFC];
	_ =	sdelay $0x3  }
0x94: {  	_ =	strace s3  }
0x95: {  	s3 =	sld [smem:$0x3FFD];
	_ =	sdelay $0x3  }
0x96: {  	_ =	strace s3  }
0x97: {  	_ =	strace $0x8FFFFFFF  }
0x98: {  	s19 =	sld [smem:$0x3FDB];
	_ =	sdelay $0x1  }
0x99: {  	s4 =	simm.s32 $_scs_section_size  }
0x9a: {  	s5 =	simm.s32 $_size__tile_overlayer_lowered;
	s6 =	simm.s32 $_tile_overlayer_lowered  }
0x9b: {  	s22 =	simm.s32 $0x1BFF;
	s21 =	sshll.u32 s6, $0x1;
	s3 =	sadd.s32 s4, s19  }
0x9c: {  	s7 =	simm.s32 $0x0;
	s20 =	sshll.u32 s5, $0x1;
	s5 =	sadd.s32 s21, s3  }
0x9d: {  	[timem:s7], [sflag:s22] =	dma.local [hbm:s5], s20  }
0x9e: {  	_ =	swait.ge [sflag:s22], s20  }
0x9f: {  	s4 =	ssub.s32 $0x0, s20;
	[sflag:s22] =	ssyncset.done $0x0  }
0xa0: {  	[sflag:s22] =	ssyncadd.s32 s4;
	_ =	sdelay $0x1  }
0xa1: {  	s23 =	simm.s32 $0x1B8B  }
0xa2: {  	_ =	swait.ge [sflag:s23], $0x1  }
0xa3: {  	[sflag:s23] =	ssyncset.done $0x0  }
0xa4: {  	s25 =	simm.s32 $0x1B8E;
	s24 =	sld [smem:$0x3FFE];
	[sflag:s23] =	ssyncadd.s32 $0xFFFFFFFF  }
0xa5: {  	s26 =	simm.s32 $execute0_lowered;
	[smem:$0x3FD2] =	sst s25  }
0xa6: {  	s5 =	sshll.u32 s26, $0x1;
	_ =	strace $0x8000004C;
	[dreg:$0x1] =	wrdreg $0xFFFFFFFF  }
0xa7: {  	s28 =	simm.s32 $_size_execute0_lowered;
	s3 =	sadd.s32 s3, s5;
	[dreg:$0x0] =	wrdreg $0x0  }
0xa8: {  	s5 =	sshll.u32 s28, $0x1;
	[dreg:$0x2] =	wrdreg s3  }
0xa9: {  	[dreg:$0x3] =	wrdreg s5  }
0xaa: {  	[dreg:$0x4] =	wrdreg $0xC0  }
0xab: {  	_ =	task [dreg:s7], $0x5FFFF  }
0xac: {  	[dreg:$0x1] =	wrdreg $0xFFFFFFFF  }
0xad: {  	[dreg:$0x0] =	wrdreg $0x60  }
0xae: {  	[dreg:$0x2] =	wrdreg s24  }
0xaf: {  	[dreg:$0x3] =	wrdreg s2  }
0xb0: {  	[dreg:$0x4] =	wrdreg $0xD9300  }
0xb1: {  	[dreg:$0x5] =	wrdreg $0x9  }
0xb2: {  	_ =	task.clear_ibuf [dreg:s7], $0x6FFFF;
	_ =	strace $0x9000004C  }
0xb3: {  	s29 =	simm.s32 $0x9;
	_ =	strace $0x8000004E  }
0xb4: {  	_ =	swait.ge [sflag:s29], $0x1  }
0xb5: {  	[sflag:s29] =	ssyncadd.s32 $0xFFFFFFFF  }
0xb6: {  	_ =	strace $0x9000004E  }
0xb7: {  	_ =	sfence  }
0xb8: {  	s30 =	sld [smem:$0x0];
	_ =	sdelay $0x2  }
0xb9: {  	s31 =	sshll.u32 s1, $0xD;
	s1 =	sshrl.u32 s1, $0x2  }
0xba: {  	s3 =	sand.u32 $0x4000, s31;
	s1 =	sadd.s32 s1, s30  }
0xbb: {  	s0 =	sor.u32 s3, s0;
	s1 =	sshll.u32 s1, $0x11  }
0xbc: {  	s0 =	sor.u32 s1, s0  }
0xbd: {  	s0 =	sadd.s32 $0x8F2B, s0  }
0xbe: {  	[sflag:s0] =	ssyncadd.remote.s32 $0x1  }
0xbf: {  	_ =	sfence.sel $0xFFFF  }
0xc0: {  	[dreg:$0x0] =	wrdreg $0xFFFFFFFF;
	(pc) =	sbr.abs _section_cstart, $3  }
0xc1: {  	[dreg:$0x1] =	wrdreg $0xFFFFFFFF  }
0xc2: {  	_ =	task.clear_ibuf [dreg:s7], $0x2FFFF;
	_ =	strace $0x9FFFFFFF  }
0xc3: {  	(tm) =	ssettm $0x7FFFFFFF  }
tec
execute0_lowered:
.L_overlay_start_1:
0x0: {  	(tag) =	ssettag $0x1  }
0x1: {  	s0 =	rddreg [dreg:$0x0]  }
0x2: {  	s1 =	rddreg [dreg:$0x1];
	s3 =	srdreg.scid  }
0x3: {  	s12 =	stileid.u32;
	s2 =	rddreg [dreg:$0x2]  }
0x4: {  	s5 =	simm.s32 $0x0;
	s16 =	simm.s32 $0x6;
	s29 =	simm.s32 $0xB130  }
0x5: {  	s31 =	simm.s32 $0xC530;
	s17 =	simm.s32 $0x3;
	s8 =	smul.u32 $0x9C00, s12  }
0x6: {  	s13 =	simm.s32 $0x74E0;
	s3 =	sand.u32 $0x1, s3;
	s9 =	smul.u32 $0x270, s12  }
0x7: {  	s4 =	sshll.u32 s12, $0x1;
	[smem:$0x7FF] =	sst s5;
	s11 =	smul.u32 $0x27000, s12  }
0x8: {  	p0 =	seq.s32 s12, $0xF;
	s4 =	sor.u32 s3, s4;
	s22 =	smul.u32 $0x2710, s3  }
0x9: {  	_ =	strace $0x8000004D;
	s6 =	ssub.s32 $0x2, s3;
	s3 =	smul.u32 $0x138800, s3  }
0xa: {  	s20 =	smul.u32 $0x4E2, s4;
	s4 =	sadd.s32 $0xC7E00, s0;
	s7 =	sshrl.u32 s6, $0x1  }
0xb: {  	s23 =	sshrl.u32 s8, $0x3;
	s8 =	sadd.s32 s8, s2;
	s25 =	sshrl.u32 s11, $0x2  }
0xc: {  	s11 =	simm.s32 $0x7440;
	s6 =	ssub.s32 s6, s7;
	[dreg:$0x6] =	wrdreg s8  }
0xd: {  	s8 =	sadd.s32 s1, s23;
	s7 =	sadd.s32 s9, s22;
	s9 =	sadd.s32 $0x12480, s1  }
0xe: {  	s3 =	sshrl.u32 s3, $0x3;
	s1 =	sadd.s32 s25, s2;
	s22 =	simm.s32 $0x7530  }
0xf: {  	s5 =	sadd.s32 s20, s0;
	s0 =	sadd.s32 $0xEF000, s0;
	s24 =	sshll.u32 s7, $0x4  }
0x10: {  	[dreg:$0x7] =	wrdreg s1;
	s30 =	smax.u32 s6, $0x1;
	s20 =	simm.s32 $0x50  }
0x11: {  	s1 =	simm.s32 $0x1;
	s6 =	simm.s32 $0x73A0;
	s7 =	simm.s32 $0x73F0  }
0x12: {  	s21 =	sadd.s32 $0xC000, s5;
	s5 =	sadd.s32 $0x2200, s5;
	[dreg:$0xb] =	wrdreg s30  }
0x13: {  	s10 =	sadd.s32 s0, s24;
	s0 =	sadd.s32 s0, s3;
	[dreg:$0x4] =	wrdreg s21  }
0x14: {  	s24 =	simm.s32 $0x8930;
	[dreg:$0x5] =	wrdreg s5;
	s26 =	sadd.s32 $0x24900, s0  }
0x15: {  	s3 =	simm.s32 $0x4;
	s28 =	sadd.s32 $0x8, s10;
	[dreg:$0x8] =	wrdreg s26  }
0x16: {  	s5 =	sadd.s32 $0x92400, s2;
	s0 =	sadd.s32 $0x24908, s0;
	[dreg:$0x9] =	wrdreg s28  }
0x17: {  	s21 =	simm.s32 $0x0;
	[dreg:$0xa] =	wrdreg s0;
	s0 =	sshll.u32 @!p0 s12, $0x6  }
0x18: {  	s18 =	sshrl.u32 @p0 s5, $0x3;
	s26 =	simm.s32 $0x9D30;
	s5 =	simm.s32 $0x5  }
0x19: {  	s12 =	simm.s32 $0x7490;
	s19 =	sor.u32 @!p0 $0x1C06, s0;
	s0 =	simm.s32 $0x2  }
.LBB2_1:
0x1a: {  	s14 =	simm.s32 $0x0;
	s15 =	rddreg [dreg:$0x4]  }
0x1b: {  	[tilespmem:s14], [sflag:$0x6] =	stream.linear.gather [hbm4b:s15+s14], $0x2710, $0x38;
	[tilespmem:$0x17570] =	vst v63  }
0x1c: {  	_ =	swait.ge [sflag:s16], $0x2710  }
0x1d: {  	[sflag:s16] =	ssyncset.done $0x0  }
0x1e: {  	s23 =	simm.s32 $0x4E20;
	s30 =	rddreg [dreg:$0x5];
	[sflag:s16] =	ssyncadd.s32 $0xFFFFD8F0  }
0x1f: {  	[tilespmem:s23], [sflag:$0x6] =	stream.linear.gather [hbm4b:s30+s14], $0x2710, $0x38;
	[tilespmem:$0x17570] =	vst v63  }
0x20: {  	_ =	swait.ge [sflag:s16], $0x2710  }
0x21: {  	[sflag:s16] =	ssyncset.done $0x0  }
0x22: {  	s14 =	simm.s32 $0x0;
	[sflag:s16] =	ssyncadd.s32 $0xFFFFD8F0  }
0x23: {  	v3 =	vld [tilespmem:s14+$0x40]  }
0x24: {  	v4 =	vld [tilespmem:s14+$0x0]  }
0x25: {  	v2 =	vld [tilespmem:s14+$0x10]  }
0x26: {  	v0 =	vld [tilespmem:s14+$0x20]  }
0x27: {  	s15 =	simm.s32 $0x140;
	v1 =	vld [tilespmem:s14+$0x30]  }
.LBB2_2:
0x28: {  	s23 =	sshra.s32 s15, $0x2;
	p1 =	sne.s32 s15, $0x9B00;
	s15 =	sadd.s32 $0x140, s15;
	v5 =	vshll.u32 v3, $0x1  }
.Ltmp0:
0x29: {  	v3 =	vld [tilespmem:s23+$0x40];
	v6 =	vshll.u32 v4, $0x1;
	[tilespmem:s14+$0x2750] =	vst v5;
	(pc) =	sbr.rel @p1 .LBB2_2-.Ltmp0, $4  }
0x2a: {  	v4 =	vld [tilespmem:s23+$0x0];
	[tilespmem:s14+$0x2710] =	vst v6;
	v5 =	vshll.u32 v2, $0x1  }
0x2b: {  	v2 =	vld [tilespmem:s23+$0x10];
	[tilespmem:s14+$0x2720] =	vst v5;
	v5 =	vshll.u32 v0, $0x1  }
0x2c: {  	v0 =	vld [tilespmem:s23+$0x20];
	[tilespmem:s14+$0x2730] =	vst v5;
	v5 =	vshll.u32 v1, $0x1  }
0x2d: {  	v1 =	vld [tilespmem:s23+$0x30];
	[tilespmem:s14+$0x2740] =	vst v5;
	s14 =	smov.u32 s23  }
0x2e: {  	v3 =	vshll.u32 v3, $0x1  }
0x2f: {  	v4 =	vshll.u32 v4, $0x1;
	[tilespmem:s14+$0x2750] =	vst v3  }
0x30: {  	[tilespmem:s14+$0x2710] =	vst v4;
	v2 =	vshll.u32 v2, $0x1  }
0x31: {  	[tilespmem:s14+$0x2720] =	vst v2;
	v0 =	vshll.u32 v0, $0x1  }
0x32: {  	[tilespmem:s14+$0x2730] =	vst v0;
	v63 =	vshll.u32 v1, $0x1  }
0x33: {  	[tilespmem:s14+$0x2740] =	vst v63;
	s14 =	simm.s32 @p0 $0x1FC6  }
0x34: {  	[spmem:s18], [sflag:s14] =	dma.local @p0 [hbm:s9], $0x1400  }
0x35: {  	s14 =	simm.s32 @p0 $0x6  }
0x36: {  	_ =	swait.ge @p0 [sflag:s14], $0x1400  }
0x37: {  	[sflag:s14] =	ssyncset.done @p0 $0x0  }
0x38: {  	[sflag:s14] =	ssyncadd.s32 @p0 $0xFFFFEC00;
	s14 =	rddreg [dreg:$0x6]  }
0x39: {  	s15 =	sshrl.u32 @!p0 s14, $0x3;
	s14 =	simm.s32 @!p0 $0x6  }
0x3a: {  	[spmem:s15], [sflag:s19] =	dma.local @!p0 [hbm:s8], $0x1380  }
0x3b: {  	_ =	swait.ge @!p0 [sflag:s14], $0x1380  }
0x3c: {  	[sflag:s14] =	ssyncset.done @!p0 $0x0  }
0x3d: {  	[sflag:s14] =	ssyncadd.s32 @!p0 $0xFFFFEC80  }
0x3e: {  	s28 =	simm.s32 $0x2710;
	[bflag:$0x0] =	sbarrier.arrive $0xFFFF  }
0x3f: {  	[tilespmem:s22], [sflag:$0x1] =	stream.indirect.gather [hbm4b:s4+s20], $0x40, s28, s20, $0xb8;
	[tilespmem:$0x17570] =	vst v63  }
0x40: {  	s30 =	simm.s32 $0x2760  }
0x41: {  	[tilespmem:s24], [sflag:$0x2] =	stream.indirect.gather [hbm4b:s4+s20], $0x40, s30, s20, $0xb8;
	[tilespmem:$0x17570] =	vst v63  }
0x42: {  	s23 =	simm.s32 $0x27B0  }
0x43: {  	[tilespmem:s26], [sflag:$0x3] =	stream.indirect.gather [hbm4b:s4+s20], $0x40, s23, s20, $0xb8;
	[tilespmem:$0x17570] =	vst v63  }
0x44: {  	s25 =	simm.s32 $0x2800  }
0x45: {  	[tilespmem:s29], [sflag:$0x4] =	stream.indirect.gather [hbm4b:s4+s20], $0x40, s25, s20, $0xb8;
	[tilespmem:$0x17570] =	vst v63  }
0x46: {  	s28 =	simm.s32 $0x2850  }
0x47: {  	[tilespmem:s31], [sflag:$0x5] =	stream.indirect.gather [hbm4b:s4+s20], $0x40, s28, s20, $0xb8;
	[tilespmem:$0x17570] =	vst v63  }
0x48: {  	_ =	swait.ge [sflag:s1], $0x1400  }
0x49: {  	[sflag:s1] =	ssyncset.done $0x0  }
0x4a: {  	s30 =	simm.s32 $0x4E20;
	[sflag:s1] =	ssyncadd.s32 $0xFFFFEC00  }
0x4b: {  	[spmem:s2] =	stream.indirect.scatter.add.f32 [tilespmem:s22], [sflag:$0x6], $0x40, s30, s20, $0xb8;
	[tilespmem:$0x17570] =	vst v63  }
0x4c: {  	_ =	swait.ge [sflag:s16], $0x1400  }
0x4d: {  	[sflag:s16] =	ssyncset.done $0x0  }
0x4e: {  	s23 =	simm.s32 $0x28A0;
	[sflag:s16] =	ssyncadd.s32 $0xFFFFEC00  }
0x4f: {  	[tilespmem:s22], [sflag:$0x1] =	stream.indirect.gather [hbm4b:s4+s20], $0x40, s23, s20, $0xb8;
	[tilespmem:$0x17570] =	vst v63  }
0x50: {  	_ =	swait.ge [sflag:s0], $0x1400  }
0x51: {  	[sflag:s0] =	ssyncset.done $0x0  }
0x52: {  	s25 =	simm.s32 $0x4E70;
	[sflag:s0] =	ssyncadd.s32 $0xFFFFEC00  }
0x53: {  	[spmem:s2] =	stream.indirect.scatter.add.f32 [tilespmem:s24], [sflag:$0x6], $0x40, s25, s20, $0xb8;
	[tilespmem:$0x17570] =	vst v63  }
0x54: {  	_ =	swait.ge [sflag:s16], $0x1400  }
0x55: {  	[sflag:s16] =	ssyncset.done $0x0  }
0x56: {  	s28 =	simm.s32 $0x28F0;
	[sflag:s16] =	ssyncadd.s32 $0xFFFFEC00  }
0x57: {  	[tilespmem:s24], [sflag:$0x2] =	stream.indirect.gather [hbm4b:s4+s20], $0x40, s28, s20, $0xb8;
	[tilespmem:$0x17570] =	vst v63  }
0x58: {  	_ =	swait.ge [sflag:s17], $0x1400  }
0x59: {  	[sflag:s17] =	ssyncset.done $0x0  }
0x5a: {  	s30 =	simm.s32 $0x4EC0;
	[sflag:s17] =	ssyncadd.s32 $0xFFFFEC00  }
0x5b: {  	[spmem:s2] =	stream.indirect.scatter.add.f32 [tilespmem:s26], [sflag:$0x6], $0x40, s30, s20, $0xb8;
	[tilespmem:$0x17570] =	vst v63  }
0x5c: {  	_ =	swait.ge [sflag:s16], $0x1400  }
0x5d: {  	[sflag:s16] =	ssyncset.done $0x0  }
0x5e: {  	s23 =	simm.s32 $0x2940;
	[sflag:s16] =	ssyncadd.s32 $0xFFFFEC00  }
0x5f: {  	[tilespmem:s26], [sflag:$0x3] =	stream.indirect.gather [hbm4b:s4+s20], $0x40, s23, s20, $0xb8;
	[tilespmem:$0x17570] =	vst v63  }
0x60: {  	_ =	swait.ge [sflag:s3], $0x1400  }
0x61: {  	[sflag:s3] =	ssyncset.done $0x0  }
0x62: {  	s25 =	simm.s32 $0x4F10;
	[sflag:s3] =	ssyncadd.s32 $0xFFFFEC00  }
0x63: {  	[spmem:s2] =	stream.indirect.scatter.add.f32 [tilespmem:s29], [sflag:$0x6], $0x40, s25, s20, $0xb8;
	[tilespmem:$0x17570] =	vst v63  }
0x64: {  	_ =	swait.ge [sflag:s16], $0x1400  }
0x65: {  	[sflag:s16] =	ssyncset.done $0x0  }
0x66: {  	s28 =	simm.s32 $0x2990;
	[sflag:s16] =	ssyncadd.s32 $0xFFFFEC00  }
0x67: {  	[tilespmem:s29], [sflag:$0x4] =	stream.indirect.gather [hbm4b:s4+s20], $0x40, s28, s20, $0xb8;
	[tilespmem:$0x17570] =	vst v63  }
0x68: {  	_ =	swait.ge [sflag:s5], $0x1400  }
0x69: {  	[sflag:s5] =	ssyncset.done $0x0  }
0x6a: {  	s30 =	simm.s32 $0x4F60;
	[sflag:s5] =	ssyncadd.s32 $0xFFFFEC00  }
0x6b: {  	[spmem:s2] =	stream.indirect.scatter.add.f32 [tilespmem:s31], [sflag:$0x6], $0x40, s30, s20, $0xb8;
	[tilespmem:$0x17570] =	vst v63  }
0x6c: {  	_ =	swait.ge [sflag:s16], $0x1400  }
0x6d: {  	[sflag:s16] =	ssyncset.done $0x0  }
0x6e: {  	s14 =	simm.s32 $0x640;
	s23 =	simm.s32 $0x29E0;
	[sflag:s16] =	ssyncadd.s32 $0xFFFFEC00  }
.LBB2_4:
0x6f: {  	[tilespmem:s31], [sflag:$0x5] =	stream.indirect.gather [hbm4b:s4+s20], $0x40, s23, s20, $0xb8;
	[tilespmem:$0x17570] =	vst v63  }
0x70: {  	s23 =	smov.u32 s14  }
0x71: {  	p1 =	sne.s32 s14, $0x8FC0;
	s14 =	sadd.s32 $0x640, s14;
	_ =	swait.ge [sflag:s1], $0x1400  }
0x72: {  	s23 =	sshra.s32 s23, $0x2;
	[sflag:s1] =	ssyncset.done $0x0  }
0x73: {  	s25 =	sadd.s32 $0x4E20, s23;
	[sflag:s1] =	ssyncadd.s32 $0xFFFFEC00  }
0x74: {  	[spmem:s2] =	stream.indirect.scatter.add.f32 [tilespmem:s22], [sflag:$0x6], $0x40, s25, s20, $0xb8;
	[tilespmem:$0x17570] =	vst v63  }
0x75: {  	_ =	swait.ge [sflag:s16], $0x1400  }
0x76: {  	[sflag:s16] =	ssyncset.done $0x0  }
0x77: {  	s25 =	sadd.s32 $0x28A0, s23;
	[sflag:s16] =	ssyncadd.s32 $0xFFFFEC00  }
0x78: {  	[tilespmem:s22], [sflag:$0x1] =	stream.indirect.gather [hbm4b:s4+s20], $0x40, s25, s20, $0xb8;
	[tilespmem:$0x17570] =	vst v63  }
0x79: {  	_ =	swait.ge [sflag:s0], $0x1400  }
0x7a: {  	[sflag:s0] =	ssyncset.done $0x0  }
0x7b: {  	s25 =	sadd.s32 $0x4E70, s23;
	[sflag:s0] =	ssyncadd.s32 $0xFFFFEC00  }
0x7c: {  	[spmem:s2] =	stream.indirect.scatter.add.f32 [tilespmem:s24], [sflag:$0x6], $0x40, s25, s20, $0xb8;
	[tilespmem:$0x17570] =	vst v63  }
0x7d: {  	_ =	swait.ge [sflag:s16], $0x1400  }
0x7e: {  	[sflag:s16] =	ssyncset.done $0x0  }
0x7f: {  	s25 =	sadd.s32 $0x28F0, s23;
	[sflag:s16] =	ssyncadd.s32 $0xFFFFEC00  }
0x80: {  	[tilespmem:s24], [sflag:$0x2] =	stream.indirect.gather [hbm4b:s4+s20], $0x40, s25, s20, $0xb8;
	[tilespmem:$0x17570] =	vst v63  }
0x81: {  	_ =	swait.ge [sflag:s17], $0x1400  }
0x82: {  	[sflag:s17] =	ssyncset.done $0x0  }
0x83: {  	s25 =	sadd.s32 $0x4EC0, s23;
	[sflag:s17] =	ssyncadd.s32 $0xFFFFEC00  }
0x84: {  	[spmem:s2] =	stream.indirect.scatter.add.f32 [tilespmem:s26], [sflag:$0x6], $0x40, s25, s20, $0xb8;
	[tilespmem:$0x17570] =	vst v63  }
0x85: {  	_ =	swait.ge [sflag:s16], $0x1400  }
0x86: {  	[sflag:s16] =	ssyncset.done $0x0  }
0x87: {  	s25 =	sadd.s32 $0x2940, s23;
	[sflag:s16] =	ssyncadd.s32 $0xFFFFEC00  }
0x88: {  	[tilespmem:s26], [sflag:$0x3] =	stream.indirect.gather [hbm4b:s4+s20], $0x40, s25, s20, $0xb8;
	[tilespmem:$0x17570] =	vst v63  }
0x89: {  	_ =	swait.ge [sflag:s3], $0x1400  }
0x8a: {  	[sflag:s3] =	ssyncset.done $0x0  }
0x8b: {  	s25 =	sadd.s32 $0x4F10, s23;
	[sflag:s3] =	ssyncadd.s32 $0xFFFFEC00  }
0x8c: {  	[spmem:s2] =	stream.indirect.scatter.add.f32 [tilespmem:s29], [sflag:$0x6], $0x40, s25, s20, $0xb8;
	[tilespmem:$0x17570] =	vst v63  }
0x8d: {  	_ =	swait.ge [sflag:s16], $0x1400  }
0x8e: {  	[sflag:s16] =	ssyncset.done $0x0  }
0x8f: {  	s25 =	sadd.s32 $0x2990, s23;
	[sflag:s16] =	ssyncadd.s32 $0xFFFFEC00  }
0x90: {  	[tilespmem:s29], [sflag:$0x4] =	stream.indirect.gather [hbm4b:s4+s20], $0x40, s25, s20, $0xb8;
	[tilespmem:$0x17570] =	vst v63  }
0x91: {  	_ =	swait.ge [sflag:s5], $0x1400  }
0x92: {  	[sflag:s5] =	ssyncset.done $0x0  }
.Ltmp1:
0x93: {  	s25 =	sadd.s32 $0x4F60, s23;
	[sflag:s5] =	ssyncadd.s32 $0xFFFFEC00;
	(pc) =	sbr.rel @p1 .LBB2_4-.Ltmp1, $4  }
0x94: {  	[spmem:s2] =	stream.indirect.scatter.add.f32 [tilespmem:s31], [sflag:$0x6], $0x40, s25, s20, $0xb8;
	[tilespmem:$0x17570] =	vst v63  }
0x95: {  	_ =	swait.ge [sflag:s16], $0x1400  }
0x96: {  	[sflag:s16] =	ssyncset.done $0x0  }
0x97: {  	s23 =	sadd.s32 $0x29E0, s23;
	[sflag:s16] =	ssyncadd.s32 $0xFFFFEC00  }
0x98: {  	[tilespmem:s31], [sflag:$0x5] =	stream.indirect.gather [hbm4b:s4+s20], $0x40, s23, s20, $0xb8;
	[tilespmem:$0x17570] =	vst v63  }
0x99: {  	_ =	swait.ge [sflag:s1], $0x1400  }
0x9a: {  	[sflag:s1] =	ssyncset.done $0x0  }
0x9b: {  	[sflag:s1] =	ssyncadd.s32 $0xFFFFEC00  }
0x9c: {  	[spmem:s2] =	stream.indirect.scatter.add.f32 [tilespmem:s22], [sflag:$0x6], $0x40, s6, s20, $0xb8;
	[tilespmem:$0x17570] =	vst v63  }
0x9d: {  	_ =	swait.ge [sflag:s16], $0x1400  }
0x9e: {  	[sflag:s16] =	ssyncset.done $0x0  }
0x9f: {  	[sflag:s16] =	ssyncadd.s32 $0xFFFFEC00  }
0xa0: {  	_ =	swait.ge [sflag:s0], $0x1400  }
0xa1: {  	[sflag:s0] =	ssyncset.done $0x0  }
0xa2: {  	[sflag:s0] =	ssyncadd.s32 $0xFFFFEC00  }
0xa3: {  	[spmem:s2] =	stream.indirect.scatter.add.f32 [tilespmem:s24], [sflag:$0x6], $0x40, s7, s20, $0xb8;
	[tilespmem:$0x17570] =	vst v63  }
0xa4: {  	_ =	swait.ge [sflag:s16], $0x1400  }
0xa5: {  	[sflag:s16] =	ssyncset.done $0x0  }
0xa6: {  	[sflag:s16] =	ssyncadd.s32 $0xFFFFEC00  }
0xa7: {  	_ =	swait.ge [sflag:s17], $0x1400  }
0xa8: {  	[sflag:s17] =	ssyncset.done $0x0  }
0xa9: {  	[sflag:s17] =	ssyncadd.s32 $0xFFFFEC00  }
0xaa: {  	[spmem:s2] =	stream.indirect.scatter.add.f32 [tilespmem:s26], [sflag:$0x6], $0x40, s11, s20, $0xb8;
	[tilespmem:$0x17570] =	vst v63  }
0xab: {  	_ =	swait.ge [sflag:s16], $0x1400  }
0xac: {  	[sflag:s16] =	ssyncset.done $0x0  }
0xad: {  	[sflag:s16] =	ssyncadd.s32 $0xFFFFEC00  }
0xae: {  	_ =	swait.ge [sflag:s3], $0x1400  }
0xaf: {  	[sflag:s3] =	ssyncset.done $0x0  }
0xb0: {  	[sflag:s3] =	ssyncadd.s32 $0xFFFFEC00  }
0xb1: {  	[spmem:s2] =	stream.indirect.scatter.add.f32 [tilespmem:s29], [sflag:$0x6], $0x40, s12, s20, $0xb8;
	[tilespmem:$0x17570] =	vst v63  }
0xb2: {  	_ =	swait.ge [sflag:s16], $0x1400  }
0xb3: {  	[sflag:s16] =	ssyncset.done $0x0  }
0xb4: {  	[sflag:s16] =	ssyncadd.s32 $0xFFFFEC00  }
0xb5: {  	_ =	swait.ge [sflag:s5], $0x1400  }
0xb6: {  	[sflag:s5] =	ssyncset.done $0x0  }
0xb7: {  	[sflag:s5] =	ssyncadd.s32 $0xFFFFEC00  }
0xb8: {  	[spmem:s2] =	stream.indirect.scatter.add.f32 [tilespmem:s31], [sflag:$0x6], $0x40, s13, s20, $0xb8;
	[tilespmem:$0x17570] =	vst v63  }
0xb9: {  	_ =	swait.ge [sflag:s16], $0x1400  }
0xba: {  	[sflag:s16] =	ssyncset.done $0x0  }
0xbb: {  	[sflag:s16] =	ssyncadd.s32 $0xFFFFEC00  }
0xbc: {  	s14 =	simm.s32 @p0 $0x1;
	s23 =	simm.s32 @p0 $0x10;
	[bflag:$0x0] =	sbarrier.arrive $0xFFFF  }
0xbd: {  	s25 =	simm.s32 @p0 $0x8;
	s28 =	simm.s32 @p0 $0x1FC6;
	s30 =	rddreg [dreg:$0x8]  }
0xbe: {  	[hbm:s30@s23], [sflag:s28] =	dma.strided @p0 [spmem:s18@s25], $0x1400, s14, $0x8   }
0xbf: {  	s14 =	simm.s32 @p0 $0x6  }
0xc0: {  	_ =	swait.ge @p0 [sflag:s14], $0x1400  }
0xc1: {  	[sflag:s14] =	ssyncset.done @p0 $0x0  }
0xc2: {  	s23 =	simm.s32 @!p0 $0x1;
	[sflag:s14] =	ssyncadd.s32 @p0 $0xFFFFEC00;
	s14 =	rddreg [dreg:$0x7]  }
0xc3: {  	s25 =	simm.s32 @!p0 $0x10;
	s28 =	simm.s32 @!p0 $0x8;
	s14 =	sshrl.u32 @!p0 s14, $0x3  }
0xc4: {  	[hbm:s10@s25], [sflag:s19] =	dma.strided @!p0 [spmem:s14@s28], $0x1380, s23, $0x8   }
0xc5: {  	s23 =	simm.s32 @!p0 $0x6  }
0xc6: {  	_ =	swait.ge @!p0 [sflag:s23], $0x1380  }
0xc7: {  	[sflag:s23] =	ssyncset.done @!p0 $0x0  }
0xc8: {  	[sflag:s23] =	ssyncadd.s32 @!p0 $0xFFFFEC80;
	s23 =	simm.s32 $0x0  }
0xc9: {  	v3 =	vld [tilespmem:s23+$0x2710]  }
0xca: {  	v2 =	vld [tilespmem:s23+$0x2720]  }
0xcb: {  	v1 =	vld [tilespmem:s23+$0x2730]  }
0xcc: {  	s25 =	simm.s32 $0x140;
	v0 =	vld [tilespmem:s23+$0x2740]  }
.LBB2_6:
0xcd: {  	p1 =	sne.s32 s25, $0x9B00;
	v4 =	vld [tilespmem:s23+$0x2750]  }
0xce: {  	v3 =	vadd.s32 $0x1, v3  }
.Ltmp2:
0xcf: {  	s28 =	sshra.s32 s25, $0x2;
	[tilespmem:s23+$0x2710] =	vst v3;
	v2 =	vadd.s32 $0x1, v2;
	(pc) =	sbr.rel @p1 .LBB2_6-.Ltmp2, $4  }
0xd0: {  	v3 =	vld [tilespmem:s28+$0x2710];
	[tilespmem:s23+$0x2720] =	vst v2;
	v1 =	vadd.s32 $0x1, v1  }
0xd1: {  	v2 =	vld [tilespmem:s28+$0x2720];
	[tilespmem:s23+$0x2730] =	vst v1;
	v0 =	vadd.s32 $0x1, v0  }
0xd2: {  	v1 =	vld [tilespmem:s28+$0x2730];
	[tilespmem:s23+$0x2740] =	vst v0;
	v4 =	vadd.s32 $0x1, v4  }
0xd3: {  	s25 =	sadd.s32 $0x140, s25;
	v0 =	vld [tilespmem:s28+$0x2740];
	[tilespmem:s23+$0x2750] =	vst v4;
	s23 =	smov.u32 s28  }
0xd4: {  	v4 =	vld [tilespmem:s23+$0x2750]  }
0xd5: {  	v3 =	vadd.s32 $0x1, v3  }
0xd6: {  	[tilespmem:s23+$0x2710] =	vst v3;
	v2 =	vadd.s32 $0x1, v2  }
0xd7: {  	[tilespmem:s23+$0x2720] =	vst v2;
	v1 =	vadd.s32 $0x1, v1  }
0xd8: {  	[tilespmem:s23+$0x2730] =	vst v1;
	v0 =	vadd.s32 $0x1, v0  }
0xd9: {  	[tilespmem:s23+$0x2740] =	vst v0;
	v63 =	vadd.s32 $0x1, v4  }
0xda: {  	[tilespmem:s23+$0x2750] =	vst v63;
	s23 =	simm.s32 @p0 $0x1FC6  }
0xdb: {  	[spmem:s18], [sflag:s23] =	dma.local @p0 [hbm:s9], $0x1400  }
0xdc: {  	s23 =	simm.s32 @p0 $0x6  }
0xdd: {  	_ =	swait.ge @p0 [sflag:s23], $0x1400  }
0xde: {  	[sflag:s23] =	ssyncset.done @p0 $0x0  }
0xdf: {  	[sflag:s23] =	ssyncadd.s32 @p0 $0xFFFFEC00  }
0xe0: {  	[spmem:s15], [sflag:s19] =	dma.local @!p0 [hbm:s8], $0x1380  }
0xe1: {  	s15 =	simm.s32 @!p0 $0x6  }
0xe2: {  	_ =	swait.ge @!p0 [sflag:s15], $0x1380  }
0xe3: {  	[sflag:s15] =	ssyncset.done @!p0 $0x0  }
0xe4: {  	[sflag:s15] =	ssyncadd.s32 @!p0 $0xFFFFEC80  }
0xe5: {  	s28 =	simm.s32 $0x2710;
	[bflag:$0x0] =	sbarrier.arrive $0xFFFF  }
0xe6: {  	[tilespmem:s22], [sflag:$0x1] =	stream.indirect.gather [hbm4b:s4+s20], $0x40, s28, s20, $0xb8;
	[tilespmem:$0x17570] =	vst v63  }
0xe7: {  	s30 =	simm.s32 $0x2760  }
0xe8: {  	[tilespmem:s24], [sflag:$0x2] =	stream.indirect.gather [hbm4b:s4+s20], $0x40, s30, s20, $0xb8;
	[tilespmem:$0x17570] =	vst v63  }
0xe9: {  	s23 =	simm.s32 $0x27B0  }
0xea: {  	[tilespmem:s26], [sflag:$0x3] =	stream.indirect.gather [hbm4b:s4+s20], $0x40, s23, s20, $0xb8;
	[tilespmem:$0x17570] =	vst v63  }
0xeb: {  	s25 =	simm.s32 $0x2800  }
0xec: {  	[tilespmem:s29], [sflag:$0x4] =	stream.indirect.gather [hbm4b:s4+s20], $0x40, s25, s20, $0xb8;
	[tilespmem:$0x17570] =	vst v63  }
0xed: {  	s28 =	simm.s32 $0x2850  }
0xee: {  	[tilespmem:s31], [sflag:$0x5] =	stream.indirect.gather [hbm4b:s4+s20], $0x40, s28, s20, $0xb8;
	[tilespmem:$0x17570] =	vst v63  }
0xef: {  	_ =	swait.ge [sflag:s1], $0x1400  }
0xf0: {  	[sflag:s1] =	ssyncset.done $0x0  }
0xf1: {  	s30 =	simm.s32 $0x4E20;
	[sflag:s1] =	ssyncadd.s32 $0xFFFFEC00  }
0xf2: {  	[spmem:s2] =	stream.indirect.scatter.add.f32 [tilespmem:s22], [sflag:$0x6], $0x40, s30, s20, $0xb8;
	[tilespmem:$0x17570] =	vst v63  }
0xf3: {  	_ =	swait.ge [sflag:s16], $0x1400  }
0xf4: {  	[sflag:s16] =	ssyncset.done $0x0  }
0xf5: {  	s23 =	simm.s32 $0x28A0;
	[sflag:s16] =	ssyncadd.s32 $0xFFFFEC00  }
0xf6: {  	[tilespmem:s22], [sflag:$0x1] =	stream.indirect.gather [hbm4b:s4+s20], $0x40, s23, s20, $0xb8;
	[tilespmem:$0x17570] =	vst v63  }
0xf7: {  	_ =	swait.ge [sflag:s0], $0x1400  }
0xf8: {  	[sflag:s0] =	ssyncset.done $0x0  }
0xf9: {  	s25 =	simm.s32 $0x4E70;
	[sflag:s0] =	ssyncadd.s32 $0xFFFFEC00  }
0xfa: {  	[spmem:s2] =	stream.indirect.scatter.add.f32 [tilespmem:s24], [sflag:$0x6], $0x40, s25, s20, $0xb8;
	[tilespmem:$0x17570] =	vst v63  }
0xfb: {  	_ =	swait.ge [sflag:s16], $0x1400  }
0xfc: {  	[sflag:s16] =	ssyncset.done $0x0  }
0xfd: {  	s28 =	simm.s32 $0x28F0;
	[sflag:s16] =	ssyncadd.s32 $0xFFFFEC00  }
0xfe: {  	[tilespmem:s24], [sflag:$0x2] =	stream.indirect.gather [hbm4b:s4+s20], $0x40, s28, s20, $0xb8;
	[tilespmem:$0x17570] =	vst v63  }
0xff: {  	_ =	swait.ge [sflag:s17], $0x1400  }
0x100: {  	[sflag:s17] =	ssyncset.done $0x0  }
0x101: {  	s30 =	simm.s32 $0x4EC0;
	[sflag:s17] =	ssyncadd.s32 $0xFFFFEC00  }
0x102: {  	[spmem:s2] =	stream.indirect.scatter.add.f32 [tilespmem:s26], [sflag:$0x6], $0x40, s30, s20, $0xb8;
	[tilespmem:$0x17570] =	vst v63  }
0x103: {  	_ =	swait.ge [sflag:s16], $0x1400  }
0x104: {  	[sflag:s16] =	ssyncset.done $0x0  }
0x105: {  	s23 =	simm.s32 $0x2940;
	[sflag:s16] =	ssyncadd.s32 $0xFFFFEC00  }
0x106: {  	[tilespmem:s26], [sflag:$0x3] =	stream.indirect.gather [hbm4b:s4+s20], $0x40, s23, s20, $0xb8;
	[tilespmem:$0x17570] =	vst v63  }
0x107: {  	_ =	swait.ge [sflag:s3], $0x1400  }
0x108: {  	[sflag:s3] =	ssyncset.done $0x0  }
0x109: {  	s25 =	simm.s32 $0x4F10;
	[sflag:s3] =	ssyncadd.s32 $0xFFFFEC00  }
0x10a: {  	[spmem:s2] =	stream.indirect.scatter.add.f32 [tilespmem:s29], [sflag:$0x6], $0x40, s25, s20, $0xb8;
	[tilespmem:$0x17570] =	vst v63  }
0x10b: {  	_ =	swait.ge [sflag:s16], $0x1400  }
0x10c: {  	[sflag:s16] =	ssyncset.done $0x0  }
0x10d: {  	s28 =	simm.s32 $0x2990;
	[sflag:s16] =	ssyncadd.s32 $0xFFFFEC00  }
0x10e: {  	[tilespmem:s29], [sflag:$0x4] =	stream.indirect.gather [hbm4b:s4+s20], $0x40, s28, s20, $0xb8;
	[tilespmem:$0x17570] =	vst v63  }
0x10f: {  	_ =	swait.ge [sflag:s5], $0x1400  }
0x110: {  	[sflag:s5] =	ssyncset.done $0x0  }
0x111: {  	s30 =	simm.s32 $0x4F60;
	[sflag:s5] =	ssyncadd.s32 $0xFFFFEC00  }
0x112: {  	[spmem:s2] =	stream.indirect.scatter.add.f32 [tilespmem:s31], [sflag:$0x6], $0x40, s30, s20, $0xb8;
	[tilespmem:$0x17570] =	vst v63  }
0x113: {  	_ =	swait.ge [sflag:s16], $0x1400  }
0x114: {  	[sflag:s16] =	ssyncset.done $0x0  }
0x115: {  	s15 =	simm.s32 $0x640;
	s23 =	simm.s32 $0x29E0;
	[sflag:s16] =	ssyncadd.s32 $0xFFFFEC00  }
.LBB2_8:
0x116: {  	[tilespmem:s31], [sflag:$0x5] =	stream.indirect.gather [hbm4b:s4+s20], $0x40, s23, s20, $0xb8;
	[tilespmem:$0x17570] =	vst v63  }
0x117: {  	s23 =	smov.u32 s15  }
0x118: {  	p1 =	sne.s32 s15, $0x8FC0;
	s15 =	sadd.s32 $0x640, s15;
	_ =	swait.ge [sflag:s1], $0x1400  }
0x119: {  	s23 =	sshra.s32 s23, $0x2;
	[sflag:s1] =	ssyncset.done $0x0  }
0x11a: {  	s25 =	sadd.s32 $0x4E20, s23;
	[sflag:s1] =	ssyncadd.s32 $0xFFFFEC00  }
0x11b: {  	[spmem:s2] =	stream.indirect.scatter.add.f32 [tilespmem:s22], [sflag:$0x6], $0x40, s25, s20, $0xb8;
	[tilespmem:$0x17570] =	vst v63  }
0x11c: {  	_ =	swait.ge [sflag:s16], $0x1400  }
0x11d: {  	[sflag:s16] =	ssyncset.done $0x0  }
0x11e: {  	s25 =	sadd.s32 $0x28A0, s23;
	[sflag:s16] =	ssyncadd.s32 $0xFFFFEC00  }
0x11f: {  	[tilespmem:s22], [sflag:$0x1] =	stream.indirect.gather [hbm4b:s4+s20], $0x40, s25, s20, $0xb8;
	[tilespmem:$0x17570] =	vst v63  }
0x120: {  	_ =	swait.ge [sflag:s0], $0x1400  }
0x121: {  	[sflag:s0] =	ssyncset.done $0x0  }
0x122: {  	s25 =	sadd.s32 $0x4E70, s23;
	[sflag:s0] =	ssyncadd.s32 $0xFFFFEC00  }
0x123: {  	[spmem:s2] =	stream.indirect.scatter.add.f32 [tilespmem:s24], [sflag:$0x6], $0x40, s25, s20, $0xb8;
	[tilespmem:$0x17570] =	vst v63  }
0x124: {  	_ =	swait.ge [sflag:s16], $0x1400  }
0x125: {  	[sflag:s16] =	ssyncset.done $0x0  }
0x126: {  	s25 =	sadd.s32 $0x28F0, s23;
	[sflag:s16] =	ssyncadd.s32 $0xFFFFEC00  }
0x127: {  	[tilespmem:s24], [sflag:$0x2] =	stream.indirect.gather [hbm4b:s4+s20], $0x40, s25, s20, $0xb8;
	[tilespmem:$0x17570] =	vst v63  }
0x128: {  	_ =	swait.ge [sflag:s17], $0x1400  }
0x129: {  	[sflag:s17] =	ssyncset.done $0x0  }
0x12a: {  	s25 =	sadd.s32 $0x4EC0, s23;
	[sflag:s17] =	ssyncadd.s32 $0xFFFFEC00  }
0x12b: {  	[spmem:s2] =	stream.indirect.scatter.add.f32 [tilespmem:s26], [sflag:$0x6], $0x40, s25, s20, $0xb8;
	[tilespmem:$0x17570] =	vst v63  }
0x12c: {  	_ =	swait.ge [sflag:s16], $0x1400  }
0x12d: {  	[sflag:s16] =	ssyncset.done $0x0  }
0x12e: {  	s25 =	sadd.s32 $0x2940, s23;
	[sflag:s16] =	ssyncadd.s32 $0xFFFFEC00  }
0x12f: {  	[tilespmem:s26], [sflag:$0x3] =	stream.indirect.gather [hbm4b:s4+s20], $0x40, s25, s20, $0xb8;
	[tilespmem:$0x17570] =	vst v63  }
0x130: {  	_ =	swait.ge [sflag:s3], $0x1400  }
0x131: {  	[sflag:s3] =	ssyncset.done $0x0  }
0x132: {  	s25 =	sadd.s32 $0x4F10, s23;
	[sflag:s3] =	ssyncadd.s32 $0xFFFFEC00  }
0x133: {  	[spmem:s2] =	stream.indirect.scatter.add.f32 [tilespmem:s29], [sflag:$0x6], $0x40, s25, s20, $0xb8;
	[tilespmem:$0x17570] =	vst v63  }
0x134: {  	_ =	swait.ge [sflag:s16], $0x1400  }
0x135: {  	[sflag:s16] =	ssyncset.done $0x0  }
0x136: {  	s25 =	sadd.s32 $0x2990, s23;
	[sflag:s16] =	ssyncadd.s32 $0xFFFFEC00  }
0x137: {  	[tilespmem:s29], [sflag:$0x4] =	stream.indirect.gather [hbm4b:s4+s20], $0x40, s25, s20, $0xb8;
	[tilespmem:$0x17570] =	vst v63  }
0x138: {  	_ =	swait.ge [sflag:s5], $0x1400  }
0x139: {  	[sflag:s5] =	ssyncset.done $0x0  }
.Ltmp3:
0x13a: {  	s25 =	sadd.s32 $0x4F60, s23;
	[sflag:s5] =	ssyncadd.s32 $0xFFFFEC00;
	(pc) =	sbr.rel @p1 .LBB2_8-.Ltmp3, $4  }
0x13b: {  	[spmem:s2] =	stream.indirect.scatter.add.f32 [tilespmem:s31], [sflag:$0x6], $0x40, s25, s20, $0xb8;
	[tilespmem:$0x17570] =	vst v63  }
0x13c: {  	_ =	swait.ge [sflag:s16], $0x1400  }
0x13d: {  	[sflag:s16] =	ssyncset.done $0x0  }
0x13e: {  	s23 =	sadd.s32 $0x29E0, s23;
	[sflag:s16] =	ssyncadd.s32 $0xFFFFEC00  }
0x13f: {  	[tilespmem:s31], [sflag:$0x5] =	stream.indirect.gather [hbm4b:s4+s20], $0x40, s23, s20, $0xb8;
	[tilespmem:$0x17570] =	vst v63  }
0x140: {  	_ =	swait.ge [sflag:s1], $0x1400  }
0x141: {  	[sflag:s1] =	ssyncset.done $0x0  }
0x142: {  	[sflag:s1] =	ssyncadd.s32 $0xFFFFEC00  }
0x143: {  	[spmem:s2] =	stream.indirect.scatter.add.f32 [tilespmem:s22], [sflag:$0x6], $0x40, s6, s20, $0xb8;
	[tilespmem:$0x17570] =	vst v63  }
0x144: {  	_ =	swait.ge [sflag:s16], $0x1400  }
0x145: {  	[sflag:s16] =	ssyncset.done $0x0  }
0x146: {  	[sflag:s16] =	ssyncadd.s32 $0xFFFFEC00  }
0x147: {  	_ =	swait.ge [sflag:s0], $0x1400  }
0x148: {  	[sflag:s0] =	ssyncset.done $0x0  }
0x149: {  	[sflag:s0] =	ssyncadd.s32 $0xFFFFEC00  }
0x14a: {  	[spmem:s2] =	stream.indirect.scatter.add.f32 [tilespmem:s24], [sflag:$0x6], $0x40, s7, s20, $0xb8;
	[tilespmem:$0x17570] =	vst v63  }
0x14b: {  	_ =	swait.ge [sflag:s16], $0x1400  }
0x14c: {  	[sflag:s16] =	ssyncset.done $0x0  }
0x14d: {  	[sflag:s16] =	ssyncadd.s32 $0xFFFFEC00  }
0x14e: {  	_ =	swait.ge [sflag:s17], $0x1400  }
0x14f: {  	[sflag:s17] =	ssyncset.done $0x0  }
0x150: {  	[sflag:s17] =	ssyncadd.s32 $0xFFFFEC00  }
0x151: {  	[spmem:s2] =	stream.indirect.scatter.add.f32 [tilespmem:s26], [sflag:$0x6], $0x40, s11, s20, $0xb8;
	[tilespmem:$0x17570] =	vst v63  }
0x152: {  	_ =	swait.ge [sflag:s16], $0x1400  }
0x153: {  	[sflag:s16] =	ssyncset.done $0x0  }
0x154: {  	[sflag:s16] =	ssyncadd.s32 $0xFFFFEC00  }
0x155: {  	_ =	swait.ge [sflag:s3], $0x1400  }
0x156: {  	[sflag:s3] =	ssyncset.done $0x0  }
0x157: {  	[sflag:s3] =	ssyncadd.s32 $0xFFFFEC00  }
0x158: {  	[spmem:s2] =	stream.indirect.scatter.add.f32 [tilespmem:s29], [sflag:$0x6], $0x40, s12, s20, $0xb8;
	[tilespmem:$0x17570] =	vst v63  }
0x159: {  	_ =	swait.ge [sflag:s16], $0x1400  }
0x15a: {  	[sflag:s16] =	ssyncset.done $0x0  }
0x15b: {  	[sflag:s16] =	ssyncadd.s32 $0xFFFFEC00  }
0x15c: {  	_ =	swait.ge [sflag:s5], $0x1400  }
0x15d: {  	[sflag:s5] =	ssyncset.done $0x0  }
0x15e: {  	[sflag:s5] =	ssyncadd.s32 $0xFFFFEC00  }
0x15f: {  	[spmem:s2] =	stream.indirect.scatter.add.f32 [tilespmem:s31], [sflag:$0x6], $0x40, s13, s20, $0xb8;
	[tilespmem:$0x17570] =	vst v63  }
0x160: {  	_ =	swait.ge [sflag:s16], $0x1400  }
0x161: {  	[sflag:s16] =	ssyncset.done $0x0  }
0x162: {  	[sflag:s16] =	ssyncadd.s32 $0xFFFFEC00  }
0x163: {  	s15 =	simm.s32 @p0 $0x1;
	s23 =	simm.s32 @p0 $0x10;
	[bflag:$0x0] =	sbarrier.arrive $0xFFFF  }
0x164: {  	s25 =	simm.s32 @p0 $0x8;
	s28 =	simm.s32 @p0 $0x1FC6;
	s30 =	rddreg [dreg:$0xa]  }
0x165: {  	[hbm:s30@s23], [sflag:s28] =	dma.strided @p0 [spmem:s18@s25], $0x1400, s15, $0x8   }
0x166: {  	s15 =	simm.s32 @p0 $0x6  }
0x167: {  	_ =	swait.ge @p0 [sflag:s15], $0x1400  }
0x168: {  	s23 =	simm.s32 @!p0 $0x10;
	s25 =	simm.s32 @!p0 $0x8;
	[sflag:s15] =	ssyncset.done @p0 $0x0  }
0x169: {  	s28 =	rddreg [dreg:$0x9];
	[sflag:s15] =	ssyncadd.s32 @p0 $0xFFFFEC00;
	s15 =	simm.s32 @!p0 $0x1  }
0x16a: {  	[hbm:s28@s23], [sflag:s19] =	dma.strided @!p0 [spmem:s14@s25], $0x1380, s15, $0x8   }
0x16b: {  	s14 =	simm.s32 @!p0 $0x6  }
0x16c: {  	_ =	swait.ge @!p0 [sflag:s14], $0x1380  }
0x16d: {  	s21 =	sadd.s32 $0x1, s21;
	s30 =	rddreg [dreg:$0xb]  }
0x16e: {  	p1 =	sne.s32 s21, s30  }
.Ltmp4:
0x16f: {  	_ = 	snop;
	(pc) =	sbr.rel @p1 .LBB2_1-.Ltmp4, $3  }
0x170: {  	_ =	sdelay $0x1  }
0x171: {  	[sflag:s14] =	ssyncset.done @!p0 $0x0  }
0x172: {  	[sflag:s14] =	ssyncadd.s32 @!p0 $0xFFFFEC80  }
0x173: {  	_ =	sfence.sel $0x180000  }
0x174: {  	[bflag:$0x0] =	sbarrier.arrive $0xFFFF  }
0x175: {  	_ =	strace $0x9000004D  }
0x176: {  	s0 =	stileid.u32;
	[bflag:$0x2] =	sbarrier.arrive $0xFFFF  }
0x177: {  	p0 =	sne.s32 s0, $0x0;
	s0 =	rddreg [dreg:$0x3]  }
0x178: {  	s0 =	sadd.s32 @!p0 $0x100000, s0  }
0x179: {  	[sflag:s0] =	ssyncadd.tile.s32 @!p0 $0x1;
	_ =	shalt  }
.Lfunc_end2:
_tile_overlayer_lowered:
.L_overlay_start_2:
0x17a: {  	(tag) =	ssettag $0x2  }
0x17b: {  	s0 =	rddreg [dreg:$0x0];
	s2 =	stileid.u32  }
0x17c: {  	s1 =	rddreg [dreg:$0x1];
	p0 =	sne.s32 s2, $0x0  }
0x17d: {  	s3 =	rddreg [dreg:$0x2];
	[bflag:$0x3] =	sbarrier.arrive $0xFFFF;
	s2 =	simm.s32 @!p0 $0x1C06  }
0x17e: {  	[timem:s3], [sflag:s2] =	dma.local @!p0 [hbm:s0], s1  }
0x17f: {  	s0 =	simm.s32 @!p0 $0x6  }
0x180: {  	_ =	swait.ge @!p0 [sflag:s0], s1  }
0x181: {  	s1 =	ssub.s32 @!p0 $0x0, s1;
	[sflag:s0] =	ssyncset.done @!p0 $0x0  }
0x182: {  	[sflag:s0] =	ssyncadd.s32 @!p0 s1  }
0x183: {  	[bflag:$0x3] =	sbarrier.arrive $0xFFFF  }
0x184: {  	_ =	shalt  }

// kernel: kernel.8.cloned.1.call-start
scs
__scs_entry_jumppad:
0x0: {  	(pc) =	sbr.rel $0x88, $3  }
0x1: {  	(tag) =	ssettag $0x0;
	lr =	simm.s32 $0x1  }
0x2: {  	[smem:$0x3F9B] =	sst lr;
	_ =	strace $0xD0000000  }
0x3: {  	_ = 	snop  }
0x4: {  	_ = 	snop  }
0x5: {  	_ = 	snop  }
0x6: {  	_ = 	snop  }
0x7: {  	_ = 	snop  }
__scs_overlays_trampoline_lowered:
0x8: {  	[smem:$0x3FAA] =	sst s0  }
0x9: {  	[smem:$0x3FAB] =	sst s1  }
0xa: {  	[smem:$0x3FAC] =	sst s2  }
0xb: {  	[smem:$0x3FAD] =	sst s3  }
0xc: {  	[smem:$0x3FAE] =	sst s4  }
0xd: {  	[smem:$0x3FAF] =	sst s5  }
0xe: {  	[smem:$0x3FB0] =	sst s6  }
0xf: {  	[smem:$0x3FB1] =	sst s7  }
0x10: {  	[smem:$0x3FB2] =	sst s8  }
0x11: {  	[smem:$0x3FB3] =	sst s9;
	s0 =	simm.s32 @!p0 $0x0  }
0x12: {  	s1 =	sld [smem:$0x3F99];
	s0 =	simm.s32 @p0 $0x1  }
0x13: {  	[smem:$0x3FB4] =	sst s0;
	s0 =	simm.s32 @!p1 $0x0  }
0x14: {  	s2 =	sld [smem:$0x3F98];
	s0 =	simm.s32 @p1 $0x1  }
0x15: {  	[smem:$0x3FB5] =	sst s0;
	s0 =	simm.s32 @!p2 $0x0  }
0x16: {  	s3 =	sld [smem:$0x3FDB];
	s0 =	simm.s32 @p2 $0x1  }
0x17: {  	s4 =	simm.s32 $0x1BF5;
	[smem:$0x3FB7] =	sst s0  }
0x18: {  	s0 =	sld [smem:$0x3F9A];
	_ =	swait.ge [sflag:s4], $0x0  }
0x19: {  	s7 =	sld [smem:$0x3F9B]  }
0x1a: {  	s8 =	sadd.s32 $0xFFFFE003, lr  }
0x1b: {  	s9 =	sadd.s32 $0xFFFFFEF7, lr;
	s5 =	simm.s32 $0xFFFFFFFF;
	p2 =	slt.u32 s8, $0xFFFFF086  }
0x1c: {  	p1 =	slt.u32 s9, $0xF7A;
	s5 =	simm.s32 @!p2 $0x0  }
0x1d: {  	s5 =	simm.s32 @p1 $0x1;
	p0 =	seq.s32 s7, s2  }
0x1e: {  	s7 =	smul.u32 @!p0 $0xF7A, s2;
	p2 =	seq.s32 @!p0 s5, $0x0  }
0x1f: {  	s9 =	smul.u32 $0xF7A, s1;
	s8 =	simm.s32 @!p0 $0x1BF5;
	p2 =	por !p2, p0  }
0x20: {  	[sflag:s8] =	ssyncset.s32 @!p0 $0xFFFFF086;
	s6 =	sadd.s32 @!p0 s3, s7;
	s7 =	simm.s32 @!p0 $0x108  }
0x21: {  	s3 =	sadd.s32 s3, s9;
	s6 =	sadd.s32 @!p0 $0x88, s6;
	s7 =	simm.s32 @p2 $0x1082  }
0x22: {  	[simem:s7], [sflag:s8] =	dma.local @!p0 [hbm:s6], $0xF7A  }
0x23: {  	s9 =	sor.u32 $0xD0000000, s2;
	s6 =	simm.s32 $0x108;
	_ =	swait.ge @!p0 [sflag:s8], $0x0  }
0x24: {  	s3 =	sadd.s32 $0x88, s3;
	s6 =	simm.s32 @!p1 $0x1082;
	[sflag:s4] =	ssyncset.s32 $0xFFFFF086  }
0x25: {  	[simem:s6], [sflag:s4] =	dma.local [hbm:s3], $0xF7A  }
0x26: {  	[smem:$0x3F9B] =	sst s1;
	(tag) =	ssettag s2;
	_ =	strace s9  }
0x27: {  	s1 =	sld [smem:$0x3FAB]  }
0x28: {  	s2 =	sld [smem:$0x3FAC]  }
0x29: {  	s4 =	sld [smem:$0x3FAE]  }
0x2a: {  	p0 =	seq.s32 s5, $0x0;
	s5 =	sld [smem:$0x3FAF]  }
0x2b: {  	s6 =	sld [smem:$0x3FB0]  }
0x2c: {  	s7 =	sld [smem:$0x3FB1]  }
0x2d: {  	s3 =	simm.s32 $0x108;
	s8 =	sld [smem:$0x3FB2]  }
0x2e: {  	s3 =	simm.s32 @!p0 $0x1082;
	s9 =	sld [smem:$0x3FB3]  }
0x2f: {  	lr =	sadd.s32 s0, s3;
	s0 =	sld [smem:$0x3FAA]  }
0x30: {  	s3 =	sld [smem:$0x3FAD]  }
0x31: {  	[smem:$0x3FB6] =	sst s10  }
0x32: {  	s10 =	sld [smem:$0x3FB4];
	_ =	sdelay $0x3  }
0x33: {  	p0 =	seq.s32 s10, $0x1;
	s10 =	sld [smem:$0x3FB6];
	_ =	sdelay $0x3  }
0x34: {  	[smem:$0x3FB6] =	sst s10  }
0x35: {  	s10 =	sld [smem:$0x3FB5];
	_ =	sdelay $0x3  }
0x36: {  	p1 =	seq.s32 s10, $0x1;
	s10 =	sld [smem:$0x3FB6];
	_ =	sdelay $0x3  }
0x37: {  	[smem:$0x3FB6] =	sst s10  }
0x38: {  	s10 =	sld [smem:$0x3FB7]  }
0x39: {  	_ = 	snop;
	(pc) =	sbr.ind lr, $3  }
0x3a: {  	_ = 	snop  }
0x3b: {  	_ = 	snop  }
0x3c: {  	p2 =	seq.s32 s10, $0x1;
	s10 =	sld [smem:$0x3FB6]  }
0x3d: {  	_ =	shalt  }
0x3e: {  	_ =	shalt  }
0x3f: {  	_ =	shalt  }
0x40: {  	_ =	shalt  }
0x41: {  	_ =	shalt  }
0x42: {  	_ =	shalt  }
0x43: {  	_ =	shalt  }
0x44: {  	_ =	shalt  }
0x45: {  	_ =	shalt  }
0x46: {  	_ =	shalt  }
0x47: {  	_ =	shalt  }
0x48: {  	_ =	shalt  }
0x49: {  	_ =	shalt  }
0x4a: {  	_ =	shalt  }
0x4b: {  	_ =	shalt  }
0x4c: {  	_ =	shalt  }
0x4d: {  	_ =	shalt  }
0x4e: {  	_ =	shalt  }
0x4f: {  	_ =	shalt  }
0x50: {  	_ =	shalt  }
0x51: {  	_ =	shalt  }
0x52: {  	_ =	shalt  }
0x53: {  	_ =	shalt  }
0x54: {  	_ =	shalt  }
0x55: {  	_ =	shalt  }
0x56: {  	_ =	shalt  }
0x57: {  	_ =	shalt  }
0x58: {  	_ =	shalt  }
0x59: {  	_ =	shalt  }
0x5a: {  	_ =	shalt  }
0x5b: {  	_ =	shalt  }
0x5c: {  	_ =	shalt  }
0x5d: {  	_ =	shalt  }
0x5e: {  	_ =	shalt  }
0x5f: {  	_ =	shalt  }
0x60: {  	_ =	shalt  }
0x61: {  	_ =	shalt  }
0x62: {  	_ =	shalt  }
0x63: {  	_ =	shalt  }
0x64: {  	_ =	shalt  }
0x65: {  	_ =	shalt  }
0x66: {  	_ =	shalt  }
0x67: {  	_ =	shalt  }
0x68: {  	_ =	shalt  }
0x69: {  	_ =	shalt  }
0x6a: {  	_ =	shalt  }
0x6b: {  	_ =	shalt  }
0x6c: {  	_ =	shalt  }
0x6d: {  	_ =	shalt  }
0x6e: {  	_ =	shalt  }
0x6f: {  	_ =	shalt  }
0x70: {  	_ =	shalt  }
0x71: {  	_ =	shalt  }
0x72: {  	_ =	shalt  }
0x73: {  	_ =	shalt  }
0x74: {  	_ =	shalt  }
0x75: {  	_ =	shalt  }
0x76: {  	_ =	shalt  }
0x77: {  	_ =	shalt  }
0x78: {  	_ =	shalt  }
0x79: {  	_ =	shalt  }
0x7a: {  	_ =	shalt  }
0x7b: {  	_ =	shalt  }
0x7c: {  	_ =	shalt  }
0x7d: {  	_ =	shalt  }
0x7e: {  	_ =	shalt  }
0x7f: {  	_ =	shalt  }
0x80: {  	_ =	shalt  }
0x81: {  	_ =	shalt  }
0x82: {  	_ =	shalt  }
0x83: {  	_ =	shalt  }
0x84: {  	_ =	shalt  }
0x85: {  	_ =	shalt  }
0x86: {  	_ =	shalt  }
0x87: {  	_ =	shalt  }
.Lfunc_end0:
.L_simem_size_0:
called_computation_lowered:
.L_overlay_start_0:
0x88: {  	s2 =	sld [smem:$0x3FD9]  }
0x89: {  	s3 =	sld [smem:$0x3FFE];
	_ =	sdelay $0x1  }
0x8a: {  	s1 =	srdreg.scid  }
0x8b: {  	s0 =	sand.u32 $0x1, s1  }
0x8c: {  	s17 =	sshll.u32 s0, $0xA;
	s2 =	sadd.s32 s3, s2  }
0x8d: {  	s2 =	sadd.s32 s2, s17  }
0x8e: {  	[smem:$0x3FC2] =	sst s2  }
0x8f: {  	_ = 	snop  }
0x90: {  	s2 =	sld [smem:$0x3FD0];
	(tm) =	ssettm $0x1  }
0x91: {  	s18 =	sld [smem:$0x3FFB];
	_ =	sdelay $0x3  }
0x92: {  	_ =	strace s18  }
0x93: {  	s3 =	sld [smem:$0x3FFC];
	_ =	sdelay $0x3  }
0x94: {  	_ =	strace s3  }
0x95: {  	s3 =	sld [smem:$0x3FFD];
	_ =	sdelay $0x3  }
0x96: {  	_ =	strace s3  }
0x97: {  	_ =	strace $0x8FFFFFFF  }
0x98: {  	s19 =	sld [smem:$0x3FDB];
	_ =	sdelay $0x1  }
0x99: {  	s4 =	simm.s32 $_scs_section_size  }
0x9a: {  	s5 =	simm.s32 $_size__tile_overlayer_lowered;
	s6 =	simm.s32 $_tile_overlayer_lowered  }
0x9b: {  	s22 =	simm.s32 $0x1BFF;
	s21 =	sshll.u32 s6, $0x1;
	s3 =	sadd.s32 s4, s19  }
0x9c: {  	s7 =	simm.s32 $0x0;
	s20 =	sshll.u32 s5, $0x1;
	s5 =	sadd.s32 s21, s3  }
0x9d: {  	[timem:s7], [sflag:s22] =	dma.local [hbm:s5], s20  }
0x9e: {  	_ =	swait.ge [sflag:s22], s20  }
0x9f: {  	s4 =	ssub.s32 $0x0, s20;
	[sflag:s22] =	ssyncset.done $0x0  }
0xa0: {  	[sflag:s22] =	ssyncadd.s32 s4;
	_ =	sdelay $0x1  }
0xa1: {  	s23 =	simm.s32 $0x1B8B  }
0xa2: {  	_ =	swait.ge [sflag:s23], $0x1  }
0xa3: {  	[sflag:s23] =	ssyncset.done $0x0  }
0xa4: {  	s25 =	simm.s32 $0x1B8E;
	s24 =	sld [smem:$0x3FFE];
	[sflag:s23] =	ssyncadd.s32 $0xFFFFFFFF  }
0xa5: {  	s26 =	simm.s32 $execute0_lowered;
	[smem:$0x3FD2] =	sst s25  }
0xa6: {  	s5 =	sshll.u32 s26, $0x1;
	_ =	strace $0x80000046;
	[dreg:$0x1] =	wrdreg $0xFFFFFFFF  }
0xa7: {  	s28 =	simm.s32 $_size_execute0_lowered;
	s3 =	sadd.s32 s3, s5;
	[dreg:$0x0] =	wrdreg $0x0  }
0xa8: {  	s5 =	sshll.u32 s28, $0x1;
	[dreg:$0x2] =	wrdreg s3  }
0xa9: {  	[dreg:$0x3] =	wrdreg s5  }
0xaa: {  	[dreg:$0x4] =	wrdreg $0xC0  }
0xab: {  	_ =	task [dreg:s7], $0x5FFFF  }
0xac: {  	[dreg:$0x1] =	wrdreg $0xFFFFFFFF  }
0xad: {  	[dreg:$0x0] =	wrdreg $0x60  }
0xae: {  	[dreg:$0x2] =	wrdreg s2  }
0xaf: {  	[dreg:$0x3] =	wrdreg s24  }
0xb0: {  	[dreg:$0x4] =	wrdreg $0x80800  }
0xb1: {  	[dreg:$0x5] =	wrdreg $0x9  }
0xb2: {  	_ =	task.clear_ibuf [dreg:s7], $0x6FFFF;
	_ =	strace $0x90000046  }
0xb3: {  	s29 =	simm.s32 $0x9;
	_ =	strace $0x80000048  }
0xb4: {  	_ =	swait.ge [sflag:s29], $0x1  }
0xb5: {  	[sflag:s29] =	ssyncadd.s32 $0xFFFFFFFF  }
0xb6: {  	_ =	strace $0x90000048  }
0xb7: {  	_ =	sfence  }
0xb8: {  	s30 =	sld [smem:$0x0];
	_ =	sdelay $0x2  }
0xb9: {  	s31 =	sshll.u32 s1, $0xD;
	s1 =	sshrl.u32 s1, $0x2  }
0xba: {  	s3 =	sand.u32 $0x4000, s31;
	s1 =	sadd.s32 s1, s30  }
0xbb: {  	s0 =	sor.u32 s3, s0;
	s1 =	sshll.u32 s1, $0x11  }
0xbc: {  	s0 =	sor.u32 s1, s0  }
0xbd: {  	s0 =	sadd.s32 $0x8F2B, s0  }
0xbe: {  	[sflag:s0] =	ssyncadd.remote.s32 $0x1  }
0xbf: {  	_ =	sfence.sel $0xFFFF  }
0xc0: {  	[dreg:$0x0] =	wrdreg $0xFFFFFFFF;
	(pc) =	sbr.abs _section_cstart, $3  }
0xc1: {  	[dreg:$0x1] =	wrdreg $0xFFFFFFFF  }
0xc2: {  	_ =	task.clear_ibuf [dreg:s7], $0x2FFFF;
	_ =	strace $0x9FFFFFFF  }
0xc3: {  	(tm) =	ssettm $0x7FFFFFFF  }
tec
execute0_lowered:
.L_overlay_start_1:
0x0: {  	(tag) =	ssettag $0x1  }
0x1: {  	s7 =	rddreg [dreg:$0x0]  }
0x2: {  	s5 =	rddreg [dreg:$0x1]  }
0x3: {  	s2 =	rddreg [dreg:$0x2]  }
0x4: {  	s0 =	rddreg [dreg:$0x3];
	s3 =	simm.s32 $0x0;
	s4 =	srdreg.scid  }
0x5: {  	s1 =	stileid.u32;
	s15 =	simm.s32 $0x50;
	s16 =	simm.s32 $0x0  }
0x6: {  	[smem:$0x7FF] =	sst s3;
	s6 =	sand.u32 $0x1, s4;
	s8 =	smul.u32 $0x500, s1  }
0x7: {  	s29 =	sshll.u32 s1, $0xC;
	s4 =	sadd.s32 $0x26800, s5;
	s31 =	sshll.u32 s1, $0x6  }
0x8: {  	s9 =	sshll.u32 s6, $0xB;
	s10 =	smul.u32 $0x5000, s6;
	_ =	strace $0x80000047  }
0x9: {  	s6 =	ssub.s32 $0x2, s6;
	s9 =	sor.u32 s9, s29;
	s12 =	sshrl.u32 s8, $0x3  }
0xa: {  	s30 =	sshrl.u32 s6, $0x1;
	s14 =	sadd.s32 s8, s2;
	s11 =	sadd.s32 s9, s5  }
0xb: {  	s10 =	sadd.s32 s8, s10;
	s12 =	sadd.s32 s12, s5;
	s13 =	ssub.s32 s6, s30  }
0xc: {  	s6 =	sor.u32 $0x1C01, s31;
	s7 =	sadd.s32 s7, s9;
	s10 =	sshrl.u32 s10, $0x3  }
0xd: {  	s8 =	sadd.s32 $0x15E00, s11;
	s11 =	sshrl.u32 s14, $0x3;
	s14 =	simm.s32 $0x8000  }
0xe: {  	s10 =	sadd.s32 s10, s5;
	s5 =	sadd.s32 $0x25E00, s12;
	s12 =	simm.s32 $0x1  }
0xf: {  	s9 =	sadd.s32 $0x26A00, s10;
	s10 =	smax.u32 s13, $0x1;
	s13 =	simm.s32 $0x4000  }
.LBB2_1:
0x10: {  	[spmem:s11], [sflag:s6] =	dma.local [hbm:s5], $0xA0  }
0x11: {  	_ =	swait.ge [sflag:s12], $0xA0  }
0x12: {  	[sflag:s12] =	ssyncset.done $0x0  }
0x13: {  	[sflag:s12] =	ssyncadd.s32 $0xFFFFFF60  }
0x14: {  	[tilespmem:s3], [sflag:$0x1] =	stream.linear.gather [hbm4b:s7+s3], $0x3E80, $0x38;
	[tilespmem:$0x8580] =	vst v63  }
0x15: {  	_ =	swait.ge [sflag:s12], $0x3E80  }
0x16: {  	[sflag:s12] =	ssyncset.done $0x0  }
0x17: {  	[sflag:s12] =	ssyncadd.s32 $0xFFFFC180  }
0x18: {  	[tilespmem:s13], [sflag:$0x1] =	stream.linear.gather [hbm4b:s8+s3], $0x3E80, $0x38;
	[tilespmem:$0x8580] =	vst v63  }
0x19: {  	_ =	swait.ge [sflag:s12], $0x3E80  }
0x1a: {  	[sflag:s12] =	ssyncset.done $0x0  }
0x1b: {  	[sflag:s12] =	ssyncadd.s32 $0xFFFFC180  }
0x1c: {  	[tilespmem:s14], [sflag:$0x1] =	stream.linear.gather [hbm4b:s4+s3], $0x80, $0x38;
	[tilespmem:$0x8580] =	vst v63  }
0x1d: {  	_ =	swait.ge [sflag:s12], $0x80  }
0x1e: {  	[sflag:s12] =	ssyncset.done $0x0  }
0x1f: {  	s17 =	simm.s32 $0x0;
	[sflag:s12] =	ssyncadd.s32 $0xFFFFFF80  }
0x20: {  	v3 =	vld [tilespmem:s17+$0x4000]  }
0x21: {  	v2 =	vld [tilespmem:s17+$0x4010]  }
0x22: {  	v1 =	vld [tilespmem:s17+$0x4020]  }
0x23: {  	s18 =	simm.s32 $0x200;
	v0 =	vld [tilespmem:s17+$0x4030]  }
.LBB2_2:
0x24: {  	p0 =	sne.s32 s18, $0xF800;
	v4 =	vld [tilespmem:s17+$0x4040]  }
0x25: {  	v3 =	vadd.s32 $0x2800, v3  }
.Ltmp0:
0x26: {  	s19 =	sshra.s32 s18, $0x2;
	[tilespmem:s17+$0x4000] =	vst v3;
	v2 =	vadd.s32 $0x2800, v2;
	(pc) =	sbr.rel @p0 .LBB2_2-.Ltmp0, $4  }
0x27: {  	v3 =	vld [tilespmem:s19+$0x4000];
	[tilespmem:s17+$0x4010] =	vst v2;
	v1 =	vadd.s32 $0x2800, v1  }
0x28: {  	v2 =	vld [tilespmem:s19+$0x4010];
	[tilespmem:s17+$0x4020] =	vst v1;
	v0 =	vadd.s32 $0x2800, v0  }
0x29: {  	v1 =	vld [tilespmem:s19+$0x4020];
	[tilespmem:s17+$0x4030] =	vst v0;
	v4 =	vadd.s32 $0x2800, v4  }
0x2a: {  	s18 =	sadd.s32 $0x200, s18;
	v0 =	vld [tilespmem:s19+$0x4030];
	[tilespmem:s17+$0x4040] =	vst v4;
	s17 =	smov.u32 s19  }
0x2b: {  	v4 =	vld [tilespmem:s17+$0x4040]  }
0x2c: {  	v3 =	vadd.s32 $0x2800, v3  }
0x2d: {  	[tilespmem:s17+$0x4000] =	vst v3;
	v2 =	vadd.s32 $0x2800, v2  }
0x2e: {  	[tilespmem:s17+$0x4010] =	vst v2;
	v1 =	vadd.s32 $0x2800, v1  }
0x2f: {  	[tilespmem:s17+$0x4020] =	vst v1;
	v0 =	vadd.s32 $0x2800, v0  }
0x30: {  	[tilespmem:s17+$0x4030] =	vst v0;
	v63 =	vadd.s32 $0x2800, v4  }
0x31: {  	[tilespmem:s17+$0x4040] =	vst v63  }
0x32: {  	s31 =	simm.s32 $0x0;
	[bflag:$0x0] =	sbarrier.arrive $0xFFFF  }
0x33: {  	[spmem:s2] =	stream.indirect.scatter.add.f32 [tilespmem:s14], [sflag:$0x1], $0x1, s31, s15, $0xb8;
	[tilespmem:$0x8580] =	vst v63  }
0x34: {  	_ =	swait.ge [sflag:s12], $0x50  }
0x35: {  	s17 =	simm.s32 $0x200;
	[sflag:s12] =	ssyncset.done $0x0  }
.LBB2_4:
0x36: {  	s18 =	sshra.s32 s17, $0x2;
	[sflag:s12] =	ssyncadd.s32 $0xFFFFFFB0;
	p0 =	sne.s32 s17, $0xF800  }
0x37: {  	[spmem:s2] =	stream.indirect.scatter.add.f32 [tilespmem:s14], [sflag:$0x1], $0x1, s18, s15, $0xb8;
	[tilespmem:$0x8580] =	vst v63  }
.Ltmp1:
0x38: {  	_ = 	snop;
	(pc) =	sbr.rel @p0 .LBB2_4-.Ltmp1, $4  }
0x39: {  	_ = 	snop  }
0x3a: {  	s17 =	sadd.s32 $0x200, s17  }
0x3b: {  	_ =	swait.ge [sflag:s12], $0x50  }
0x3c: {  	[sflag:s12] =	ssyncset.done $0x0  }
0x3d: {  	[sflag:s12] =	ssyncadd.s32 $0xFFFFFFB0;
	s17 =	simm.s32 $0x4000  }
0x3e: {  	[spmem:s2] =	stream.indirect.scatter.add.f32 [tilespmem:s14], [sflag:$0x1], $0x1, s17, s15, $0xb8;
	[tilespmem:$0x8580] =	vst v63  }
0x3f: {  	s17 =	simm.s32 $0x200;
	_ =	swait.ge [sflag:s12], $0x50  }
.LBB2_6:
0x40: {  	s18 =	sshra.s32 s17, $0x2;
	[sflag:s12] =	ssyncset.done $0x0;
	p0 =	sne.s32 s17, $0xF800  }
.Ltmp2:
0x41: {  	s18 =	sadd.s32 $0x4000, s18;
	[sflag:s12] =	ssyncadd.s32 $0xFFFFFFB0;
	(pc) =	sbr.rel @p0 .LBB2_6-.Ltmp2, $3  }
0x42: {  	[spmem:s2] =	stream.indirect.scatter.add.f32 [tilespmem:s14], [sflag:$0x1], $0x1, s18, s15, $0xb8;
	[tilespmem:$0x8580] =	vst v63  }
0x43: {  	s17 =	sadd.s32 $0x200, s17;
	_ =	sdelay $0x1  }
0x44: {  	_ =	swait.ge [sflag:s12], $0x50  }
0x45: {  	[sflag:s12] =	ssyncset.done $0x0;
	s16 =	sadd.s32 $0x1, s16  }
0x46: {  	[sflag:s12] =	ssyncadd.s32 $0xFFFFFFB0;
	p0 =	sne.s32 s16, s10  }
.Ltmp3:
0x47: {  	[bflag:$0x0] =	sbarrier.arrive $0xFFFF;
	(pc) =	sbr.rel @p0 .LBB2_1-.Ltmp3, $4  }
0x48: {  	[hbm:s9], [sflag:s6] =	dma.local [spmem:s11], $0xA0  }
0x49: {  	_ =	swait.ge [sflag:s12], $0xA0  }
0x4a: {  	[sflag:s12] =	ssyncset.done $0x0  }
0x4b: {  	[sflag:s12] =	ssyncadd.s32 $0xFFFFFF60  }
0x4c: {  	_ =	sfence.sel $0x180000  }
0x4d: {  	[bflag:$0x0] =	sbarrier.arrive $0xFFFF  }
0x4e: {  	p0 =	sne.s32 s1, $0x0;
	_ =	strace $0x90000047  }
0x4f: {  	s0 =	sadd.s32 @!p0 $0x100000, s0;
	[bflag:$0x2] =	sbarrier.arrive $0xFFFF  }
0x50: {  	[sflag:s0] =	ssyncadd.tile.s32 @!p0 $0x1;
	_ =	shalt  }
.Lfunc_end2:
_tile_overlayer_lowered:
.L_overlay_start_2:
0x51: {  	(tag) =	ssettag $0x2  }
0x52: {  	s0 =	rddreg [dreg:$0x0];
	s2 =	stileid.u32  }
0x53: {  	s1 =	rddreg [dreg:$0x1];
	p0 =	sne.s32 s2, $0x0  }
0x54: {  	s3 =	rddreg [dreg:$0x2];
	[bflag:$0x3] =	sbarrier.arrive $0xFFFF;
	s2 =	simm.s32 @!p0 $0x1C01  }
0x55: {  	[timem:s3], [sflag:s2] =	dma.local @!p0 [hbm:s0], s1  }
0x56: {  	s0 =	simm.s32 @!p0 $0x1  }
0x57: {  	_ =	swait.ge @!p0 [sflag:s0], s1  }
0x58: {  	s1 =	ssub.s32 @!p0 $0x0, s1;
	[sflag:s0] =	ssyncset.done @!p0 $0x0  }
0x59: {  	[sflag:s0] =	ssyncadd.s32 @!p0 s1  }
0x5a: {  	[bflag:$0x3] =	sbarrier.arrive $0xFFFF  }
0x5b: {  	_ =	shalt  }

</sc_bundles>
